<compile_context>
chip_gen: v7x
topology: tpu7x:2x2x1
jax: 0.10.2.dev20260603
libtpu: 0.0.44.dev20260713+nightly
codegen_flags: <defaults>
</compile_context>

<pallas_src>
import functools

import jax
import jax.numpy as jnp
from jax import lax
from jax.experimental import pallas as pl
from jax.experimental.pallas import tpu as pltpu
from jax.experimental.pallas import tpu_sc as plsc

_D = 128
_B = 4096
_SEQ = 50
_LP = 64
_NW = 32
_BPW = _B // _NW
_NBUF = 8
_NGRP = _BPW // _NBUF
_VPT = _D // 16
_WPW = _BPW * _LP


def _lane_sum(v):
    for sh in (8, 4, 2, 1):
        idx = jnp.arange(16, dtype=jnp.int32) ^ sh
        v = v + v.at[idx].get(mode="promise_in_bounds")
    return v


def _tec_body(idx_hbm, mask_hbm, w_hbm, out_hbm,
              idx_v, mask_v, wgt_v, b0, b1, b2, b3, b4, b5, b6, b7, out_v,
              s0, s1, s2, s3, s4, s5, s6, s7):
    bufs = (b0, b1, b2, b3, b4, b5, b6, b7)
    sems = (s0, s1, s2, s3, s4, s5, s6, s7)
    wid = lax.axis_index("s") * 2 + lax.axis_index("c")
    base = wid * _WPW

    pltpu.sync_copy(idx_hbm.at[pl.ds(base, _WPW)], idx_v)
    pltpu.sync_copy(mask_hbm.at[pl.ds(base, _WPW)], mask_v)

    def gather(row, i):
        pltpu.async_copy(
            w_hbm.at[idx_v.at[pl.ds(row * _LP, _SEQ)]], bufs[i], sems[i])

    for i in range(_NBUF):
        gather(i, i)

    def weight_pass(r, _):
        moff = r * _LP
        mvecs = [mask_v[pl.ds(moff + 16 * k, 16)] for k in range(_LP // 16)]
        msum = mvecs[0] + mvecs[1] + mvecs[2] + mvecs[3]
        len_v = jnp.maximum(_lane_sum(msum.astype(jnp.float32)), 1.0)
        inv_v = 1.0 / len_v
        for k in range(_LP // 16):
            ivec = idx_v[pl.ds(moff + 16 * k, 16)]
            w = jnp.where((ivec != 0) & (mvecs[k] != 0), inv_v, 0.0)
            wgt_v[pl.ds(moff + 16 * k, 16)] = w
        return 0
    lax.fori_loop(0, _BPW, weight_pass, 0)

    def group(g, _):
        for i in range(_NBUF):
            row = g * _NBUF + i
            pltpu.make_async_copy(
                w_hbm.at[idx_v.at[pl.ds(row * _LP, _SEQ)]], bufs[i], sems[i]
            ).wait()

            acc = tuple(jnp.zeros((16,), jnp.float32) for _ in range(_VPT))
            for k in range(_SEQ // 16 + 1):
                wv = wgt_v[pl.ds(row * _LP + 16 * k, 16)]

                def tok(u, a, i=i, k=k, wv=wv):
                    wb = wv.at[jnp.zeros((16,), jnp.int32) + u].get(
                        mode="promise_in_bounds")
                    return tuple(
                        a[j] + wb * bufs[i][16 * k + u, pl.ds(16 * j, 16)]
                        for j in range(_VPT))
                acc = lax.fori_loop(
                    0, min(16, _SEQ - 16 * k), tok, acc)

            @pl.when(g + 1 < _NGRP)
            def _(row=row, i=i):
                gather(row + _NBUF, i)

            for j in range(_VPT):
                out_v[pl.ds(row * _D + 16 * j, 16)] = acc[j]
        return 0

    lax.fori_loop(0, _NGRP, group, 0)
    pltpu.sync_copy(out_v, out_hbm.at[pl.ds(wid * (_BPW * _D), _BPW * _D)])


_mesh = plsc.VectorSubcoreMesh(core_axis_name="c", subcore_axis_name="s")

_encode = functools.partial(
    pl.kernel,
    out_type=jax.ShapeDtypeStruct((_B * _D,), jnp.float32),
    mesh=_mesh,
    scratch_types=[
        pltpu.VMEM((_WPW,), jnp.int32),
        pltpu.VMEM((_WPW,), jnp.int32),
        pltpu.VMEM((_WPW,), jnp.float32),
        pltpu.VMEM((_SEQ, _D), jnp.float32),
        pltpu.VMEM((_SEQ, _D), jnp.float32),
        pltpu.VMEM((_SEQ, _D), jnp.float32),
        pltpu.VMEM((_SEQ, _D), jnp.float32),
        pltpu.VMEM((_SEQ, _D), jnp.float32),
        pltpu.VMEM((_SEQ, _D), jnp.float32),
        pltpu.VMEM((_SEQ, _D), jnp.float32),
        pltpu.VMEM((_SEQ, _D), jnp.float32),
        pltpu.VMEM((_BPW * _D,), jnp.float32),
        pltpu.SemaphoreType.DMA,
        pltpu.SemaphoreType.DMA,
        pltpu.SemaphoreType.DMA,
        pltpu.SemaphoreType.DMA,
        pltpu.SemaphoreType.DMA,
        pltpu.SemaphoreType.DMA,
        pltpu.SemaphoreType.DMA,
        pltpu.SemaphoreType.DMA,
    ],
)(_tec_body)


@jax.jit
def kernel(input_ids, attention_mask, W):
    pad = ((0, 0), (0, _LP - _SEQ))
    idxp = jnp.pad(input_ids, pad).reshape(-1)
    maskp = jnp.pad(attention_mask, pad).reshape(-1)
    out = _encode(idxp, maskp, W)
    return out.reshape(_B, _D)

# --- scband reference (transcript-rebuilt; emitter-appended) ---
"""Pipeline reference for scband-text-encoder-13786845020930 (READ-ONLY COPY).

The authoritative reference and input builder live on the scoring server;
editing this copy changes nothing except your own understanding.
"""

import jax, jax.numpy as jnp
import numpy as np

VOCAB = 100000
EMBED_DIM = 128
BATCH = 4096
SEQ = 50
PAD_IDX = 0

def setup_inputs(seed: int = 0) -> dict:
    key = jax.random.key(seed)
    k1, k2, k3 = jax.random.split(key, 3)
    input_ids = jax.random.randint(k1, (BATCH, SEQ), 0, VOCAB, dtype=jnp.int32)
    attention_mask = jax.random.randint(k2, (BATCH, SEQ), 0, 2, dtype=jnp.int32)
    W = jax.random.normal(k3, (VOCAB, EMBED_DIM), dtype=jnp.float32)
    return {"input_ids": input_ids, "attention_mask": attention_mask, "W": W}

def reference(input_ids, attention_mask, W):
    # nn.Embedding with padding_idx: row PAD_IDX is zero
    W0 = W.at[PAD_IDX].set(0.0)
    # embedding lookup (dropout is identity at inference)
    emb = jnp.take(W0, input_ids, axis=0)  # [B, L, D]
    mask = attention_mask.astype(jnp.float32)  # [B, L]
    # bow_mean branch: masked mean over sequence
    masked = emb * mask[:, :, None]
    lengths = jnp.clip(jnp.sum(mask, axis=1, keepdims=True), 1.0, None)
    return jnp.sum(masked, axis=1) / lengths  # [B, D]

if __name__ == "__main__":
    import jax
    _d = setup_inputs()
    print(jax.jit(kernel)(*tuple(_d.values())))

</pallas_src>

<mosaic_0001>
#map = affine_map<(d0, d1) -> (0)>
#map1 = affine_map<(d0, d1) -> (0, 0)>
module attributes {stable_mosaic.version = 14 : i64} {
  func.func @_tec_body(%arg0: i32, %arg1: i32, %arg2: memref<262144xi32, #tpu.memory_space<hbm>>, %arg3: memref<262144xi32, #tpu.memory_space<hbm>>, %arg4: memref<100000x128xf32, #tpu.memory_space<hbm>>, %arg5: memref<524288xf32, #tpu.memory_space<hbm>>, %arg6: memref<8192xi32, #tpu.memory_space<vmem>>, %arg7: memref<8192xi32, #tpu.memory_space<vmem>>, %arg8: memref<8192xf32, #tpu.memory_space<vmem>>, %arg9: memref<50x128xf32, #tpu.memory_space<vmem>>, %arg10: memref<50x128xf32, #tpu.memory_space<vmem>>, %arg11: memref<50x128xf32, #tpu.memory_space<vmem>>, %arg12: memref<50x128xf32, #tpu.memory_space<vmem>>, %arg13: memref<50x128xf32, #tpu.memory_space<vmem>>, %arg14: memref<50x128xf32, #tpu.memory_space<vmem>>, %arg15: memref<50x128xf32, #tpu.memory_space<vmem>>, %arg16: memref<50x128xf32, #tpu.memory_space<vmem>>, %arg17: memref<16384xf32, #tpu.memory_space<vmem>>, %arg18: memref<!tpu.dma_semaphore, #tpu.memory_space<semaphore_mem>>, %arg19: memref<!tpu.dma_semaphore, #tpu.memory_space<semaphore_mem>>, %arg20: memref<!tpu.dma_semaphore, #tpu.memory_space<semaphore_mem>>, %arg21: memref<!tpu.dma_semaphore, #tpu.memory_space<semaphore_mem>>, %arg22: memref<!tpu.dma_semaphore, #tpu.memory_space<semaphore_mem>>, %arg23: memref<!tpu.dma_semaphore, #tpu.memory_space<semaphore_mem>>, %arg24: memref<!tpu.dma_semaphore, #tpu.memory_space<semaphore_mem>>, %arg25: memref<!tpu.dma_semaphore, #tpu.memory_space<semaphore_mem>>) attributes {dimension_semantics = [#tpu.dimension_semantics<core_parallel>, #tpu.dimension_semantics<subcore_parallel>], iteration_bounds = array<i64: 2, 16>, scalar_prefetch = 0 : i64, scratch_operands = 20 : i64, tpu.core_type = #tpu.core_type<sc_vector_subcore>, window_params = [{transform_indices = #map}, {transform_indices = #map}, {transform_indices = #map1}, {transform_indices = #map}]} {
    %mul3A = arith.constant 2 : i32
    %mul3A_0 = arith.muli %arg1, %mul3A : i32
    %add3A = arith.addi %mul3A_0, %arg0 : i32
    %mul3A_1 = arith.constant 8192 : i32
    %mul3A_2 = arith.muli %add3A, %mul3A_1 : i32
    "tpu.region"() ({
      %run_scoped3A = tpu.sem_alloc : memref<!tpu.dma_semaphore, #tpu.memory_space<semaphore_mem>>
      %dma_start3A_57 = tpu.memref_slice %arg2[%mul3A_2] : memref<262144xi32, #tpu.memory_space<hbm>> -> memref<8192xi32, #tpu.memory_space<hbm>>
      %dma_start3A_58 = tpu.memref_slice %arg2[%mul3A_2] : memref<262144xi32, #tpu.memory_space<hbm>> -> memref<8192xi32, #tpu.memory_space<hbm>>
      tpu.enqueue_dma source(%dma_start3A_58 : memref<8192xi32, #tpu.memory_space<hbm>>) target(%arg6 : memref<8192xi32, #tpu.memory_space<vmem>>) target_semaphore(%run_scoped3A : memref<!tpu.dma_semaphore, #tpu.memory_space<semaphore_mem>>)
      %dma_wait3A = tpu.memref_slice %arg2[%mul3A_2] : memref<262144xi32, #tpu.memory_space<hbm>> -> memref<8192xi32, #tpu.memory_space<hbm>>
      %dma_wait3A_59 = tpu.memref_slice %arg2[%mul3A_2] : memref<262144xi32, #tpu.memory_space<hbm>> -> memref<8192xi32, #tpu.memory_space<hbm>>
      tpu.wait_dma2 semaphore(%run_scoped3A : memref<!tpu.dma_semaphore, #tpu.memory_space<semaphore_mem>>) src(%dma_wait3A_59 : memref<8192xi32, #tpu.memory_space<hbm>>) dst(%arg6 : memref<8192xi32, #tpu.memory_space<vmem>>)
      tpu.yield
    }) : () -> ()
    "tpu.region"() ({
      %run_scoped3A = tpu.sem_alloc : memref<!tpu.dma_semaphore, #tpu.memory_space<semaphore_mem>>
      %dma_start3A_57 = tpu.memref_slice %arg3[%mul3A_2] : memref<262144xi32, #tpu.memory_space<hbm>> -> memref<8192xi32, #tpu.memory_space<hbm>>
      %dma_start3A_58 = tpu.memref_slice %arg3[%mul3A_2] : memref<262144xi32, #tpu.memory_space<hbm>> -> memref<8192xi32, #tpu.memory_space<hbm>>
      tpu.enqueue_dma source(%dma_start3A_58 : memref<8192xi32, #tpu.memory_space<hbm>>) target(%arg7 : memref<8192xi32, #tpu.memory_space<vmem>>) target_semaphore(%run_scoped3A : memref<!tpu.dma_semaphore, #tpu.memory_space<semaphore_mem>>)
      %dma_wait3A = tpu.memref_slice %arg3[%mul3A_2] : memref<262144xi32, #tpu.memory_space<hbm>> -> memref<8192xi32, #tpu.memory_space<hbm>>
      %dma_wait3A_59 = tpu.memref_slice %arg3[%mul3A_2] : memref<262144xi32, #tpu.memory_space<hbm>> -> memref<8192xi32, #tpu.memory_space<hbm>>
      tpu.wait_dma2 semaphore(%run_scoped3A : memref<!tpu.dma_semaphore, #tpu.memory_space<semaphore_mem>>) src(%dma_wait3A_59 : memref<8192xi32, #tpu.memory_space<hbm>>) dst(%arg7 : memref<8192xi32, #tpu.memory_space<vmem>>)
      tpu.yield
    }) : () -> ()
    %dma_start3A = arith.constant 0 : i32
    %dma_start3A_3 = tpu.memref_slice %arg6[%dma_start3A] : memref<8192xi32, #tpu.memory_space<vmem>> -> memref<50xi32, #tpu.memory_space<vmem>>
    %dma_start3A_4 = arith.constant 0 : i32
    %dma_start3A_5 = arith.constant 0 : i32
    %dma_start3A_6 = tpu.memref_slice %arg4[%dma_start3A_4, %dma_start3A_5] : memref<100000x128xf32, #tpu.memory_space<hbm>> -> memref<100000x128xf32, #tpu.memory_space<hbm>>
    tpu.enqueue_indirect_dma source(%dma_start3A_6 : memref<100000x128xf32, #tpu.memory_space<hbm>>) target(%arg9 : memref<50x128xf32, #tpu.memory_space<vmem>>) offsets(%dma_start3A_3 : memref<50xi32, #tpu.memory_space<vmem>>) semaphore(%arg18 : memref<!tpu.dma_semaphore, #tpu.memory_space<semaphore_mem>>)
    %dma_start3A_7 = arith.constant 64 : i32
    %dma_start3A_8 = tpu.memref_slice %arg6[%dma_start3A_7] : memref<8192xi32, #tpu.memory_space<vmem>> -> memref<50xi32, #tpu.memory_space<vmem>>
    %dma_start3A_9 = arith.constant 0 : i32
    %dma_start3A_10 = arith.constant 0 : i32
    %dma_start3A_11 = tpu.memref_slice %arg4[%dma_start3A_9, %dma_start3A_10] : memref<100000x128xf32, #tpu.memory_space<hbm>> -> memref<100000x128xf32, #tpu.memory_space<hbm>>
    tpu.enqueue_indirect_dma source(%dma_start3A_11 : memref<100000x128xf32, #tpu.memory_space<hbm>>) target(%arg10 : memref<50x128xf32, #tpu.memory_space<vmem>>) offsets(%dma_start3A_8 : memref<50xi32, #tpu.memory_space<vmem>>) semaphore(%arg19 : memref<!tpu.dma_semaphore, #tpu.memory_space<semaphore_mem>>)
    %dma_start3A_12 = arith.constant 128 : i32
    %dma_start3A_13 = tpu.memref_slice %arg6[%dma_start3A_12] : memref<8192xi32, #tpu.memory_space<vmem>> -> memref<50xi32, #tpu.memory_space<vmem>>
    %dma_start3A_14 = arith.constant 0 : i32
    %dma_start3A_15 = arith.constant 0 : i32
    %dma_start3A_16 = tpu.memref_slice %arg4[%dma_start3A_14, %dma_start3A_15] : memref<100000x128xf32, #tpu.memory_space<hbm>> -> memref<100000x128xf32, #tpu.memory_space<hbm>>
    tpu.enqueue_indirect_dma source(%dma_start3A_16 : memref<100000x128xf32, #tpu.memory_space<hbm>>) target(%arg11 : memref<50x128xf32, #tpu.memory_space<vmem>>) offsets(%dma_start3A_13 : memref<50xi32, #tpu.memory_space<vmem>>) semaphore(%arg20 : memref<!tpu.dma_semaphore, #tpu.memory_space<semaphore_mem>>)
    %dma_start3A_17 = arith.constant 192 : i32
    %dma_start3A_18 = tpu.memref_slice %arg6[%dma_start3A_17] : memref<8192xi32, #tpu.memory_space<vmem>> -> memref<50xi32, #tpu.memory_space<vmem>>
    %dma_start3A_19 = arith.constant 0 : i32
    %dma_start3A_20 = arith.constant 0 : i32
    %dma_start3A_21 = tpu.memref_slice %arg4[%dma_start3A_19, %dma_start3A_20] : memref<100000x128xf32, #tpu.memory_space<hbm>> -> memref<100000x128xf32, #tpu.memory_space<hbm>>
    tpu.enqueue_indirect_dma source(%dma_start3A_21 : memref<100000x128xf32, #tpu.memory_space<hbm>>) target(%arg12 : memref<50x128xf32, #tpu.memory_space<vmem>>) offsets(%dma_start3A_18 : memref<50xi32, #tpu.memory_space<vmem>>) semaphore(%arg21 : memref<!tpu.dma_semaphore, #tpu.memory_space<semaphore_mem>>)
    %dma_start3A_22 = arith.constant 256 : i32
    %dma_start3A_23 = tpu.memref_slice %arg6[%dma_start3A_22] : memref<8192xi32, #tpu.memory_space<vmem>> -> memref<50xi32, #tpu.memory_space<vmem>>
    %dma_start3A_24 = arith.constant 0 : i32
    %dma_start3A_25 = arith.constant 0 : i32
    %dma_start3A_26 = tpu.memref_slice %arg4[%dma_start3A_24, %dma_start3A_25] : memref<100000x128xf32, #tpu.memory_space<hbm>> -> memref<100000x128xf32, #tpu.memory_space<hbm>>
    tpu.enqueue_indirect_dma source(%dma_start3A_26 : memref<100000x128xf32, #tpu.memory_space<hbm>>) target(%arg13 : memref<50x128xf32, #tpu.memory_space<vmem>>) offsets(%dma_start3A_23 : memref<50xi32, #tpu.memory_space<vmem>>) semaphore(%arg22 : memref<!tpu.dma_semaphore, #tpu.memory_space<semaphore_mem>>)
    %dma_start3A_27 = arith.constant 320 : i32
    %dma_start3A_28 = tpu.memref_slice %arg6[%dma_start3A_27] : memref<8192xi32, #tpu.memory_space<vmem>> -> memref<50xi32, #tpu.memory_space<vmem>>
    %dma_start3A_29 = arith.constant 0 : i32
    %dma_start3A_30 = arith.constant 0 : i32
    %dma_start3A_31 = tpu.memref_slice %arg4[%dma_start3A_29, %dma_start3A_30] : memref<100000x128xf32, #tpu.memory_space<hbm>> -> memref<100000x128xf32, #tpu.memory_space<hbm>>
    tpu.enqueue_indirect_dma source(%dma_start3A_31 : memref<100000x128xf32, #tpu.memory_space<hbm>>) target(%arg14 : memref<50x128xf32, #tpu.memory_space<vmem>>) offsets(%dma_start3A_28 : memref<50xi32, #tpu.memory_space<vmem>>) semaphore(%arg23 : memref<!tpu.dma_semaphore, #tpu.memory_space<semaphore_mem>>)
    %dma_start3A_32 = arith.constant 384 : i32
    %dma_start3A_33 = tpu.memref_slice %arg6[%dma_start3A_32] : memref<8192xi32, #tpu.memory_space<vmem>> -> memref<50xi32, #tpu.memory_space<vmem>>
    %dma_start3A_34 = arith.constant 0 : i32
    %dma_start3A_35 = arith.constant 0 : i32
    %dma_start3A_36 = tpu.memref_slice %arg4[%dma_start3A_34, %dma_start3A_35] : memref<100000x128xf32, #tpu.memory_space<hbm>> -> memref<100000x128xf32, #tpu.memory_space<hbm>>
    tpu.enqueue_indirect_dma source(%dma_start3A_36 : memref<100000x128xf32, #tpu.memory_space<hbm>>) target(%arg15 : memref<50x128xf32, #tpu.memory_space<vmem>>) offsets(%dma_start3A_33 : memref<50xi32, #tpu.memory_space<vmem>>) semaphore(%arg24 : memref<!tpu.dma_semaphore, #tpu.memory_space<semaphore_mem>>)
    %dma_start3A_37 = arith.constant 448 : i32
    %dma_start3A_38 = tpu.memref_slice %arg6[%dma_start3A_37] : memref<8192xi32, #tpu.memory_space<vmem>> -> memref<50xi32, #tpu.memory_space<vmem>>
    %dma_start3A_39 = arith.constant 0 : i32
    %dma_start3A_40 = arith.constant 0 : i32
    %dma_start3A_41 = tpu.memref_slice %arg4[%dma_start3A_39, %dma_start3A_40] : memref<100000x128xf32, #tpu.memory_space<hbm>> -> memref<100000x128xf32, #tpu.memory_space<hbm>>
    tpu.enqueue_indirect_dma source(%dma_start3A_41 : memref<100000x128xf32, #tpu.memory_space<hbm>>) target(%arg16 : memref<50x128xf32, #tpu.memory_space<vmem>>) offsets(%dma_start3A_38 : memref<50xi32, #tpu.memory_space<vmem>>) semaphore(%arg25 : memref<!tpu.dma_semaphore, #tpu.memory_space<semaphore_mem>>)
    %scan3A = arith.constant 0 : i32
    %scan3A_42 = arith.constant 0 : i32
    %scan3A_43 = arith.constant 128 : i32
    %scan3A_44 = arith.addi %scan3A_42, %scan3A_43 : i32
    %scan3A_45 = arith.constant 1 : i32
    %scan3A_46 = scf.for %scan3A_57 = %scan3A_42 to %scan3A_44 step %scan3A_45 iter_args(%scan3A_58 = %scan3A) -> (i32)  : i32 {
      %mul3A_59 = arith.constant 64 : i32
      %mul3A_60 = arith.muli %scan3A_57, %mul3A_59 : i32
      %add3A_61 = arith.constant 0 : i32
      %add3A_62 = arith.addi %mul3A_60, %add3A_61 : i32
      %get3A = arith.index_cast %add3A_62 : i32 to index
      %get3A_63 = tpu.vector_load %arg7[%get3A] {strides = array<i32>} : memref<8192xi32, #tpu.memory_space<vmem>>, vector<16xi32>,
      %get3A_64 = vector.shape_cast %get3A_63 : vector<16xi32> to vector<16xi32>
      %add3A_65 = arith.constant 16 : i32
      %add3A_66 = arith.addi %mul3A_60, %add3A_65 : i32
      %get3A_67 = arith.index_cast %add3A_66 : i32 to index
      %get3A_68 = tpu.vector_load %arg7[%get3A_67] {strides = array<i32>} : memref<8192xi32, #tpu.memory_space<vmem>>, vector<16xi32>,
      %get3A_69 = vector.shape_cast %get3A_68 : vector<16xi32> to vector<16xi32>
      %add3A_70 = arith.constant 32 : i32
      %add3A_71 = arith.addi %mul3A_60, %add3A_70 : i32
      %get3A_72 = arith.index_cast %add3A_71 : i32 to index
      %get3A_73 = tpu.vector_load %arg7[%get3A_72] {strides = array<i32>} : memref<8192xi32, #tpu.memory_space<vmem>>, vector<16xi32>,
      %get3A_74 = vector.shape_cast %get3A_73 : vector<16xi32> to vector<16xi32>
      %add3A_75 = arith.constant 48 : i32
      %add3A_76 = arith.addi %mul3A_60, %add3A_75 : i32
      %get3A_77 = arith.index_cast %add3A_76 : i32 to index
      %get3A_78 = tpu.vector_load %arg7[%get3A_77] {strides = array<i32>} : memref<8192xi32, #tpu.memory_space<vmem>>, vector<16xi32>,
      %get3A_79 = vector.shape_cast %get3A_78 : vector<16xi32> to vector<16xi32>
      %add3A_80 = arith.addi %get3A_64, %get3A_69 : vector<16xi32>
      %add3A_81 = arith.addi %add3A_80, %get3A_74 : vector<16xi32>
      %add3A_82 = arith.addi %add3A_81, %get3A_79 : vector<16xi32>
      %convert_element_type3A = arith.sitofp %add3A_82 : vector<16xi32> to vector<16xf32>
      %iota3A = tpu.iota {dimensions = array<i32: 0>} : vector<16xi32>
      %xor3A = arith.constant 8 : i32
      %xor3A_83 = vector.broadcast %xor3A : i32 to vector<16xi32>
      %xor3A_84 = arith.xori %iota3A, %xor3A_83 : vector<16xi32>
      %lt3A = arith.constant 0 : i32
      %lt3A_85 = vector.broadcast %lt3A : i32 to vector<16xi32>
      %lt3A_86 = arith.cmpi slt, %xor3A_84, %lt3A_85 : vector<16xi32>
      %add3A_87 = arith.constant 16 : i32
      %add3A_88 = vector.broadcast %add3A_87 : i32 to vector<16xi32>
      %add3A_89 = arith.addi %xor3A_84, %add3A_88 : vector<16xi32>
      %select_n3A = arith.select %lt3A_86, %add3A_89, %xor3A_84 : vector<16xi1>, vector<16xi32>
      %broadcast_in_dim3A = vector.shape_cast %select_n3A : vector<16xi32> to vector<16x1xi32>
      %gather3A = vector.shape_cast %broadcast_in_dim3A : vector<16x1xi32> to vector<16xi32>
      %gather3A_90 = tpu.dynamic_gather %convert_element_type3A[%gather3A] in [0] : vector<16xf32>, vector<16xi32> -> vector<16xf32>
      %add3A_91 = arith.addf %convert_element_type3A, %gather3A_90 : vector<16xf32>
      %iota3A_92 = tpu.iota {dimensions = array<i32: 0>} : vector<16xi32>
      %xor3A_93 = arith.constant 4 : i32
      %xor3A_94 = vector.broadcast %xor3A_93 : i32 to vector<16xi32>
      %xor3A_95 = arith.xori %iota3A_92, %xor3A_94 : vector<16xi32>
      %lt3A_96 = arith.constant 0 : i32
      %lt3A_97 = vector.broadcast %lt3A_96 : i32 to vector<16xi32>
      %lt3A_98 = arith.cmpi slt, %xor3A_95, %lt3A_97 : vector<16xi32>
      %add3A_99 = arith.constant 16 : i32
      %add3A_100 = vector.broadcast %add3A_99 : i32 to vector<16xi32>
      %add3A_101 = arith.addi %xor3A_95, %add3A_100 : vector<16xi32>
      %select_n3A_102 = arith.select %lt3A_98, %add3A_101, %xor3A_95 : vector<16xi1>, vector<16xi32>
      %broadcast_in_dim3A_103 = vector.shape_cast %select_n3A_102 : vector<16xi32> to vector<16x1xi32>
      %gather3A_104 = vector.shape_cast %broadcast_in_dim3A_103 : vector<16x1xi32> to vector<16xi32>
      %gather3A_105 = tpu.dynamic_gather %add3A_91[%gather3A_104] in [0] : vector<16xf32>, vector<16xi32> -> vector<16xf32>
      %add3A_106 = arith.addf %add3A_91, %gather3A_105 : vector<16xf32>
      %iota3A_107 = tpu.iota {dimensions = array<i32: 0>} : vector<16xi32>
      %xor3A_108 = arith.constant 2 : i32
      %xor3A_109 = vector.broadcast %xor3A_108 : i32 to vector<16xi32>
      %xor3A_110 = arith.xori %iota3A_107, %xor3A_109 : vector<16xi32>
      %lt3A_111 = arith.constant 0 : i32
      %lt3A_112 = vector.broadcast %lt3A_111 : i32 to vector<16xi32>
      %lt3A_113 = arith.cmpi slt, %xor3A_110, %lt3A_112 : vector<16xi32>
      %add3A_114 = arith.constant 16 : i32
      %add3A_115 = vector.broadcast %add3A_114 : i32 to vector<16xi32>
      %add3A_116 = arith.addi %xor3A_110, %add3A_115 : vector<16xi32>
      %select_n3A_117 = arith.select %lt3A_113, %add3A_116, %xor3A_110 : vector<16xi1>, vector<16xi32>
      %broadcast_in_dim3A_118 = vector.shape_cast %select_n3A_117 : vector<16xi32> to vector<16x1xi32>
      %gather3A_119 = vector.shape_cast %broadcast_in_dim3A_118 : vector<16x1xi32> to vector<16xi32>
      %gather3A_120 = tpu.dynamic_gather %add3A_106[%gather3A_119] in [0] : vector<16xf32>, vector<16xi32> -> vector<16xf32>
      %add3A_121 = arith.addf %add3A_106, %gather3A_120 : vector<16xf32>
      %iota3A_122 = tpu.iota {dimensions = array<i32: 0>} : vector<16xi32>
      %xor3A_123 = arith.constant 1 : i32
      %xor3A_124 = vector.broadcast %xor3A_123 : i32 to vector<16xi32>
      %xor3A_125 = arith.xori %iota3A_122, %xor3A_124 : vector<16xi32>
      %lt3A_126 = arith.constant 0 : i32
      %lt3A_127 = vector.broadcast %lt3A_126 : i32 to vector<16xi32>
      %lt3A_128 = arith.cmpi slt, %xor3A_125, %lt3A_127 : vector<16xi32>
      %add3A_129 = arith.constant 16 : i32
      %add3A_130 = vector.broadcast %add3A_129 : i32 to vector<16xi32>
      %add3A_131 = arith.addi %xor3A_125, %add3A_130 : vector<16xi32>
      %select_n3A_132 = arith.select %lt3A_128, %add3A_131, %xor3A_125 : vector<16xi1>, vector<16xi32>
      %broadcast_in_dim3A_133 = vector.shape_cast %select_n3A_132 : vector<16xi32> to vector<16x1xi32>
      %gather3A_134 = vector.shape_cast %broadcast_in_dim3A_133 : vector<16x1xi32> to vector<16xi32>
      %gather3A_135 = tpu.dynamic_gather %add3A_121[%gather3A_134] in [0] : vector<16xf32>, vector<16xi32> -> vector<16xf32>
      %add3A_136 = arith.addf %add3A_121, %gather3A_135 : vector<16xf32>
      %max3A = arith.constant 1.000000e+00 : f32
      %max3A_137 = vector.broadcast %max3A : f32 to vector<16xf32>
      %max3A_138 = arith.maximumf %add3A_136, %max3A_137 : vector<16xf32>
      %div3A = arith.constant 1.000000e+00 : f32
      %div3A_139 = vector.broadcast %div3A : f32 to vector<16xf32>
      %div3A_140 = arith.divf %div3A_139, %max3A_138 : vector<16xf32>
      %add3A_141 = arith.constant 0 : i32
      %add3A_142 = arith.addi %mul3A_60, %add3A_141 : i32
      %get3A_143 = arith.index_cast %add3A_142 : i32 to index
      %get3A_144 = tpu.vector_load %arg6[%get3A_143] {strides = array<i32>} : memref<8192xi32, #tpu.memory_space<vmem>>, vector<16xi32>,
      %get3A_145 = vector.shape_cast %get3A_144 : vector<16xi32> to vector<16xi32>
      %ne3A = arith.constant 0 : i32
      %ne3A_146 = vector.broadcast %ne3A : i32 to vector<16xi32>
      %ne3A_147 = arith.cmpi ne, %get3A_145, %ne3A_146 : vector<16xi32>
      %ne3A_148 = arith.constant 0 : i32
      %ne3A_149 = vector.broadcast %ne3A_148 : i32 to vector<16xi32>
      %ne3A_150 = arith.cmpi ne, %get3A_64, %ne3A_149 : vector<16xi32>
      %and3A = arith.andi %ne3A_147, %ne3A_150 : vector<16xi1>
      %jit3A = arith.constant 0.000000e+00 : f32
      %broadcast_in_dim3A_151 = vector.broadcast %jit3A : f32 to vector<16xf32>
      %select_n3A_152 = arith.select %and3A, %div3A_140, %broadcast_in_dim3A_151 : vector<16xi1>, vector<16xf32>
      %add3A_153 = arith.constant 0 : i32
      %add3A_154 = arith.addi %mul3A_60, %add3A_153 : i32
      %swap3A = arith.index_cast %add3A_154 : i32 to index
      %swap3A_155 = tpu.vector_load %arg8[%swap3A] {strides = array<i32>} : memref<8192xf32, #tpu.memory_space<vmem>>, vector<16xf32>,
      %swap3A_156 = vector.shape_cast %swap3A_155 : vector<16xf32> to vector<16xf32>
      %swap3A_157 = vector.shape_cast %select_n3A_152 : vector<16xf32> to vector<16xf32>
      tpu.vector_store %arg8[%swap3A], %swap3A_157 {strides = array<i32>} : memref<8192xf32, #tpu.memory_space<vmem>>, vector<16xf32>,
      %add3A_158 = arith.constant 16 : i32
      %add3A_159 = arith.addi %mul3A_60, %add3A_158 : i32
      %get3A_160 = arith.index_cast %add3A_159 : i32 to index
      %get3A_161 = tpu.vector_load %arg6[%get3A_160] {strides = array<i32>} : memref<8192xi32, #tpu.memory_space<vmem>>, vector<16xi32>,
      %get3A_162 = vector.shape_cast %get3A_161 : vector<16xi32> to vector<16xi32>
      %ne3A_163 = arith.constant 0 : i32
      %ne3A_164 = vector.broadcast %ne3A_163 : i32 to vector<16xi32>
      %ne3A_165 = arith.cmpi ne, %get3A_162, %ne3A_164 : vector<16xi32>
      %ne3A_166 = arith.constant 0 : i32
      %ne3A_167 = vector.broadcast %ne3A_166 : i32 to vector<16xi32>
      %ne3A_168 = arith.cmpi ne, %get3A_69, %ne3A_167 : vector<16xi32>
      %and3A_169 = arith.andi %ne3A_165, %ne3A_168 : vector<16xi1>
      %jit3A_170 = arith.constant 0.000000e+00 : f32
      %broadcast_in_dim3A_171 = vector.broadcast %jit3A_170 : f32 to vector<16xf32>
      %select_n3A_172 = arith.select %and3A_169, %div3A_140, %broadcast_in_dim3A_171 : vector<16xi1>, vector<16xf32>
      %add3A_173 = arith.constant 16 : i32
      %add3A_174 = arith.addi %mul3A_60, %add3A_173 : i32
      %swap3A_175 = arith.index_cast %add3A_174 : i32 to index
      %swap3A_176 = tpu.vector_load %arg8[%swap3A_175] {strides = array<i32>} : memref<8192xf32, #tpu.memory_space<vmem>>, vector<16xf32>,
      %swap3A_177 = vector.shape_cast %swap3A_176 : vector<16xf32> to vector<16xf32>
      %swap3A_178 = vector.shape_cast %select_n3A_172 : vector<16xf32> to vector<16xf32>
      tpu.vector_store %arg8[%swap3A_175], %swap3A_178 {strides = array<i32>} : memref<8192xf32, #tpu.memory_space<vmem>>, vector<16xf32>,
      %add3A_179 = arith.constant 32 : i32
      %add3A_180 = arith.addi %mul3A_60, %add3A_179 : i32
      %get3A_181 = arith.index_cast %add3A_180 : i32 to index
      %get3A_182 = tpu.vector_load %arg6[%get3A_181] {strides = array<i32>} : memref<8192xi32, #tpu.memory_space<vmem>>, vector<16xi32>,
      %get3A_183 = vector.shape_cast %get3A_182 : vector<16xi32> to vector<16xi32>
      %ne3A_184 = arith.constant 0 : i32
      %ne3A_185 = vector.broadcast %ne3A_184 : i32 to vector<16xi32>
      %ne3A_186 = arith.cmpi ne, %get3A_183, %ne3A_185 : vector<16xi32>
      %ne3A_187 = arith.constant 0 : i32
      %ne3A_188 = vector.broadcast %ne3A_187 : i32 to vector<16xi32>
      %ne3A_189 = arith.cmpi ne, %get3A_74, %ne3A_188 : vector<16xi32>
      %and3A_190 = arith.andi %ne3A_186, %ne3A_189 : vector<16xi1>
      %jit3A_191 = arith.constant 0.000000e+00 : f32
      %broadcast_in_dim3A_192 = vector.broadcast %jit3A_191 : f32 to vector<16xf32>
      %select_n3A_193 = arith.select %and3A_190, %div3A_140, %broadcast_in_dim3A_192 : vector<16xi1>, vector<16xf32>
      %add3A_194 = arith.constant 32 : i32
      %add3A_195 = arith.addi %mul3A_60, %add3A_194 : i32
      %swap3A_196 = arith.index_cast %add3A_195 : i32 to index
      %swap3A_197 = tpu.vector_load %arg8[%swap3A_196] {strides = array<i32>} : memref<8192xf32, #tpu.memory_space<vmem>>, vector<16xf32>,
      %swap3A_198 = vector.shape_cast %swap3A_197 : vector<16xf32> to vector<16xf32>
      %swap3A_199 = vector.shape_cast %select_n3A_193 : vector<16xf32> to vector<16xf32>
      tpu.vector_store %arg8[%swap3A_196], %swap3A_199 {strides = array<i32>} : memref<8192xf32, #tpu.memory_space<vmem>>, vector<16xf32>,
      %add3A_200 = arith.constant 48 : i32
      %add3A_201 = arith.addi %mul3A_60, %add3A_200 : i32
      %get3A_202 = arith.index_cast %add3A_201 : i32 to index
      %get3A_203 = tpu.vector_load %arg6[%get3A_202] {strides = array<i32>} : memref<8192xi32, #tpu.memory_space<vmem>>, vector<16xi32>,
      %get3A_204 = vector.shape_cast %get3A_203 : vector<16xi32> to vector<16xi32>
      %ne3A_205 = arith.constant 0 : i32
      %ne3A_206 = vector.broadcast %ne3A_205 : i32 to vector<16xi32>
      %ne3A_207 = arith.cmpi ne, %get3A_204, %ne3A_206 : vector<16xi32>
      %ne3A_208 = arith.constant 0 : i32
      %ne3A_209 = vector.broadcast %ne3A_208 : i32 to vector<16xi32>
      %ne3A_210 = arith.cmpi ne, %get3A_79, %ne3A_209 : vector<16xi32>
      %and3A_211 = arith.andi %ne3A_207, %ne3A_210 : vector<16xi1>
      %jit3A_212 = arith.constant 0.000000e+00 : f32
      %broadcast_in_dim3A_213 = vector.broadcast %jit3A_212 : f32 to vector<16xf32>
      %select_n3A_214 = arith.select %and3A_211, %div3A_140, %broadcast_in_dim3A_213 : vector<16xi1>, vector<16xf32>
      %add3A_215 = arith.constant 48 : i32
      %add3A_216 = arith.addi %mul3A_60, %add3A_215 : i32
      %swap3A_217 = arith.index_cast %add3A_216 : i32 to index
      %swap3A_218 = tpu.vector_load %arg8[%swap3A_217] {strides = array<i32>} : memref<8192xf32, #tpu.memory_space<vmem>>, vector<16xf32>,
      %swap3A_219 = vector.shape_cast %swap3A_218 : vector<16xf32> to vector<16xf32>
      %swap3A_220 = vector.shape_cast %select_n3A_214 : vector<16xf32> to vector<16xf32>
      tpu.vector_store %arg8[%swap3A_217], %swap3A_220 {strides = array<i32>} : memref<8192xf32, #tpu.memory_space<vmem>>, vector<16xf32>,
      %scan3A_221 = arith.constant 0 : i32
      scf.yield %scan3A_221 : i32
    }
    %scan3A_47 = arith.constant 128 : i32
    %scan3A_48 = arith.constant 0 : i32
    %scan3A_49 = arith.constant 0 : i32
    %scan3A_50 = arith.constant 16 : i32
    %scan3A_51 = arith.addi %scan3A_49, %scan3A_50 : i32
    %scan3A_52 = arith.constant 1 : i32
    %scan3A_53 = scf.for %scan3A_57 = %scan3A_49 to %scan3A_51 step %scan3A_52 iter_args(%scan3A_58 = %scan3A_48) -> (i32)  : i32 {
      %mul3A_59 = arith.constant 8 : i32
      %mul3A_60 = arith.muli %scan3A_57, %mul3A_59 : i32
      %add3A_61 = arith.constant 0 : i32
      %add3A_62 = arith.addi %mul3A_60, %add3A_61 : i32
      %mul3A_63 = arith.constant 64 : i32
      %mul3A_64 = arith.muli %add3A_62, %mul3A_63 : i32
      %dma_wait3A = tpu.memref_slice %arg6[%mul3A_64] : memref<8192xi32, #tpu.memory_space<vmem>> -> memref<50xi32, #tpu.memory_space<vmem>>
      %dma_wait3A_65 = arith.constant 0 : i32
      %dma_wait3A_66 = arith.constant 0 : i32
      %dma_wait3A_67 = tpu.memref_slice %arg4[%dma_wait3A_65, %dma_wait3A_66] : memref<100000x128xf32, #tpu.memory_space<hbm>> -> memref<100000x128xf32, #tpu.memory_space<hbm>>
      tpu.wait_indirect_dma semaphore(%arg18 : memref<!tpu.dma_semaphore, #tpu.memory_space<semaphore_mem>>) src(%dma_wait3A_67 : memref<100000x128xf32, #tpu.memory_space<hbm>>) dst(%arg9 : memref<50x128xf32, #tpu.memory_space<vmem>>)
      %broadcast_in_dim3A = arith.constant 0.000000e+00 : f32
      %broadcast_in_dim3A_68 = vector.broadcast %broadcast_in_dim3A : f32 to vector<16xf32>
      %broadcast_in_dim3A_69 = arith.constant 0.000000e+00 : f32
      %broadcast_in_dim3A_70 = vector.broadcast %broadcast_in_dim3A_69 : f32 to vector<16xf32>
      %broadcast_in_dim3A_71 = arith.constant 0.000000e+00 : f32
      %broadcast_in_dim3A_72 = vector.broadcast %broadcast_in_dim3A_71 : f32 to vector<16xf32>
      %broadcast_in_dim3A_73 = arith.constant 0.000000e+00 : f32
      %broadcast_in_dim3A_74 = vector.broadcast %broadcast_in_dim3A_73 : f32 to vector<16xf32>
      %broadcast_in_dim3A_75 = arith.constant 0.000000e+00 : f32
      %broadcast_in_dim3A_76 = vector.broadcast %broadcast_in_dim3A_75 : f32 to vector<16xf32>
      %broadcast_in_dim3A_77 = arith.constant 0.000000e+00 : f32
      %broadcast_in_dim3A_78 = vector.broadcast %broadcast_in_dim3A_77 : f32 to vector<16xf32>
      %broadcast_in_dim3A_79 = arith.constant 0.000000e+00 : f32
      %broadcast_in_dim3A_80 = vector.broadcast %broadcast_in_dim3A_79 : f32 to vector<16xf32>
      %broadcast_in_dim3A_81 = arith.constant 0.000000e+00 : f32
      %broadcast_in_dim3A_82 = vector.broadcast %broadcast_in_dim3A_81 : f32 to vector<16xf32>
      %mul3A_83 = arith.constant 64 : i32
      %mul3A_84 = arith.muli %add3A_62, %mul3A_83 : i32
      %add3A_85 = arith.constant 0 : i32
      %add3A_86 = arith.addi %mul3A_84, %add3A_85 : i32
      %get3A = arith.index_cast %add3A_86 : i32 to index
      %get3A_87 = tpu.vector_load %arg8[%get3A] {strides = array<i32>} : memref<8192xf32, #tpu.memory_space<vmem>>, vector<16xf32>,
      %get3A_88 = vector.shape_cast %get3A_87 : vector<16xf32> to vector<16xf32>
      %scan3A_89 = arith.constant 0 : i32
      %scan3A_90 = arith.constant 16 : i32
      %scan3A_91 = arith.addi %scan3A_89, %scan3A_90 : i32
      %scan3A_92 = arith.constant 1 : i32
      %scan3A_93:8 = scf.for %scan3A_1245 = %scan3A_89 to %scan3A_91 step %scan3A_92 iter_args(%scan3A_1246 = %broadcast_in_dim3A_68, %scan3A_1247 = %broadcast_in_dim3A_70, %scan3A_1248 = %broadcast_in_dim3A_72, %scan3A_1249 = %broadcast_in_dim3A_74, %scan3A_1250 = %broadcast_in_dim3A_76, %scan3A_1251 = %broadcast_in_dim3A_78, %scan3A_1252 = %broadcast_in_dim3A_80, %scan3A_1253 = %broadcast_in_dim3A_82) -> (vector<16xf32>, vector<16xf32>, vector<16xf32>, vector<16xf32>, vector<16xf32>, vector<16xf32>, vector<16xf32>, vector<16xf32>)  : i32 {
        %broadcast_in_dim3A_1254 = arith.constant 0 : i32
        %broadcast_in_dim3A_1255 = vector.broadcast %broadcast_in_dim3A_1254 : i32 to vector<16xi32>
        %add3A_1256 = vector.broadcast %scan3A_1245 : i32 to vector<16xi32>
        %add3A_1257 = arith.addi %broadcast_in_dim3A_1255, %add3A_1256 : vector<16xi32>
        %lt3A_1258 = arith.constant 0 : i32
        %lt3A_1259 = vector.broadcast %lt3A_1258 : i32 to vector<16xi32>
        %lt3A_1260 = arith.cmpi slt, %add3A_1257, %lt3A_1259 : vector<16xi32>
        %add3A_1261 = arith.constant 16 : i32
        %add3A_1262 = vector.broadcast %add3A_1261 : i32 to vector<16xi32>
        %add3A_1263 = arith.addi %add3A_1257, %add3A_1262 : vector<16xi32>
        %select_n3A = arith.select %lt3A_1260, %add3A_1263, %add3A_1257 : vector<16xi1>, vector<16xi32>
        %broadcast_in_dim3A_1264 = vector.shape_cast %select_n3A : vector<16xi32> to vector<16x1xi32>
        %gather3A = vector.shape_cast %broadcast_in_dim3A_1264 : vector<16x1xi32> to vector<16xi32>
        %gather3A_1265 = tpu.dynamic_gather %get3A_88[%gather3A] in [0] : vector<16xf32>, vector<16xi32> -> vector<16xf32>
        %add3A_1266 = arith.constant 0 : i32
        %add3A_1267 = arith.addi %add3A_1266, %scan3A_1245 : i32
        %get3A_1268 = arith.index_cast %add3A_1267 : i32 to index
        %get3A_1269 = arith.constant 0 : index
        %get3A_1270 = tpu.vector_load %arg9[%get3A_1268, %get3A_1269] {strides = array<i32>} : memref<50x128xf32, #tpu.memory_space<vmem>>, vector<1x16xf32>,
        %get3A_1271 = vector.shape_cast %get3A_1270 : vector<1x16xf32> to vector<16xf32>
        %mul3A_1272 = arith.mulf %gather3A_1265, %get3A_1271 : vector<16xf32>
        %add3A_1273 = arith.addf %scan3A_1246, %mul3A_1272 : vector<16xf32>
        %add3A_1274 = arith.constant 0 : i32
        %add3A_1275 = arith.addi %add3A_1274, %scan3A_1245 : i32
        %get3A_1276 = arith.index_cast %add3A_1275 : i32 to index
        %get3A_1277 = arith.constant 16 : index
        %get3A_1278 = tpu.vector_load %arg9[%get3A_1276, %get3A_1277] {strides = array<i32>} : memref<50x128xf32, #tpu.memory_space<vmem>>, vector<1x16xf32>,
        %get3A_1279 = vector.shape_cast %get3A_1278 : vector<1x16xf32> to vector<16xf32>
        %mul3A_1280 = arith.mulf %gather3A_1265, %get3A_1279 : vector<16xf32>
        %add3A_1281 = arith.addf %scan3A_1247, %mul3A_1280 : vector<16xf32>
        %add3A_1282 = arith.constant 0 : i32
        %add3A_1283 = arith.addi %add3A_1282, %scan3A_1245 : i32
        %get3A_1284 = arith.index_cast %add3A_1283 : i32 to index
        %get3A_1285 = arith.constant 32 : index
        %get3A_1286 = tpu.vector_load %arg9[%get3A_1284, %get3A_1285] {strides = array<i32>} : memref<50x128xf32, #tpu.memory_space<vmem>>, vector<1x16xf32>,
        %get3A_1287 = vector.shape_cast %get3A_1286 : vector<1x16xf32> to vector<16xf32>
        %mul3A_1288 = arith.mulf %gather3A_1265, %get3A_1287 : vector<16xf32>
        %add3A_1289 = arith.addf %scan3A_1248, %mul3A_1288 : vector<16xf32>
        %add3A_1290 = arith.constant 0 : i32
        %add3A_1291 = arith.addi %add3A_1290, %scan3A_1245 : i32
        %get3A_1292 = arith.index_cast %add3A_1291 : i32 to index
        %get3A_1293 = arith.constant 48 : index
        %get3A_1294 = tpu.vector_load %arg9[%get3A_1292, %get3A_1293] {strides = array<i32>} : memref<50x128xf32, #tpu.memory_space<vmem>>, vector<1x16xf32>,
        %get3A_1295 = vector.shape_cast %get3A_1294 : vector<1x16xf32> to vector<16xf32>
        %mul3A_1296 = arith.mulf %gather3A_1265, %get3A_1295 : vector<16xf32>
        %add3A_1297 = arith.addf %scan3A_1249, %mul3A_1296 : vector<16xf32>
        %add3A_1298 = arith.constant 0 : i32
        %add3A_1299 = arith.addi %add3A_1298, %scan3A_1245 : i32
        %get3A_1300 = arith.index_cast %add3A_1299 : i32 to index
        %get3A_1301 = arith.constant 64 : index
        %get3A_1302 = tpu.vector_load %arg9[%get3A_1300, %get3A_1301] {strides = array<i32>} : memref<50x128xf32, #tpu.memory_space<vmem>>, vector<1x16xf32>,
        %get3A_1303 = vector.shape_cast %get3A_1302 : vector<1x16xf32> to vector<16xf32>
        %mul3A_1304 = arith.mulf %gather3A_1265, %get3A_1303 : vector<16xf32>
        %add3A_1305 = arith.addf %scan3A_1250, %mul3A_1304 : vector<16xf32>
        %add3A_1306 = arith.constant 0 : i32
        %add3A_1307 = arith.addi %add3A_1306, %scan3A_1245 : i32
        %get3A_1308 = arith.index_cast %add3A_1307 : i32 to index
        %get3A_1309 = arith.constant 80 : index
        %get3A_1310 = tpu.vector_load %arg9[%get3A_1308, %get3A_1309] {strides = array<i32>} : memref<50x128xf32, #tpu.memory_space<vmem>>, vector<1x16xf32>,
        %get3A_1311 = vector.shape_cast %get3A_1310 : vector<1x16xf32> to vector<16xf32>
        %mul3A_1312 = arith.mulf %gather3A_1265, %get3A_1311 : vector<16xf32>
        %add3A_1313 = arith.addf %scan3A_1251, %mul3A_1312 : vector<16xf32>
        %add3A_1314 = arith.constant 0 : i32
        %add3A_1315 = arith.addi %add3A_1314, %scan3A_1245 : i32
        %get3A_1316 = arith.index_cast %add3A_1315 : i32 to index
        %get3A_1317 = arith.constant 96 : index
        %get3A_1318 = tpu.vector_load %arg9[%get3A_1316, %get3A_1317] {strides = array<i32>} : memref<50x128xf32, #tpu.memory_space<vmem>>, vector<1x16xf32>,
        %get3A_1319 = vector.shape_cast %get3A_1318 : vector<1x16xf32> to vector<16xf32>
        %mul3A_1320 = arith.mulf %gather3A_1265, %get3A_1319 : vector<16xf32>
        %add3A_1321 = arith.addf %scan3A_1252, %mul3A_1320 : vector<16xf32>
        %add3A_1322 = arith.constant 0 : i32
        %add3A_1323 = arith.addi %add3A_1322, %scan3A_1245 : i32
        %get3A_1324 = arith.index_cast %add3A_1323 : i32 to index
        %get3A_1325 = arith.constant 112 : index
        %get3A_1326 = tpu.vector_load %arg9[%get3A_1324, %get3A_1325] {strides = array<i32>} : memref<50x128xf32, #tpu.memory_space<vmem>>, vector<1x16xf32>,
        %get3A_1327 = vector.shape_cast %get3A_1326 : vector<1x16xf32> to vector<16xf32>
        %mul3A_1328 = arith.mulf %gather3A_1265, %get3A_1327 : vector<16xf32>
        %add3A_1329 = arith.addf %scan3A_1253, %mul3A_1328 : vector<16xf32>
        scf.yield %add3A_1273, %add3A_1281, %add3A_1289, %add3A_1297, %add3A_1305, %add3A_1313, %add3A_1321, %add3A_1329 : vector<16xf32>, vector<16xf32>, vector<16xf32>, vector<16xf32>, vector<16xf32>, vector<16xf32>, vector<16xf32>, vector<16xf32>
      }
      %scan3A_94 = arith.constant 16 : i32
      %mul3A_95 = arith.constant 64 : i32
      %mul3A_96 = arith.muli %add3A_62, %mul3A_95 : i32
      %add3A_97 = arith.constant 16 : i32
      %add3A_98 = arith.addi %mul3A_96, %add3A_97 : i32
      %get3A_99 = arith.index_cast %add3A_98 : i32 to index
      %get3A_100 = tpu.vector_load %arg8[%get3A_99] {strides = array<i32>} : memref<8192xf32, #tpu.memory_space<vmem>>, vector<16xf32>,
      %get3A_101 = vector.shape_cast %get3A_100 : vector<16xf32> to vector<16xf32>
      %scan3A_102 = arith.constant 0 : i32
      %scan3A_103 = arith.constant 16 : i32
      %scan3A_104 = arith.addi %scan3A_102, %scan3A_103 : i32
      %scan3A_105 = arith.constant 1 : i32
      %scan3A_106:8 = scf.for %scan3A_1245 = %scan3A_102 to %scan3A_104 step %scan3A_105 iter_args(%scan3A_1246 = %scan3A_93#0, %scan3A_1247 = %scan3A_93#1, %scan3A_1248 = %scan3A_93#2, %scan3A_1249 = %scan3A_93#3, %scan3A_1250 = %scan3A_93#4, %scan3A_1251 = %scan3A_93#5, %scan3A_1252 = %scan3A_93#6, %scan3A_1253 = %scan3A_93#7) -> (vector<16xf32>, vector<16xf32>, vector<16xf32>, vector<16xf32>, vector<16xf32>, vector<16xf32>, vector<16xf32>, vector<16xf32>)  : i32 {
        %broadcast_in_dim3A_1254 = arith.constant 0 : i32
        %broadcast_in_dim3A_1255 = vector.broadcast %broadcast_in_dim3A_1254 : i32 to vector<16xi32>
        %add3A_1256 = vector.broadcast %scan3A_1245 : i32 to vector<16xi32>
        %add3A_1257 = arith.addi %broadcast_in_dim3A_1255, %add3A_1256 : vector<16xi32>
        %lt3A_1258 = arith.constant 0 : i32
        %lt3A_1259 = vector.broadcast %lt3A_1258 : i32 to vector<16xi32>
        %lt3A_1260 = arith.cmpi slt, %add3A_1257, %lt3A_1259 : vector<16xi32>
        %add3A_1261 = arith.constant 16 : i32
        %add3A_1262 = vector.broadcast %add3A_1261 : i32 to vector<16xi32>
        %add3A_1263 = arith.addi %add3A_1257, %add3A_1262 : vector<16xi32>
        %select_n3A = arith.select %lt3A_1260, %add3A_1263, %add3A_1257 : vector<16xi1>, vector<16xi32>
        %broadcast_in_dim3A_1264 = vector.shape_cast %select_n3A : vector<16xi32> to vector<16x1xi32>
        %gather3A = vector.shape_cast %broadcast_in_dim3A_1264 : vector<16x1xi32> to vector<16xi32>
        %gather3A_1265 = tpu.dynamic_gather %get3A_101[%gather3A] in [0] : vector<16xf32>, vector<16xi32> -> vector<16xf32>
        %add3A_1266 = arith.constant 16 : i32
        %add3A_1267 = arith.addi %add3A_1266, %scan3A_1245 : i32
        %get3A_1268 = arith.index_cast %add3A_1267 : i32 to index
        %get3A_1269 = arith.constant 0 : index
        %get3A_1270 = tpu.vector_load %arg9[%get3A_1268, %get3A_1269] {strides = array<i32>} : memref<50x128xf32, #tpu.memory_space<vmem>>, vector<1x16xf32>,
        %get3A_1271 = vector.shape_cast %get3A_1270 : vector<1x16xf32> to vector<16xf32>
        %mul3A_1272 = arith.mulf %gather3A_1265, %get3A_1271 : vector<16xf32>
        %add3A_1273 = arith.addf %scan3A_1246, %mul3A_1272 : vector<16xf32>
        %add3A_1274 = arith.constant 16 : i32
        %add3A_1275 = arith.addi %add3A_1274, %scan3A_1245 : i32
        %get3A_1276 = arith.index_cast %add3A_1275 : i32 to index
        %get3A_1277 = arith.constant 16 : index
        %get3A_1278 = tpu.vector_load %arg9[%get3A_1276, %get3A_1277] {strides = array<i32>} : memref<50x128xf32, #tpu.memory_space<vmem>>, vector<1x16xf32>,
        %get3A_1279 = vector.shape_cast %get3A_1278 : vector<1x16xf32> to vector<16xf32>
        %mul3A_1280 = arith.mulf %gather3A_1265, %get3A_1279 : vector<16xf32>
        %add3A_1281 = arith.addf %scan3A_1247, %mul3A_1280 : vector<16xf32>
        %add3A_1282 = arith.constant 16 : i32
        %add3A_1283 = arith.addi %add3A_1282, %scan3A_1245 : i32
        %get3A_1284 = arith.index_cast %add3A_1283 : i32 to index
        %get3A_1285 = arith.constant 32 : index
        %get3A_1286 = tpu.vector_load %arg9[%get3A_1284, %get3A_1285] {strides = array<i32>} : memref<50x128xf32, #tpu.memory_space<vmem>>, vector<1x16xf32>,
        %get3A_1287 = vector.shape_cast %get3A_1286 : vector<1x16xf32> to vector<16xf32>
        %mul3A_1288 = arith.mulf %gather3A_1265, %get3A_1287 : vector<16xf32>
        %add3A_1289 = arith.addf %scan3A_1248, %mul3A_1288 : vector<16xf32>
        %add3A_1290 = arith.constant 16 : i32
        %add3A_1291 = arith.addi %add3A_1290, %scan3A_1245 : i32
        %get3A_1292 = arith.index_cast %add3A_1291 : i32 to index
        %get3A_1293 = arith.constant 48 : index
        %get3A_1294 = tpu.vector_load %arg9[%get3A_1292, %get3A_1293] {strides = array<i32>} : memref<50x128xf32, #tpu.memory_space<vmem>>, vector<1x16xf32>,
        %get3A_1295 = vector.shape_cast %get3A_1294 : vector<1x16xf32> to vector<16xf32>
        %mul3A_1296 = arith.mulf %gather3A_1265, %get3A_1295 : vector<16xf32>
        %add3A_1297 = arith.addf %scan3A_1249, %mul3A_1296 : vector<16xf32>
        %add3A_1298 = arith.constant 16 : i32
        %add3A_1299 = arith.addi %add3A_1298, %scan3A_1245 : i32
        %get3A_1300 = arith.index_cast %add3A_1299 : i32 to index
        %get3A_1301 = arith.constant 64 : index
        %get3A_1302 = tpu.vector_load %arg9[%get3A_1300, %get3A_1301] {strides = array<i32>} : memref<50x128xf32, #tpu.memory_space<vmem>>, vector<1x16xf32>,
        %get3A_1303 = vector.shape_cast %get3A_1302 : vector<1x16xf32> to vector<16xf32>
        %mul3A_1304 = arith.mulf %gather3A_1265, %get3A_1303 : vector<16xf32>
        %add3A_1305 = arith.addf %scan3A_1250, %mul3A_1304 : vector<16xf32>
        %add3A_1306 = arith.constant 16 : i32
        %add3A_1307 = arith.addi %add3A_1306, %scan3A_1245 : i32
        %get3A_1308 = arith.index_cast %add3A_1307 : i32 to index
        %get3A_1309 = arith.constant 80 : index
        %get3A_1310 = tpu.vector_load %arg9[%get3A_1308, %get3A_1309] {strides = array<i32>} : memref<50x128xf32, #tpu.memory_space<vmem>>, vector<1x16xf32>,
        %get3A_1311 = vector.shape_cast %get3A_1310 : vector<1x16xf32> to vector<16xf32>
        %mul3A_1312 = arith.mulf %gather3A_1265, %get3A_1311 : vector<16xf32>
        %add3A_1313 = arith.addf %scan3A_1251, %mul3A_1312 : vector<16xf32>
        %add3A_1314 = arith.constant 16 : i32
        %add3A_1315 = arith.addi %add3A_1314, %scan3A_1245 : i32
        %get3A_1316 = arith.index_cast %add3A_1315 : i32 to index
        %get3A_1317 = arith.constant 96 : index
        %get3A_1318 = tpu.vector_load %arg9[%get3A_1316, %get3A_1317] {strides = array<i32>} : memref<50x128xf32, #tpu.memory_space<vmem>>, vector<1x16xf32>,
        %get3A_1319 = vector.shape_cast %get3A_1318 : vector<1x16xf32> to vector<16xf32>
        %mul3A_1320 = arith.mulf %gather3A_1265, %get3A_1319 : vector<16xf32>
        %add3A_1321 = arith.addf %scan3A_1252, %mul3A_1320 : vector<16xf32>
        %add3A_1322 = arith.constant 16 : i32
        %add3A_1323 = arith.addi %add3A_1322, %scan3A_1245 : i32
        %get3A_1324 = arith.index_cast %add3A_1323 : i32 to index
        %get3A_1325 = arith.constant 112 : index
        %get3A_1326 = tpu.vector_load %arg9[%get3A_1324, %get3A_1325] {strides = array<i32>} : memref<50x128xf32, #tpu.memory_space<vmem>>, vector<1x16xf32>,
        %get3A_1327 = vector.shape_cast %get3A_1326 : vector<1x16xf32> to vector<16xf32>
        %mul3A_1328 = arith.mulf %gather3A_1265, %get3A_1327 : vector<16xf32>
        %add3A_1329 = arith.addf %scan3A_1253, %mul3A_1328 : vector<16xf32>
        scf.yield %add3A_1273, %add3A_1281, %add3A_1289, %add3A_1297, %add3A_1305, %add3A_1313, %add3A_1321, %add3A_1329 : vector<16xf32>, vector<16xf32>, vector<16xf32>, vector<16xf32>, vector<16xf32>, vector<16xf32>, vector<16xf32>, vector<16xf32>
      }
      %scan3A_107 = arith.constant 16 : i32
      %mul3A_108 = arith.constant 64 : i32
      %mul3A_109 = arith.muli %add3A_62, %mul3A_108 : i32
      %add3A_110 = arith.constant 32 : i32
      %add3A_111 = arith.addi %mul3A_109, %add3A_110 : i32
      %get3A_112 = arith.index_cast %add3A_111 : i32 to index
      %get3A_113 = tpu.vector_load %arg8[%get3A_112] {strides = array<i32>} : memref<8192xf32, #tpu.memory_space<vmem>>, vector<16xf32>,
      %get3A_114 = vector.shape_cast %get3A_113 : vector<16xf32> to vector<16xf32>
      %scan3A_115 = arith.constant 0 : i32
      %scan3A_116 = arith.constant 16 : i32
      %scan3A_117 = arith.addi %scan3A_115, %scan3A_116 : i32
      %scan3A_118 = arith.constant 1 : i32
      %scan3A_119:8 = scf.for %scan3A_1245 = %scan3A_115 to %scan3A_117 step %scan3A_118 iter_args(%scan3A_1246 = %scan3A_106#0, %scan3A_1247 = %scan3A_106#1, %scan3A_1248 = %scan3A_106#2, %scan3A_1249 = %scan3A_106#3, %scan3A_1250 = %scan3A_106#4, %scan3A_1251 = %scan3A_106#5, %scan3A_1252 = %scan3A_106#6, %scan3A_1253 = %scan3A_106#7) -> (vector<16xf32>, vector<16xf32>, vector<16xf32>, vector<16xf32>, vector<16xf32>, vector<16xf32>, vector<16xf32>, vector<16xf32>)  : i32 {
        %broadcast_in_dim3A_1254 = arith.constant 0 : i32
        %broadcast_in_dim3A_1255 = vector.broadcast %broadcast_in_dim3A_1254 : i32 to vector<16xi32>
        %add3A_1256 = vector.broadcast %scan3A_1245 : i32 to vector<16xi32>
        %add3A_1257 = arith.addi %broadcast_in_dim3A_1255, %add3A_1256 : vector<16xi32>
        %lt3A_1258 = arith.constant 0 : i32
        %lt3A_1259 = vector.broadcast %lt3A_1258 : i32 to vector<16xi32>
        %lt3A_1260 = arith.cmpi slt, %add3A_1257, %lt3A_1259 : vector<16xi32>
        %add3A_1261 = arith.constant 16 : i32
        %add3A_1262 = vector.broadcast %add3A_1261 : i32 to vector<16xi32>
        %add3A_1263 = arith.addi %add3A_1257, %add3A_1262 : vector<16xi32>
        %select_n3A = arith.select %lt3A_1260, %add3A_1263, %add3A_1257 : vector<16xi1>, vector<16xi32>
        %broadcast_in_dim3A_1264 = vector.shape_cast %select_n3A : vector<16xi32> to vector<16x1xi32>
        %gather3A = vector.shape_cast %broadcast_in_dim3A_1264 : vector<16x1xi32> to vector<16xi32>
        %gather3A_1265 = tpu.dynamic_gather %get3A_114[%gather3A] in [0] : vector<16xf32>, vector<16xi32> -> vector<16xf32>
        %add3A_1266 = arith.constant 32 : i32
        %add3A_1267 = arith.addi %add3A_1266, %scan3A_1245 : i32
        %get3A_1268 = arith.index_cast %add3A_1267 : i32 to index
        %get3A_1269 = arith.constant 0 : index
        %get3A_1270 = tpu.vector_load %arg9[%get3A_1268, %get3A_1269] {strides = array<i32>} : memref<50x128xf32, #tpu.memory_space<vmem>>, vector<1x16xf32>,
        %get3A_1271 = vector.shape_cast %get3A_1270 : vector<1x16xf32> to vector<16xf32>
        %mul3A_1272 = arith.mulf %gather3A_1265, %get3A_1271 : vector<16xf32>
        %add3A_1273 = arith.addf %scan3A_1246, %mul3A_1272 : vector<16xf32>
        %add3A_1274 = arith.constant 32 : i32
        %add3A_1275 = arith.addi %add3A_1274, %scan3A_1245 : i32
        %get3A_1276 = arith.index_cast %add3A_1275 : i32 to index
        %get3A_1277 = arith.constant 16 : index
        %get3A_1278 = tpu.vector_load %arg9[%get3A_1276, %get3A_1277] {strides = array<i32>} : memref<50x128xf32, #tpu.memory_space<vmem>>, vector<1x16xf32>,
        %get3A_1279 = vector.shape_cast %get3A_1278 : vector<1x16xf32> to vector<16xf32>
        %mul3A_1280 = arith.mulf %gather3A_1265, %get3A_1279 : vector<16xf32>
        %add3A_1281 = arith.addf %scan3A_1247, %mul3A_1280 : vector<16xf32>
        %add3A_1282 = arith.constant 32 : i32
        %add3A_1283 = arith.addi %add3A_1282, %scan3A_1245 : i32
        %get3A_1284 = arith.index_cast %add3A_1283 : i32 to index
        %get3A_1285 = arith.constant 32 : index
        %get3A_1286 = tpu.vector_load %arg9[%get3A_1284, %get3A_1285] {strides = array<i32>} : memref<50x128xf32, #tpu.memory_space<vmem>>, vector<1x16xf32>,
        %get3A_1287 = vector.shape_cast %get3A_1286 : vector<1x16xf32> to vector<16xf32>
        %mul3A_1288 = arith.mulf %gather3A_1265, %get3A_1287 : vector<16xf32>
        %add3A_1289 = arith.addf %scan3A_1248, %mul3A_1288 : vector<16xf32>
        %add3A_1290 = arith.constant 32 : i32
        %add3A_1291 = arith.addi %add3A_1290, %scan3A_1245 : i32
        %get3A_1292 = arith.index_cast %add3A_1291 : i32 to index
        %get3A_1293 = arith.constant 48 : index
        %get3A_1294 = tpu.vector_load %arg9[%get3A_1292, %get3A_1293] {strides = array<i32>} : memref<50x128xf32, #tpu.memory_space<vmem>>, vector<1x16xf32>,
        %get3A_1295 = vector.shape_cast %get3A_1294 : vector<1x16xf32> to vector<16xf32>
        %mul3A_1296 = arith.mulf %gather3A_1265, %get3A_1295 : vector<16xf32>
        %add3A_1297 = arith.addf %scan3A_1249, %mul3A_1296 : vector<16xf32>
        %add3A_1298 = arith.constant 32 : i32
        %add3A_1299 = arith.addi %add3A_1298, %scan3A_1245 : i32
        %get3A_1300 = arith.index_cast %add3A_1299 : i32 to index
        %get3A_1301 = arith.constant 64 : index
        %get3A_1302 = tpu.vector_load %arg9[%get3A_1300, %get3A_1301] {strides = array<i32>} : memref<50x128xf32, #tpu.memory_space<vmem>>, vector<1x16xf32>,
        %get3A_1303 = vector.shape_cast %get3A_1302 : vector<1x16xf32> to vector<16xf32>
        %mul3A_1304 = arith.mulf %gather3A_1265, %get3A_1303 : vector<16xf32>
        %add3A_1305 = arith.addf %scan3A_1250, %mul3A_1304 : vector<16xf32>
        %add3A_1306 = arith.constant 32 : i32
        %add3A_1307 = arith.addi %add3A_1306, %scan3A_1245 : i32
        %get3A_1308 = arith.index_cast %add3A_1307 : i32 to index
        %get3A_1309 = arith.constant 80 : index
        %get3A_1310 = tpu.vector_load %arg9[%get3A_1308, %get3A_1309] {strides = array<i32>} : memref<50x128xf32, #tpu.memory_space<vmem>>, vector<1x16xf32>,
        %get3A_1311 = vector.shape_cast %get3A_1310 : vector<1x16xf32> to vector<16xf32>
        %mul3A_1312 = arith.mulf %gather3A_1265, %get3A_1311 : vector<16xf32>
        %add3A_1313 = arith.addf %scan3A_1251, %mul3A_1312 : vector<16xf32>
        %add3A_1314 = arith.constant 32 : i32
        %add3A_1315 = arith.addi %add3A_1314, %scan3A_1245 : i32
        %get3A_1316 = arith.index_cast %add3A_1315 : i32 to index
        %get3A_1317 = arith.constant 96 : index
        %get3A_1318 = tpu.vector_load %arg9[%get3A_1316, %get3A_1317] {strides = array<i32>} : memref<50x128xf32, #tpu.memory_space<vmem>>, vector<1x16xf32>,
        %get3A_1319 = vector.shape_cast %get3A_1318 : vector<1x16xf32> to vector<16xf32>
        %mul3A_1320 = arith.mulf %gather3A_1265, %get3A_1319 : vector<16xf32>
        %add3A_1321 = arith.addf %scan3A_1252, %mul3A_1320 : vector<16xf32>
        %add3A_1322 = arith.constant 32 : i32
        %add3A_1323 = arith.addi %add3A_1322, %scan3A_1245 : i32
        %get3A_1324 = arith.index_cast %add3A_1323 : i32 to index
        %get3A_1325 = arith.constant 112 : index
        %get3A_1326 = tpu.vector_load %arg9[%get3A_1324, %get3A_1325] {strides = array<i32>} : memref<50x128xf32, #tpu.memory_space<vmem>>, vector<1x16xf32>,
        %get3A_1327 = vector.shape_cast %get3A_1326 : vector<1x16xf32> to vector<16xf32>
        %mul3A_1328 = arith.mulf %gather3A_1265, %get3A_1327 : vector<16xf32>
        %add3A_1329 = arith.addf %scan3A_1253, %mul3A_1328 : vector<16xf32>
        scf.yield %add3A_1273, %add3A_1281, %add3A_1289, %add3A_1297, %add3A_1305, %add3A_1313, %add3A_1321, %add3A_1329 : vector<16xf32>, vector<16xf32>, vector<16xf32>, vector<16xf32>, vector<16xf32>, vector<16xf32>, vector<16xf32>, vector<16xf32>
      }
      %scan3A_120 = arith.constant 16 : i32
      %mul3A_121 = arith.constant 64 : i32
      %mul3A_122 = arith.muli %add3A_62, %mul3A_121 : i32
      %add3A_123 = arith.constant 48 : i32
      %add3A_124 = arith.addi %mul3A_122, %add3A_123 : i32
      %get3A_125 = arith.index_cast %add3A_124 : i32 to index
      %get3A_126 = tpu.vector_load %arg8[%get3A_125] {strides = array<i32>} : memref<8192xf32, #tpu.memory_space<vmem>>, vector<16xf32>,
      %get3A_127 = vector.shape_cast %get3A_126 : vector<16xf32> to vector<16xf32>
      %scan3A_128 = arith.constant 0 : i32
      %scan3A_129 = arith.constant 2 : i32
      %scan3A_130 = arith.addi %scan3A_128, %scan3A_129 : i32
      %scan3A_131 = arith.constant 1 : i32
      %scan3A_132:8 = scf.for %scan3A_1245 = %scan3A_128 to %scan3A_130 step %scan3A_131 iter_args(%scan3A_1246 = %scan3A_119#0, %scan3A_1247 = %scan3A_119#1, %scan3A_1248 = %scan3A_119#2, %scan3A_1249 = %scan3A_119#3, %scan3A_1250 = %scan3A_119#4, %scan3A_1251 = %scan3A_119#5, %scan3A_1252 = %scan3A_119#6, %scan3A_1253 = %scan3A_119#7) -> (vector<16xf32>, vector<16xf32>, vector<16xf32>, vector<16xf32>, vector<16xf32>, vector<16xf32>, vector<16xf32>, vector<16xf32>)  : i32 {
        %broadcast_in_dim3A_1254 = arith.constant 0 : i32
        %broadcast_in_dim3A_1255 = vector.broadcast %broadcast_in_dim3A_1254 : i32 to vector<16xi32>
        %add3A_1256 = vector.broadcast %scan3A_1245 : i32 to vector<16xi32>
        %add3A_1257 = arith.addi %broadcast_in_dim3A_1255, %add3A_1256 : vector<16xi32>
        %lt3A_1258 = arith.constant 0 : i32
        %lt3A_1259 = vector.broadcast %lt3A_1258 : i32 to vector<16xi32>
        %lt3A_1260 = arith.cmpi slt, %add3A_1257, %lt3A_1259 : vector<16xi32>
        %add3A_1261 = arith.constant 16 : i32
        %add3A_1262 = vector.broadcast %add3A_1261 : i32 to vector<16xi32>
        %add3A_1263 = arith.addi %add3A_1257, %add3A_1262 : vector<16xi32>
        %select_n3A = arith.select %lt3A_1260, %add3A_1263, %add3A_1257 : vector<16xi1>, vector<16xi32>
        %broadcast_in_dim3A_1264 = vector.shape_cast %select_n3A : vector<16xi32> to vector<16x1xi32>
        %gather3A = vector.shape_cast %broadcast_in_dim3A_1264 : vector<16x1xi32> to vector<16xi32>
        %gather3A_1265 = tpu.dynamic_gather %get3A_127[%gather3A] in [0] : vector<16xf32>, vector<16xi32> -> vector<16xf32>
        %add3A_1266 = arith.constant 48 : i32
        %add3A_1267 = arith.addi %add3A_1266, %scan3A_1245 : i32
        %get3A_1268 = arith.index_cast %add3A_1267 : i32 to index
        %get3A_1269 = arith.constant 0 : index
        %get3A_1270 = tpu.vector_load %arg9[%get3A_1268, %get3A_1269] {strides = array<i32>} : memref<50x128xf32, #tpu.memory_space<vmem>>, vector<1x16xf32>,
        %get3A_1271 = vector.shape_cast %get3A_1270 : vector<1x16xf32> to vector<16xf32>
        %mul3A_1272 = arith.mulf %gather3A_1265, %get3A_1271 : vector<16xf32>
        %add3A_1273 = arith.addf %scan3A_1246, %mul3A_1272 : vector<16xf32>
        %add3A_1274 = arith.constant 48 : i32
        %add3A_1275 = arith.addi %add3A_1274, %scan3A_1245 : i32
        %get3A_1276 = arith.index_cast %add3A_1275 : i32 to index
        %get3A_1277 = arith.constant 16 : index
        %get3A_1278 = tpu.vector_load %arg9[%get3A_1276, %get3A_1277] {strides = array<i32>} : memref<50x128xf32, #tpu.memory_space<vmem>>, vector<1x16xf32>,
        %get3A_1279 = vector.shape_cast %get3A_1278 : vector<1x16xf32> to vector<16xf32>
        %mul3A_1280 = arith.mulf %gather3A_1265, %get3A_1279 : vector<16xf32>
        %add3A_1281 = arith.addf %scan3A_1247, %mul3A_1280 : vector<16xf32>
        %add3A_1282 = arith.constant 48 : i32
        %add3A_1283 = arith.addi %add3A_1282, %scan3A_1245 : i32
        %get3A_1284 = arith.index_cast %add3A_1283 : i32 to index
        %get3A_1285 = arith.constant 32 : index
        %get3A_1286 = tpu.vector_load %arg9[%get3A_1284, %get3A_1285] {strides = array<i32>} : memref<50x128xf32, #tpu.memory_space<vmem>>, vector<1x16xf32>,
        %get3A_1287 = vector.shape_cast %get3A_1286 : vector<1x16xf32> to vector<16xf32>
        %mul3A_1288 = arith.mulf %gather3A_1265, %get3A_1287 : vector<16xf32>
        %add3A_1289 = arith.addf %scan3A_1248, %mul3A_1288 : vector<16xf32>
        %add3A_1290 = arith.constant 48 : i32
        %add3A_1291 = arith.addi %add3A_1290, %scan3A_1245 : i32
        %get3A_1292 = arith.index_cast %add3A_1291 : i32 to index
        %get3A_1293 = arith.constant 48 : index
        %get3A_1294 = tpu.vector_load %arg9[%get3A_1292, %get3A_1293] {strides = array<i32>} : memref<50x128xf32, #tpu.memory_space<vmem>>, vector<1x16xf32>,
        %get3A_1295 = vector.shape_cast %get3A_1294 : vector<1x16xf32> to vector<16xf32>
        %mul3A_1296 = arith.mulf %gather3A_1265, %get3A_1295 : vector<16xf32>
        %add3A_1297 = arith.addf %scan3A_1249, %mul3A_1296 : vector<16xf32>
        %add3A_1298 = arith.constant 48 : i32
        %add3A_1299 = arith.addi %add3A_1298, %scan3A_1245 : i32
        %get3A_1300 = arith.index_cast %add3A_1299 : i32 to index
        %get3A_1301 = arith.constant 64 : index
        %get3A_1302 = tpu.vector_load %arg9[%get3A_1300, %get3A_1301] {strides = array<i32>} : memref<50x128xf32, #tpu.memory_space<vmem>>, vector<1x16xf32>,
        %get3A_1303 = vector.shape_cast %get3A_1302 : vector<1x16xf32> to vector<16xf32>
        %mul3A_1304 = arith.mulf %gather3A_1265, %get3A_1303 : vector<16xf32>
        %add3A_1305 = arith.addf %scan3A_1250, %mul3A_1304 : vector<16xf32>
        %add3A_1306 = arith.constant 48 : i32
        %add3A_1307 = arith.addi %add3A_1306, %scan3A_1245 : i32
        %get3A_1308 = arith.index_cast %add3A_1307 : i32 to index
        %get3A_1309 = arith.constant 80 : index
        %get3A_1310 = tpu.vector_load %arg9[%get3A_1308, %get3A_1309] {strides = array<i32>} : memref<50x128xf32, #tpu.memory_space<vmem>>, vector<1x16xf32>,
        %get3A_1311 = vector.shape_cast %get3A_1310 : vector<1x16xf32> to vector<16xf32>
        %mul3A_1312 = arith.mulf %gather3A_1265, %get3A_1311 : vector<16xf32>
        %add3A_1313 = arith.addf %scan3A_1251, %mul3A_1312 : vector<16xf32>
        %add3A_1314 = arith.constant 48 : i32
        %add3A_1315 = arith.addi %add3A_1314, %scan3A_1245 : i32
        %get3A_1316 = arith.index_cast %add3A_1315 : i32 to index
        %get3A_1317 = arith.constant 96 : index
        %get3A_1318 = tpu.vector_load %arg9[%get3A_1316, %get3A_1317] {strides = array<i32>} : memref<50x128xf32, #tpu.memory_space<vmem>>, vector<1x16xf32>,
        %get3A_1319 = vector.shape_cast %get3A_1318 : vector<1x16xf32> to vector<16xf32>
        %mul3A_1320 = arith.mulf %gather3A_1265, %get3A_1319 : vector<16xf32>
        %add3A_1321 = arith.addf %scan3A_1252, %mul3A_1320 : vector<16xf32>
        %add3A_1322 = arith.constant 48 : i32
        %add3A_1323 = arith.addi %add3A_1322, %scan3A_1245 : i32
        %get3A_1324 = arith.index_cast %add3A_1323 : i32 to index
        %get3A_1325 = arith.constant 112 : index
        %get3A_1326 = tpu.vector_load %arg9[%get3A_1324, %get3A_1325] {strides = array<i32>} : memref<50x128xf32, #tpu.memory_space<vmem>>, vector<1x16xf32>,
        %get3A_1327 = vector.shape_cast %get3A_1326 : vector<1x16xf32> to vector<16xf32>
        %mul3A_1328 = arith.mulf %gather3A_1265, %get3A_1327 : vector<16xf32>
        %add3A_1329 = arith.addf %scan3A_1253, %mul3A_1328 : vector<16xf32>
        scf.yield %add3A_1273, %add3A_1281, %add3A_1289, %add3A_1297, %add3A_1305, %add3A_1313, %add3A_1321, %add3A_1329 : vector<16xf32>, vector<16xf32>, vector<16xf32>, vector<16xf32>, vector<16xf32>, vector<16xf32>, vector<16xf32>, vector<16xf32>
      }
      %scan3A_133 = arith.constant 2 : i32
      %add3A_134 = arith.constant 1 : i32
      %add3A_135 = arith.addi %scan3A_57, %add3A_134 : i32
      %lt3A = arith.constant 16 : i32
      %lt3A_136 = arith.cmpi slt, %add3A_135, %lt3A : i32
      %convert_element_type3A = arith.extui %lt3A_136 : i1 to i32
      %cond3A = arith.constant 0 : i32
      %cond3A_137 = arith.cmpi ne, %convert_element_type3A, %cond3A : i32
      scf.if %cond3A_137 {
        %add3A_1245 = arith.constant 8 : i32
        %add3A_1246 = arith.addi %add3A_62, %add3A_1245 : i32
        %mul3A_1247 = arith.constant 64 : i32
        %mul3A_1248 = arith.muli %add3A_1246, %mul3A_1247 : i32
        %dma_start3A_1249 = tpu.memref_slice %arg6[%mul3A_1248] : memref<8192xi32, #tpu.memory_space<vmem>> -> memref<50xi32, #tpu.memory_space<vmem>>
        %dma_start3A_1250 = arith.constant 0 : i32
        %dma_start3A_1251 = arith.constant 0 : i32
        %dma_start3A_1252 = tpu.memref_slice %arg4[%dma_start3A_1250, %dma_start3A_1251] : memref<100000x128xf32, #tpu.memory_space<hbm>> -> memref<100000x128xf32, #tpu.memory_space<hbm>>
        tpu.enqueue_indirect_dma source(%dma_start3A_1252 : memref<100000x128xf32, #tpu.memory_space<hbm>>) target(%arg9 : memref<50x128xf32, #tpu.memory_space<vmem>>) offsets(%dma_start3A_1249 : memref<50xi32, #tpu.memory_space<vmem>>) semaphore(%arg18 : memref<!tpu.dma_semaphore, #tpu.memory_space<semaphore_mem>>)
      } else {
      }
      %mul3A_138 = arith.constant 128 : i32
      %mul3A_139 = arith.muli %add3A_62, %mul3A_138 : i32
      %add3A_140 = arith.constant 0 : i32
      %add3A_141 = arith.addi %mul3A_139, %add3A_140 : i32
      %swap3A = arith.index_cast %add3A_141 : i32 to index
      %swap3A_142 = tpu.vector_load %arg17[%swap3A] {strides = array<i32>} : memref<16384xf32, #tpu.memory_space<vmem>>, vector<16xf32>,
      %swap3A_143 = vector.shape_cast %swap3A_142 : vector<16xf32> to vector<16xf32>
      %swap3A_144 = vector.shape_cast %scan3A_132#0 : vector<16xf32> to vector<16xf32>
      tpu.vector_store %arg17[%swap3A], %swap3A_144 {strides = array<i32>} : memref<16384xf32, #tpu.memory_space<vmem>>, vector<16xf32>,
      %mul3A_145 = arith.constant 128 : i32
      %mul3A_146 = arith.muli %add3A_62, %mul3A_145 : i32
      %add3A_147 = arith.constant 16 : i32
      %add3A_148 = arith.addi %mul3A_146, %add3A_147 : i32
      %swap3A_149 = arith.index_cast %add3A_148 : i32 to index
      %swap3A_150 = tpu.vector_load %arg17[%swap3A_149] {strides = array<i32>} : memref<16384xf32, #tpu.memory_space<vmem>>, vector<16xf32>,
      %swap3A_151 = vector.shape_cast %swap3A_150 : vector<16xf32> to vector<16xf32>
      %swap3A_152 = vector.shape_cast %scan3A_132#1 : vector<16xf32> to vector<16xf32>
      tpu.vector_store %arg17[%swap3A_149], %swap3A_152 {strides = array<i32>} : memref<16384xf32, #tpu.memory_space<vmem>>, vector<16xf32>,
      %mul3A_153 = arith.constant 128 : i32
      %mul3A_154 = arith.muli %add3A_62, %mul3A_153 : i32
      %add3A_155 = arith.constant 32 : i32
      %add3A_156 = arith.addi %mul3A_154, %add3A_155 : i32
      %swap3A_157 = arith.index_cast %add3A_156 : i32 to index
      %swap3A_158 = tpu.vector_load %arg17[%swap3A_157] {strides = array<i32>} : memref<16384xf32, #tpu.memory_space<vmem>>, vector<16xf32>,
      %swap3A_159 = vector.shape_cast %swap3A_158 : vector<16xf32> to vector<16xf32>
      %swap3A_160 = vector.shape_cast %scan3A_132#2 : vector<16xf32> to vector<16xf32>
      tpu.vector_store %arg17[%swap3A_157], %swap3A_160 {strides = array<i32>} : memref<16384xf32, #tpu.memory_space<vmem>>, vector<16xf32>,
      %mul3A_161 = arith.constant 128 : i32
      %mul3A_162 = arith.muli %add3A_62, %mul3A_161 : i32
      %add3A_163 = arith.constant 48 : i32
      %add3A_164 = arith.addi %mul3A_162, %add3A_163 : i32
      %swap3A_165 = arith.index_cast %add3A_164 : i32 to index
      %swap3A_166 = tpu.vector_load %arg17[%swap3A_165] {strides = array<i32>} : memref<16384xf32, #tpu.memory_space<vmem>>, vector<16xf32>,
      %swap3A_167 = vector.shape_cast %swap3A_166 : vector<16xf32> to vector<16xf32>
      %swap3A_168 = vector.shape_cast %scan3A_132#3 : vector<16xf32> to vector<16xf32>
      tpu.vector_store %arg17[%swap3A_165], %swap3A_168 {strides = array<i32>} : memref<16384xf32, #tpu.memory_space<vmem>>, vector<16xf32>,
      %mul3A_169 = arith.constant 128 : i32
      %mul3A_170 = arith.muli %add3A_62, %mul3A_169 : i32
      %add3A_171 = arith.constant 64 : i32
      %add3A_172 = arith.addi %mul3A_170, %add3A_171 : i32
      %swap3A_173 = arith.index_cast %add3A_172 : i32 to index
      %swap3A_174 = tpu.vector_load %arg17[%swap3A_173] {strides = array<i32>} : memref<16384xf32, #tpu.memory_space<vmem>>, vector<16xf32>,
      %swap3A_175 = vector.shape_cast %swap3A_174 : vector<16xf32> to vector<16xf32>
      %swap3A_176 = vector.shape_cast %scan3A_132#4 : vector<16xf32> to vector<16xf32>
      tpu.vector_store %arg17[%swap3A_173], %swap3A_176 {strides = array<i32>} : memref<16384xf32, #tpu.memory_space<vmem>>, vector<16xf32>,
      %mul3A_177 = arith.constant 128 : i32
      %mul3A_178 = arith.muli %add3A_62, %mul3A_177 : i32
      %add3A_179 = arith.constant 80 : i32
      %add3A_180 = arith.addi %mul3A_178, %add3A_179 : i32
      %swap3A_181 = arith.index_cast %add3A_180 : i32 to index
      %swap3A_182 = tpu.vector_load %arg17[%swap3A_181] {strides = array<i32>} : memref<16384xf32, #tpu.memory_space<vmem>>, vector<16xf32>,
      %swap3A_183 = vector.shape_cast %swap3A_182 : vector<16xf32> to vector<16xf32>
      %swap3A_184 = vector.shape_cast %scan3A_132#5 : vector<16xf32> to vector<16xf32>
      tpu.vector_store %arg17[%swap3A_181], %swap3A_184 {strides = array<i32>} : memref<16384xf32, #tpu.memory_space<vmem>>, vector<16xf32>,
      %mul3A_185 = arith.constant 128 : i32
      %mul3A_186 = arith.muli %add3A_62, %mul3A_185 : i32
      %add3A_187 = arith.constant 96 : i32
      %add3A_188 = arith.addi %mul3A_186, %add3A_187 : i32
      %swap3A_189 = arith.index_cast %add3A_188 : i32 to index
      %swap3A_190 = tpu.vector_load %arg17[%swap3A_189] {strides = array<i32>} : memref<16384xf32, #tpu.memory_space<vmem>>, vector<16xf32>,
      %swap3A_191 = vector.shape_cast %swap3A_190 : vector<16xf32> to vector<16xf32>
      %swap3A_192 = vector.shape_cast %scan3A_132#6 : vector<16xf32> to vector<16xf32>
      tpu.vector_store %arg17[%swap3A_189], %swap3A_192 {strides = array<i32>} : memref<16384xf32, #tpu.memory_space<vmem>>, vector<16xf32>,
      %mul3A_193 = arith.constant 128 : i32
      %mul3A_194 = arith.muli %add3A_62, %mul3A_193 : i32
      %add3A_195 = arith.constant 112 : i32
      %add3A_196 = arith.addi %mul3A_194, %add3A_195 : i32
      %swap3A_197 = arith.index_cast %add3A_196 : i32 to index
      %swap3A_198 = tpu.vector_load %arg17[%swap3A_197] {strides = array<i32>} : memref<16384xf32, #tpu.memory_space<vmem>>, vector<16xf32>,
      %swap3A_199 = vector.shape_cast %swap3A_198 : vector<16xf32> to vector<16xf32>
      %swap3A_200 = vector.shape_cast %scan3A_132#7 : vector<16xf32> to vector<16xf32>
      tpu.vector_store %arg17[%swap3A_197], %swap3A_200 {strides = array<i32>} : memref<16384xf32, #tpu.memory_space<vmem>>, vector<16xf32>,
      %mul3A_201 = arith.constant 8 : i32
      %mul3A_202 = arith.muli %scan3A_57, %mul3A_201 : i32
      %add3A_203 = arith.constant 1 : i32
      %add3A_204 = arith.addi %mul3A_202, %add3A_203 : i32
      %mul3A_205 = arith.constant 64 : i32
      %mul3A_206 = arith.muli %add3A_204, %mul3A_205 : i32
      %dma_wait3A_207 = tpu.memref_slice %arg6[%mul3A_206] : memref<8192xi32, #tpu.memory_space<vmem>> -> memref<50xi32, #tpu.memory_space<vmem>>
      %dma_wait3A_208 = arith.constant 0 : i32
      %dma_wait3A_209 = arith.constant 0 : i32
      %dma_wait3A_210 = tpu.memref_slice %arg4[%dma_wait3A_208, %dma_wait3A_209] : memref<100000x128xf32, #tpu.memory_space<hbm>> -> memref<100000x128xf32, #tpu.memory_space<hbm>>
      tpu.wait_indirect_dma semaphore(%arg19 : memref<!tpu.dma_semaphore, #tpu.memory_space<semaphore_mem>>) src(%dma_wait3A_210 : memref<100000x128xf32, #tpu.memory_space<hbm>>) dst(%arg10 : memref<50x128xf32, #tpu.memory_space<vmem>>)
      %broadcast_in_dim3A_211 = arith.constant 0.000000e+00 : f32
      %broadcast_in_dim3A_212 = vector.broadcast %broadcast_in_dim3A_211 : f32 to vector<16xf32>
      %broadcast_in_dim3A_213 = arith.constant 0.000000e+00 : f32
      %broadcast_in_dim3A_214 = vector.broadcast %broadcast_in_dim3A_213 : f32 to vector<16xf32>
      %broadcast_in_dim3A_215 = arith.constant 0.000000e+00 : f32
      %broadcast_in_dim3A_216 = vector.broadcast %broadcast_in_dim3A_215 : f32 to vector<16xf32>
      %broadcast_in_dim3A_217 = arith.constant 0.000000e+00 : f32
      %broadcast_in_dim3A_218 = vector.broadcast %broadcast_in_dim3A_217 : f32 to vector<16xf32>
      %broadcast_in_dim3A_219 = arith.constant 0.000000e+00 : f32
      %broadcast_in_dim3A_220 = vector.broadcast %broadcast_in_dim3A_219 : f32 to vector<16xf32>
      %broadcast_in_dim3A_221 = arith.constant 0.000000e+00 : f32
      %broadcast_in_dim3A_222 = vector.broadcast %broadcast_in_dim3A_221 : f32 to vector<16xf32>
      %broadcast_in_dim3A_223 = arith.constant 0.000000e+00 : f32
      %broadcast_in_dim3A_224 = vector.broadcast %broadcast_in_dim3A_223 : f32 to vector<16xf32>
      %broadcast_in_dim3A_225 = arith.constant 0.000000e+00 : f32
      %broadcast_in_dim3A_226 = vector.broadcast %broadcast_in_dim3A_225 : f32 to vector<16xf32>
      %mul3A_227 = arith.constant 64 : i32
      %mul3A_228 = arith.muli %add3A_204, %mul3A_227 : i32
      %add3A_229 = arith.constant 0 : i32
      %add3A_230 = arith.addi %mul3A_228, %add3A_229 : i32
      %get3A_231 = arith.index_cast %add3A_230 : i32 to index
      %get3A_232 = tpu.vector_load %arg8[%get3A_231] {strides = array<i32>} : memref<8192xf32, #tpu.memory_space<vmem>>, vector<16xf32>,
      %get3A_233 = vector.shape_cast %get3A_232 : vector<16xf32> to vector<16xf32>
      %scan3A_234 = arith.constant 0 : i32
      %scan3A_235 = arith.constant 16 : i32
      %scan3A_236 = arith.addi %scan3A_234, %scan3A_235 : i32
      %scan3A_237 = arith.constant 1 : i32
      %scan3A_238:8 = scf.for %scan3A_1245 = %scan3A_234 to %scan3A_236 step %scan3A_237 iter_args(%scan3A_1246 = %broadcast_in_dim3A_212, %scan3A_1247 = %broadcast_in_dim3A_214, %scan3A_1248 = %broadcast_in_dim3A_216, %scan3A_1249 = %broadcast_in_dim3A_218, %scan3A_1250 = %broadcast_in_dim3A_220, %scan3A_1251 = %broadcast_in_dim3A_222, %scan3A_1252 = %broadcast_in_dim3A_224, %scan3A_1253 = %broadcast_in_dim3A_226) -> (vector<16xf32>, vector<16xf32>, vector<16xf32>, vector<16xf32>, vector<16xf32>, vector<16xf32>, vector<16xf32>, vector<16xf32>)  : i32 {
        %broadcast_in_dim3A_1254 = arith.constant 0 : i32
        %broadcast_in_dim3A_1255 = vector.broadcast %broadcast_in_dim3A_1254 : i32 to vector<16xi32>
        %add3A_1256 = vector.broadcast %scan3A_1245 : i32 to vector<16xi32>
        %add3A_1257 = arith.addi %broadcast_in_dim3A_1255, %add3A_1256 : vector<16xi32>
        %lt3A_1258 = arith.constant 0 : i32
        %lt3A_1259 = vector.broadcast %lt3A_1258 : i32 to vector<16xi32>
        %lt3A_1260 = arith.cmpi slt, %add3A_1257, %lt3A_1259 : vector<16xi32>
        %add3A_1261 = arith.constant 16 : i32
        %add3A_1262 = vector.broadcast %add3A_1261 : i32 to vector<16xi32>
        %add3A_1263 = arith.addi %add3A_1257, %add3A_1262 : vector<16xi32>
        %select_n3A = arith.select %lt3A_1260, %add3A_1263, %add3A_1257 : vector<16xi1>, vector<16xi32>
        %broadcast_in_dim3A_1264 = vector.shape_cast %select_n3A : vector<16xi32> to vector<16x1xi32>
        %gather3A = vector.shape_cast %broadcast_in_dim3A_1264 : vector<16x1xi32> to vector<16xi32>
        %gather3A_1265 = tpu.dynamic_gather %get3A_233[%gather3A] in [0] : vector<16xf32>, vector<16xi32> -> vector<16xf32>
        %add3A_1266 = arith.constant 0 : i32
        %add3A_1267 = arith.addi %add3A_1266, %scan3A_1245 : i32
        %get3A_1268 = arith.index_cast %add3A_1267 : i32 to index
        %get3A_1269 = arith.constant 0 : index
        %get3A_1270 = tpu.vector_load %arg10[%get3A_1268, %get3A_1269] {strides = array<i32>} : memref<50x128xf32, #tpu.memory_space<vmem>>, vector<1x16xf32>,
        %get3A_1271 = vector.shape_cast %get3A_1270 : vector<1x16xf32> to vector<16xf32>
        %mul3A_1272 = arith.mulf %gather3A_1265, %get3A_1271 : vector<16xf32>
        %add3A_1273 = arith.addf %scan3A_1246, %mul3A_1272 : vector<16xf32>
        %add3A_1274 = arith.constant 0 : i32
        %add3A_1275 = arith.addi %add3A_1274, %scan3A_1245 : i32
        %get3A_1276 = arith.index_cast %add3A_1275 : i32 to index
        %get3A_1277 = arith.constant 16 : index
        %get3A_1278 = tpu.vector_load %arg10[%get3A_1276, %get3A_1277] {strides = array<i32>} : memref<50x128xf32, #tpu.memory_space<vmem>>, vector<1x16xf32>,
        %get3A_1279 = vector.shape_cast %get3A_1278 : vector<1x16xf32> to vector<16xf32>
        %mul3A_1280 = arith.mulf %gather3A_1265, %get3A_1279 : vector<16xf32>
        %add3A_1281 = arith.addf %scan3A_1247, %mul3A_1280 : vector<16xf32>
        %add3A_1282 = arith.constant 0 : i32
        %add3A_1283 = arith.addi %add3A_1282, %scan3A_1245 : i32
        %get3A_1284 = arith.index_cast %add3A_1283 : i32 to index
        %get3A_1285 = arith.constant 32 : index
        %get3A_1286 = tpu.vector_load %arg10[%get3A_1284, %get3A_1285] {strides = array<i32>} : memref<50x128xf32, #tpu.memory_space<vmem>>, vector<1x16xf32>,
        %get3A_1287 = vector.shape_cast %get3A_1286 : vector<1x16xf32> to vector<16xf32>
        %mul3A_1288 = arith.mulf %gather3A_1265, %get3A_1287 : vector<16xf32>
        %add3A_1289 = arith.addf %scan3A_1248, %mul3A_1288 : vector<16xf32>
        %add3A_1290 = arith.constant 0 : i32
        %add3A_1291 = arith.addi %add3A_1290, %scan3A_1245 : i32
        %get3A_1292 = arith.index_cast %add3A_1291 : i32 to index
        %get3A_1293 = arith.constant 48 : index
        %get3A_1294 = tpu.vector_load %arg10[%get3A_1292, %get3A_1293] {strides = array<i32>} : memref<50x128xf32, #tpu.memory_space<vmem>>, vector<1x16xf32>,
        %get3A_1295 = vector.shape_cast %get3A_1294 : vector<1x16xf32> to vector<16xf32>
        %mul3A_1296 = arith.mulf %gather3A_1265, %get3A_1295 : vector<16xf32>
        %add3A_1297 = arith.addf %scan3A_1249, %mul3A_1296 : vector<16xf32>
        %add3A_1298 = arith.constant 0 : i32
        %add3A_1299 = arith.addi %add3A_1298, %scan3A_1245 : i32
        %get3A_1300 = arith.index_cast %add3A_1299 : i32 to index
        %get3A_1301 = arith.constant 64 : index
        %get3A_1302 = tpu.vector_load %arg10[%get3A_1300, %get3A_1301] {strides = array<i32>} : memref<50x128xf32, #tpu.memory_space<vmem>>, vector<1x16xf32>,
        %get3A_1303 = vector.shape_cast %get3A_1302 : vector<1x16xf32> to vector<16xf32>
        %mul3A_1304 = arith.mulf %gather3A_1265, %get3A_1303 : vector<16xf32>
        %add3A_1305 = arith.addf %scan3A_1250, %mul3A_1304 : vector<16xf32>
        %add3A_1306 = arith.constant 0 : i32
        %add3A_1307 = arith.addi %add3A_1306, %scan3A_1245 : i32
        %get3A_1308 = arith.index_cast %add3A_1307 : i32 to index
        %get3A_1309 = arith.constant 80 : index
        %get3A_1310 = tpu.vector_load %arg10[%get3A_1308, %get3A_1309] {strides = array<i32>} : memref<50x128xf32, #tpu.memory_space<vmem>>, vector<1x16xf32>,
        %get3A_1311 = vector.shape_cast %get3A_1310 : vector<1x16xf32> to vector<16xf32>
        %mul3A_1312 = arith.mulf %gather3A_1265, %get3A_1311 : vector<16xf32>
        %add3A_1313 = arith.addf %scan3A_1251, %mul3A_1312 : vector<16xf32>
        %add3A_1314 = arith.constant 0 : i32
        %add3A_1315 = arith.addi %add3A_1314, %scan3A_1245 : i32
        %get3A_1316 = arith.index_cast %add3A_1315 : i32 to index
        %get3A_1317 = arith.constant 96 : index
        %get3A_1318 = tpu.vector_load %arg10[%get3A_1316, %get3A_1317] {strides = array<i32>} : memref<50x128xf32, #tpu.memory_space<vmem>>, vector<1x16xf32>,
        %get3A_1319 = vector.shape_cast %get3A_1318 : vector<1x16xf32> to vector<16xf32>
        %mul3A_1320 = arith.mulf %gather3A_1265, %get3A_1319 : vector<16xf32>
        %add3A_1321 = arith.addf %scan3A_1252, %mul3A_1320 : vector<16xf32>
        %add3A_1322 = arith.constant 0 : i32
        %add3A_1323 = arith.addi %add3A_1322, %scan3A_1245 : i32
        %get3A_1324 = arith.index_cast %add3A_1323 : i32 to index
        %get3A_1325 = arith.constant 112 : index
        %get3A_1326 = tpu.vector_load %arg10[%get3A_1324, %get3A_1325] {strides = array<i32>} : memref<50x128xf32, #tpu.memory_space<vmem>>, vector<1x16xf32>,
        %get3A_1327 = vector.shape_cast %get3A_1326 : vector<1x16xf32> to vector<16xf32>
        %mul3A_1328 = arith.mulf %gather3A_1265, %get3A_1327 : vector<16xf32>
        %add3A_1329 = arith.addf %scan3A_1253, %mul3A_1328 : vector<16xf32>
        scf.yield %add3A_1273, %add3A_1281, %add3A_1289, %add3A_1297, %add3A_1305, %add3A_1313, %add3A_1321, %add3A_1329 : vector<16xf32>, vector<16xf32>, vector<16xf32>, vector<16xf32>, vector<16xf32>, vector<16xf32>, vector<16xf32>, vector<16xf32>
      }
      %scan3A_239 = arith.constant 16 : i32
      %mul3A_240 = arith.constant 64 : i32
      %mul3A_241 = arith.muli %add3A_204, %mul3A_240 : i32
      %add3A_242 = arith.constant 16 : i32
      %add3A_243 = arith.addi %mul3A_241, %add3A_242 : i32
      %get3A_244 = arith.index_cast %add3A_243 : i32 to index
      %get3A_245 = tpu.vector_load %arg8[%get3A_244] {strides = array<i32>} : memref<8192xf32, #tpu.memory_space<vmem>>, vector<16xf32>,
      %get3A_246 = vector.shape_cast %get3A_245 : vector<16xf32> to vector<16xf32>
      %scan3A_247 = arith.constant 0 : i32
      %scan3A_248 = arith.constant 16 : i32
      %scan3A_249 = arith.addi %scan3A_247, %scan3A_248 : i32
      %scan3A_250 = arith.constant 1 : i32
      %scan3A_251:8 = scf.for %scan3A_1245 = %scan3A_247 to %scan3A_249 step %scan3A_250 iter_args(%scan3A_1246 = %scan3A_238#0, %scan3A_1247 = %scan3A_238#1, %scan3A_1248 = %scan3A_238#2, %scan3A_1249 = %scan3A_238#3, %scan3A_1250 = %scan3A_238#4, %scan3A_1251 = %scan3A_238#5, %scan3A_1252 = %scan3A_238#6, %scan3A_1253 = %scan3A_238#7) -> (vector<16xf32>, vector<16xf32>, vector<16xf32>, vector<16xf32>, vector<16xf32>, vector<16xf32>, vector<16xf32>, vector<16xf32>)  : i32 {
        %broadcast_in_dim3A_1254 = arith.constant 0 : i32
        %broadcast_in_dim3A_1255 = vector.broadcast %broadcast_in_dim3A_1254 : i32 to vector<16xi32>
        %add3A_1256 = vector.broadcast %scan3A_1245 : i32 to vector<16xi32>
        %add3A_1257 = arith.addi %broadcast_in_dim3A_1255, %add3A_1256 : vector<16xi32>
        %lt3A_1258 = arith.constant 0 : i32
        %lt3A_1259 = vector.broadcast %lt3A_1258 : i32 to vector<16xi32>
        %lt3A_1260 = arith.cmpi slt, %add3A_1257, %lt3A_1259 : vector<16xi32>
        %add3A_1261 = arith.constant 16 : i32
        %add3A_1262 = vector.broadcast %add3A_1261 : i32 to vector<16xi32>
        %add3A_1263 = arith.addi %add3A_1257, %add3A_1262 : vector<16xi32>
        %select_n3A = arith.select %lt3A_1260, %add3A_1263, %add3A_1257 : vector<16xi1>, vector<16xi32>
        %broadcast_in_dim3A_1264 = vector.shape_cast %select_n3A : vector<16xi32> to vector<16x1xi32>
        %gather3A = vector.shape_cast %broadcast_in_dim3A_1264 : vector<16x1xi32> to vector<16xi32>
        %gather3A_1265 = tpu.dynamic_gather %get3A_246[%gather3A] in [0] : vector<16xf32>, vector<16xi32> -> vector<16xf32>
        %add3A_1266 = arith.constant 16 : i32
        %add3A_1267 = arith.addi %add3A_1266, %scan3A_1245 : i32
        %get3A_1268 = arith.index_cast %add3A_1267 : i32 to index
        %get3A_1269 = arith.constant 0 : index
        %get3A_1270 = tpu.vector_load %arg10[%get3A_1268, %get3A_1269] {strides = array<i32>} : memref<50x128xf32, #tpu.memory_space<vmem>>, vector<1x16xf32>,
        %get3A_1271 = vector.shape_cast %get3A_1270 : vector<1x16xf32> to vector<16xf32>
        %mul3A_1272 = arith.mulf %gather3A_1265, %get3A_1271 : vector<16xf32>
        %add3A_1273 = arith.addf %scan3A_1246, %mul3A_1272 : vector<16xf32>
        %add3A_1274 = arith.constant 16 : i32
        %add3A_1275 = arith.addi %add3A_1274, %scan3A_1245 : i32
        %get3A_1276 = arith.index_cast %add3A_1275 : i32 to index
        %get3A_1277 = arith.constant 16 : index
        %get3A_1278 = tpu.vector_load %arg10[%get3A_1276, %get3A_1277] {strides = array<i32>} : memref<50x128xf32, #tpu.memory_space<vmem>>, vector<1x16xf32>,
        %get3A_1279 = vector.shape_cast %get3A_1278 : vector<1x16xf32> to vector<16xf32>
        %mul3A_1280 = arith.mulf %gather3A_1265, %get3A_1279 : vector<16xf32>
        %add3A_1281 = arith.addf %scan3A_1247, %mul3A_1280 : vector<16xf32>
        %add3A_1282 = arith.constant 16 : i32
        %add3A_1283 = arith.addi %add3A_1282, %scan3A_1245 : i32
        %get3A_1284 = arith.index_cast %add3A_1283 : i32 to index
        %get3A_1285 = arith.constant 32 : index
        %get3A_1286 = tpu.vector_load %arg10[%get3A_1284, %get3A_1285] {strides = array<i32>} : memref<50x128xf32, #tpu.memory_space<vmem>>, vector<1x16xf32>,
        %get3A_1287 = vector.shape_cast %get3A_1286 : vector<1x16xf32> to vector<16xf32>
        %mul3A_1288 = arith.mulf %gather3A_1265, %get3A_1287 : vector<16xf32>
        %add3A_1289 = arith.addf %scan3A_1248, %mul3A_1288 : vector<16xf32>
        %add3A_1290 = arith.constant 16 : i32
        %add3A_1291 = arith.addi %add3A_1290, %scan3A_1245 : i32
        %get3A_1292 = arith.index_cast %add3A_1291 : i32 to index
        %get3A_1293 = arith.constant 48 : index
        %get3A_1294 = tpu.vector_load %arg10[%get3A_1292, %get3A_1293] {strides = array<i32>} : memref<50x128xf32, #tpu.memory_space<vmem>>, vector<1x16xf32>,
        %get3A_1295 = vector.shape_cast %get3A_1294 : vector<1x16xf32> to vector<16xf32>
        %mul3A_1296 = arith.mulf %gather3A_1265, %get3A_1295 : vector<16xf32>
        %add3A_1297 = arith.addf %scan3A_1249, %mul3A_1296 : vector<16xf32>
        %add3A_1298 = arith.constant 16 : i32
        %add3A_1299 = arith.addi %add3A_1298, %scan3A_1245 : i32
        %get3A_1300 = arith.index_cast %add3A_1299 : i32 to index
        %get3A_1301 = arith.constant 64 : index
        %get3A_1302 = tpu.vector_load %arg10[%get3A_1300, %get3A_1301] {strides = array<i32>} : memref<50x128xf32, #tpu.memory_space<vmem>>, vector<1x16xf32>,
        %get3A_1303 = vector.shape_cast %get3A_1302 : vector<1x16xf32> to vector<16xf32>
        %mul3A_1304 = arith.mulf %gather3A_1265, %get3A_1303 : vector<16xf32>
        %add3A_1305 = arith.addf %scan3A_1250, %mul3A_1304 : vector<16xf32>
        %add3A_1306 = arith.constant 16 : i32
        %add3A_1307 = arith.addi %add3A_1306, %scan3A_1245 : i32
        %get3A_1308 = arith.index_cast %add3A_1307 : i32 to index
        %get3A_1309 = arith.constant 80 : index
        %get3A_1310 = tpu.vector_load %arg10[%get3A_1308, %get3A_1309] {strides = array<i32>} : memref<50x128xf32, #tpu.memory_space<vmem>>, vector<1x16xf32>,
        %get3A_1311 = vector.shape_cast %get3A_1310 : vector<1x16xf32> to vector<16xf32>
        %mul3A_1312 = arith.mulf %gather3A_1265, %get3A_1311 : vector<16xf32>
        %add3A_1313 = arith.addf %scan3A_1251, %mul3A_1312 : vector<16xf32>
        %add3A_1314 = arith.constant 16 : i32
        %add3A_1315 = arith.addi %add3A_1314, %scan3A_1245 : i32
        %get3A_1316 = arith.index_cast %add3A_1315 : i32 to index
        %get3A_1317 = arith.constant 96 : index
        %get3A_1318 = tpu.vector_load %arg10[%get3A_1316, %get3A_1317] {strides = array<i32>} : memref<50x128xf32, #tpu.memory_space<vmem>>, vector<1x16xf32>,
        %get3A_1319 = vector.shape_cast %get3A_1318 : vector<1x16xf32> to vector<16xf32>
        %mul3A_1320 = arith.mulf %gather3A_1265, %get3A_1319 : vector<16xf32>
        %add3A_1321 = arith.addf %scan3A_1252, %mul3A_1320 : vector<16xf32>
        %add3A_1322 = arith.constant 16 : i32
        %add3A_1323 = arith.addi %add3A_1322, %scan3A_1245 : i32
        %get3A_1324 = arith.index_cast %add3A_1323 : i32 to index
        %get3A_1325 = arith.constant 112 : index
        %get3A_1326 = tpu.vector_load %arg10[%get3A_1324, %get3A_1325] {strides = array<i32>} : memref<50x128xf32, #tpu.memory_space<vmem>>, vector<1x16xf32>,
        %get3A_1327 = vector.shape_cast %get3A_1326 : vector<1x16xf32> to vector<16xf32>
        %mul3A_1328 = arith.mulf %gather3A_1265, %get3A_1327 : vector<16xf32>
        %add3A_1329 = arith.addf %scan3A_1253, %mul3A_1328 : vector<16xf32>
        scf.yield %add3A_1273, %add3A_1281, %add3A_1289, %add3A_1297, %add3A_1305, %add3A_1313, %add3A_1321, %add3A_1329 : vector<16xf32>, vector<16xf32>, vector<16xf32>, vector<16xf32>, vector<16xf32>, vector<16xf32>, vector<16xf32>, vector<16xf32>
      }
      %scan3A_252 = arith.constant 16 : i32
      %mul3A_253 = arith.constant 64 : i32
      %mul3A_254 = arith.muli %add3A_204, %mul3A_253 : i32
      %add3A_255 = arith.constant 32 : i32
      %add3A_256 = arith.addi %mul3A_254, %add3A_255 : i32
      %get3A_257 = arith.index_cast %add3A_256 : i32 to index
      %get3A_258 = tpu.vector_load %arg8[%get3A_257] {strides = array<i32>} : memref<8192xf32, #tpu.memory_space<vmem>>, vector<16xf32>,
      %get3A_259 = vector.shape_cast %get3A_258 : vector<16xf32> to vector<16xf32>
      %scan3A_260 = arith.constant 0 : i32
      %scan3A_261 = arith.constant 16 : i32
      %scan3A_262 = arith.addi %scan3A_260, %scan3A_261 : i32
      %scan3A_263 = arith.constant 1 : i32
      %scan3A_264:8 = scf.for %scan3A_1245 = %scan3A_260 to %scan3A_262 step %scan3A_263 iter_args(%scan3A_1246 = %scan3A_251#0, %scan3A_1247 = %scan3A_251#1, %scan3A_1248 = %scan3A_251#2, %scan3A_1249 = %scan3A_251#3, %scan3A_1250 = %scan3A_251#4, %scan3A_1251 = %scan3A_251#5, %scan3A_1252 = %scan3A_251#6, %scan3A_1253 = %scan3A_251#7) -> (vector<16xf32>, vector<16xf32>, vector<16xf32>, vector<16xf32>, vector<16xf32>, vector<16xf32>, vector<16xf32>, vector<16xf32>)  : i32 {
        %broadcast_in_dim3A_1254 = arith.constant 0 : i32
        %broadcast_in_dim3A_1255 = vector.broadcast %broadcast_in_dim3A_1254 : i32 to vector<16xi32>
        %add3A_1256 = vector.broadcast %scan3A_1245 : i32 to vector<16xi32>
        %add3A_1257 = arith.addi %broadcast_in_dim3A_1255, %add3A_1256 : vector<16xi32>
        %lt3A_1258 = arith.constant 0 : i32
        %lt3A_1259 = vector.broadcast %lt3A_1258 : i32 to vector<16xi32>
        %lt3A_1260 = arith.cmpi slt, %add3A_1257, %lt3A_1259 : vector<16xi32>
        %add3A_1261 = arith.constant 16 : i32
        %add3A_1262 = vector.broadcast %add3A_1261 : i32 to vector<16xi32>
        %add3A_1263 = arith.addi %add3A_1257, %add3A_1262 : vector<16xi32>
        %select_n3A = arith.select %lt3A_1260, %add3A_1263, %add3A_1257 : vector<16xi1>, vector<16xi32>
        %broadcast_in_dim3A_1264 = vector.shape_cast %select_n3A : vector<16xi32> to vector<16x1xi32>
        %gather3A = vector.shape_cast %broadcast_in_dim3A_1264 : vector<16x1xi32> to vector<16xi32>
        %gather3A_1265 = tpu.dynamic_gather %get3A_259[%gather3A] in [0] : vector<16xf32>, vector<16xi32> -> vector<16xf32>
        %add3A_1266 = arith.constant 32 : i32
        %add3A_1267 = arith.addi %add3A_1266, %scan3A_1245 : i32
        %get3A_1268 = arith.index_cast %add3A_1267 : i32 to index
        %get3A_1269 = arith.constant 0 : index
        %get3A_1270 = tpu.vector_load %arg10[%get3A_1268, %get3A_1269] {strides = array<i32>} : memref<50x128xf32, #tpu.memory_space<vmem>>, vector<1x16xf32>,
        %get3A_1271 = vector.shape_cast %get3A_1270 : vector<1x16xf32> to vector<16xf32>
        %mul3A_1272 = arith.mulf %gather3A_1265, %get3A_1271 : vector<16xf32>
        %add3A_1273 = arith.addf %scan3A_1246, %mul3A_1272 : vector<16xf32>
        %add3A_1274 = arith.constant 32 : i32
        %add3A_1275 = arith.addi %add3A_1274, %scan3A_1245 : i32
        %get3A_1276 = arith.index_cast %add3A_1275 : i32 to index
        %get3A_1277 = arith.constant 16 : index
        %get3A_1278 = tpu.vector_load %arg10[%get3A_1276, %get3A_1277] {strides = array<i32>} : memref<50x128xf32, #tpu.memory_space<vmem>>, vector<1x16xf32>,
        %get3A_1279 = vector.shape_cast %get3A_1278 : vector<1x16xf32> to vector<16xf32>
        %mul3A_1280 = arith.mulf %gather3A_1265, %get3A_1279 : vector<16xf32>
        %add3A_1281 = arith.addf %scan3A_1247, %mul3A_1280 : vector<16xf32>
        %add3A_1282 = arith.constant 32 : i32
        %add3A_1283 = arith.addi %add3A_1282, %scan3A_1245 : i32
        %get3A_1284 = arith.index_cast %add3A_1283 : i32 to index
        %get3A_1285 = arith.constant 32 : index
        %get3A_1286 = tpu.vector_load %arg10[%get3A_1284, %get3A_1285] {strides = array<i32>} : memref<50x128xf32, #tpu.memory_space<vmem>>, vector<1x16xf32>,
        %get3A_1287 = vector.shape_cast %get3A_1286 : vector<1x16xf32> to vector<16xf32>
        %mul3A_1288 = arith.mulf %gather3A_1265, %get3A_1287 : vector<16xf32>
        %add3A_1289 = arith.addf %scan3A_1248, %mul3A_1288 : vector<16xf32>
        %add3A_1290 = arith.constant 32 : i32
        %add3A_1291 = arith.addi %add3A_1290, %scan3A_1245 : i32
        %get3A_1292 = arith.index_cast %add3A_1291 : i32 to index
        %get3A_1293 = arith.constant 48 : index
        %get3A_1294 = tpu.vector_load %arg10[%get3A_1292, %get3A_1293] {strides = array<i32>} : memref<50x128xf32, #tpu.memory_space<vmem>>, vector<1x16xf32>,
        %get3A_1295 = vector.shape_cast %get3A_1294 : vector<1x16xf32> to vector<16xf32>
        %mul3A_1296 = arith.mulf %gather3A_1265, %get3A_1295 : vector<16xf32>
        %add3A_1297 = arith.addf %scan3A_1249, %mul3A_1296 : vector<16xf32>
        %add3A_1298 = arith.constant 32 : i32
        %add3A_1299 = arith.addi %add3A_1298, %scan3A_1245 : i32
        %get3A_1300 = arith.index_cast %add3A_1299 : i32 to index
        %get3A_1301 = arith.constant 64 : index
        %get3A_1302 = tpu.vector_load %arg10[%get3A_1300, %get3A_1301] {strides = array<i32>} : memref<50x128xf32, #tpu.memory_space<vmem>>, vector<1x16xf32>,
        %get3A_1303 = vector.shape_cast %get3A_1302 : vector<1x16xf32> to vector<16xf32>
        %mul3A_1304 = arith.mulf %gather3A_1265, %get3A_1303 : vector<16xf32>
        %add3A_1305 = arith.addf %scan3A_1250, %mul3A_1304 : vector<16xf32>
        %add3A_1306 = arith.constant 32 : i32
        %add3A_1307 = arith.addi %add3A_1306, %scan3A_1245 : i32
        %get3A_1308 = arith.index_cast %add3A_1307 : i32 to index
        %get3A_1309 = arith.constant 80 : index
        %get3A_1310 = tpu.vector_load %arg10[%get3A_1308, %get3A_1309] {strides = array<i32>} : memref<50x128xf32, #tpu.memory_space<vmem>>, vector<1x16xf32>,
        %get3A_1311 = vector.shape_cast %get3A_1310 : vector<1x16xf32> to vector<16xf32>
        %mul3A_1312 = arith.mulf %gather3A_1265, %get3A_1311 : vector<16xf32>
        %add3A_1313 = arith.addf %scan3A_1251, %mul3A_1312 : vector<16xf32>
        %add3A_1314 = arith.constant 32 : i32
        %add3A_1315 = arith.addi %add3A_1314, %scan3A_1245 : i32
        %get3A_1316 = arith.index_cast %add3A_1315 : i32 to index
        %get3A_1317 = arith.constant 96 : index
        %get3A_1318 = tpu.vector_load %arg10[%get3A_1316, %get3A_1317] {strides = array<i32>} : memref<50x128xf32, #tpu.memory_space<vmem>>, vector<1x16xf32>,
        %get3A_1319 = vector.shape_cast %get3A_1318 : vector<1x16xf32> to vector<16xf32>
        %mul3A_1320 = arith.mulf %gather3A_1265, %get3A_1319 : vector<16xf32>
        %add3A_1321 = arith.addf %scan3A_1252, %mul3A_1320 : vector<16xf32>
        %add3A_1322 = arith.constant 32 : i32
        %add3A_1323 = arith.addi %add3A_1322, %scan3A_1245 : i32
        %get3A_1324 = arith.index_cast %add3A_1323 : i32 to index
        %get3A_1325 = arith.constant 112 : index
        %get3A_1326 = tpu.vector_load %arg10[%get3A_1324, %get3A_1325] {strides = array<i32>} : memref<50x128xf32, #tpu.memory_space<vmem>>, vector<1x16xf32>,
        %get3A_1327 = vector.shape_cast %get3A_1326 : vector<1x16xf32> to vector<16xf32>
        %mul3A_1328 = arith.mulf %gather3A_1265, %get3A_1327 : vector<16xf32>
        %add3A_1329 = arith.addf %scan3A_1253, %mul3A_1328 : vector<16xf32>
        scf.yield %add3A_1273, %add3A_1281, %add3A_1289, %add3A_1297, %add3A_1305, %add3A_1313, %add3A_1321, %add3A_1329 : vector<16xf32>, vector<16xf32>, vector<16xf32>, vector<16xf32>, vector<16xf32>, vector<16xf32>, vector<16xf32>, vector<16xf32>
      }
      %scan3A_265 = arith.constant 16 : i32
      %mul3A_266 = arith.constant 64 : i32
      %mul3A_267 = arith.muli %add3A_204, %mul3A_266 : i32
      %add3A_268 = arith.constant 48 : i32
      %add3A_269 = arith.addi %mul3A_267, %add3A_268 : i32
      %get3A_270 = arith.index_cast %add3A_269 : i32 to index
      %get3A_271 = tpu.vector_load %arg8[%get3A_270] {strides = array<i32>} : memref<8192xf32, #tpu.memory_space<vmem>>, vector<16xf32>,
      %get3A_272 = vector.shape_cast %get3A_271 : vector<16xf32> to vector<16xf32>
      %scan3A_273 = arith.constant 0 : i32
      %scan3A_274 = arith.constant 2 : i32
      %scan3A_275 = arith.addi %scan3A_273, %scan3A_274 : i32
      %scan3A_276 = arith.constant 1 : i32
      %scan3A_277:8 = scf.for %scan3A_1245 = %scan3A_273 to %scan3A_275 step %scan3A_276 iter_args(%scan3A_1246 = %scan3A_264#0, %scan3A_1247 = %scan3A_264#1, %scan3A_1248 = %scan3A_264#2, %scan3A_1249 = %scan3A_264#3, %scan3A_1250 = %scan3A_264#4, %scan3A_1251 = %scan3A_264#5, %scan3A_1252 = %scan3A_264#6, %scan3A_1253 = %scan3A_264#7) -> (vector<16xf32>, vector<16xf32>, vector<16xf32>, vector<16xf32>, vector<16xf32>, vector<16xf32>, vector<16xf32>, vector<16xf32>)  : i32 {
        %broadcast_in_dim3A_1254 = arith.constant 0 : i32
        %broadcast_in_dim3A_1255 = vector.broadcast %broadcast_in_dim3A_1254 : i32 to vector<16xi32>
        %add3A_1256 = vector.broadcast %scan3A_1245 : i32 to vector<16xi32>
        %add3A_1257 = arith.addi %broadcast_in_dim3A_1255, %add3A_1256 : vector<16xi32>
        %lt3A_1258 = arith.constant 0 : i32
        %lt3A_1259 = vector.broadcast %lt3A_1258 : i32 to vector<16xi32>
        %lt3A_1260 = arith.cmpi slt, %add3A_1257, %lt3A_1259 : vector<16xi32>
        %add3A_1261 = arith.constant 16 : i32
        %add3A_1262 = vector.broadcast %add3A_1261 : i32 to vector<16xi32>
        %add3A_1263 = arith.addi %add3A_1257, %add3A_1262 : vector<16xi32>
        %select_n3A = arith.select %lt3A_1260, %add3A_1263, %add3A_1257 : vector<16xi1>, vector<16xi32>
        %broadcast_in_dim3A_1264 = vector.shape_cast %select_n3A : vector<16xi32> to vector<16x1xi32>
        %gather3A = vector.shape_cast %broadcast_in_dim3A_1264 : vector<16x1xi32> to vector<16xi32>
        %gather3A_1265 = tpu.dynamic_gather %get3A_272[%gather3A] in [0] : vector<16xf32>, vector<16xi32> -> vector<16xf32>
        %add3A_1266 = arith.constant 48 : i32
        %add3A_1267 = arith.addi %add3A_1266, %scan3A_1245 : i32
        %get3A_1268 = arith.index_cast %add3A_1267 : i32 to index
        %get3A_1269 = arith.constant 0 : index
        %get3A_1270 = tpu.vector_load %arg10[%get3A_1268, %get3A_1269] {strides = array<i32>} : memref<50x128xf32, #tpu.memory_space<vmem>>, vector<1x16xf32>,
        %get3A_1271 = vector.shape_cast %get3A_1270 : vector<1x16xf32> to vector<16xf32>
        %mul3A_1272 = arith.mulf %gather3A_1265, %get3A_1271 : vector<16xf32>
        %add3A_1273 = arith.addf %scan3A_1246, %mul3A_1272 : vector<16xf32>
        %add3A_1274 = arith.constant 48 : i32
        %add3A_1275 = arith.addi %add3A_1274, %scan3A_1245 : i32
        %get3A_1276 = arith.index_cast %add3A_1275 : i32 to index
        %get3A_1277 = arith.constant 16 : index
        %get3A_1278 = tpu.vector_load %arg10[%get3A_1276, %get3A_1277] {strides = array<i32>} : memref<50x128xf32, #tpu.memory_space<vmem>>, vector<1x16xf32>,
        %get3A_1279 = vector.shape_cast %get3A_1278 : vector<1x16xf32> to vector<16xf32>
        %mul3A_1280 = arith.mulf %gather3A_1265, %get3A_1279 : vector<16xf32>
        %add3A_1281 = arith.addf %scan3A_1247, %mul3A_1280 : vector<16xf32>
        %add3A_1282 = arith.constant 48 : i32
        %add3A_1283 = arith.addi %add3A_1282, %scan3A_1245 : i32
        %get3A_1284 = arith.index_cast %add3A_1283 : i32 to index
        %get3A_1285 = arith.constant 32 : index
        %get3A_1286 = tpu.vector_load %arg10[%get3A_1284, %get3A_1285] {strides = array<i32>} : memref<50x128xf32, #tpu.memory_space<vmem>>, vector<1x16xf32>,
        %get3A_1287 = vector.shape_cast %get3A_1286 : vector<1x16xf32> to vector<16xf32>
        %mul3A_1288 = arith.mulf %gather3A_1265, %get3A_1287 : vector<16xf32>
        %add3A_1289 = arith.addf %scan3A_1248, %mul3A_1288 : vector<16xf32>
        %add3A_1290 = arith.constant 48 : i32
        %add3A_1291 = arith.addi %add3A_1290, %scan3A_1245 : i32
        %get3A_1292 = arith.index_cast %add3A_1291 : i32 to index
        %get3A_1293 = arith.constant 48 : index
        %get3A_1294 = tpu.vector_load %arg10[%get3A_1292, %get3A_1293] {strides = array<i32>} : memref<50x128xf32, #tpu.memory_space<vmem>>, vector<1x16xf32>,
        %get3A_1295 = vector.shape_cast %get3A_1294 : vector<1x16xf32> to vector<16xf32>
        %mul3A_1296 = arith.mulf %gather3A_1265, %get3A_1295 : vector<16xf32>
        %add3A_1297 = arith.addf %scan3A_1249, %mul3A_1296 : vector<16xf32>
        %add3A_1298 = arith.constant 48 : i32
        %add3A_1299 = arith.addi %add3A_1298, %scan3A_1245 : i32
        %get3A_1300 = arith.index_cast %add3A_1299 : i32 to index
        %get3A_1301 = arith.constant 64 : index
        %get3A_1302 = tpu.vector_load %arg10[%get3A_1300, %get3A_1301] {strides = array<i32>} : memref<50x128xf32, #tpu.memory_space<vmem>>, vector<1x16xf32>,
        %get3A_1303 = vector.shape_cast %get3A_1302 : vector<1x16xf32> to vector<16xf32>
        %mul3A_1304 = arith.mulf %gather3A_1265, %get3A_1303 : vector<16xf32>
        %add3A_1305 = arith.addf %scan3A_1250, %mul3A_1304 : vector<16xf32>
        %add3A_1306 = arith.constant 48 : i32
        %add3A_1307 = arith.addi %add3A_1306, %scan3A_1245 : i32
        %get3A_1308 = arith.index_cast %add3A_1307 : i32 to index
        %get3A_1309 = arith.constant 80 : index
        %get3A_1310 = tpu.vector_load %arg10[%get3A_1308, %get3A_1309] {strides = array<i32>} : memref<50x128xf32, #tpu.memory_space<vmem>>, vector<1x16xf32>,
        %get3A_1311 = vector.shape_cast %get3A_1310 : vector<1x16xf32> to vector<16xf32>
        %mul3A_1312 = arith.mulf %gather3A_1265, %get3A_1311 : vector<16xf32>
        %add3A_1313 = arith.addf %scan3A_1251, %mul3A_1312 : vector<16xf32>
        %add3A_1314 = arith.constant 48 : i32
        %add3A_1315 = arith.addi %add3A_1314, %scan3A_1245 : i32
        %get3A_1316 = arith.index_cast %add3A_1315 : i32 to index
        %get3A_1317 = arith.constant 96 : index
        %get3A_1318 = tpu.vector_load %arg10[%get3A_1316, %get3A_1317] {strides = array<i32>} : memref<50x128xf32, #tpu.memory_space<vmem>>, vector<1x16xf32>,
        %get3A_1319 = vector.shape_cast %get3A_1318 : vector<1x16xf32> to vector<16xf32>
        %mul3A_1320 = arith.mulf %gather3A_1265, %get3A_1319 : vector<16xf32>
        %add3A_1321 = arith.addf %scan3A_1252, %mul3A_1320 : vector<16xf32>
        %add3A_1322 = arith.constant 48 : i32
        %add3A_1323 = arith.addi %add3A_1322, %scan3A_1245 : i32
        %get3A_1324 = arith.index_cast %add3A_1323 : i32 to index
        %get3A_1325 = arith.constant 112 : index
        %get3A_1326 = tpu.vector_load %arg10[%get3A_1324, %get3A_1325] {strides = array<i32>} : memref<50x128xf32, #tpu.memory_space<vmem>>, vector<1x16xf32>,
        %get3A_1327 = vector.shape_cast %get3A_1326 : vector<1x16xf32> to vector<16xf32>
        %mul3A_1328 = arith.mulf %gather3A_1265, %get3A_1327 : vector<16xf32>
        %add3A_1329 = arith.addf %scan3A_1253, %mul3A_1328 : vector<16xf32>
        scf.yield %add3A_1273, %add3A_1281, %add3A_1289, %add3A_1297, %add3A_1305, %add3A_1313, %add3A_1321, %add3A_1329 : vector<16xf32>, vector<16xf32>, vector<16xf32>, vector<16xf32>, vector<16xf32>, vector<16xf32>, vector<16xf32>, vector<16xf32>
      }
      %scan3A_278 = arith.constant 2 : i32
      %add3A_279 = arith.constant 1 : i32
      %add3A_280 = arith.addi %scan3A_57, %add3A_279 : i32
      %lt3A_281 = arith.constant 16 : i32
      %lt3A_282 = arith.cmpi slt, %add3A_280, %lt3A_281 : i32
      %convert_element_type3A_283 = arith.extui %lt3A_282 : i1 to i32
      %cond3A_284 = arith.constant 0 : i32
      %cond3A_285 = arith.cmpi ne, %convert_element_type3A_283, %cond3A_284 : i32
      scf.if %cond3A_285 {
        %add3A_1245 = arith.constant 8 : i32
        %add3A_1246 = arith.addi %add3A_204, %add3A_1245 : i32
        %mul3A_1247 = arith.constant 64 : i32
        %mul3A_1248 = arith.muli %add3A_1246, %mul3A_1247 : i32
        %dma_start3A_1249 = tpu.memref_slice %arg6[%mul3A_1248] : memref<8192xi32, #tpu.memory_space<vmem>> -> memref<50xi32, #tpu.memory_space<vmem>>
        %dma_start3A_1250 = arith.constant 0 : i32
        %dma_start3A_1251 = arith.constant 0 : i32
        %dma_start3A_1252 = tpu.memref_slice %arg4[%dma_start3A_1250, %dma_start3A_1251] : memref<100000x128xf32, #tpu.memory_space<hbm>> -> memref<100000x128xf32, #tpu.memory_space<hbm>>
        tpu.enqueue_indirect_dma source(%dma_start3A_1252 : memref<100000x128xf32, #tpu.memory_space<hbm>>) target(%arg10 : memref<50x128xf32, #tpu.memory_space<vmem>>) offsets(%dma_start3A_1249 : memref<50xi32, #tpu.memory_space<vmem>>) semaphore(%arg19 : memref<!tpu.dma_semaphore, #tpu.memory_space<semaphore_mem>>)
      } else {
      }
      %mul3A_286 = arith.constant 128 : i32
      %mul3A_287 = arith.muli %add3A_204, %mul3A_286 : i32
      %add3A_288 = arith.constant 0 : i32
      %add3A_289 = arith.addi %mul3A_287, %add3A_288 : i32
      %swap3A_290 = arith.index_cast %add3A_289 : i32 to index
      %swap3A_291 = tpu.vector_load %arg17[%swap3A_290] {strides = array<i32>} : memref<16384xf32, #tpu.memory_space<vmem>>, vector<16xf32>,
      %swap3A_292 = vector.shape_cast %swap3A_291 : vector<16xf32> to vector<16xf32>
      %swap3A_293 = vector.shape_cast %scan3A_277#0 : vector<16xf32> to vector<16xf32>
      tpu.vector_store %arg17[%swap3A_290], %swap3A_293 {strides = array<i32>} : memref<16384xf32, #tpu.memory_space<vmem>>, vector<16xf32>,
      %mul3A_294 = arith.constant 128 : i32
      %mul3A_295 = arith.muli %add3A_204, %mul3A_294 : i32
      %add3A_296 = arith.constant 16 : i32
      %add3A_297 = arith.addi %mul3A_295, %add3A_296 : i32
      %swap3A_298 = arith.index_cast %add3A_297 : i32 to index
      %swap3A_299 = tpu.vector_load %arg17[%swap3A_298] {strides = array<i32>} : memref<16384xf32, #tpu.memory_space<vmem>>, vector<16xf32>,
      %swap3A_300 = vector.shape_cast %swap3A_299 : vector<16xf32> to vector<16xf32>
      %swap3A_301 = vector.shape_cast %scan3A_277#1 : vector<16xf32> to vector<16xf32>
      tpu.vector_store %arg17[%swap3A_298], %swap3A_301 {strides = array<i32>} : memref<16384xf32, #tpu.memory_space<vmem>>, vector<16xf32>,
      %mul3A_302 = arith.constant 128 : i32
      %mul3A_303 = arith.muli %add3A_204, %mul3A_302 : i32
      %add3A_304 = arith.constant 32 : i32
      %add3A_305 = arith.addi %mul3A_303, %add3A_304 : i32
      %swap3A_306 = arith.index_cast %add3A_305 : i32 to index
      %swap3A_307 = tpu.vector_load %arg17[%swap3A_306] {strides = array<i32>} : memref<16384xf32, #tpu.memory_space<vmem>>, vector<16xf32>,
      %swap3A_308 = vector.shape_cast %swap3A_307 : vector<16xf32> to vector<16xf32>
      %swap3A_309 = vector.shape_cast %scan3A_277#2 : vector<16xf32> to vector<16xf32>
      tpu.vector_store %arg17[%swap3A_306], %swap3A_309 {strides = array<i32>} : memref<16384xf32, #tpu.memory_space<vmem>>, vector<16xf32>,
      %mul3A_310 = arith.constant 128 : i32
      %mul3A_311 = arith.muli %add3A_204, %mul3A_310 : i32
      %add3A_312 = arith.constant 48 : i32
      %add3A_313 = arith.addi %mul3A_311, %add3A_312 : i32
      %swap3A_314 = arith.index_cast %add3A_313 : i32 to index
      %swap3A_315 = tpu.vector_load %arg17[%swap3A_314] {strides = array<i32>} : memref<16384xf32, #tpu.memory_space<vmem>>, vector<16xf32>,
      %swap3A_316 = vector.shape_cast %swap3A_315 : vector<16xf32> to vector<16xf32>
      %swap3A_317 = vector.shape_cast %scan3A_277#3 : vector<16xf32> to vector<16xf32>
      tpu.vector_store %arg17[%swap3A_314], %swap3A_317 {strides = array<i32>} : memref<16384xf32, #tpu.memory_space<vmem>>, vector<16xf32>,
      %mul3A_318 = arith.constant 128 : i32
      %mul3A_319 = arith.muli %add3A_204, %mul3A_318 : i32
      %add3A_320 = arith.constant 64 : i32
      %add3A_321 = arith.addi %mul3A_319, %add3A_320 : i32
      %swap3A_322 = arith.index_cast %add3A_321 : i32 to index
      %swap3A_323 = tpu.vector_load %arg17[%swap3A_322] {strides = array<i32>} : memref<16384xf32, #tpu.memory_space<vmem>>, vector<16xf32>,
      %swap3A_324 = vector.shape_cast %swap3A_323 : vector<16xf32> to vector<16xf32>
      %swap3A_325 = vector.shape_cast %scan3A_277#4 : vector<16xf32> to vector<16xf32>
      tpu.vector_store %arg17[%swap3A_322], %swap3A_325 {strides = array<i32>} : memref<16384xf32, #tpu.memory_space<vmem>>, vector<16xf32>,
      %mul3A_326 = arith.constant 128 : i32
      %mul3A_327 = arith.muli %add3A_204, %mul3A_326 : i32
      %add3A_328 = arith.constant 80 : i32
      %add3A_329 = arith.addi %mul3A_327, %add3A_328 : i32
      %swap3A_330 = arith.index_cast %add3A_329 : i32 to index
      %swap3A_331 = tpu.vector_load %arg17[%swap3A_330] {strides = array<i32>} : memref<16384xf32, #tpu.memory_space<vmem>>, vector<16xf32>,
      %swap3A_332 = vector.shape_cast %swap3A_331 : vector<16xf32> to vector<16xf32>
      %swap3A_333 = vector.shape_cast %scan3A_277#5 : vector<16xf32> to vector<16xf32>
      tpu.vector_store %arg17[%swap3A_330], %swap3A_333 {strides = array<i32>} : memref<16384xf32, #tpu.memory_space<vmem>>, vector<16xf32>,
      %mul3A_334 = arith.constant 128 : i32
      %mul3A_335 = arith.muli %add3A_204, %mul3A_334 : i32
      %add3A_336 = arith.constant 96 : i32
      %add3A_337 = arith.addi %mul3A_335, %add3A_336 : i32
      %swap3A_338 = arith.index_cast %add3A_337 : i32 to index
      %swap3A_339 = tpu.vector_load %arg17[%swap3A_338] {strides = array<i32>} : memref<16384xf32, #tpu.memory_space<vmem>>, vector<16xf32>,
      %swap3A_340 = vector.shape_cast %swap3A_339 : vector<16xf32> to vector<16xf32>
      %swap3A_341 = vector.shape_cast %scan3A_277#6 : vector<16xf32> to vector<16xf32>
      tpu.vector_store %arg17[%swap3A_338], %swap3A_341 {strides = array<i32>} : memref<16384xf32, #tpu.memory_space<vmem>>, vector<16xf32>,
      %mul3A_342 = arith.constant 128 : i32
      %mul3A_343 = arith.muli %add3A_204, %mul3A_342 : i32
      %add3A_344 = arith.constant 112 : i32
      %add3A_345 = arith.addi %mul3A_343, %add3A_344 : i32
      %swap3A_346 = arith.index_cast %add3A_345 : i32 to index
      %swap3A_347 = tpu.vector_load %arg17[%swap3A_346] {strides = array<i32>} : memref<16384xf32, #tpu.memory_space<vmem>>, vector<16xf32>,
      %swap3A_348 = vector.shape_cast %swap3A_347 : vector<16xf32> to vector<16xf32>
      %swap3A_349 = vector.shape_cast %scan3A_277#7 : vector<16xf32> to vector<16xf32>
      tpu.vector_store %arg17[%swap3A_346], %swap3A_349 {strides = array<i32>} : memref<16384xf32, #tpu.memory_space<vmem>>, vector<16xf32>,
      %mul3A_350 = arith.constant 8 : i32
      %mul3A_351 = arith.muli %scan3A_57, %mul3A_350 : i32
      %add3A_352 = arith.constant 2 : i32
      %add3A_353 = arith.addi %mul3A_351, %add3A_352 : i32
      %mul3A_354 = arith.constant 64 : i32
      %mul3A_355 = arith.muli %add3A_353, %mul3A_354 : i32
      %dma_wait3A_356 = tpu.memref_slice %arg6[%mul3A_355] : memref<8192xi32, #tpu.memory_space<vmem>> -> memref<50xi32, #tpu.memory_space<vmem>>
      %dma_wait3A_357 = arith.constant 0 : i32
      %dma_wait3A_358 = arith.constant 0 : i32
      %dma_wait3A_359 = tpu.memref_slice %arg4[%dma_wait3A_357, %dma_wait3A_358] : memref<100000x128xf32, #tpu.memory_space<hbm>> -> memref<100000x128xf32, #tpu.memory_space<hbm>>
      tpu.wait_indirect_dma semaphore(%arg20 : memref<!tpu.dma_semaphore, #tpu.memory_space<semaphore_mem>>) src(%dma_wait3A_359 : memref<100000x128xf32, #tpu.memory_space<hbm>>) dst(%arg11 : memref<50x128xf32, #tpu.memory_space<vmem>>)
      %broadcast_in_dim3A_360 = arith.constant 0.000000e+00 : f32
      %broadcast_in_dim3A_361 = vector.broadcast %broadcast_in_dim3A_360 : f32 to vector<16xf32>
      %broadcast_in_dim3A_362 = arith.constant 0.000000e+00 : f32
      %broadcast_in_dim3A_363 = vector.broadcast %broadcast_in_dim3A_362 : f32 to vector<16xf32>
      %broadcast_in_dim3A_364 = arith.constant 0.000000e+00 : f32
      %broadcast_in_dim3A_365 = vector.broadcast %broadcast_in_dim3A_364 : f32 to vector<16xf32>
      %broadcast_in_dim3A_366 = arith.constant 0.000000e+00 : f32
      %broadcast_in_dim3A_367 = vector.broadcast %broadcast_in_dim3A_366 : f32 to vector<16xf32>
      %broadcast_in_dim3A_368 = arith.constant 0.000000e+00 : f32
      %broadcast_in_dim3A_369 = vector.broadcast %broadcast_in_dim3A_368 : f32 to vector<16xf32>
      %broadcast_in_dim3A_370 = arith.constant 0.000000e+00 : f32
      %broadcast_in_dim3A_371 = vector.broadcast %broadcast_in_dim3A_370 : f32 to vector<16xf32>
      %broadcast_in_dim3A_372 = arith.constant 0.000000e+00 : f32
      %broadcast_in_dim3A_373 = vector.broadcast %broadcast_in_dim3A_372 : f32 to vector<16xf32>
      %broadcast_in_dim3A_374 = arith.constant 0.000000e+00 : f32
      %broadcast_in_dim3A_375 = vector.broadcast %broadcast_in_dim3A_374 : f32 to vector<16xf32>
      %mul3A_376 = arith.constant 64 : i32
      %mul3A_377 = arith.muli %add3A_353, %mul3A_376 : i32
      %add3A_378 = arith.constant 0 : i32
      %add3A_379 = arith.addi %mul3A_377, %add3A_378 : i32
      %get3A_380 = arith.index_cast %add3A_379 : i32 to index
      %get3A_381 = tpu.vector_load %arg8[%get3A_380] {strides = array<i32>} : memref<8192xf32, #tpu.memory_space<vmem>>, vector<16xf32>,
      %get3A_382 = vector.shape_cast %get3A_381 : vector<16xf32> to vector<16xf32>
      %scan3A_383 = arith.constant 0 : i32
      %scan3A_384 = arith.constant 16 : i32
      %scan3A_385 = arith.addi %scan3A_383, %scan3A_384 : i32
      %scan3A_386 = arith.constant 1 : i32
      %scan3A_387:8 = scf.for %scan3A_1245 = %scan3A_383 to %scan3A_385 step %scan3A_386 iter_args(%scan3A_1246 = %broadcast_in_dim3A_361, %scan3A_1247 = %broadcast_in_dim3A_363, %scan3A_1248 = %broadcast_in_dim3A_365, %scan3A_1249 = %broadcast_in_dim3A_367, %scan3A_1250 = %broadcast_in_dim3A_369, %scan3A_1251 = %broadcast_in_dim3A_371, %scan3A_1252 = %broadcast_in_dim3A_373, %scan3A_1253 = %broadcast_in_dim3A_375) -> (vector<16xf32>, vector<16xf32>, vector<16xf32>, vector<16xf32>, vector<16xf32>, vector<16xf32>, vector<16xf32>, vector<16xf32>)  : i32 {
        %broadcast_in_dim3A_1254 = arith.constant 0 : i32
        %broadcast_in_dim3A_1255 = vector.broadcast %broadcast_in_dim3A_1254 : i32 to vector<16xi32>
        %add3A_1256 = vector.broadcast %scan3A_1245 : i32 to vector<16xi32>
        %add3A_1257 = arith.addi %broadcast_in_dim3A_1255, %add3A_1256 : vector<16xi32>
        %lt3A_1258 = arith.constant 0 : i32
        %lt3A_1259 = vector.broadcast %lt3A_1258 : i32 to vector<16xi32>
        %lt3A_1260 = arith.cmpi slt, %add3A_1257, %lt3A_1259 : vector<16xi32>
        %add3A_1261 = arith.constant 16 : i32
        %add3A_1262 = vector.broadcast %add3A_1261 : i32 to vector<16xi32>
        %add3A_1263 = arith.addi %add3A_1257, %add3A_1262 : vector<16xi32>
        %select_n3A = arith.select %lt3A_1260, %add3A_1263, %add3A_1257 : vector<16xi1>, vector<16xi32>
        %broadcast_in_dim3A_1264 = vector.shape_cast %select_n3A : vector<16xi32> to vector<16x1xi32>
        %gather3A = vector.shape_cast %broadcast_in_dim3A_1264 : vector<16x1xi32> to vector<16xi32>
        %gather3A_1265 = tpu.dynamic_gather %get3A_382[%gather3A] in [0] : vector<16xf32>, vector<16xi32> -> vector<16xf32>
        %add3A_1266 = arith.constant 0 : i32
        %add3A_1267 = arith.addi %add3A_1266, %scan3A_1245 : i32
        %get3A_1268 = arith.index_cast %add3A_1267 : i32 to index
        %get3A_1269 = arith.constant 0 : index
        %get3A_1270 = tpu.vector_load %arg11[%get3A_1268, %get3A_1269] {strides = array<i32>} : memref<50x128xf32, #tpu.memory_space<vmem>>, vector<1x16xf32>,
        %get3A_1271 = vector.shape_cast %get3A_1270 : vector<1x16xf32> to vector<16xf32>
        %mul3A_1272 = arith.mulf %gather3A_1265, %get3A_1271 : vector<16xf32>
        %add3A_1273 = arith.addf %scan3A_1246, %mul3A_1272 : vector<16xf32>
        %add3A_1274 = arith.constant 0 : i32
        %add3A_1275 = arith.addi %add3A_1274, %scan3A_1245 : i32
        %get3A_1276 = arith.index_cast %add3A_1275 : i32 to index
        %get3A_1277 = arith.constant 16 : index
        %get3A_1278 = tpu.vector_load %arg11[%get3A_1276, %get3A_1277] {strides = array<i32>} : memref<50x128xf32, #tpu.memory_space<vmem>>, vector<1x16xf32>,
        %get3A_1279 = vector.shape_cast %get3A_1278 : vector<1x16xf32> to vector<16xf32>
        %mul3A_1280 = arith.mulf %gather3A_1265, %get3A_1279 : vector<16xf32>
        %add3A_1281 = arith.addf %scan3A_1247, %mul3A_1280 : vector<16xf32>
        %add3A_1282 = arith.constant 0 : i32
        %add3A_1283 = arith.addi %add3A_1282, %scan3A_1245 : i32
        %get3A_1284 = arith.index_cast %add3A_1283 : i32 to index
        %get3A_1285 = arith.constant 32 : index
        %get3A_1286 = tpu.vector_load %arg11[%get3A_1284, %get3A_1285] {strides = array<i32>} : memref<50x128xf32, #tpu.memory_space<vmem>>, vector<1x16xf32>,
        %get3A_1287 = vector.shape_cast %get3A_1286 : vector<1x16xf32> to vector<16xf32>
        %mul3A_1288 = arith.mulf %gather3A_1265, %get3A_1287 : vector<16xf32>
        %add3A_1289 = arith.addf %scan3A_1248, %mul3A_1288 : vector<16xf32>
        %add3A_1290 = arith.constant 0 : i32
        %add3A_1291 = arith.addi %add3A_1290, %scan3A_1245 : i32
        %get3A_1292 = arith.index_cast %add3A_1291 : i32 to index
        %get3A_1293 = arith.constant 48 : index
        %get3A_1294 = tpu.vector_load %arg11[%get3A_1292, %get3A_1293] {strides = array<i32>} : memref<50x128xf32, #tpu.memory_space<vmem>>, vector<1x16xf32>,
        %get3A_1295 = vector.shape_cast %get3A_1294 : vector<1x16xf32> to vector<16xf32>
        %mul3A_1296 = arith.mulf %gather3A_1265, %get3A_1295 : vector<16xf32>
        %add3A_1297 = arith.addf %scan3A_1249, %mul3A_1296 : vector<16xf32>
        %add3A_1298 = arith.constant 0 : i32
        %add3A_1299 = arith.addi %add3A_1298, %scan3A_1245 : i32
        %get3A_1300 = arith.index_cast %add3A_1299 : i32 to index
        %get3A_1301 = arith.constant 64 : index
        %get3A_1302 = tpu.vector_load %arg11[%get3A_1300, %get3A_1301] {strides = array<i32>} : memref<50x128xf32, #tpu.memory_space<vmem>>, vector<1x16xf32>,
        %get3A_1303 = vector.shape_cast %get3A_1302 : vector<1x16xf32> to vector<16xf32>
        %mul3A_1304 = arith.mulf %gather3A_1265, %get3A_1303 : vector<16xf32>
        %add3A_1305 = arith.addf %scan3A_1250, %mul3A_1304 : vector<16xf32>
        %add3A_1306 = arith.constant 0 : i32
        %add3A_1307 = arith.addi %add3A_1306, %scan3A_1245 : i32
        %get3A_1308 = arith.index_cast %add3A_1307 : i32 to index
        %get3A_1309 = arith.constant 80 : index
        %get3A_1310 = tpu.vector_load %arg11[%get3A_1308, %get3A_1309] {strides = array<i32>} : memref<50x128xf32, #tpu.memory_space<vmem>>, vector<1x16xf32>,
        %get3A_1311 = vector.shape_cast %get3A_1310 : vector<1x16xf32> to vector<16xf32>
        %mul3A_1312 = arith.mulf %gather3A_1265, %get3A_1311 : vector<16xf32>
        %add3A_1313 = arith.addf %scan3A_1251, %mul3A_1312 : vector<16xf32>
        %add3A_1314 = arith.constant 0 : i32
        %add3A_1315 = arith.addi %add3A_1314, %scan3A_1245 : i32
        %get3A_1316 = arith.index_cast %add3A_1315 : i32 to index
        %get3A_1317 = arith.constant 96 : index
        %get3A_1318 = tpu.vector_load %arg11[%get3A_1316, %get3A_1317] {strides = array<i32>} : memref<50x128xf32, #tpu.memory_space<vmem>>, vector<1x16xf32>,
        %get3A_1319 = vector.shape_cast %get3A_1318 : vector<1x16xf32> to vector<16xf32>
        %mul3A_1320 = arith.mulf %gather3A_1265, %get3A_1319 : vector<16xf32>
        %add3A_1321 = arith.addf %scan3A_1252, %mul3A_1320 : vector<16xf32>
        %add3A_1322 = arith.constant 0 : i32
        %add3A_1323 = arith.addi %add3A_1322, %scan3A_1245 : i32
        %get3A_1324 = arith.index_cast %add3A_1323 : i32 to index
        %get3A_1325 = arith.constant 112 : index
        %get3A_1326 = tpu.vector_load %arg11[%get3A_1324, %get3A_1325] {strides = array<i32>} : memref<50x128xf32, #tpu.memory_space<vmem>>, vector<1x16xf32>,
        %get3A_1327 = vector.shape_cast %get3A_1326 : vector<1x16xf32> to vector<16xf32>
        %mul3A_1328 = arith.mulf %gather3A_1265, %get3A_1327 : vector<16xf32>
        %add3A_1329 = arith.addf %scan3A_1253, %mul3A_1328 : vector<16xf32>
        scf.yield %add3A_1273, %add3A_1281, %add3A_1289, %add3A_1297, %add3A_1305, %add3A_1313, %add3A_1321, %add3A_1329 : vector<16xf32>, vector<16xf32>, vector<16xf32>, vector<16xf32>, vector<16xf32>, vector<16xf32>, vector<16xf32>, vector<16xf32>
      }
      %scan3A_388 = arith.constant 16 : i32
      %mul3A_389 = arith.constant 64 : i32
      %mul3A_390 = arith.muli %add3A_353, %mul3A_389 : i32
      %add3A_391 = arith.constant 16 : i32
      %add3A_392 = arith.addi %mul3A_390, %add3A_391 : i32
      %get3A_393 = arith.index_cast %add3A_392 : i32 to index
      %get3A_394 = tpu.vector_load %arg8[%get3A_393] {strides = array<i32>} : memref<8192xf32, #tpu.memory_space<vmem>>, vector<16xf32>,
      %get3A_395 = vector.shape_cast %get3A_394 : vector<16xf32> to vector<16xf32>
      %scan3A_396 = arith.constant 0 : i32
      %scan3A_397 = arith.constant 16 : i32
      %scan3A_398 = arith.addi %scan3A_396, %scan3A_397 : i32
      %scan3A_399 = arith.constant 1 : i32
      %scan3A_400:8 = scf.for %scan3A_1245 = %scan3A_396 to %scan3A_398 step %scan3A_399 iter_args(%scan3A_1246 = %scan3A_387#0, %scan3A_1247 = %scan3A_387#1, %scan3A_1248 = %scan3A_387#2, %scan3A_1249 = %scan3A_387#3, %scan3A_1250 = %scan3A_387#4, %scan3A_1251 = %scan3A_387#5, %scan3A_1252 = %scan3A_387#6, %scan3A_1253 = %scan3A_387#7) -> (vector<16xf32>, vector<16xf32>, vector<16xf32>, vector<16xf32>, vector<16xf32>, vector<16xf32>, vector<16xf32>, vector<16xf32>)  : i32 {
        %broadcast_in_dim3A_1254 = arith.constant 0 : i32
        %broadcast_in_dim3A_1255 = vector.broadcast %broadcast_in_dim3A_1254 : i32 to vector<16xi32>
        %add3A_1256 = vector.broadcast %scan3A_1245 : i32 to vector<16xi32>
        %add3A_1257 = arith.addi %broadcast_in_dim3A_1255, %add3A_1256 : vector<16xi32>
        %lt3A_1258 = arith.constant 0 : i32
        %lt3A_1259 = vector.broadcast %lt3A_1258 : i32 to vector<16xi32>
        %lt3A_1260 = arith.cmpi slt, %add3A_1257, %lt3A_1259 : vector<16xi32>
        %add3A_1261 = arith.constant 16 : i32
        %add3A_1262 = vector.broadcast %add3A_1261 : i32 to vector<16xi32>
        %add3A_1263 = arith.addi %add3A_1257, %add3A_1262 : vector<16xi32>
        %select_n3A = arith.select %lt3A_1260, %add3A_1263, %add3A_1257 : vector<16xi1>, vector<16xi32>
        %broadcast_in_dim3A_1264 = vector.shape_cast %select_n3A : vector<16xi32> to vector<16x1xi32>
        %gather3A = vector.shape_cast %broadcast_in_dim3A_1264 : vector<16x1xi32> to vector<16xi32>
        %gather3A_1265 = tpu.dynamic_gather %get3A_395[%gather3A] in [0] : vector<16xf32>, vector<16xi32> -> vector<16xf32>
        %add3A_1266 = arith.constant 16 : i32
        %add3A_1267 = arith.addi %add3A_1266, %scan3A_1245 : i32
        %get3A_1268 = arith.index_cast %add3A_1267 : i32 to index
        %get3A_1269 = arith.constant 0 : index
        %get3A_1270 = tpu.vector_load %arg11[%get3A_1268, %get3A_1269] {strides = array<i32>} : memref<50x128xf32, #tpu.memory_space<vmem>>, vector<1x16xf32>,
        %get3A_1271 = vector.shape_cast %get3A_1270 : vector<1x16xf32> to vector<16xf32>
        %mul3A_1272 = arith.mulf %gather3A_1265, %get3A_1271 : vector<16xf32>
        %add3A_1273 = arith.addf %scan3A_1246, %mul3A_1272 : vector<16xf32>
        %add3A_1274 = arith.constant 16 : i32
        %add3A_1275 = arith.addi %add3A_1274, %scan3A_1245 : i32
        %get3A_1276 = arith.index_cast %add3A_1275 : i32 to index
        %get3A_1277 = arith.constant 16 : index
        %get3A_1278 = tpu.vector_load %arg11[%get3A_1276, %get3A_1277] {strides = array<i32>} : memref<50x128xf32, #tpu.memory_space<vmem>>, vector<1x16xf32>,
        %get3A_1279 = vector.shape_cast %get3A_1278 : vector<1x16xf32> to vector<16xf32>
        %mul3A_1280 = arith.mulf %gather3A_1265, %get3A_1279 : vector<16xf32>
        %add3A_1281 = arith.addf %scan3A_1247, %mul3A_1280 : vector<16xf32>
        %add3A_1282 = arith.constant 16 : i32
        %add3A_1283 = arith.addi %add3A_1282, %scan3A_1245 : i32
        %get3A_1284 = arith.index_cast %add3A_1283 : i32 to index
        %get3A_1285 = arith.constant 32 : index
        %get3A_1286 = tpu.vector_load %arg11[%get3A_1284, %get3A_1285] {strides = array<i32>} : memref<50x128xf32, #tpu.memory_space<vmem>>, vector<1x16xf32>,
        %get3A_1287 = vector.shape_cast %get3A_1286 : vector<1x16xf32> to vector<16xf32>
        %mul3A_1288 = arith.mulf %gather3A_1265, %get3A_1287 : vector<16xf32>
        %add3A_1289 = arith.addf %scan3A_1248, %mul3A_1288 : vector<16xf32>
        %add3A_1290 = arith.constant 16 : i32
        %add3A_1291 = arith.addi %add3A_1290, %scan3A_1245 : i32
        %get3A_1292 = arith.index_cast %add3A_1291 : i32 to index
        %get3A_1293 = arith.constant 48 : index
        %get3A_1294 = tpu.vector_load %arg11[%get3A_1292, %get3A_1293] {strides = array<i32>} : memref<50x128xf32, #tpu.memory_space<vmem>>, vector<1x16xf32>,
        %get3A_1295 = vector.shape_cast %get3A_1294 : vector<1x16xf32> to vector<16xf32>
        %mul3A_1296 = arith.mulf %gather3A_1265, %get3A_1295 : vector<16xf32>
        %add3A_1297 = arith.addf %scan3A_1249, %mul3A_1296 : vector<16xf32>
        %add3A_1298 = arith.constant 16 : i32
        %add3A_1299 = arith.addi %add3A_1298, %scan3A_1245 : i32
        %get3A_1300 = arith.index_cast %add3A_1299 : i32 to index
        %get3A_1301 = arith.constant 64 : index
        %get3A_1302 = tpu.vector_load %arg11[%get3A_1300, %get3A_1301] {strides = array<i32>} : memref<50x128xf32, #tpu.memory_space<vmem>>, vector<1x16xf32>,
        %get3A_1303 = vector.shape_cast %get3A_1302 : vector<1x16xf32> to vector<16xf32>
        %mul3A_1304 = arith.mulf %gather3A_1265, %get3A_1303 : vector<16xf32>
        %add3A_1305 = arith.addf %scan3A_1250, %mul3A_1304 : vector<16xf32>
        %add3A_1306 = arith.constant 16 : i32
        %add3A_1307 = arith.addi %add3A_1306, %scan3A_1245 : i32
        %get3A_1308 = arith.index_cast %add3A_1307 : i32 to index
        %get3A_1309 = arith.constant 80 : index
        %get3A_1310 = tpu.vector_load %arg11[%get3A_1308, %get3A_1309] {strides = array<i32>} : memref<50x128xf32, #tpu.memory_space<vmem>>, vector<1x16xf32>,
        %get3A_1311 = vector.shape_cast %get3A_1310 : vector<1x16xf32> to vector<16xf32>
        %mul3A_1312 = arith.mulf %gather3A_1265, %get3A_1311 : vector<16xf32>
        %add3A_1313 = arith.addf %scan3A_1251, %mul3A_1312 : vector<16xf32>
        %add3A_1314 = arith.constant 16 : i32
        %add3A_1315 = arith.addi %add3A_1314, %scan3A_1245 : i32
        %get3A_1316 = arith.index_cast %add3A_1315 : i32 to index
        %get3A_1317 = arith.constant 96 : index
        %get3A_1318 = tpu.vector_load %arg11[%get3A_1316, %get3A_1317] {strides = array<i32>} : memref<50x128xf32, #tpu.memory_space<vmem>>, vector<1x16xf32>,
        %get3A_1319 = vector.shape_cast %get3A_1318 : vector<1x16xf32> to vector<16xf32>
        %mul3A_1320 = arith.mulf %gather3A_1265, %get3A_1319 : vector<16xf32>
        %add3A_1321 = arith.addf %scan3A_1252, %mul3A_1320 : vector<16xf32>
        %add3A_1322 = arith.constant 16 : i32
        %add3A_1323 = arith.addi %add3A_1322, %scan3A_1245 : i32
        %get3A_1324 = arith.index_cast %add3A_1323 : i32 to index
        %get3A_1325 = arith.constant 112 : index
        %get3A_1326 = tpu.vector_load %arg11[%get3A_1324, %get3A_1325] {strides = array<i32>} : memref<50x128xf32, #tpu.memory_space<vmem>>, vector<1x16xf32>,
        %get3A_1327 = vector.shape_cast %get3A_1326 : vector<1x16xf32> to vector<16xf32>
        %mul3A_1328 = arith.mulf %gather3A_1265, %get3A_1327 : vector<16xf32>
        %add3A_1329 = arith.addf %scan3A_1253, %mul3A_1328 : vector<16xf32>
        scf.yield %add3A_1273, %add3A_1281, %add3A_1289, %add3A_1297, %add3A_1305, %add3A_1313, %add3A_1321, %add3A_1329 : vector<16xf32>, vector<16xf32>, vector<16xf32>, vector<16xf32>, vector<16xf32>, vector<16xf32>, vector<16xf32>, vector<16xf32>
      }
      %scan3A_401 = arith.constant 16 : i32
      %mul3A_402 = arith.constant 64 : i32
      %mul3A_403 = arith.muli %add3A_353, %mul3A_402 : i32
      %add3A_404 = arith.constant 32 : i32
      %add3A_405 = arith.addi %mul3A_403, %add3A_404 : i32
      %get3A_406 = arith.index_cast %add3A_405 : i32 to index
      %get3A_407 = tpu.vector_load %arg8[%get3A_406] {strides = array<i32>} : memref<8192xf32, #tpu.memory_space<vmem>>, vector<16xf32>,
      %get3A_408 = vector.shape_cast %get3A_407 : vector<16xf32> to vector<16xf32>
      %scan3A_409 = arith.constant 0 : i32
      %scan3A_410 = arith.constant 16 : i32
      %scan3A_411 = arith.addi %scan3A_409, %scan3A_410 : i32
      %scan3A_412 = arith.constant 1 : i32
      %scan3A_413:8 = scf.for %scan3A_1245 = %scan3A_409 to %scan3A_411 step %scan3A_412 iter_args(%scan3A_1246 = %scan3A_400#0, %scan3A_1247 = %scan3A_400#1, %scan3A_1248 = %scan3A_400#2, %scan3A_1249 = %scan3A_400#3, %scan3A_1250 = %scan3A_400#4, %scan3A_1251 = %scan3A_400#5, %scan3A_1252 = %scan3A_400#6, %scan3A_1253 = %scan3A_400#7) -> (vector<16xf32>, vector<16xf32>, vector<16xf32>, vector<16xf32>, vector<16xf32>, vector<16xf32>, vector<16xf32>, vector<16xf32>)  : i32 {
        %broadcast_in_dim3A_1254 = arith.constant 0 : i32
        %broadcast_in_dim3A_1255 = vector.broadcast %broadcast_in_dim3A_1254 : i32 to vector<16xi32>
        %add3A_1256 = vector.broadcast %scan3A_1245 : i32 to vector<16xi32>
        %add3A_1257 = arith.addi %broadcast_in_dim3A_1255, %add3A_1256 : vector<16xi32>
        %lt3A_1258 = arith.constant 0 : i32
        %lt3A_1259 = vector.broadcast %lt3A_1258 : i32 to vector<16xi32>
        %lt3A_1260 = arith.cmpi slt, %add3A_1257, %lt3A_1259 : vector<16xi32>
        %add3A_1261 = arith.constant 16 : i32
        %add3A_1262 = vector.broadcast %add3A_1261 : i32 to vector<16xi32>
        %add3A_1263 = arith.addi %add3A_1257, %add3A_1262 : vector<16xi32>
        %select_n3A = arith.select %lt3A_1260, %add3A_1263, %add3A_1257 : vector<16xi1>, vector<16xi32>
        %broadcast_in_dim3A_1264 = vector.shape_cast %select_n3A : vector<16xi32> to vector<16x1xi32>
        %gather3A = vector.shape_cast %broadcast_in_dim3A_1264 : vector<16x1xi32> to vector<16xi32>
        %gather3A_1265 = tpu.dynamic_gather %get3A_408[%gather3A] in [0] : vector<16xf32>, vector<16xi32> -> vector<16xf32>
        %add3A_1266 = arith.constant 32 : i32
        %add3A_1267 = arith.addi %add3A_1266, %scan3A_1245 : i32
        %get3A_1268 = arith.index_cast %add3A_1267 : i32 to index
        %get3A_1269 = arith.constant 0 : index
        %get3A_1270 = tpu.vector_load %arg11[%get3A_1268, %get3A_1269] {strides = array<i32>} : memref<50x128xf32, #tpu.memory_space<vmem>>, vector<1x16xf32>,
        %get3A_1271 = vector.shape_cast %get3A_1270 : vector<1x16xf32> to vector<16xf32>
        %mul3A_1272 = arith.mulf %gather3A_1265, %get3A_1271 : vector<16xf32>
        %add3A_1273 = arith.addf %scan3A_1246, %mul3A_1272 : vector<16xf32>
        %add3A_1274 = arith.constant 32 : i32
        %add3A_1275 = arith.addi %add3A_1274, %scan3A_1245 : i32
        %get3A_1276 = arith.index_cast %add3A_1275 : i32 to index
        %get3A_1277 = arith.constant 16 : index
        %get3A_1278 = tpu.vector_load %arg11[%get3A_1276, %get3A_1277] {strides = array<i32>} : memref<50x128xf32, #tpu.memory_space<vmem>>, vector<1x16xf32>,
        %get3A_1279 = vector.shape_cast %get3A_1278 : vector<1x16xf32> to vector<16xf32>
        %mul3A_1280 = arith.mulf %gather3A_1265, %get3A_1279 : vector<16xf32>
        %add3A_1281 = arith.addf %scan3A_1247, %mul3A_1280 : vector<16xf32>
        %add3A_1282 = arith.constant 32 : i32
        %add3A_1283 = arith.addi %add3A_1282, %scan3A_1245 : i32
        %get3A_1284 = arith.index_cast %add3A_1283 : i32 to index
        %get3A_1285 = arith.constant 32 : index
        %get3A_1286 = tpu.vector_load %arg11[%get3A_1284, %get3A_1285] {strides = array<i32>} : memref<50x128xf32, #tpu.memory_space<vmem>>, vector<1x16xf32>,
        %get3A_1287 = vector.shape_cast %get3A_1286 : vector<1x16xf32> to vector<16xf32>
        %mul3A_1288 = arith.mulf %gather3A_1265, %get3A_1287 : vector<16xf32>
        %add3A_1289 = arith.addf %scan3A_1248, %mul3A_1288 : vector<16xf32>
        %add3A_1290 = arith.constant 32 : i32
        %add3A_1291 = arith.addi %add3A_1290, %scan3A_1245 : i32
        %get3A_1292 = arith.index_cast %add3A_1291 : i32 to index
        %get3A_1293 = arith.constant 48 : index
        %get3A_1294 = tpu.vector_load %arg11[%get3A_1292, %get3A_1293] {strides = array<i32>} : memref<50x128xf32, #tpu.memory_space<vmem>>, vector<1x16xf32>,
        %get3A_1295 = vector.shape_cast %get3A_1294 : vector<1x16xf32> to vector<16xf32>
        %mul3A_1296 = arith.mulf %gather3A_1265, %get3A_1295 : vector<16xf32>
        %add3A_1297 = arith.addf %scan3A_1249, %mul3A_1296 : vector<16xf32>
        %add3A_1298 = arith.constant 32 : i32
        %add3A_1299 = arith.addi %add3A_1298, %scan3A_1245 : i32
        %get3A_1300 = arith.index_cast %add3A_1299 : i32 to index
        %get3A_1301 = arith.constant 64 : index
        %get3A_1302 = tpu.vector_load %arg11[%get3A_1300, %get3A_1301] {strides = array<i32>} : memref<50x128xf32, #tpu.memory_space<vmem>>, vector<1x16xf32>,
        %get3A_1303 = vector.shape_cast %get3A_1302 : vector<1x16xf32> to vector<16xf32>
        %mul3A_1304 = arith.mulf %gather3A_1265, %get3A_1303 : vector<16xf32>
        %add3A_1305 = arith.addf %scan3A_1250, %mul3A_1304 : vector<16xf32>
        %add3A_1306 = arith.constant 32 : i32
        %add3A_1307 = arith.addi %add3A_1306, %scan3A_1245 : i32
        %get3A_1308 = arith.index_cast %add3A_1307 : i32 to index
        %get3A_1309 = arith.constant 80 : index
        %get3A_1310 = tpu.vector_load %arg11[%get3A_1308, %get3A_1309] {strides = array<i32>} : memref<50x128xf32, #tpu.memory_space<vmem>>, vector<1x16xf32>,
        %get3A_1311 = vector.shape_cast %get3A_1310 : vector<1x16xf32> to vector<16xf32>
        %mul3A_1312 = arith.mulf %gather3A_1265, %get3A_1311 : vector<16xf32>
        %add3A_1313 = arith.addf %scan3A_1251, %mul3A_1312 : vector<16xf32>
        %add3A_1314 = arith.constant 32 : i32
        %add3A_1315 = arith.addi %add3A_1314, %scan3A_1245 : i32
        %get3A_1316 = arith.index_cast %add3A_1315 : i32 to index
        %get3A_1317 = arith.constant 96 : index
        %get3A_1318 = tpu.vector_load %arg11[%get3A_1316, %get3A_1317] {strides = array<i32>} : memref<50x128xf32, #tpu.memory_space<vmem>>, vector<1x16xf32>,
        %get3A_1319 = vector.shape_cast %get3A_1318 : vector<1x16xf32> to vector<16xf32>
        %mul3A_1320 = arith.mulf %gather3A_1265, %get3A_1319 : vector<16xf32>
        %add3A_1321 = arith.addf %scan3A_1252, %mul3A_1320 : vector<16xf32>
        %add3A_1322 = arith.constant 32 : i32
        %add3A_1323 = arith.addi %add3A_1322, %scan3A_1245 : i32
        %get3A_1324 = arith.index_cast %add3A_1323 : i32 to index
        %get3A_1325 = arith.constant 112 : index
        %get3A_1326 = tpu.vector_load %arg11[%get3A_1324, %get3A_1325] {strides = array<i32>} : memref<50x128xf32, #tpu.memory_space<vmem>>, vector<1x16xf32>,
        %get3A_1327 = vector.shape_cast %get3A_1326 : vector<1x16xf32> to vector<16xf32>
        %mul3A_1328 = arith.mulf %gather3A_1265, %get3A_1327 : vector<16xf32>
        %add3A_1329 = arith.addf %scan3A_1253, %mul3A_1328 : vector<16xf32>
        scf.yield %add3A_1273, %add3A_1281, %add3A_1289, %add3A_1297, %add3A_1305, %add3A_1313, %add3A_1321, %add3A_1329 : vector<16xf32>, vector<16xf32>, vector<16xf32>, vector<16xf32>, vector<16xf32>, vector<16xf32>, vector<16xf32>, vector<16xf32>
      }
      %scan3A_414 = arith.constant 16 : i32
      %mul3A_415 = arith.constant 64 : i32
      %mul3A_416 = arith.muli %add3A_353, %mul3A_415 : i32
      %add3A_417 = arith.constant 48 : i32
      %add3A_418 = arith.addi %mul3A_416, %add3A_417 : i32
      %get3A_419 = arith.index_cast %add3A_418 : i32 to index
      %get3A_420 = tpu.vector_load %arg8[%get3A_419] {strides = array<i32>} : memref<8192xf32, #tpu.memory_space<vmem>>, vector<16xf32>,
      %get3A_421 = vector.shape_cast %get3A_420 : vector<16xf32> to vector<16xf32>
      %scan3A_422 = arith.constant 0 : i32
      %scan3A_423 = arith.constant 2 : i32
      %scan3A_424 = arith.addi %scan3A_422, %scan3A_423 : i32
      %scan3A_425 = arith.constant 1 : i32
      %scan3A_426:8 = scf.for %scan3A_1245 = %scan3A_422 to %scan3A_424 step %scan3A_425 iter_args(%scan3A_1246 = %scan3A_413#0, %scan3A_1247 = %scan3A_413#1, %scan3A_1248 = %scan3A_413#2, %scan3A_1249 = %scan3A_413#3, %scan3A_1250 = %scan3A_413#4, %scan3A_1251 = %scan3A_413#5, %scan3A_1252 = %scan3A_413#6, %scan3A_1253 = %scan3A_413#7) -> (vector<16xf32>, vector<16xf32>, vector<16xf32>, vector<16xf32>, vector<16xf32>, vector<16xf32>, vector<16xf32>, vector<16xf32>)  : i32 {
        %broadcast_in_dim3A_1254 = arith.constant 0 : i32
        %broadcast_in_dim3A_1255 = vector.broadcast %broadcast_in_dim3A_1254 : i32 to vector<16xi32>
        %add3A_1256 = vector.broadcast %scan3A_1245 : i32 to vector<16xi32>
        %add3A_1257 = arith.addi %broadcast_in_dim3A_1255, %add3A_1256 : vector<16xi32>
        %lt3A_1258 = arith.constant 0 : i32
        %lt3A_1259 = vector.broadcast %lt3A_1258 : i32 to vector<16xi32>
        %lt3A_1260 = arith.cmpi slt, %add3A_1257, %lt3A_1259 : vector<16xi32>
        %add3A_1261 = arith.constant 16 : i32
        %add3A_1262 = vector.broadcast %add3A_1261 : i32 to vector<16xi32>
        %add3A_1263 = arith.addi %add3A_1257, %add3A_1262 : vector<16xi32>
        %select_n3A = arith.select %lt3A_1260, %add3A_1263, %add3A_1257 : vector<16xi1>, vector<16xi32>
        %broadcast_in_dim3A_1264 = vector.shape_cast %select_n3A : vector<16xi32> to vector<16x1xi32>
        %gather3A = vector.shape_cast %broadcast_in_dim3A_1264 : vector<16x1xi32> to vector<16xi32>
        %gather3A_1265 = tpu.dynamic_gather %get3A_421[%gather3A] in [0] : vector<16xf32>, vector<16xi32> -> vector<16xf32>
        %add3A_1266 = arith.constant 48 : i32
        %add3A_1267 = arith.addi %add3A_1266, %scan3A_1245 : i32
        %get3A_1268 = arith.index_cast %add3A_1267 : i32 to index
        %get3A_1269 = arith.constant 0 : index
        %get3A_1270 = tpu.vector_load %arg11[%get3A_1268, %get3A_1269] {strides = array<i32>} : memref<50x128xf32, #tpu.memory_space<vmem>>, vector<1x16xf32>,
        %get3A_1271 = vector.shape_cast %get3A_1270 : vector<1x16xf32> to vector<16xf32>
        %mul3A_1272 = arith.mulf %gather3A_1265, %get3A_1271 : vector<16xf32>
        %add3A_1273 = arith.addf %scan3A_1246, %mul3A_1272 : vector<16xf32>
        %add3A_1274 = arith.constant 48 : i32
        %add3A_1275 = arith.addi %add3A_1274, %scan3A_1245 : i32
        %get3A_1276 = arith.index_cast %add3A_1275 : i32 to index
        %get3A_1277 = arith.constant 16 : index
        %get3A_1278 = tpu.vector_load %arg11[%get3A_1276, %get3A_1277] {strides = array<i32>} : memref<50x128xf32, #tpu.memory_space<vmem>>, vector<1x16xf32>,
        %get3A_1279 = vector.shape_cast %get3A_1278 : vector<1x16xf32> to vector<16xf32>
        %mul3A_1280 = arith.mulf %gather3A_1265, %get3A_1279 : vector<16xf32>
        %add3A_1281 = arith.addf %scan3A_1247, %mul3A_1280 : vector<16xf32>
        %add3A_1282 = arith.constant 48 : i32
        %add3A_1283 = arith.addi %add3A_1282, %scan3A_1245 : i32
        %get3A_1284 = arith.index_cast %add3A_1283 : i32 to index
        %get3A_1285 = arith.constant 32 : index
        %get3A_1286 = tpu.vector_load %arg11[%get3A_1284, %get3A_1285] {strides = array<i32>} : memref<50x128xf32, #tpu.memory_space<vmem>>, vector<1x16xf32>,
        %get3A_1287 = vector.shape_cast %get3A_1286 : vector<1x16xf32> to vector<16xf32>
        %mul3A_1288 = arith.mulf %gather3A_1265, %get3A_1287 : vector<16xf32>
        %add3A_1289 = arith.addf %scan3A_1248, %mul3A_1288 : vector<16xf32>
        %add3A_1290 = arith.constant 48 : i32
        %add3A_1291 = arith.addi %add3A_1290, %scan3A_1245 : i32
        %get3A_1292 = arith.index_cast %add3A_1291 : i32 to index
        %get3A_1293 = arith.constant 48 : index
        %get3A_1294 = tpu.vector_load %arg11[%get3A_1292, %get3A_1293] {strides = array<i32>} : memref<50x128xf32, #tpu.memory_space<vmem>>, vector<1x16xf32>,
        %get3A_1295 = vector.shape_cast %get3A_1294 : vector<1x16xf32> to vector<16xf32>
        %mul3A_1296 = arith.mulf %gather3A_1265, %get3A_1295 : vector<16xf32>
        %add3A_1297 = arith.addf %scan3A_1249, %mul3A_1296 : vector<16xf32>
        %add3A_1298 = arith.constant 48 : i32
        %add3A_1299 = arith.addi %add3A_1298, %scan3A_1245 : i32
        %get3A_1300 = arith.index_cast %add3A_1299 : i32 to index
        %get3A_1301 = arith.constant 64 : index
        %get3A_1302 = tpu.vector_load %arg11[%get3A_1300, %get3A_1301] {strides = array<i32>} : memref<50x128xf32, #tpu.memory_space<vmem>>, vector<1x16xf32>,
        %get3A_1303 = vector.shape_cast %get3A_1302 : vector<1x16xf32> to vector<16xf32>
        %mul3A_1304 = arith.mulf %gather3A_1265, %get3A_1303 : vector<16xf32>
        %add3A_1305 = arith.addf %scan3A_1250, %mul3A_1304 : vector<16xf32>
        %add3A_1306 = arith.constant 48 : i32
        %add3A_1307 = arith.addi %add3A_1306, %scan3A_1245 : i32
        %get3A_1308 = arith.index_cast %add3A_1307 : i32 to index
        %get3A_1309 = arith.constant 80 : index
        %get3A_1310 = tpu.vector_load %arg11[%get3A_1308, %get3A_1309] {strides = array<i32>} : memref<50x128xf32, #tpu.memory_space<vmem>>, vector<1x16xf32>,
        %get3A_1311 = vector.shape_cast %get3A_1310 : vector<1x16xf32> to vector<16xf32>
        %mul3A_1312 = arith.mulf %gather3A_1265, %get3A_1311 : vector<16xf32>
        %add3A_1313 = arith.addf %scan3A_1251, %mul3A_1312 : vector<16xf32>
        %add3A_1314 = arith.constant 48 : i32
        %add3A_1315 = arith.addi %add3A_1314, %scan3A_1245 : i32
        %get3A_1316 = arith.index_cast %add3A_1315 : i32 to index
        %get3A_1317 = arith.constant 96 : index
        %get3A_1318 = tpu.vector_load %arg11[%get3A_1316, %get3A_1317] {strides = array<i32>} : memref<50x128xf32, #tpu.memory_space<vmem>>, vector<1x16xf32>,
        %get3A_1319 = vector.shape_cast %get3A_1318 : vector<1x16xf32> to vector<16xf32>
        %mul3A_1320 = arith.mulf %gather3A_1265, %get3A_1319 : vector<16xf32>
        %add3A_1321 = arith.addf %scan3A_1252, %mul3A_1320 : vector<16xf32>
        %add3A_1322 = arith.constant 48 : i32
        %add3A_1323 = arith.addi %add3A_1322, %scan3A_1245 : i32
        %get3A_1324 = arith.index_cast %add3A_1323 : i32 to index
        %get3A_1325 = arith.constant 112 : index
        %get3A_1326 = tpu.vector_load %arg11[%get3A_1324, %get3A_1325] {strides = array<i32>} : memref<50x128xf32, #tpu.memory_space<vmem>>, vector<1x16xf32>,
        %get3A_1327 = vector.shape_cast %get3A_1326 : vector<1x16xf32> to vector<16xf32>
        %mul3A_1328 = arith.mulf %gather3A_1265, %get3A_1327 : vector<16xf32>
        %add3A_1329 = arith.addf %scan3A_1253, %mul3A_1328 : vector<16xf32>
        scf.yield %add3A_1273, %add3A_1281, %add3A_1289, %add3A_1297, %add3A_1305, %add3A_1313, %add3A_1321, %add3A_1329 : vector<16xf32>, vector<16xf32>, vector<16xf32>, vector<16xf32>, vector<16xf32>, vector<16xf32>, vector<16xf32>, vector<16xf32>
      }
      %scan3A_427 = arith.constant 2 : i32
      %add3A_428 = arith.constant 1 : i32
      %add3A_429 = arith.addi %scan3A_57, %add3A_428 : i32
      %lt3A_430 = arith.constant 16 : i32
      %lt3A_431 = arith.cmpi slt, %add3A_429, %lt3A_430 : i32
      %convert_element_type3A_432 = arith.extui %lt3A_431 : i1 to i32
      %cond3A_433 = arith.constant 0 : i32
      %cond3A_434 = arith.cmpi ne, %convert_element_type3A_432, %cond3A_433 : i32
      scf.if %cond3A_434 {
        %add3A_1245 = arith.constant 8 : i32
        %add3A_1246 = arith.addi %add3A_353, %add3A_1245 : i32
        %mul3A_1247 = arith.constant 64 : i32
        %mul3A_1248 = arith.muli %add3A_1246, %mul3A_1247 : i32
        %dma_start3A_1249 = tpu.memref_slice %arg6[%mul3A_1248] : memref<8192xi32, #tpu.memory_space<vmem>> -> memref<50xi32, #tpu.memory_space<vmem>>
        %dma_start3A_1250 = arith.constant 0 : i32
        %dma_start3A_1251 = arith.constant 0 : i32
        %dma_start3A_1252 = tpu.memref_slice %arg4[%dma_start3A_1250, %dma_start3A_1251] : memref<100000x128xf32, #tpu.memory_space<hbm>> -> memref<100000x128xf32, #tpu.memory_space<hbm>>
        tpu.enqueue_indirect_dma source(%dma_start3A_1252 : memref<100000x128xf32, #tpu.memory_space<hbm>>) target(%arg11 : memref<50x128xf32, #tpu.memory_space<vmem>>) offsets(%dma_start3A_1249 : memref<50xi32, #tpu.memory_space<vmem>>) semaphore(%arg20 : memref<!tpu.dma_semaphore, #tpu.memory_space<semaphore_mem>>)
      } else {
      }
      %mul3A_435 = arith.constant 128 : i32
      %mul3A_436 = arith.muli %add3A_353, %mul3A_435 : i32
      %add3A_437 = arith.constant 0 : i32
      %add3A_438 = arith.addi %mul3A_436, %add3A_437 : i32
      %swap3A_439 = arith.index_cast %add3A_438 : i32 to index
      %swap3A_440 = tpu.vector_load %arg17[%swap3A_439] {strides = array<i32>} : memref<16384xf32, #tpu.memory_space<vmem>>, vector<16xf32>,
      %swap3A_441 = vector.shape_cast %swap3A_440 : vector<16xf32> to vector<16xf32>
      %swap3A_442 = vector.shape_cast %scan3A_426#0 : vector<16xf32> to vector<16xf32>
      tpu.vector_store %arg17[%swap3A_439], %swap3A_442 {strides = array<i32>} : memref<16384xf32, #tpu.memory_space<vmem>>, vector<16xf32>,
      %mul3A_443 = arith.constant 128 : i32
      %mul3A_444 = arith.muli %add3A_353, %mul3A_443 : i32
      %add3A_445 = arith.constant 16 : i32
      %add3A_446 = arith.addi %mul3A_444, %add3A_445 : i32
      %swap3A_447 = arith.index_cast %add3A_446 : i32 to index
      %swap3A_448 = tpu.vector_load %arg17[%swap3A_447] {strides = array<i32>} : memref<16384xf32, #tpu.memory_space<vmem>>, vector<16xf32>,
      %swap3A_449 = vector.shape_cast %swap3A_448 : vector<16xf32> to vector<16xf32>
      %swap3A_450 = vector.shape_cast %scan3A_426#1 : vector<16xf32> to vector<16xf32>
      tpu.vector_store %arg17[%swap3A_447], %swap3A_450 {strides = array<i32>} : memref<16384xf32, #tpu.memory_space<vmem>>, vector<16xf32>,
      %mul3A_451 = arith.constant 128 : i32
      %mul3A_452 = arith.muli %add3A_353, %mul3A_451 : i32
      %add3A_453 = arith.constant 32 : i32
      %add3A_454 = arith.addi %mul3A_452, %add3A_453 : i32
      %swap3A_455 = arith.index_cast %add3A_454 : i32 to index
      %swap3A_456 = tpu.vector_load %arg17[%swap3A_455] {strides = array<i32>} : memref<16384xf32, #tpu.memory_space<vmem>>, vector<16xf32>,
      %swap3A_457 = vector.shape_cast %swap3A_456 : vector<16xf32> to vector<16xf32>
      %swap3A_458 = vector.shape_cast %scan3A_426#2 : vector<16xf32> to vector<16xf32>
      tpu.vector_store %arg17[%swap3A_455], %swap3A_458 {strides = array<i32>} : memref<16384xf32, #tpu.memory_space<vmem>>, vector<16xf32>,
      %mul3A_459 = arith.constant 128 : i32
      %mul3A_460 = arith.muli %add3A_353, %mul3A_459 : i32
      %add3A_461 = arith.constant 48 : i32
      %add3A_462 = arith.addi %mul3A_460, %add3A_461 : i32
      %swap3A_463 = arith.index_cast %add3A_462 : i32 to index
      %swap3A_464 = tpu.vector_load %arg17[%swap3A_463] {strides = array<i32>} : memref<16384xf32, #tpu.memory_space<vmem>>, vector<16xf32>,
      %swap3A_465 = vector.shape_cast %swap3A_464 : vector<16xf32> to vector<16xf32>
      %swap3A_466 = vector.shape_cast %scan3A_426#3 : vector<16xf32> to vector<16xf32>
      tpu.vector_store %arg17[%swap3A_463], %swap3A_466 {strides = array<i32>} : memref<16384xf32, #tpu.memory_space<vmem>>, vector<16xf32>,
      %mul3A_467 = arith.constant 128 : i32
      %mul3A_468 = arith.muli %add3A_353, %mul3A_467 : i32
      %add3A_469 = arith.constant 64 : i32
      %add3A_470 = arith.addi %mul3A_468, %add3A_469 : i32
      %swap3A_471 = arith.index_cast %add3A_470 : i32 to index
      %swap3A_472 = tpu.vector_load %arg17[%swap3A_471] {strides = array<i32>} : memref<16384xf32, #tpu.memory_space<vmem>>, vector<16xf32>,
      %swap3A_473 = vector.shape_cast %swap3A_472 : vector<16xf32> to vector<16xf32>
      %swap3A_474 = vector.shape_cast %scan3A_426#4 : vector<16xf32> to vector<16xf32>
      tpu.vector_store %arg17[%swap3A_471], %swap3A_474 {strides = array<i32>} : memref<16384xf32, #tpu.memory_space<vmem>>, vector<16xf32>,
      %mul3A_475 = arith.constant 128 : i32
      %mul3A_476 = arith.muli %add3A_353, %mul3A_475 : i32
      %add3A_477 = arith.constant 80 : i32
      %add3A_478 = arith.addi %mul3A_476, %add3A_477 : i32
      %swap3A_479 = arith.index_cast %add3A_478 : i32 to index
      %swap3A_480 = tpu.vector_load %arg17[%swap3A_479] {strides = array<i32>} : memref<16384xf32, #tpu.memory_space<vmem>>, vector<16xf32>,
      %swap3A_481 = vector.shape_cast %swap3A_480 : vector<16xf32> to vector<16xf32>
      %swap3A_482 = vector.shape_cast %scan3A_426#5 : vector<16xf32> to vector<16xf32>
      tpu.vector_store %arg17[%swap3A_479], %swap3A_482 {strides = array<i32>} : memref<16384xf32, #tpu.memory_space<vmem>>, vector<16xf32>,
      %mul3A_483 = arith.constant 128 : i32
      %mul3A_484 = arith.muli %add3A_353, %mul3A_483 : i32
      %add3A_485 = arith.constant 96 : i32
      %add3A_486 = arith.addi %mul3A_484, %add3A_485 : i32
      %swap3A_487 = arith.index_cast %add3A_486 : i32 to index
      %swap3A_488 = tpu.vector_load %arg17[%swap3A_487] {strides = array<i32>} : memref<16384xf32, #tpu.memory_space<vmem>>, vector<16xf32>,
      %swap3A_489 = vector.shape_cast %swap3A_488 : vector<16xf32> to vector<16xf32>
      %swap3A_490 = vector.shape_cast %scan3A_426#6 : vector<16xf32> to vector<16xf32>
      tpu.vector_store %arg17[%swap3A_487], %swap3A_490 {strides = array<i32>} : memref<16384xf32, #tpu.memory_space<vmem>>, vector<16xf32>,
      %mul3A_491 = arith.constant 128 : i32
      %mul3A_492 = arith.muli %add3A_353, %mul3A_491 : i32
      %add3A_493 = arith.constant 112 : i32
      %add3A_494 = arith.addi %mul3A_492, %add3A_493 : i32
      %swap3A_495 = arith.index_cast %add3A_494 : i32 to index
      %swap3A_496 = tpu.vector_load %arg17[%swap3A_495] {strides = array<i32>} : memref<16384xf32, #tpu.memory_space<vmem>>, vector<16xf32>,
      %swap3A_497 = vector.shape_cast %swap3A_496 : vector<16xf32> to vector<16xf32>
      %swap3A_498 = vector.shape_cast %scan3A_426#7 : vector<16xf32> to vector<16xf32>
      tpu.vector_store %arg17[%swap3A_495], %swap3A_498 {strides = array<i32>} : memref<16384xf32, #tpu.memory_space<vmem>>, vector<16xf32>,
      %mul3A_499 = arith.constant 8 : i32
      %mul3A_500 = arith.muli %scan3A_57, %mul3A_499 : i32
      %add3A_501 = arith.constant 3 : i32
      %add3A_502 = arith.addi %mul3A_500, %add3A_501 : i32
      %mul3A_503 = arith.constant 64 : i32
      %mul3A_504 = arith.muli %add3A_502, %mul3A_503 : i32
      %dma_wait3A_505 = tpu.memref_slice %arg6[%mul3A_504] : memref<8192xi32, #tpu.memory_space<vmem>> -> memref<50xi32, #tpu.memory_space<vmem>>
      %dma_wait3A_506 = arith.constant 0 : i32
      %dma_wait3A_507 = arith.constant 0 : i32
      %dma_wait3A_508 = tpu.memref_slice %arg4[%dma_wait3A_506, %dma_wait3A_507] : memref<100000x128xf32, #tpu.memory_space<hbm>> -> memref<100000x128xf32, #tpu.memory_space<hbm>>
      tpu.wait_indirect_dma semaphore(%arg21 : memref<!tpu.dma_semaphore, #tpu.memory_space<semaphore_mem>>) src(%dma_wait3A_508 : memref<100000x128xf32, #tpu.memory_space<hbm>>) dst(%arg12 : memref<50x128xf32, #tpu.memory_space<vmem>>)
      %broadcast_in_dim3A_509 = arith.constant 0.000000e+00 : f32
      %broadcast_in_dim3A_510 = vector.broadcast %broadcast_in_dim3A_509 : f32 to vector<16xf32>
      %broadcast_in_dim3A_511 = arith.constant 0.000000e+00 : f32
      %broadcast_in_dim3A_512 = vector.broadcast %broadcast_in_dim3A_511 : f32 to vector<16xf32>
      %broadcast_in_dim3A_513 = arith.constant 0.000000e+00 : f32
      %broadcast_in_dim3A_514 = vector.broadcast %broadcast_in_dim3A_513 : f32 to vector<16xf32>
      %broadcast_in_dim3A_515 = arith.constant 0.000000e+00 : f32
      %broadcast_in_dim3A_516 = vector.broadcast %broadcast_in_dim3A_515 : f32 to vector<16xf32>
      %broadcast_in_dim3A_517 = arith.constant 0.000000e+00 : f32
      %broadcast_in_dim3A_518 = vector.broadcast %broadcast_in_dim3A_517 : f32 to vector<16xf32>
      %broadcast_in_dim3A_519 = arith.constant 0.000000e+00 : f32
      %broadcast_in_dim3A_520 = vector.broadcast %broadcast_in_dim3A_519 : f32 to vector<16xf32>
      %broadcast_in_dim3A_521 = arith.constant 0.000000e+00 : f32
      %broadcast_in_dim3A_522 = vector.broadcast %broadcast_in_dim3A_521 : f32 to vector<16xf32>
      %broadcast_in_dim3A_523 = arith.constant 0.000000e+00 : f32
      %broadcast_in_dim3A_524 = vector.broadcast %broadcast_in_dim3A_523 : f32 to vector<16xf32>
      %mul3A_525 = arith.constant 64 : i32
      %mul3A_526 = arith.muli %add3A_502, %mul3A_525 : i32
      %add3A_527 = arith.constant 0 : i32
      %add3A_528 = arith.addi %mul3A_526, %add3A_527 : i32
      %get3A_529 = arith.index_cast %add3A_528 : i32 to index
      %get3A_530 = tpu.vector_load %arg8[%get3A_529] {strides = array<i32>} : memref<8192xf32, #tpu.memory_space<vmem>>, vector<16xf32>,
      %get3A_531 = vector.shape_cast %get3A_530 : vector<16xf32> to vector<16xf32>
      %scan3A_532 = arith.constant 0 : i32
      %scan3A_533 = arith.constant 16 : i32
      %scan3A_534 = arith.addi %scan3A_532, %scan3A_533 : i32
      %scan3A_535 = arith.constant 1 : i32
      %scan3A_536:8 = scf.for %scan3A_1245 = %scan3A_532 to %scan3A_534 step %scan3A_535 iter_args(%scan3A_1246 = %broadcast_in_dim3A_510, %scan3A_1247 = %broadcast_in_dim3A_512, %scan3A_1248 = %broadcast_in_dim3A_514, %scan3A_1249 = %broadcast_in_dim3A_516, %scan3A_1250 = %broadcast_in_dim3A_518, %scan3A_1251 = %broadcast_in_dim3A_520, %scan3A_1252 = %broadcast_in_dim3A_522, %scan3A_1253 = %broadcast_in_dim3A_524) -> (vector<16xf32>, vector<16xf32>, vector<16xf32>, vector<16xf32>, vector<16xf32>, vector<16xf32>, vector<16xf32>, vector<16xf32>)  : i32 {
        %broadcast_in_dim3A_1254 = arith.constant 0 : i32
        %broadcast_in_dim3A_1255 = vector.broadcast %broadcast_in_dim3A_1254 : i32 to vector<16xi32>
        %add3A_1256 = vector.broadcast %scan3A_1245 : i32 to vector<16xi32>
        %add3A_1257 = arith.addi %broadcast_in_dim3A_1255, %add3A_1256 : vector<16xi32>
        %lt3A_1258 = arith.constant 0 : i32
        %lt3A_1259 = vector.broadcast %lt3A_1258 : i32 to vector<16xi32>
        %lt3A_1260 = arith.cmpi slt, %add3A_1257, %lt3A_1259 : vector<16xi32>
        %add3A_1261 = arith.constant 16 : i32
        %add3A_1262 = vector.broadcast %add3A_1261 : i32 to vector<16xi32>
        %add3A_1263 = arith.addi %add3A_1257, %add3A_1262 : vector<16xi32>
        %select_n3A = arith.select %lt3A_1260, %add3A_1263, %add3A_1257 : vector<16xi1>, vector<16xi32>
        %broadcast_in_dim3A_1264 = vector.shape_cast %select_n3A : vector<16xi32> to vector<16x1xi32>
        %gather3A = vector.shape_cast %broadcast_in_dim3A_1264 : vector<16x1xi32> to vector<16xi32>
        %gather3A_1265 = tpu.dynamic_gather %get3A_531[%gather3A] in [0] : vector<16xf32>, vector<16xi32> -> vector<16xf32>
        %add3A_1266 = arith.constant 0 : i32
        %add3A_1267 = arith.addi %add3A_1266, %scan3A_1245 : i32
        %get3A_1268 = arith.index_cast %add3A_1267 : i32 to index
        %get3A_1269 = arith.constant 0 : index
        %get3A_1270 = tpu.vector_load %arg12[%get3A_1268, %get3A_1269] {strides = array<i32>} : memref<50x128xf32, #tpu.memory_space<vmem>>, vector<1x16xf32>,
        %get3A_1271 = vector.shape_cast %get3A_1270 : vector<1x16xf32> to vector<16xf32>
        %mul3A_1272 = arith.mulf %gather3A_1265, %get3A_1271 : vector<16xf32>
        %add3A_1273 = arith.addf %scan3A_1246, %mul3A_1272 : vector<16xf32>
        %add3A_1274 = arith.constant 0 : i32
        %add3A_1275 = arith.addi %add3A_1274, %scan3A_1245 : i32
        %get3A_1276 = arith.index_cast %add3A_1275 : i32 to index
        %get3A_1277 = arith.constant 16 : index
        %get3A_1278 = tpu.vector_load %arg12[%get3A_1276, %get3A_1277] {strides = array<i32>} : memref<50x128xf32, #tpu.memory_space<vmem>>, vector<1x16xf32>,
        %get3A_1279 = vector.shape_cast %get3A_1278 : vector<1x16xf32> to vector<16xf32>
        %mul3A_1280 = arith.mulf %gather3A_1265, %get3A_1279 : vector<16xf32>
        %add3A_1281 = arith.addf %scan3A_1247, %mul3A_1280 : vector<16xf32>
        %add3A_1282 = arith.constant 0 : i32
        %add3A_1283 = arith.addi %add3A_1282, %scan3A_1245 : i32
        %get3A_1284 = arith.index_cast %add3A_1283 : i32 to index
        %get3A_1285 = arith.constant 32 : index
        %get3A_1286 = tpu.vector_load %arg12[%get3A_1284, %get3A_1285] {strides = array<i32>} : memref<50x128xf32, #tpu.memory_space<vmem>>, vector<1x16xf32>,
        %get3A_1287 = vector.shape_cast %get3A_1286 : vector<1x16xf32> to vector<16xf32>
        %mul3A_1288 = arith.mulf %gather3A_1265, %get3A_1287 : vector<16xf32>
        %add3A_1289 = arith.addf %scan3A_1248, %mul3A_1288 : vector<16xf32>
        %add3A_1290 = arith.constant 0 : i32
        %add3A_1291 = arith.addi %add3A_1290, %scan3A_1245 : i32
        %get3A_1292 = arith.index_cast %add3A_1291 : i32 to index
        %get3A_1293 = arith.constant 48 : index
        %get3A_1294 = tpu.vector_load %arg12[%get3A_1292, %get3A_1293] {strides = array<i32>} : memref<50x128xf32, #tpu.memory_space<vmem>>, vector<1x16xf32>,
        %get3A_1295 = vector.shape_cast %get3A_1294 : vector<1x16xf32> to vector<16xf32>
        %mul3A_1296 = arith.mulf %gather3A_1265, %get3A_1295 : vector<16xf32>
        %add3A_1297 = arith.addf %scan3A_1249, %mul3A_1296 : vector<16xf32>
        %add3A_1298 = arith.constant 0 : i32
        %add3A_1299 = arith.addi %add3A_1298, %scan3A_1245 : i32
        %get3A_1300 = arith.index_cast %add3A_1299 : i32 to index
        %get3A_1301 = arith.constant 64 : index
        %get3A_1302 = tpu.vector_load %arg12[%get3A_1300, %get3A_1301] {strides = array<i32>} : memref<50x128xf32, #tpu.memory_space<vmem>>, vector<1x16xf32>,
        %get3A_1303 = vector.shape_cast %get3A_1302 : vector<1x16xf32> to vector<16xf32>
        %mul3A_1304 = arith.mulf %gather3A_1265, %get3A_1303 : vector<16xf32>
        %add3A_1305 = arith.addf %scan3A_1250, %mul3A_1304 : vector<16xf32>
        %add3A_1306 = arith.constant 0 : i32
        %add3A_1307 = arith.addi %add3A_1306, %scan3A_1245 : i32
        %get3A_1308 = arith.index_cast %add3A_1307 : i32 to index
        %get3A_1309 = arith.constant 80 : index
        %get3A_1310 = tpu.vector_load %arg12[%get3A_1308, %get3A_1309] {strides = array<i32>} : memref<50x128xf32, #tpu.memory_space<vmem>>, vector<1x16xf32>,
        %get3A_1311 = vector.shape_cast %get3A_1310 : vector<1x16xf32> to vector<16xf32>
        %mul3A_1312 = arith.mulf %gather3A_1265, %get3A_1311 : vector<16xf32>
        %add3A_1313 = arith.addf %scan3A_1251, %mul3A_1312 : vector<16xf32>
        %add3A_1314 = arith.constant 0 : i32
        %add3A_1315 = arith.addi %add3A_1314, %scan3A_1245 : i32
        %get3A_1316 = arith.index_cast %add3A_1315 : i32 to index
        %get3A_1317 = arith.constant 96 : index
        %get3A_1318 = tpu.vector_load %arg12[%get3A_1316, %get3A_1317] {strides = array<i32>} : memref<50x128xf32, #tpu.memory_space<vmem>>, vector<1x16xf32>,
        %get3A_1319 = vector.shape_cast %get3A_1318 : vector<1x16xf32> to vector<16xf32>
        %mul3A_1320 = arith.mulf %gather3A_1265, %get3A_1319 : vector<16xf32>
        %add3A_1321 = arith.addf %scan3A_1252, %mul3A_1320 : vector<16xf32>
        %add3A_1322 = arith.constant 0 : i32
        %add3A_1323 = arith.addi %add3A_1322, %scan3A_1245 : i32
        %get3A_1324 = arith.index_cast %add3A_1323 : i32 to index
        %get3A_1325 = arith.constant 112 : index
        %get3A_1326 = tpu.vector_load %arg12[%get3A_1324, %get3A_1325] {strides = array<i32>} : memref<50x128xf32, #tpu.memory_space<vmem>>, vector<1x16xf32>,
        %get3A_1327 = vector.shape_cast %get3A_1326 : vector<1x16xf32> to vector<16xf32>
        %mul3A_1328 = arith.mulf %gather3A_1265, %get3A_1327 : vector<16xf32>
        %add3A_1329 = arith.addf %scan3A_1253, %mul3A_1328 : vector<16xf32>
        scf.yield %add3A_1273, %add3A_1281, %add3A_1289, %add3A_1297, %add3A_1305, %add3A_1313, %add3A_1321, %add3A_1329 : vector<16xf32>, vector<16xf32>, vector<16xf32>, vector<16xf32>, vector<16xf32>, vector<16xf32>, vector<16xf32>, vector<16xf32>
      }
      %scan3A_537 = arith.constant 16 : i32
      %mul3A_538 = arith.constant 64 : i32
      %mul3A_539 = arith.muli %add3A_502, %mul3A_538 : i32
      %add3A_540 = arith.constant 16 : i32
      %add3A_541 = arith.addi %mul3A_539, %add3A_540 : i32
      %get3A_542 = arith.index_cast %add3A_541 : i32 to index
      %get3A_543 = tpu.vector_load %arg8[%get3A_542] {strides = array<i32>} : memref<8192xf32, #tpu.memory_space<vmem>>, vector<16xf32>,
      %get3A_544 = vector.shape_cast %get3A_543 : vector<16xf32> to vector<16xf32>
      %scan3A_545 = arith.constant 0 : i32
      %scan3A_546 = arith.constant 16 : i32
      %scan3A_547 = arith.addi %scan3A_545, %scan3A_546 : i32
      %scan3A_548 = arith.constant 1 : i32
      %scan3A_549:8 = scf.for %scan3A_1245 = %scan3A_545 to %scan3A_547 step %scan3A_548 iter_args(%scan3A_1246 = %scan3A_536#0, %scan3A_1247 = %scan3A_536#1, %scan3A_1248 = %scan3A_536#2, %scan3A_1249 = %scan3A_536#3, %scan3A_1250 = %scan3A_536#4, %scan3A_1251 = %scan3A_536#5, %scan3A_1252 = %scan3A_536#6, %scan3A_1253 = %scan3A_536#7) -> (vector<16xf32>, vector<16xf32>, vector<16xf32>, vector<16xf32>, vector<16xf32>, vector<16xf32>, vector<16xf32>, vector<16xf32>)  : i32 {
        %broadcast_in_dim3A_1254 = arith.constant 0 : i32
        %broadcast_in_dim3A_1255 = vector.broadcast %broadcast_in_dim3A_1254 : i32 to vector<16xi32>
        %add3A_1256 = vector.broadcast %scan3A_1245 : i32 to vector<16xi32>
        %add3A_1257 = arith.addi %broadcast_in_dim3A_1255, %add3A_1256 : vector<16xi32>
        %lt3A_1258 = arith.constant 0 : i32
        %lt3A_1259 = vector.broadcast %lt3A_1258 : i32 to vector<16xi32>
        %lt3A_1260 = arith.cmpi slt, %add3A_1257, %lt3A_1259 : vector<16xi32>
        %add3A_1261 = arith.constant 16 : i32
        %add3A_1262 = vector.broadcast %add3A_1261 : i32 to vector<16xi32>
        %add3A_1263 = arith.addi %add3A_1257, %add3A_1262 : vector<16xi32>
        %select_n3A = arith.select %lt3A_1260, %add3A_1263, %add3A_1257 : vector<16xi1>, vector<16xi32>
        %broadcast_in_dim3A_1264 = vector.shape_cast %select_n3A : vector<16xi32> to vector<16x1xi32>
        %gather3A = vector.shape_cast %broadcast_in_dim3A_1264 : vector<16x1xi32> to vector<16xi32>
        %gather3A_1265 = tpu.dynamic_gather %get3A_544[%gather3A] in [0] : vector<16xf32>, vector<16xi32> -> vector<16xf32>
        %add3A_1266 = arith.constant 16 : i32
        %add3A_1267 = arith.addi %add3A_1266, %scan3A_1245 : i32
        %get3A_1268 = arith.index_cast %add3A_1267 : i32 to index
        %get3A_1269 = arith.constant 0 : index
        %get3A_1270 = tpu.vector_load %arg12[%get3A_1268, %get3A_1269] {strides = array<i32>} : memref<50x128xf32, #tpu.memory_space<vmem>>, vector<1x16xf32>,
        %get3A_1271 = vector.shape_cast %get3A_1270 : vector<1x16xf32> to vector<16xf32>
        %mul3A_1272 = arith.mulf %gather3A_1265, %get3A_1271 : vector<16xf32>
        %add3A_1273 = arith.addf %scan3A_1246, %mul3A_1272 : vector<16xf32>
        %add3A_1274 = arith.constant 16 : i32
        %add3A_1275 = arith.addi %add3A_1274, %scan3A_1245 : i32
        %get3A_1276 = arith.index_cast %add3A_1275 : i32 to index
        %get3A_1277 = arith.constant 16 : index
        %get3A_1278 = tpu.vector_load %arg12[%get3A_1276, %get3A_1277] {strides = array<i32>} : memref<50x128xf32, #tpu.memory_space<vmem>>, vector<1x16xf32>,
        %get3A_1279 = vector.shape_cast %get3A_1278 : vector<1x16xf32> to vector<16xf32>
        %mul3A_1280 = arith.mulf %gather3A_1265, %get3A_1279 : vector<16xf32>
        %add3A_1281 = arith.addf %scan3A_1247, %mul3A_1280 : vector<16xf32>
        %add3A_1282 = arith.constant 16 : i32
        %add3A_1283 = arith.addi %add3A_1282, %scan3A_1245 : i32
        %get3A_1284 = arith.index_cast %add3A_1283 : i32 to index
        %get3A_1285 = arith.constant 32 : index
        %get3A_1286 = tpu.vector_load %arg12[%get3A_1284, %get3A_1285] {strides = array<i32>} : memref<50x128xf32, #tpu.memory_space<vmem>>, vector<1x16xf32>,
        %get3A_1287 = vector.shape_cast %get3A_1286 : vector<1x16xf32> to vector<16xf32>
        %mul3A_1288 = arith.mulf %gather3A_1265, %get3A_1287 : vector<16xf32>
        %add3A_1289 = arith.addf %scan3A_1248, %mul3A_1288 : vector<16xf32>
        %add3A_1290 = arith.constant 16 : i32
        %add3A_1291 = arith.addi %add3A_1290, %scan3A_1245 : i32
        %get3A_1292 = arith.index_cast %add3A_1291 : i32 to index
        %get3A_1293 = arith.constant 48 : index
        %get3A_1294 = tpu.vector_load %arg12[%get3A_1292, %get3A_1293] {strides = array<i32>} : memref<50x128xf32, #tpu.memory_space<vmem>>, vector<1x16xf32>,
        %get3A_1295 = vector.shape_cast %get3A_1294 : vector<1x16xf32> to vector<16xf32>
        %mul3A_1296 = arith.mulf %gather3A_1265, %get3A_1295 : vector<16xf32>
        %add3A_1297 = arith.addf %scan3A_1249, %mul3A_1296 : vector<16xf32>
        %add3A_1298 = arith.constant 16 : i32
        %add3A_1299 = arith.addi %add3A_1298, %scan3A_1245 : i32
        %get3A_1300 = arith.index_cast %add3A_1299 : i32 to index
        %get3A_1301 = arith.constant 64 : index
        %get3A_1302 = tpu.vector_load %arg12[%get3A_1300, %get3A_1301] {strides = array<i32>} : memref<50x128xf32, #tpu.memory_space<vmem>>, vector<1x16xf32>,
        %get3A_1303 = vector.shape_cast %get3A_1302 : vector<1x16xf32> to vector<16xf32>
        %mul3A_1304 = arith.mulf %gather3A_1265, %get3A_1303 : vector<16xf32>
        %add3A_1305 = arith.addf %scan3A_1250, %mul3A_1304 : vector<16xf32>
        %add3A_1306 = arith.constant 16 : i32
        %add3A_1307 = arith.addi %add3A_1306, %scan3A_1245 : i32
        %get3A_1308 = arith.index_cast %add3A_1307 : i32 to index
        %get3A_1309 = arith.constant 80 : index
        %get3A_1310 = tpu.vector_load %arg12[%get3A_1308, %get3A_1309] {strides = array<i32>} : memref<50x128xf32, #tpu.memory_space<vmem>>, vector<1x16xf32>,
        %get3A_1311 = vector.shape_cast %get3A_1310 : vector<1x16xf32> to vector<16xf32>
        %mul3A_1312 = arith.mulf %gather3A_1265, %get3A_1311 : vector<16xf32>
        %add3A_1313 = arith.addf %scan3A_1251, %mul3A_1312 : vector<16xf32>
        %add3A_1314 = arith.constant 16 : i32
        %add3A_1315 = arith.addi %add3A_1314, %scan3A_1245 : i32
        %get3A_1316 = arith.index_cast %add3A_1315 : i32 to index
        %get3A_1317 = arith.constant 96 : index
        %get3A_1318 = tpu.vector_load %arg12[%get3A_1316, %get3A_1317] {strides = array<i32>} : memref<50x128xf32, #tpu.memory_space<vmem>>, vector<1x16xf32>,
        %get3A_1319 = vector.shape_cast %get3A_1318 : vector<1x16xf32> to vector<16xf32>
        %mul3A_1320 = arith.mulf %gather3A_1265, %get3A_1319 : vector<16xf32>
        %add3A_1321 = arith.addf %scan3A_1252, %mul3A_1320 : vector<16xf32>
        %add3A_1322 = arith.constant 16 : i32
        %add3A_1323 = arith.addi %add3A_1322, %scan3A_1245 : i32
        %get3A_1324 = arith.index_cast %add3A_1323 : i32 to index
        %get3A_1325 = arith.constant 112 : index
        %get3A_1326 = tpu.vector_load %arg12[%get3A_1324, %get3A_1325] {strides = array<i32>} : memref<50x128xf32, #tpu.memory_space<vmem>>, vector<1x16xf32>,
        %get3A_1327 = vector.shape_cast %get3A_1326 : vector<1x16xf32> to vector<16xf32>
        %mul3A_1328 = arith.mulf %gather3A_1265, %get3A_1327 : vector<16xf32>
        %add3A_1329 = arith.addf %scan3A_1253, %mul3A_1328 : vector<16xf32>
        scf.yield %add3A_1273, %add3A_1281, %add3A_1289, %add3A_1297, %add3A_1305, %add3A_1313, %add3A_1321, %add3A_1329 : vector<16xf32>, vector<16xf32>, vector<16xf32>, vector<16xf32>, vector<16xf32>, vector<16xf32>, vector<16xf32>, vector<16xf32>
      }
      %scan3A_550 = arith.constant 16 : i32
      %mul3A_551 = arith.constant 64 : i32
      %mul3A_552 = arith.muli %add3A_502, %mul3A_551 : i32
      %add3A_553 = arith.constant 32 : i32
      %add3A_554 = arith.addi %mul3A_552, %add3A_553 : i32
      %get3A_555 = arith.index_cast %add3A_554 : i32 to index
      %get3A_556 = tpu.vector_load %arg8[%get3A_555] {strides = array<i32>} : memref<8192xf32, #tpu.memory_space<vmem>>, vector<16xf32>,
      %get3A_557 = vector.shape_cast %get3A_556 : vector<16xf32> to vector<16xf32>
      %scan3A_558 = arith.constant 0 : i32
      %scan3A_559 = arith.constant 16 : i32
      %scan3A_560 = arith.addi %scan3A_558, %scan3A_559 : i32
      %scan3A_561 = arith.constant 1 : i32
      %scan3A_562:8 = scf.for %scan3A_1245 = %scan3A_558 to %scan3A_560 step %scan3A_561 iter_args(%scan3A_1246 = %scan3A_549#0, %scan3A_1247 = %scan3A_549#1, %scan3A_1248 = %scan3A_549#2, %scan3A_1249 = %scan3A_549#3, %scan3A_1250 = %scan3A_549#4, %scan3A_1251 = %scan3A_549#5, %scan3A_1252 = %scan3A_549#6, %scan3A_1253 = %scan3A_549#7) -> (vector<16xf32>, vector<16xf32>, vector<16xf32>, vector<16xf32>, vector<16xf32>, vector<16xf32>, vector<16xf32>, vector<16xf32>)  : i32 {
        %broadcast_in_dim3A_1254 = arith.constant 0 : i32
        %broadcast_in_dim3A_1255 = vector.broadcast %broadcast_in_dim3A_1254 : i32 to vector<16xi32>
        %add3A_1256 = vector.broadcast %scan3A_1245 : i32 to vector<16xi32>
        %add3A_1257 = arith.addi %broadcast_in_dim3A_1255, %add3A_1256 : vector<16xi32>
        %lt3A_1258 = arith.constant 0 : i32
        %lt3A_1259 = vector.broadcast %lt3A_1258 : i32 to vector<16xi32>
        %lt3A_1260 = arith.cmpi slt, %add3A_1257, %lt3A_1259 : vector<16xi32>
        %add3A_1261 = arith.constant 16 : i32
        %add3A_1262 = vector.broadcast %add3A_1261 : i32 to vector<16xi32>
        %add3A_1263 = arith.addi %add3A_1257, %add3A_1262 : vector<16xi32>
        %select_n3A = arith.select %lt3A_1260, %add3A_1263, %add3A_1257 : vector<16xi1>, vector<16xi32>
        %broadcast_in_dim3A_1264 = vector.shape_cast %select_n3A : vector<16xi32> to vector<16x1xi32>
        %gather3A = vector.shape_cast %broadcast_in_dim3A_1264 : vector<16x1xi32> to vector<16xi32>
        %gather3A_1265 = tpu.dynamic_gather %get3A_557[%gather3A] in [0] : vector<16xf32>, vector<16xi32> -> vector<16xf32>
        %add3A_1266 = arith.constant 32 : i32
        %add3A_1267 = arith.addi %add3A_1266, %scan3A_1245 : i32
        %get3A_1268 = arith.index_cast %add3A_1267 : i32 to index
        %get3A_1269 = arith.constant 0 : index
        %get3A_1270 = tpu.vector_load %arg12[%get3A_1268, %get3A_1269] {strides = array<i32>} : memref<50x128xf32, #tpu.memory_space<vmem>>, vector<1x16xf32>,
        %get3A_1271 = vector.shape_cast %get3A_1270 : vector<1x16xf32> to vector<16xf32>
        %mul3A_1272 = arith.mulf %gather3A_1265, %get3A_1271 : vector<16xf32>
        %add3A_1273 = arith.addf %scan3A_1246, %mul3A_1272 : vector<16xf32>
        %add3A_1274 = arith.constant 32 : i32
        %add3A_1275 = arith.addi %add3A_1274, %scan3A_1245 : i32
        %get3A_1276 = arith.index_cast %add3A_1275 : i32 to index
        %get3A_1277 = arith.constant 16 : index
        %get3A_1278 = tpu.vector_load %arg12[%get3A_1276, %get3A_1277] {strides = array<i32>} : memref<50x128xf32, #tpu.memory_space<vmem>>, vector<1x16xf32>,
        %get3A_1279 = vector.shape_cast %get3A_1278 : vector<1x16xf32> to vector<16xf32>
        %mul3A_1280 = arith.mulf %gather3A_1265, %get3A_1279 : vector<16xf32>
        %add3A_1281 = arith.addf %scan3A_1247, %mul3A_1280 : vector<16xf32>
        %add3A_1282 = arith.constant 32 : i32
        %add3A_1283 = arith.addi %add3A_1282, %scan3A_1245 : i32
        %get3A_1284 = arith.index_cast %add3A_1283 : i32 to index
        %get3A_1285 = arith.constant 32 : index
        %get3A_1286 = tpu.vector_load %arg12[%get3A_1284, %get3A_1285] {strides = array<i32>} : memref<50x128xf32, #tpu.memory_space<vmem>>, vector<1x16xf32>,
        %get3A_1287 = vector.shape_cast %get3A_1286 : vector<1x16xf32> to vector<16xf32>
        %mul3A_1288 = arith.mulf %gather3A_1265, %get3A_1287 : vector<16xf32>
        %add3A_1289 = arith.addf %scan3A_1248, %mul3A_1288 : vector<16xf32>
        %add3A_1290 = arith.constant 32 : i32
        %add3A_1291 = arith.addi %add3A_1290, %scan3A_1245 : i32
        %get3A_1292 = arith.index_cast %add3A_1291 : i32 to index
        %get3A_1293 = arith.constant 48 : index
        %get3A_1294 = tpu.vector_load %arg12[%get3A_1292, %get3A_1293] {strides = array<i32>} : memref<50x128xf32, #tpu.memory_space<vmem>>, vector<1x16xf32>,
        %get3A_1295 = vector.shape_cast %get3A_1294 : vector<1x16xf32> to vector<16xf32>
        %mul3A_1296 = arith.mulf %gather3A_1265, %get3A_1295 : vector<16xf32>
        %add3A_1297 = arith.addf %scan3A_1249, %mul3A_1296 : vector<16xf32>
        %add3A_1298 = arith.constant 32 : i32
        %add3A_1299 = arith.addi %add3A_1298, %scan3A_1245 : i32
        %get3A_1300 = arith.index_cast %add3A_1299 : i32 to index
        %get3A_1301 = arith.constant 64 : index
        %get3A_1302 = tpu.vector_load %arg12[%get3A_1300, %get3A_1301] {strides = array<i32>} : memref<50x128xf32, #tpu.memory_space<vmem>>, vector<1x16xf32>,
        %get3A_1303 = vector.shape_cast %get3A_1302 : vector<1x16xf32> to vector<16xf32>
        %mul3A_1304 = arith.mulf %gather3A_1265, %get3A_1303 : vector<16xf32>
        %add3A_1305 = arith.addf %scan3A_1250, %mul3A_1304 : vector<16xf32>
        %add3A_1306 = arith.constant 32 : i32
        %add3A_1307 = arith.addi %add3A_1306, %scan3A_1245 : i32
        %get3A_1308 = arith.index_cast %add3A_1307 : i32 to index
        %get3A_1309 = arith.constant 80 : index
        %get3A_1310 = tpu.vector_load %arg12[%get3A_1308, %get3A_1309] {strides = array<i32>} : memref<50x128xf32, #tpu.memory_space<vmem>>, vector<1x16xf32>,
        %get3A_1311 = vector.shape_cast %get3A_1310 : vector<1x16xf32> to vector<16xf32>
        %mul3A_1312 = arith.mulf %gather3A_1265, %get3A_1311 : vector<16xf32>
        %add3A_1313 = arith.addf %scan3A_1251, %mul3A_1312 : vector<16xf32>
        %add3A_1314 = arith.constant 32 : i32
        %add3A_1315 = arith.addi %add3A_1314, %scan3A_1245 : i32
        %get3A_1316 = arith.index_cast %add3A_1315 : i32 to index
        %get3A_1317 = arith.constant 96 : index
        %get3A_1318 = tpu.vector_load %arg12[%get3A_1316, %get3A_1317] {strides = array<i32>} : memref<50x128xf32, #tpu.memory_space<vmem>>, vector<1x16xf32>,
        %get3A_1319 = vector.shape_cast %get3A_1318 : vector<1x16xf32> to vector<16xf32>
        %mul3A_1320 = arith.mulf %gather3A_1265, %get3A_1319 : vector<16xf32>
        %add3A_1321 = arith.addf %scan3A_1252, %mul3A_1320 : vector<16xf32>
        %add3A_1322 = arith.constant 32 : i32
        %add3A_1323 = arith.addi %add3A_1322, %scan3A_1245 : i32
        %get3A_1324 = arith.index_cast %add3A_1323 : i32 to index
        %get3A_1325 = arith.constant 112 : index
        %get3A_1326 = tpu.vector_load %arg12[%get3A_1324, %get3A_1325] {strides = array<i32>} : memref<50x128xf32, #tpu.memory_space<vmem>>, vector<1x16xf32>,
        %get3A_1327 = vector.shape_cast %get3A_1326 : vector<1x16xf32> to vector<16xf32>
        %mul3A_1328 = arith.mulf %gather3A_1265, %get3A_1327 : vector<16xf32>
        %add3A_1329 = arith.addf %scan3A_1253, %mul3A_1328 : vector<16xf32>
        scf.yield %add3A_1273, %add3A_1281, %add3A_1289, %add3A_1297, %add3A_1305, %add3A_1313, %add3A_1321, %add3A_1329 : vector<16xf32>, vector<16xf32>, vector<16xf32>, vector<16xf32>, vector<16xf32>, vector<16xf32>, vector<16xf32>, vector<16xf32>
      }
      %scan3A_563 = arith.constant 16 : i32
      %mul3A_564 = arith.constant 64 : i32
      %mul3A_565 = arith.muli %add3A_502, %mul3A_564 : i32
      %add3A_566 = arith.constant 48 : i32
      %add3A_567 = arith.addi %mul3A_565, %add3A_566 : i32
      %get3A_568 = arith.index_cast %add3A_567 : i32 to index
      %get3A_569 = tpu.vector_load %arg8[%get3A_568] {strides = array<i32>} : memref<8192xf32, #tpu.memory_space<vmem>>, vector<16xf32>,
      %get3A_570 = vector.shape_cast %get3A_569 : vector<16xf32> to vector<16xf32>
      %scan3A_571 = arith.constant 0 : i32
      %scan3A_572 = arith.constant 2 : i32
      %scan3A_573 = arith.addi %scan3A_571, %scan3A_572 : i32
      %scan3A_574 = arith.constant 1 : i32
      %scan3A_575:8 = scf.for %scan3A_1245 = %scan3A_571 to %scan3A_573 step %scan3A_574 iter_args(%scan3A_1246 = %scan3A_562#0, %scan3A_1247 = %scan3A_562#1, %scan3A_1248 = %scan3A_562#2, %scan3A_1249 = %scan3A_562#3, %scan3A_1250 = %scan3A_562#4, %scan3A_1251 = %scan3A_562#5, %scan3A_1252 = %scan3A_562#6, %scan3A_1253 = %scan3A_562#7) -> (vector<16xf32>, vector<16xf32>, vector<16xf32>, vector<16xf32>, vector<16xf32>, vector<16xf32>, vector<16xf32>, vector<16xf32>)  : i32 {
        %broadcast_in_dim3A_1254 = arith.constant 0 : i32
        %broadcast_in_dim3A_1255 = vector.broadcast %broadcast_in_dim3A_1254 : i32 to vector<16xi32>
        %add3A_1256 = vector.broadcast %scan3A_1245 : i32 to vector<16xi32>
        %add3A_1257 = arith.addi %broadcast_in_dim3A_1255, %add3A_1256 : vector<16xi32>
        %lt3A_1258 = arith.constant 0 : i32
        %lt3A_1259 = vector.broadcast %lt3A_1258 : i32 to vector<16xi32>
        %lt3A_1260 = arith.cmpi slt, %add3A_1257, %lt3A_1259 : vector<16xi32>
        %add3A_1261 = arith.constant 16 : i32
        %add3A_1262 = vector.broadcast %add3A_1261 : i32 to vector<16xi32>
        %add3A_1263 = arith.addi %add3A_1257, %add3A_1262 : vector<16xi32>
        %select_n3A = arith.select %lt3A_1260, %add3A_1263, %add3A_1257 : vector<16xi1>, vector<16xi32>
        %broadcast_in_dim3A_1264 = vector.shape_cast %select_n3A : vector<16xi32> to vector<16x1xi32>
        %gather3A = vector.shape_cast %broadcast_in_dim3A_1264 : vector<16x1xi32> to vector<16xi32>
        %gather3A_1265 = tpu.dynamic_gather %get3A_570[%gather3A] in [0] : vector<16xf32>, vector<16xi32> -> vector<16xf32>
        %add3A_1266 = arith.constant 48 : i32
        %add3A_1267 = arith.addi %add3A_1266, %scan3A_1245 : i32
        %get3A_1268 = arith.index_cast %add3A_1267 : i32 to index
        %get3A_1269 = arith.constant 0 : index
        %get3A_1270 = tpu.vector_load %arg12[%get3A_1268, %get3A_1269] {strides = array<i32>} : memref<50x128xf32, #tpu.memory_space<vmem>>, vector<1x16xf32>,
        %get3A_1271 = vector.shape_cast %get3A_1270 : vector<1x16xf32> to vector<16xf32>
        %mul3A_1272 = arith.mulf %gather3A_1265, %get3A_1271 : vector<16xf32>
        %add3A_1273 = arith.addf %scan3A_1246, %mul3A_1272 : vector<16xf32>
        %add3A_1274 = arith.constant 48 : i32
        %add3A_1275 = arith.addi %add3A_1274, %scan3A_1245 : i32
        %get3A_1276 = arith.index_cast %add3A_1275 : i32 to index
        %get3A_1277 = arith.constant 16 : index
        %get3A_1278 = tpu.vector_load %arg12[%get3A_1276, %get3A_1277] {strides = array<i32>} : memref<50x128xf32, #tpu.memory_space<vmem>>, vector<1x16xf32>,
        %get3A_1279 = vector.shape_cast %get3A_1278 : vector<1x16xf32> to vector<16xf32>
        %mul3A_1280 = arith.mulf %gather3A_1265, %get3A_1279 : vector<16xf32>
        %add3A_1281 = arith.addf %scan3A_1247, %mul3A_1280 : vector<16xf32>
        %add3A_1282 = arith.constant 48 : i32
        %add3A_1283 = arith.addi %add3A_1282, %scan3A_1245 : i32
        %get3A_1284 = arith.index_cast %add3A_1283 : i32 to index
        %get3A_1285 = arith.constant 32 : index
        %get3A_1286 = tpu.vector_load %arg12[%get3A_1284, %get3A_1285] {strides = array<i32>} : memref<50x128xf32, #tpu.memory_space<vmem>>, vector<1x16xf32>,
        %get3A_1287 = vector.shape_cast %get3A_1286 : vector<1x16xf32> to vector<16xf32>
        %mul3A_1288 = arith.mulf %gather3A_1265, %get3A_1287 : vector<16xf32>
        %add3A_1289 = arith.addf %scan3A_1248, %mul3A_1288 : vector<16xf32>
        %add3A_1290 = arith.constant 48 : i32
        %add3A_1291 = arith.addi %add3A_1290, %scan3A_1245 : i32
        %get3A_1292 = arith.index_cast %add3A_1291 : i32 to index
        %get3A_1293 = arith.constant 48 : index
        %get3A_1294 = tpu.vector_load %arg12[%get3A_1292, %get3A_1293] {strides = array<i32>} : memref<50x128xf32, #tpu.memory_space<vmem>>, vector<1x16xf32>,
        %get3A_1295 = vector.shape_cast %get3A_1294 : vector<1x16xf32> to vector<16xf32>
        %mul3A_1296 = arith.mulf %gather3A_1265, %get3A_1295 : vector<16xf32>
        %add3A_1297 = arith.addf %scan3A_1249, %mul3A_1296 : vector<16xf32>
        %add3A_1298 = arith.constant 48 : i32
        %add3A_1299 = arith.addi %add3A_1298, %scan3A_1245 : i32
        %get3A_1300 = arith.index_cast %add3A_1299 : i32 to index
        %get3A_1301 = arith.constant 64 : index
        %get3A_1302 = tpu.vector_load %arg12[%get3A_1300, %get3A_1301] {strides = array<i32>} : memref<50x128xf32, #tpu.memory_space<vmem>>, vector<1x16xf32>,
        %get3A_1303 = vector.shape_cast %get3A_1302 : vector<1x16xf32> to vector<16xf32>
        %mul3A_1304 = arith.mulf %gather3A_1265, %get3A_1303 : vector<16xf32>
        %add3A_1305 = arith.addf %scan3A_1250, %mul3A_1304 : vector<16xf32>
        %add3A_1306 = arith.constant 48 : i32
        %add3A_1307 = arith.addi %add3A_1306, %scan3A_1245 : i32
        %get3A_1308 = arith.index_cast %add3A_1307 : i32 to index
        %get3A_1309 = arith.constant 80 : index
        %get3A_1310 = tpu.vector_load %arg12[%get3A_1308, %get3A_1309] {strides = array<i32>} : memref<50x128xf32, #tpu.memory_space<vmem>>, vector<1x16xf32>,
        %get3A_1311 = vector.shape_cast %get3A_1310 : vector<1x16xf32> to vector<16xf32>
        %mul3A_1312 = arith.mulf %gather3A_1265, %get3A_1311 : vector<16xf32>
        %add3A_1313 = arith.addf %scan3A_1251, %mul3A_1312 : vector<16xf32>
        %add3A_1314 = arith.constant 48 : i32
        %add3A_1315 = arith.addi %add3A_1314, %scan3A_1245 : i32
        %get3A_1316 = arith.index_cast %add3A_1315 : i32 to index
        %get3A_1317 = arith.constant 96 : index
        %get3A_1318 = tpu.vector_load %arg12[%get3A_1316, %get3A_1317] {strides = array<i32>} : memref<50x128xf32, #tpu.memory_space<vmem>>, vector<1x16xf32>,
        %get3A_1319 = vector.shape_cast %get3A_1318 : vector<1x16xf32> to vector<16xf32>
        %mul3A_1320 = arith.mulf %gather3A_1265, %get3A_1319 : vector<16xf32>
        %add3A_1321 = arith.addf %scan3A_1252, %mul3A_1320 : vector<16xf32>
        %add3A_1322 = arith.constant 48 : i32
        %add3A_1323 = arith.addi %add3A_1322, %scan3A_1245 : i32
        %get3A_1324 = arith.index_cast %add3A_1323 : i32 to index
        %get3A_1325 = arith.constant 112 : index
        %get3A_1326 = tpu.vector_load %arg12[%get3A_1324, %get3A_1325] {strides = array<i32>} : memref<50x128xf32, #tpu.memory_space<vmem>>, vector<1x16xf32>,
        %get3A_1327 = vector.shape_cast %get3A_1326 : vector<1x16xf32> to vector<16xf32>
        %mul3A_1328 = arith.mulf %gather3A_1265, %get3A_1327 : vector<16xf32>
        %add3A_1329 = arith.addf %scan3A_1253, %mul3A_1328 : vector<16xf32>
        scf.yield %add3A_1273, %add3A_1281, %add3A_1289, %add3A_1297, %add3A_1305, %add3A_1313, %add3A_1321, %add3A_1329 : vector<16xf32>, vector<16xf32>, vector<16xf32>, vector<16xf32>, vector<16xf32>, vector<16xf32>, vector<16xf32>, vector<16xf32>
      }
      %scan3A_576 = arith.constant 2 : i32
      %add3A_577 = arith.constant 1 : i32
      %add3A_578 = arith.addi %scan3A_57, %add3A_577 : i32
      %lt3A_579 = arith.constant 16 : i32
      %lt3A_580 = arith.cmpi slt, %add3A_578, %lt3A_579 : i32
      %convert_element_type3A_581 = arith.extui %lt3A_580 : i1 to i32
      %cond3A_582 = arith.constant 0 : i32
      %cond3A_583 = arith.cmpi ne, %convert_element_type3A_581, %cond3A_582 : i32
      scf.if %cond3A_583 {
        %add3A_1245 = arith.constant 8 : i32
        %add3A_1246 = arith.addi %add3A_502, %add3A_1245 : i32
        %mul3A_1247 = arith.constant 64 : i32
        %mul3A_1248 = arith.muli %add3A_1246, %mul3A_1247 : i32
        %dma_start3A_1249 = tpu.memref_slice %arg6[%mul3A_1248] : memref<8192xi32, #tpu.memory_space<vmem>> -> memref<50xi32, #tpu.memory_space<vmem>>
        %dma_start3A_1250 = arith.constant 0 : i32
        %dma_start3A_1251 = arith.constant 0 : i32
        %dma_start3A_1252 = tpu.memref_slice %arg4[%dma_start3A_1250, %dma_start3A_1251] : memref<100000x128xf32, #tpu.memory_space<hbm>> -> memref<100000x128xf32, #tpu.memory_space<hbm>>
        tpu.enqueue_indirect_dma source(%dma_start3A_1252 : memref<100000x128xf32, #tpu.memory_space<hbm>>) target(%arg12 : memref<50x128xf32, #tpu.memory_space<vmem>>) offsets(%dma_start3A_1249 : memref<50xi32, #tpu.memory_space<vmem>>) semaphore(%arg21 : memref<!tpu.dma_semaphore, #tpu.memory_space<semaphore_mem>>)
      } else {
      }
      %mul3A_584 = arith.constant 128 : i32
      %mul3A_585 = arith.muli %add3A_502, %mul3A_584 : i32
      %add3A_586 = arith.constant 0 : i32
      %add3A_587 = arith.addi %mul3A_585, %add3A_586 : i32
      %swap3A_588 = arith.index_cast %add3A_587 : i32 to index
      %swap3A_589 = tpu.vector_load %arg17[%swap3A_588] {strides = array<i32>} : memref<16384xf32, #tpu.memory_space<vmem>>, vector<16xf32>,
      %swap3A_590 = vector.shape_cast %swap3A_589 : vector<16xf32> to vector<16xf32>
      %swap3A_591 = vector.shape_cast %scan3A_575#0 : vector<16xf32> to vector<16xf32>
      tpu.vector_store %arg17[%swap3A_588], %swap3A_591 {strides = array<i32>} : memref<16384xf32, #tpu.memory_space<vmem>>, vector<16xf32>,
      %mul3A_592 = arith.constant 128 : i32
      %mul3A_593 = arith.muli %add3A_502, %mul3A_592 : i32
      %add3A_594 = arith.constant 16 : i32
      %add3A_595 = arith.addi %mul3A_593, %add3A_594 : i32
      %swap3A_596 = arith.index_cast %add3A_595 : i32 to index
      %swap3A_597 = tpu.vector_load %arg17[%swap3A_596] {strides = array<i32>} : memref<16384xf32, #tpu.memory_space<vmem>>, vector<16xf32>,
      %swap3A_598 = vector.shape_cast %swap3A_597 : vector<16xf32> to vector<16xf32>
      %swap3A_599 = vector.shape_cast %scan3A_575#1 : vector<16xf32> to vector<16xf32>
      tpu.vector_store %arg17[%swap3A_596], %swap3A_599 {strides = array<i32>} : memref<16384xf32, #tpu.memory_space<vmem>>, vector<16xf32>,
      %mul3A_600 = arith.constant 128 : i32
      %mul3A_601 = arith.muli %add3A_502, %mul3A_600 : i32
      %add3A_602 = arith.constant 32 : i32
      %add3A_603 = arith.addi %mul3A_601, %add3A_602 : i32
      %swap3A_604 = arith.index_cast %add3A_603 : i32 to index
      %swap3A_605 = tpu.vector_load %arg17[%swap3A_604] {strides = array<i32>} : memref<16384xf32, #tpu.memory_space<vmem>>, vector<16xf32>,
      %swap3A_606 = vector.shape_cast %swap3A_605 : vector<16xf32> to vector<16xf32>
      %swap3A_607 = vector.shape_cast %scan3A_575#2 : vector<16xf32> to vector<16xf32>
      tpu.vector_store %arg17[%swap3A_604], %swap3A_607 {strides = array<i32>} : memref<16384xf32, #tpu.memory_space<vmem>>, vector<16xf32>,
      %mul3A_608 = arith.constant 128 : i32
      %mul3A_609 = arith.muli %add3A_502, %mul3A_608 : i32
      %add3A_610 = arith.constant 48 : i32
      %add3A_611 = arith.addi %mul3A_609, %add3A_610 : i32
      %swap3A_612 = arith.index_cast %add3A_611 : i32 to index
      %swap3A_613 = tpu.vector_load %arg17[%swap3A_612] {strides = array<i32>} : memref<16384xf32, #tpu.memory_space<vmem>>, vector<16xf32>,
      %swap3A_614 = vector.shape_cast %swap3A_613 : vector<16xf32> to vector<16xf32>
      %swap3A_615 = vector.shape_cast %scan3A_575#3 : vector<16xf32> to vector<16xf32>
      tpu.vector_store %arg17[%swap3A_612], %swap3A_615 {strides = array<i32>} : memref<16384xf32, #tpu.memory_space<vmem>>, vector<16xf32>,
      %mul3A_616 = arith.constant 128 : i32
      %mul3A_617 = arith.muli %add3A_502, %mul3A_616 : i32
      %add3A_618 = arith.constant 64 : i32
      %add3A_619 = arith.addi %mul3A_617, %add3A_618 : i32
      %swap3A_620 = arith.index_cast %add3A_619 : i32 to index
      %swap3A_621 = tpu.vector_load %arg17[%swap3A_620] {strides = array<i32>} : memref<16384xf32, #tpu.memory_space<vmem>>, vector<16xf32>,
      %swap3A_622 = vector.shape_cast %swap3A_621 : vector<16xf32> to vector<16xf32>
      %swap3A_623 = vector.shape_cast %scan3A_575#4 : vector<16xf32> to vector<16xf32>
      tpu.vector_store %arg17[%swap3A_620], %swap3A_623 {strides = array<i32>} : memref<16384xf32, #tpu.memory_space<vmem>>, vector<16xf32>,
      %mul3A_624 = arith.constant 128 : i32
      %mul3A_625 = arith.muli %add3A_502, %mul3A_624 : i32
      %add3A_626 = arith.constant 80 : i32
      %add3A_627 = arith.addi %mul3A_625, %add3A_626 : i32
      %swap3A_628 = arith.index_cast %add3A_627 : i32 to index
      %swap3A_629 = tpu.vector_load %arg17[%swap3A_628] {strides = array<i32>} : memref<16384xf32, #tpu.memory_space<vmem>>, vector<16xf32>,
      %swap3A_630 = vector.shape_cast %swap3A_629 : vector<16xf32> to vector<16xf32>
      %swap3A_631 = vector.shape_cast %scan3A_575#5 : vector<16xf32> to vector<16xf32>
      tpu.vector_store %arg17[%swap3A_628], %swap3A_631 {strides = array<i32>} : memref<16384xf32, #tpu.memory_space<vmem>>, vector<16xf32>,
      %mul3A_632 = arith.constant 128 : i32
      %mul3A_633 = arith.muli %add3A_502, %mul3A_632 : i32
      %add3A_634 = arith.constant 96 : i32
      %add3A_635 = arith.addi %mul3A_633, %add3A_634 : i32
      %swap3A_636 = arith.index_cast %add3A_635 : i32 to index
      %swap3A_637 = tpu.vector_load %arg17[%swap3A_636] {strides = array<i32>} : memref<16384xf32, #tpu.memory_space<vmem>>, vector<16xf32>,
      %swap3A_638 = vector.shape_cast %swap3A_637 : vector<16xf32> to vector<16xf32>
      %swap3A_639 = vector.shape_cast %scan3A_575#6 : vector<16xf32> to vector<16xf32>
      tpu.vector_store %arg17[%swap3A_636], %swap3A_639 {strides = array<i32>} : memref<16384xf32, #tpu.memory_space<vmem>>, vector<16xf32>,
      %mul3A_640 = arith.constant 128 : i32
      %mul3A_641 = arith.muli %add3A_502, %mul3A_640 : i32
      %add3A_642 = arith.constant 112 : i32
      %add3A_643 = arith.addi %mul3A_641, %add3A_642 : i32
      %swap3A_644 = arith.index_cast %add3A_643 : i32 to index
      %swap3A_645 = tpu.vector_load %arg17[%swap3A_644] {strides = array<i32>} : memref<16384xf32, #tpu.memory_space<vmem>>, vector<16xf32>,
      %swap3A_646 = vector.shape_cast %swap3A_645 : vector<16xf32> to vector<16xf32>
      %swap3A_647 = vector.shape_cast %scan3A_575#7 : vector<16xf32> to vector<16xf32>
      tpu.vector_store %arg17[%swap3A_644], %swap3A_647 {strides = array<i32>} : memref<16384xf32, #tpu.memory_space<vmem>>, vector<16xf32>,
      %mul3A_648 = arith.constant 8 : i32
      %mul3A_649 = arith.muli %scan3A_57, %mul3A_648 : i32
      %add3A_650 = arith.constant 4 : i32
      %add3A_651 = arith.addi %mul3A_649, %add3A_650 : i32
      %mul3A_652 = arith.constant 64 : i32
      %mul3A_653 = arith.muli %add3A_651, %mul3A_652 : i32
      %dma_wait3A_654 = tpu.memref_slice %arg6[%mul3A_653] : memref<8192xi32, #tpu.memory_space<vmem>> -> memref<50xi32, #tpu.memory_space<vmem>>
      %dma_wait3A_655 = arith.constant 0 : i32
      %dma_wait3A_656 = arith.constant 0 : i32
      %dma_wait3A_657 = tpu.memref_slice %arg4[%dma_wait3A_655, %dma_wait3A_656] : memref<100000x128xf32, #tpu.memory_space<hbm>> -> memref<100000x128xf32, #tpu.memory_space<hbm>>
      tpu.wait_indirect_dma semaphore(%arg22 : memref<!tpu.dma_semaphore, #tpu.memory_space<semaphore_mem>>) src(%dma_wait3A_657 : memref<100000x128xf32, #tpu.memory_space<hbm>>) dst(%arg13 : memref<50x128xf32, #tpu.memory_space<vmem>>)
      %broadcast_in_dim3A_658 = arith.constant 0.000000e+00 : f32
      %broadcast_in_dim3A_659 = vector.broadcast %broadcast_in_dim3A_658 : f32 to vector<16xf32>
      %broadcast_in_dim3A_660 = arith.constant 0.000000e+00 : f32
      %broadcast_in_dim3A_661 = vector.broadcast %broadcast_in_dim3A_660 : f32 to vector<16xf32>
      %broadcast_in_dim3A_662 = arith.constant 0.000000e+00 : f32
      %broadcast_in_dim3A_663 = vector.broadcast %broadcast_in_dim3A_662 : f32 to vector<16xf32>
      %broadcast_in_dim3A_664 = arith.constant 0.000000e+00 : f32
      %broadcast_in_dim3A_665 = vector.broadcast %broadcast_in_dim3A_664 : f32 to vector<16xf32>
      %broadcast_in_dim3A_666 = arith.constant 0.000000e+00 : f32
      %broadcast_in_dim3A_667 = vector.broadcast %broadcast_in_dim3A_666 : f32 to vector<16xf32>
      %broadcast_in_dim3A_668 = arith.constant 0.000000e+00 : f32
      %broadcast_in_dim3A_669 = vector.broadcast %broadcast_in_dim3A_668 : f32 to vector<16xf32>
      %broadcast_in_dim3A_670 = arith.constant 0.000000e+00 : f32
      %broadcast_in_dim3A_671 = vector.broadcast %broadcast_in_dim3A_670 : f32 to vector<16xf32>
      %broadcast_in_dim3A_672 = arith.constant 0.000000e+00 : f32
      %broadcast_in_dim3A_673 = vector.broadcast %broadcast_in_dim3A_672 : f32 to vector<16xf32>
      %mul3A_674 = arith.constant 64 : i32
      %mul3A_675 = arith.muli %add3A_651, %mul3A_674 : i32
      %add3A_676 = arith.constant 0 : i32
      %add3A_677 = arith.addi %mul3A_675, %add3A_676 : i32
      %get3A_678 = arith.index_cast %add3A_677 : i32 to index
      %get3A_679 = tpu.vector_load %arg8[%get3A_678] {strides = array<i32>} : memref<8192xf32, #tpu.memory_space<vmem>>, vector<16xf32>,
      %get3A_680 = vector.shape_cast %get3A_679 : vector<16xf32> to vector<16xf32>
      %scan3A_681 = arith.constant 0 : i32
      %scan3A_682 = arith.constant 16 : i32
      %scan3A_683 = arith.addi %scan3A_681, %scan3A_682 : i32
      %scan3A_684 = arith.constant 1 : i32
      %scan3A_685:8 = scf.for %scan3A_1245 = %scan3A_681 to %scan3A_683 step %scan3A_684 iter_args(%scan3A_1246 = %broadcast_in_dim3A_659, %scan3A_1247 = %broadcast_in_dim3A_661, %scan3A_1248 = %broadcast_in_dim3A_663, %scan3A_1249 = %broadcast_in_dim3A_665, %scan3A_1250 = %broadcast_in_dim3A_667, %scan3A_1251 = %broadcast_in_dim3A_669, %scan3A_1252 = %broadcast_in_dim3A_671, %scan3A_1253 = %broadcast_in_dim3A_673) -> (vector<16xf32>, vector<16xf32>, vector<16xf32>, vector<16xf32>, vector<16xf32>, vector<16xf32>, vector<16xf32>, vector<16xf32>)  : i32 {
        %broadcast_in_dim3A_1254 = arith.constant 0 : i32
        %broadcast_in_dim3A_1255 = vector.broadcast %broadcast_in_dim3A_1254 : i32 to vector<16xi32>
        %add3A_1256 = vector.broadcast %scan3A_1245 : i32 to vector<16xi32>
        %add3A_1257 = arith.addi %broadcast_in_dim3A_1255, %add3A_1256 : vector<16xi32>
        %lt3A_1258 = arith.constant 0 : i32
        %lt3A_1259 = vector.broadcast %lt3A_1258 : i32 to vector<16xi32>
        %lt3A_1260 = arith.cmpi slt, %add3A_1257, %lt3A_1259 : vector<16xi32>
        %add3A_1261 = arith.constant 16 : i32
        %add3A_1262 = vector.broadcast %add3A_1261 : i32 to vector<16xi32>
        %add3A_1263 = arith.addi %add3A_1257, %add3A_1262 : vector<16xi32>
        %select_n3A = arith.select %lt3A_1260, %add3A_1263, %add3A_1257 : vector<16xi1>, vector<16xi32>
        %broadcast_in_dim3A_1264 = vector.shape_cast %select_n3A : vector<16xi32> to vector<16x1xi32>
        %gather3A = vector.shape_cast %broadcast_in_dim3A_1264 : vector<16x1xi32> to vector<16xi32>
        %gather3A_1265 = tpu.dynamic_gather %get3A_680[%gather3A] in [0] : vector<16xf32>, vector<16xi32> -> vector<16xf32>
        %add3A_1266 = arith.constant 0 : i32
        %add3A_1267 = arith.addi %add3A_1266, %scan3A_1245 : i32
        %get3A_1268 = arith.index_cast %add3A_1267 : i32 to index
        %get3A_1269 = arith.constant 0 : index
        %get3A_1270 = tpu.vector_load %arg13[%get3A_1268, %get3A_1269] {strides = array<i32>} : memref<50x128xf32, #tpu.memory_space<vmem>>, vector<1x16xf32>,
        %get3A_1271 = vector.shape_cast %get3A_1270 : vector<1x16xf32> to vector<16xf32>
        %mul3A_1272 = arith.mulf %gather3A_1265, %get3A_1271 : vector<16xf32>
        %add3A_1273 = arith.addf %scan3A_1246, %mul3A_1272 : vector<16xf32>
        %add3A_1274 = arith.constant 0 : i32
        %add3A_1275 = arith.addi %add3A_1274, %scan3A_1245 : i32
        %get3A_1276 = arith.index_cast %add3A_1275 : i32 to index
        %get3A_1277 = arith.constant 16 : index
        %get3A_1278 = tpu.vector_load %arg13[%get3A_1276, %get3A_1277] {strides = array<i32>} : memref<50x128xf32, #tpu.memory_space<vmem>>, vector<1x16xf32>,
        %get3A_1279 = vector.shape_cast %get3A_1278 : vector<1x16xf32> to vector<16xf32>
        %mul3A_1280 = arith.mulf %gather3A_1265, %get3A_1279 : vector<16xf32>
        %add3A_1281 = arith.addf %scan3A_1247, %mul3A_1280 : vector<16xf32>
        %add3A_1282 = arith.constant 0 : i32
        %add3A_1283 = arith.addi %add3A_1282, %scan3A_1245 : i32
        %get3A_1284 = arith.index_cast %add3A_1283 : i32 to index
        %get3A_1285 = arith.constant 32 : index
        %get3A_1286 = tpu.vector_load %arg13[%get3A_1284, %get3A_1285] {strides = array<i32>} : memref<50x128xf32, #tpu.memory_space<vmem>>, vector<1x16xf32>,
        %get3A_1287 = vector.shape_cast %get3A_1286 : vector<1x16xf32> to vector<16xf32>
        %mul3A_1288 = arith.mulf %gather3A_1265, %get3A_1287 : vector<16xf32>
        %add3A_1289 = arith.addf %scan3A_1248, %mul3A_1288 : vector<16xf32>
        %add3A_1290 = arith.constant 0 : i32
        %add3A_1291 = arith.addi %add3A_1290, %scan3A_1245 : i32
        %get3A_1292 = arith.index_cast %add3A_1291 : i32 to index
        %get3A_1293 = arith.constant 48 : index
        %get3A_1294 = tpu.vector_load %arg13[%get3A_1292, %get3A_1293] {strides = array<i32>} : memref<50x128xf32, #tpu.memory_space<vmem>>, vector<1x16xf32>,
        %get3A_1295 = vector.shape_cast %get3A_1294 : vector<1x16xf32> to vector<16xf32>
        %mul3A_1296 = arith.mulf %gather3A_1265, %get3A_1295 : vector<16xf32>
        %add3A_1297 = arith.addf %scan3A_1249, %mul3A_1296 : vector<16xf32>
        %add3A_1298 = arith.constant 0 : i32
        %add3A_1299 = arith.addi %add3A_1298, %scan3A_1245 : i32
        %get3A_1300 = arith.index_cast %add3A_1299 : i32 to index
        %get3A_1301 = arith.constant 64 : index
        %get3A_1302 = tpu.vector_load %arg13[%get3A_1300, %get3A_1301] {strides = array<i32>} : memref<50x128xf32, #tpu.memory_space<vmem>>, vector<1x16xf32>,
        %get3A_1303 = vector.shape_cast %get3A_1302 : vector<1x16xf32> to vector<16xf32>
        %mul3A_1304 = arith.mulf %gather3A_1265, %get3A_1303 : vector<16xf32>
        %add3A_1305 = arith.addf %scan3A_1250, %mul3A_1304 : vector<16xf32>
        %add3A_1306 = arith.constant 0 : i32
        %add3A_1307 = arith.addi %add3A_1306, %scan3A_1245 : i32
        %get3A_1308 = arith.index_cast %add3A_1307 : i32 to index
        %get3A_1309 = arith.constant 80 : index
        %get3A_1310 = tpu.vector_load %arg13[%get3A_1308, %get3A_1309] {strides = array<i32>} : memref<50x128xf32, #tpu.memory_space<vmem>>, vector<1x16xf32>,
        %get3A_1311 = vector.shape_cast %get3A_1310 : vector<1x16xf32> to vector<16xf32>
        %mul3A_1312 = arith.mulf %gather3A_1265, %get3A_1311 : vector<16xf32>
        %add3A_1313 = arith.addf %scan3A_1251, %mul3A_1312 : vector<16xf32>
        %add3A_1314 = arith.constant 0 : i32
        %add3A_1315 = arith.addi %add3A_1314, %scan3A_1245 : i32
        %get3A_1316 = arith.index_cast %add3A_1315 : i32 to index
        %get3A_1317 = arith.constant 96 : index
        %get3A_1318 = tpu.vector_load %arg13[%get3A_1316, %get3A_1317] {strides = array<i32>} : memref<50x128xf32, #tpu.memory_space<vmem>>, vector<1x16xf32>,
        %get3A_1319 = vector.shape_cast %get3A_1318 : vector<1x16xf32> to vector<16xf32>
        %mul3A_1320 = arith.mulf %gather3A_1265, %get3A_1319 : vector<16xf32>
        %add3A_1321 = arith.addf %scan3A_1252, %mul3A_1320 : vector<16xf32>
        %add3A_1322 = arith.constant 0 : i32
        %add3A_1323 = arith.addi %add3A_1322, %scan3A_1245 : i32
        %get3A_1324 = arith.index_cast %add3A_1323 : i32 to index
        %get3A_1325 = arith.constant 112 : index
        %get3A_1326 = tpu.vector_load %arg13[%get3A_1324, %get3A_1325] {strides = array<i32>} : memref<50x128xf32, #tpu.memory_space<vmem>>, vector<1x16xf32>,
        %get3A_1327 = vector.shape_cast %get3A_1326 : vector<1x16xf32> to vector<16xf32>
        %mul3A_1328 = arith.mulf %gather3A_1265, %get3A_1327 : vector<16xf32>
        %add3A_1329 = arith.addf %scan3A_1253, %mul3A_1328 : vector<16xf32>
        scf.yield %add3A_1273, %add3A_1281, %add3A_1289, %add3A_1297, %add3A_1305, %add3A_1313, %add3A_1321, %add3A_1329 : vector<16xf32>, vector<16xf32>, vector<16xf32>, vector<16xf32>, vector<16xf32>, vector<16xf32>, vector<16xf32>, vector<16xf32>
      }
      %scan3A_686 = arith.constant 16 : i32
      %mul3A_687 = arith.constant 64 : i32
      %mul3A_688 = arith.muli %add3A_651, %mul3A_687 : i32
      %add3A_689 = arith.constant 16 : i32
      %add3A_690 = arith.addi %mul3A_688, %add3A_689 : i32
      %get3A_691 = arith.index_cast %add3A_690 : i32 to index
      %get3A_692 = tpu.vector_load %arg8[%get3A_691] {strides = array<i32>} : memref<8192xf32, #tpu.memory_space<vmem>>, vector<16xf32>,
      %get3A_693 = vector.shape_cast %get3A_692 : vector<16xf32> to vector<16xf32>
      %scan3A_694 = arith.constant 0 : i32
      %scan3A_695 = arith.constant 16 : i32
      %scan3A_696 = arith.addi %scan3A_694, %scan3A_695 : i32
      %scan3A_697 = arith.constant 1 : i32
      %scan3A_698:8 = scf.for %scan3A_1245 = %scan3A_694 to %scan3A_696 step %scan3A_697 iter_args(%scan3A_1246 = %scan3A_685#0, %scan3A_1247 = %scan3A_685#1, %scan3A_1248 = %scan3A_685#2, %scan3A_1249 = %scan3A_685#3, %scan3A_1250 = %scan3A_685#4, %scan3A_1251 = %scan3A_685#5, %scan3A_1252 = %scan3A_685#6, %scan3A_1253 = %scan3A_685#7) -> (vector<16xf32>, vector<16xf32>, vector<16xf32>, vector<16xf32>, vector<16xf32>, vector<16xf32>, vector<16xf32>, vector<16xf32>)  : i32 {
        %broadcast_in_dim3A_1254 = arith.constant 0 : i32
        %broadcast_in_dim3A_1255 = vector.broadcast %broadcast_in_dim3A_1254 : i32 to vector<16xi32>
        %add3A_1256 = vector.broadcast %scan3A_1245 : i32 to vector<16xi32>
        %add3A_1257 = arith.addi %broadcast_in_dim3A_1255, %add3A_1256 : vector<16xi32>
        %lt3A_1258 = arith.constant 0 : i32
        %lt3A_1259 = vector.broadcast %lt3A_1258 : i32 to vector<16xi32>
        %lt3A_1260 = arith.cmpi slt, %add3A_1257, %lt3A_1259 : vector<16xi32>
        %add3A_1261 = arith.constant 16 : i32
        %add3A_1262 = vector.broadcast %add3A_1261 : i32 to vector<16xi32>
        %add3A_1263 = arith.addi %add3A_1257, %add3A_1262 : vector<16xi32>
        %select_n3A = arith.select %lt3A_1260, %add3A_1263, %add3A_1257 : vector<16xi1>, vector<16xi32>
        %broadcast_in_dim3A_1264 = vector.shape_cast %select_n3A : vector<16xi32> to vector<16x1xi32>
        %gather3A = vector.shape_cast %broadcast_in_dim3A_1264 : vector<16x1xi32> to vector<16xi32>
        %gather3A_1265 = tpu.dynamic_gather %get3A_693[%gather3A] in [0] : vector<16xf32>, vector<16xi32> -> vector<16xf32>
        %add3A_1266 = arith.constant 16 : i32
        %add3A_1267 = arith.addi %add3A_1266, %scan3A_1245 : i32
        %get3A_1268 = arith.index_cast %add3A_1267 : i32 to index
        %get3A_1269 = arith.constant 0 : index
        %get3A_1270 = tpu.vector_load %arg13[%get3A_1268, %get3A_1269] {strides = array<i32>} : memref<50x128xf32, #tpu.memory_space<vmem>>, vector<1x16xf32>,
        %get3A_1271 = vector.shape_cast %get3A_1270 : vector<1x16xf32> to vector<16xf32>
        %mul3A_1272 = arith.mulf %gather3A_1265, %get3A_1271 : vector<16xf32>
        %add3A_1273 = arith.addf %scan3A_1246, %mul3A_1272 : vector<16xf32>
        %add3A_1274 = arith.constant 16 : i32
        %add3A_1275 = arith.addi %add3A_1274, %scan3A_1245 : i32
        %get3A_1276 = arith.index_cast %add3A_1275 : i32 to index
        %get3A_1277 = arith.constant 16 : index
        %get3A_1278 = tpu.vector_load %arg13[%get3A_1276, %get3A_1277] {strides = array<i32>} : memref<50x128xf32, #tpu.memory_space<vmem>>, vector<1x16xf32>,
        %get3A_1279 = vector.shape_cast %get3A_1278 : vector<1x16xf32> to vector<16xf32>
        %mul3A_1280 = arith.mulf %gather3A_1265, %get3A_1279 : vector<16xf32>
        %add3A_1281 = arith.addf %scan3A_1247, %mul3A_1280 : vector<16xf32>
        %add3A_1282 = arith.constant 16 : i32
        %add3A_1283 = arith.addi %add3A_1282, %scan3A_1245 : i32
        %get3A_1284 = arith.index_cast %add3A_1283 : i32 to index
        %get3A_1285 = arith.constant 32 : index
        %get3A_1286 = tpu.vector_load %arg13[%get3A_1284, %get3A_1285] {strides = array<i32>} : memref<50x128xf32, #tpu.memory_space<vmem>>, vector<1x16xf32>,
        %get3A_1287 = vector.shape_cast %get3A_1286 : vector<1x16xf32> to vector<16xf32>
        %mul3A_1288 = arith.mulf %gather3A_1265, %get3A_1287 : vector<16xf32>
        %add3A_1289 = arith.addf %scan3A_1248, %mul3A_1288 : vector<16xf32>
        %add3A_1290 = arith.constant 16 : i32
        %add3A_1291 = arith.addi %add3A_1290, %scan3A_1245 : i32
        %get3A_1292 = arith.index_cast %add3A_1291 : i32 to index
        %get3A_1293 = arith.constant 48 : index
        %get3A_1294 = tpu.vector_load %arg13[%get3A_1292, %get3A_1293] {strides = array<i32>} : memref<50x128xf32, #tpu.memory_space<vmem>>, vector<1x16xf32>,
        %get3A_1295 = vector.shape_cast %get3A_1294 : vector<1x16xf32> to vector<16xf32>
        %mul3A_1296 = arith.mulf %gather3A_1265, %get3A_1295 : vector<16xf32>
        %add3A_1297 = arith.addf %scan3A_1249, %mul3A_1296 : vector<16xf32>
        %add3A_1298 = arith.constant 16 : i32
        %add3A_1299 = arith.addi %add3A_1298, %scan3A_1245 : i32
        %get3A_1300 = arith.index_cast %add3A_1299 : i32 to index
        %get3A_1301 = arith.constant 64 : index
        %get3A_1302 = tpu.vector_load %arg13[%get3A_1300, %get3A_1301] {strides = array<i32>} : memref<50x128xf32, #tpu.memory_space<vmem>>, vector<1x16xf32>,
        %get3A_1303 = vector.shape_cast %get3A_1302 : vector<1x16xf32> to vector<16xf32>
        %mul3A_1304 = arith.mulf %gather3A_1265, %get3A_1303 : vector<16xf32>
        %add3A_1305 = arith.addf %scan3A_1250, %mul3A_1304 : vector<16xf32>
        %add3A_1306 = arith.constant 16 : i32
        %add3A_1307 = arith.addi %add3A_1306, %scan3A_1245 : i32
        %get3A_1308 = arith.index_cast %add3A_1307 : i32 to index
        %get3A_1309 = arith.constant 80 : index
        %get3A_1310 = tpu.vector_load %arg13[%get3A_1308, %get3A_1309] {strides = array<i32>} : memref<50x128xf32, #tpu.memory_space<vmem>>, vector<1x16xf32>,
        %get3A_1311 = vector.shape_cast %get3A_1310 : vector<1x16xf32> to vector<16xf32>
        %mul3A_1312 = arith.mulf %gather3A_1265, %get3A_1311 : vector<16xf32>
        %add3A_1313 = arith.addf %scan3A_1251, %mul3A_1312 : vector<16xf32>
        %add3A_1314 = arith.constant 16 : i32
        %add3A_1315 = arith.addi %add3A_1314, %scan3A_1245 : i32
        %get3A_1316 = arith.index_cast %add3A_1315 : i32 to index
        %get3A_1317 = arith.constant 96 : index
        %get3A_1318 = tpu.vector_load %arg13[%get3A_1316, %get3A_1317] {strides = array<i32>} : memref<50x128xf32, #tpu.memory_space<vmem>>, vector<1x16xf32>,
        %get3A_1319 = vector.shape_cast %get3A_1318 : vector<1x16xf32> to vector<16xf32>
        %mul3A_1320 = arith.mulf %gather3A_1265, %get3A_1319 : vector<16xf32>
        %add3A_1321 = arith.addf %scan3A_1252, %mul3A_1320 : vector<16xf32>
        %add3A_1322 = arith.constant 16 : i32
        %add3A_1323 = arith.addi %add3A_1322, %scan3A_1245 : i32
        %get3A_1324 = arith.index_cast %add3A_1323 : i32 to index
        %get3A_1325 = arith.constant 112 : index
        %get3A_1326 = tpu.vector_load %arg13[%get3A_1324, %get3A_1325] {strides = array<i32>} : memref<50x128xf32, #tpu.memory_space<vmem>>, vector<1x16xf32>,
        %get3A_1327 = vector.shape_cast %get3A_1326 : vector<1x16xf32> to vector<16xf32>
        %mul3A_1328 = arith.mulf %gather3A_1265, %get3A_1327 : vector<16xf32>
        %add3A_1329 = arith.addf %scan3A_1253, %mul3A_1328 : vector<16xf32>
        scf.yield %add3A_1273, %add3A_1281, %add3A_1289, %add3A_1297, %add3A_1305, %add3A_1313, %add3A_1321, %add3A_1329 : vector<16xf32>, vector<16xf32>, vector<16xf32>, vector<16xf32>, vector<16xf32>, vector<16xf32>, vector<16xf32>, vector<16xf32>
      }
      %scan3A_699 = arith.constant 16 : i32
      %mul3A_700 = arith.constant 64 : i32
      %mul3A_701 = arith.muli %add3A_651, %mul3A_700 : i32
      %add3A_702 = arith.constant 32 : i32
      %add3A_703 = arith.addi %mul3A_701, %add3A_702 : i32
      %get3A_704 = arith.index_cast %add3A_703 : i32 to index
      %get3A_705 = tpu.vector_load %arg8[%get3A_704] {strides = array<i32>} : memref<8192xf32, #tpu.memory_space<vmem>>, vector<16xf32>,
      %get3A_706 = vector.shape_cast %get3A_705 : vector<16xf32> to vector<16xf32>
      %scan3A_707 = arith.constant 0 : i32
      %scan3A_708 = arith.constant 16 : i32
      %scan3A_709 = arith.addi %scan3A_707, %scan3A_708 : i32
      %scan3A_710 = arith.constant 1 : i32
      %scan3A_711:8 = scf.for %scan3A_1245 = %scan3A_707 to %scan3A_709 step %scan3A_710 iter_args(%scan3A_1246 = %scan3A_698#0, %scan3A_1247 = %scan3A_698#1, %scan3A_1248 = %scan3A_698#2, %scan3A_1249 = %scan3A_698#3, %scan3A_1250 = %scan3A_698#4, %scan3A_1251 = %scan3A_698#5, %scan3A_1252 = %scan3A_698#6, %scan3A_1253 = %scan3A_698#7) -> (vector<16xf32>, vector<16xf32>, vector<16xf32>, vector<16xf32>, vector<16xf32>, vector<16xf32>, vector<16xf32>, vector<16xf32>)  : i32 {
        %broadcast_in_dim3A_1254 = arith.constant 0 : i32
        %broadcast_in_dim3A_1255 = vector.broadcast %broadcast_in_dim3A_1254 : i32 to vector<16xi32>
        %add3A_1256 = vector.broadcast %scan3A_1245 : i32 to vector<16xi32>
        %add3A_1257 = arith.addi %broadcast_in_dim3A_1255, %add3A_1256 : vector<16xi32>
        %lt3A_1258 = arith.constant 0 : i32
        %lt3A_1259 = vector.broadcast %lt3A_1258 : i32 to vector<16xi32>
        %lt3A_1260 = arith.cmpi slt, %add3A_1257, %lt3A_1259 : vector<16xi32>
        %add3A_1261 = arith.constant 16 : i32
        %add3A_1262 = vector.broadcast %add3A_1261 : i32 to vector<16xi32>
        %add3A_1263 = arith.addi %add3A_1257, %add3A_1262 : vector<16xi32>
        %select_n3A = arith.select %lt3A_1260, %add3A_1263, %add3A_1257 : vector<16xi1>, vector<16xi32>
        %broadcast_in_dim3A_1264 = vector.shape_cast %select_n3A : vector<16xi32> to vector<16x1xi32>
        %gather3A = vector.shape_cast %broadcast_in_dim3A_1264 : vector<16x1xi32> to vector<16xi32>
        %gather3A_1265 = tpu.dynamic_gather %get3A_706[%gather3A] in [0] : vector<16xf32>, vector<16xi32> -> vector<16xf32>
        %add3A_1266 = arith.constant 32 : i32
        %add3A_1267 = arith.addi %add3A_1266, %scan3A_1245 : i32
        %get3A_1268 = arith.index_cast %add3A_1267 : i32 to index
        %get3A_1269 = arith.constant 0 : index
        %get3A_1270 = tpu.vector_load %arg13[%get3A_1268, %get3A_1269] {strides = array<i32>} : memref<50x128xf32, #tpu.memory_space<vmem>>, vector<1x16xf32>,
        %get3A_1271 = vector.shape_cast %get3A_1270 : vector<1x16xf32> to vector<16xf32>
        %mul3A_1272 = arith.mulf %gather3A_1265, %get3A_1271 : vector<16xf32>
        %add3A_1273 = arith.addf %scan3A_1246, %mul3A_1272 : vector<16xf32>
        %add3A_1274 = arith.constant 32 : i32
        %add3A_1275 = arith.addi %add3A_1274, %scan3A_1245 : i32
        %get3A_1276 = arith.index_cast %add3A_1275 : i32 to index
        %get3A_1277 = arith.constant 16 : index
        %get3A_1278 = tpu.vector_load %arg13[%get3A_1276, %get3A_1277] {strides = array<i32>} : memref<50x128xf32, #tpu.memory_space<vmem>>, vector<1x16xf32>,
        %get3A_1279 = vector.shape_cast %get3A_1278 : vector<1x16xf32> to vector<16xf32>
        %mul3A_1280 = arith.mulf %gather3A_1265, %get3A_1279 : vector<16xf32>
        %add3A_1281 = arith.addf %scan3A_1247, %mul3A_1280 : vector<16xf32>
        %add3A_1282 = arith.constant 32 : i32
        %add3A_1283 = arith.addi %add3A_1282, %scan3A_1245 : i32
        %get3A_1284 = arith.index_cast %add3A_1283 : i32 to index
        %get3A_1285 = arith.constant 32 : index
        %get3A_1286 = tpu.vector_load %arg13[%get3A_1284, %get3A_1285] {strides = array<i32>} : memref<50x128xf32, #tpu.memory_space<vmem>>, vector<1x16xf32>,
        %get3A_1287 = vector.shape_cast %get3A_1286 : vector<1x16xf32> to vector<16xf32>
        %mul3A_1288 = arith.mulf %gather3A_1265, %get3A_1287 : vector<16xf32>
        %add3A_1289 = arith.addf %scan3A_1248, %mul3A_1288 : vector<16xf32>
        %add3A_1290 = arith.constant 32 : i32
        %add3A_1291 = arith.addi %add3A_1290, %scan3A_1245 : i32
        %get3A_1292 = arith.index_cast %add3A_1291 : i32 to index
        %get3A_1293 = arith.constant 48 : index
        %get3A_1294 = tpu.vector_load %arg13[%get3A_1292, %get3A_1293] {strides = array<i32>} : memref<50x128xf32, #tpu.memory_space<vmem>>, vector<1x16xf32>,
        %get3A_1295 = vector.shape_cast %get3A_1294 : vector<1x16xf32> to vector<16xf32>
        %mul3A_1296 = arith.mulf %gather3A_1265, %get3A_1295 : vector<16xf32>
        %add3A_1297 = arith.addf %scan3A_1249, %mul3A_1296 : vector<16xf32>
        %add3A_1298 = arith.constant 32 : i32
        %add3A_1299 = arith.addi %add3A_1298, %scan3A_1245 : i32
        %get3A_1300 = arith.index_cast %add3A_1299 : i32 to index
        %get3A_1301 = arith.constant 64 : index
        %get3A_1302 = tpu.vector_load %arg13[%get3A_1300, %get3A_1301] {strides = array<i32>} : memref<50x128xf32, #tpu.memory_space<vmem>>, vector<1x16xf32>,
        %get3A_1303 = vector.shape_cast %get3A_1302 : vector<1x16xf32> to vector<16xf32>
        %mul3A_1304 = arith.mulf %gather3A_1265, %get3A_1303 : vector<16xf32>
        %add3A_1305 = arith.addf %scan3A_1250, %mul3A_1304 : vector<16xf32>
        %add3A_1306 = arith.constant 32 : i32
        %add3A_1307 = arith.addi %add3A_1306, %scan3A_1245 : i32
        %get3A_1308 = arith.index_cast %add3A_1307 : i32 to index
        %get3A_1309 = arith.constant 80 : index
        %get3A_1310 = tpu.vector_load %arg13[%get3A_1308, %get3A_1309] {strides = array<i32>} : memref<50x128xf32, #tpu.memory_space<vmem>>, vector<1x16xf32>,
        %get3A_1311 = vector.shape_cast %get3A_1310 : vector<1x16xf32> to vector<16xf32>
        %mul3A_1312 = arith.mulf %gather3A_1265, %get3A_1311 : vector<16xf32>
        %add3A_1313 = arith.addf %scan3A_1251, %mul3A_1312 : vector<16xf32>
        %add3A_1314 = arith.constant 32 : i32
        %add3A_1315 = arith.addi %add3A_1314, %scan3A_1245 : i32
        %get3A_1316 = arith.index_cast %add3A_1315 : i32 to index
        %get3A_1317 = arith.constant 96 : index
        %get3A_1318 = tpu.vector_load %arg13[%get3A_1316, %get3A_1317] {strides = array<i32>} : memref<50x128xf32, #tpu.memory_space<vmem>>, vector<1x16xf32>,
        %get3A_1319 = vector.shape_cast %get3A_1318 : vector<1x16xf32> to vector<16xf32>
        %mul3A_1320 = arith.mulf %gather3A_1265, %get3A_1319 : vector<16xf32>
        %add3A_1321 = arith.addf %scan3A_1252, %mul3A_1320 : vector<16xf32>
        %add3A_1322 = arith.constant 32 : i32
        %add3A_1323 = arith.addi %add3A_1322, %scan3A_1245 : i32
        %get3A_1324 = arith.index_cast %add3A_1323 : i32 to index
        %get3A_1325 = arith.constant 112 : index
        %get3A_1326 = tpu.vector_load %arg13[%get3A_1324, %get3A_1325] {strides = array<i32>} : memref<50x128xf32, #tpu.memory_space<vmem>>, vector<1x16xf32>,
        %get3A_1327 = vector.shape_cast %get3A_1326 : vector<1x16xf32> to vector<16xf32>
        %mul3A_1328 = arith.mulf %gather3A_1265, %get3A_1327 : vector<16xf32>
        %add3A_1329 = arith.addf %scan3A_1253, %mul3A_1328 : vector<16xf32>
        scf.yield %add3A_1273, %add3A_1281, %add3A_1289, %add3A_1297, %add3A_1305, %add3A_1313, %add3A_1321, %add3A_1329 : vector<16xf32>, vector<16xf32>, vector<16xf32>, vector<16xf32>, vector<16xf32>, vector<16xf32>, vector<16xf32>, vector<16xf32>
      }
      %scan3A_712 = arith.constant 16 : i32
      %mul3A_713 = arith.constant 64 : i32
      %mul3A_714 = arith.muli %add3A_651, %mul3A_713 : i32
      %add3A_715 = arith.constant 48 : i32
      %add3A_716 = arith.addi %mul3A_714, %add3A_715 : i32
      %get3A_717 = arith.index_cast %add3A_716 : i32 to index
      %get3A_718 = tpu.vector_load %arg8[%get3A_717] {strides = array<i32>} : memref<8192xf32, #tpu.memory_space<vmem>>, vector<16xf32>,
      %get3A_719 = vector.shape_cast %get3A_718 : vector<16xf32> to vector<16xf32>
      %scan3A_720 = arith.constant 0 : i32
      %scan3A_721 = arith.constant 2 : i32
      %scan3A_722 = arith.addi %scan3A_720, %scan3A_721 : i32
      %scan3A_723 = arith.constant 1 : i32
      %scan3A_724:8 = scf.for %scan3A_1245 = %scan3A_720 to %scan3A_722 step %scan3A_723 iter_args(%scan3A_1246 = %scan3A_711#0, %scan3A_1247 = %scan3A_711#1, %scan3A_1248 = %scan3A_711#2, %scan3A_1249 = %scan3A_711#3, %scan3A_1250 = %scan3A_711#4, %scan3A_1251 = %scan3A_711#5, %scan3A_1252 = %scan3A_711#6, %scan3A_1253 = %scan3A_711#7) -> (vector<16xf32>, vector<16xf32>, vector<16xf32>, vector<16xf32>, vector<16xf32>, vector<16xf32>, vector<16xf32>, vector<16xf32>)  : i32 {
        %broadcast_in_dim3A_1254 = arith.constant 0 : i32
        %broadcast_in_dim3A_1255 = vector.broadcast %broadcast_in_dim3A_1254 : i32 to vector<16xi32>
        %add3A_1256 = vector.broadcast %scan3A_1245 : i32 to vector<16xi32>
        %add3A_1257 = arith.addi %broadcast_in_dim3A_1255, %add3A_1256 : vector<16xi32>
        %lt3A_1258 = arith.constant 0 : i32
        %lt3A_1259 = vector.broadcast %lt3A_1258 : i32 to vector<16xi32>
        %lt3A_1260 = arith.cmpi slt, %add3A_1257, %lt3A_1259 : vector<16xi32>
        %add3A_1261 = arith.constant 16 : i32
        %add3A_1262 = vector.broadcast %add3A_1261 : i32 to vector<16xi32>
        %add3A_1263 = arith.addi %add3A_1257, %add3A_1262 : vector<16xi32>
        %select_n3A = arith.select %lt3A_1260, %add3A_1263, %add3A_1257 : vector<16xi1>, vector<16xi32>
        %broadcast_in_dim3A_1264 = vector.shape_cast %select_n3A : vector<16xi32> to vector<16x1xi32>
        %gather3A = vector.shape_cast %broadcast_in_dim3A_1264 : vector<16x1xi32> to vector<16xi32>
        %gather3A_1265 = tpu.dynamic_gather %get3A_719[%gather3A] in [0] : vector<16xf32>, vector<16xi32> -> vector<16xf32>
        %add3A_1266 = arith.constant 48 : i32
        %add3A_1267 = arith.addi %add3A_1266, %scan3A_1245 : i32
        %get3A_1268 = arith.index_cast %add3A_1267 : i32 to index
        %get3A_1269 = arith.constant 0 : index
        %get3A_1270 = tpu.vector_load %arg13[%get3A_1268, %get3A_1269] {strides = array<i32>} : memref<50x128xf32, #tpu.memory_space<vmem>>, vector<1x16xf32>,
        %get3A_1271 = vector.shape_cast %get3A_1270 : vector<1x16xf32> to vector<16xf32>
        %mul3A_1272 = arith.mulf %gather3A_1265, %get3A_1271 : vector<16xf32>
        %add3A_1273 = arith.addf %scan3A_1246, %mul3A_1272 : vector<16xf32>
        %add3A_1274 = arith.constant 48 : i32
        %add3A_1275 = arith.addi %add3A_1274, %scan3A_1245 : i32
        %get3A_1276 = arith.index_cast %add3A_1275 : i32 to index
        %get3A_1277 = arith.constant 16 : index
        %get3A_1278 = tpu.vector_load %arg13[%get3A_1276, %get3A_1277] {strides = array<i32>} : memref<50x128xf32, #tpu.memory_space<vmem>>, vector<1x16xf32>,
        %get3A_1279 = vector.shape_cast %get3A_1278 : vector<1x16xf32> to vector<16xf32>
        %mul3A_1280 = arith.mulf %gather3A_1265, %get3A_1279 : vector<16xf32>
        %add3A_1281 = arith.addf %scan3A_1247, %mul3A_1280 : vector<16xf32>
        %add3A_1282 = arith.constant 48 : i32
        %add3A_1283 = arith.addi %add3A_1282, %scan3A_1245 : i32
        %get3A_1284 = arith.index_cast %add3A_1283 : i32 to index
        %get3A_1285 = arith.constant 32 : index
        %get3A_1286 = tpu.vector_load %arg13[%get3A_1284, %get3A_1285] {strides = array<i32>} : memref<50x128xf32, #tpu.memory_space<vmem>>, vector<1x16xf32>,
        %get3A_1287 = vector.shape_cast %get3A_1286 : vector<1x16xf32> to vector<16xf32>
        %mul3A_1288 = arith.mulf %gather3A_1265, %get3A_1287 : vector<16xf32>
        %add3A_1289 = arith.addf %scan3A_1248, %mul3A_1288 : vector<16xf32>
        %add3A_1290 = arith.constant 48 : i32
        %add3A_1291 = arith.addi %add3A_1290, %scan3A_1245 : i32
        %get3A_1292 = arith.index_cast %add3A_1291 : i32 to index
        %get3A_1293 = arith.constant 48 : index
        %get3A_1294 = tpu.vector_load %arg13[%get3A_1292, %get3A_1293] {strides = array<i32>} : memref<50x128xf32, #tpu.memory_space<vmem>>, vector<1x16xf32>,
        %get3A_1295 = vector.shape_cast %get3A_1294 : vector<1x16xf32> to vector<16xf32>
        %mul3A_1296 = arith.mulf %gather3A_1265, %get3A_1295 : vector<16xf32>
        %add3A_1297 = arith.addf %scan3A_1249, %mul3A_1296 : vector<16xf32>
        %add3A_1298 = arith.constant 48 : i32
        %add3A_1299 = arith.addi %add3A_1298, %scan3A_1245 : i32
        %get3A_1300 = arith.index_cast %add3A_1299 : i32 to index
        %get3A_1301 = arith.constant 64 : index
        %get3A_1302 = tpu.vector_load %arg13[%get3A_1300, %get3A_1301] {strides = array<i32>} : memref<50x128xf32, #tpu.memory_space<vmem>>, vector<1x16xf32>,
        %get3A_1303 = vector.shape_cast %get3A_1302 : vector<1x16xf32> to vector<16xf32>
        %mul3A_1304 = arith.mulf %gather3A_1265, %get3A_1303 : vector<16xf32>
        %add3A_1305 = arith.addf %scan3A_1250, %mul3A_1304 : vector<16xf32>
        %add3A_1306 = arith.constant 48 : i32
        %add3A_1307 = arith.addi %add3A_1306, %scan3A_1245 : i32
        %get3A_1308 = arith.index_cast %add3A_1307 : i32 to index
        %get3A_1309 = arith.constant 80 : index
        %get3A_1310 = tpu.vector_load %arg13[%get3A_1308, %get3A_1309] {strides = array<i32>} : memref<50x128xf32, #tpu.memory_space<vmem>>, vector<1x16xf32>,
        %get3A_1311 = vector.shape_cast %get3A_1310 : vector<1x16xf32> to vector<16xf32>
        %mul3A_1312 = arith.mulf %gather3A_1265, %get3A_1311 : vector<16xf32>
        %add3A_1313 = arith.addf %scan3A_1251, %mul3A_1312 : vector<16xf32>
        %add3A_1314 = arith.constant 48 : i32
        %add3A_1315 = arith.addi %add3A_1314, %scan3A_1245 : i32
        %get3A_1316 = arith.index_cast %add3A_1315 : i32 to index
        %get3A_1317 = arith.constant 96 : index
        %get3A_1318 = tpu.vector_load %arg13[%get3A_1316, %get3A_1317] {strides = array<i32>} : memref<50x128xf32, #tpu.memory_space<vmem>>, vector<1x16xf32>,
        %get3A_1319 = vector.shape_cast %get3A_1318 : vector<1x16xf32> to vector<16xf32>
        %mul3A_1320 = arith.mulf %gather3A_1265, %get3A_1319 : vector<16xf32>
        %add3A_1321 = arith.addf %scan3A_1252, %mul3A_1320 : vector<16xf32>
        %add3A_1322 = arith.constant 48 : i32
        %add3A_1323 = arith.addi %add3A_1322, %scan3A_1245 : i32
        %get3A_1324 = arith.index_cast %add3A_1323 : i32 to index
        %get3A_1325 = arith.constant 112 : index
        %get3A_1326 = tpu.vector_load %arg13[%get3A_1324, %get3A_1325] {strides = array<i32>} : memref<50x128xf32, #tpu.memory_space<vmem>>, vector<1x16xf32>,
        %get3A_1327 = vector.shape_cast %get3A_1326 : vector<1x16xf32> to vector<16xf32>
        %mul3A_1328 = arith.mulf %gather3A_1265, %get3A_1327 : vector<16xf32>
        %add3A_1329 = arith.addf %scan3A_1253, %mul3A_1328 : vector<16xf32>
        scf.yield %add3A_1273, %add3A_1281, %add3A_1289, %add3A_1297, %add3A_1305, %add3A_1313, %add3A_1321, %add3A_1329 : vector<16xf32>, vector<16xf32>, vector<16xf32>, vector<16xf32>, vector<16xf32>, vector<16xf32>, vector<16xf32>, vector<16xf32>
      }
      %scan3A_725 = arith.constant 2 : i32
      %add3A_726 = arith.constant 1 : i32
      %add3A_727 = arith.addi %scan3A_57, %add3A_726 : i32
      %lt3A_728 = arith.constant 16 : i32
      %lt3A_729 = arith.cmpi slt, %add3A_727, %lt3A_728 : i32
      %convert_element_type3A_730 = arith.extui %lt3A_729 : i1 to i32
      %cond3A_731 = arith.constant 0 : i32
      %cond3A_732 = arith.cmpi ne, %convert_element_type3A_730, %cond3A_731 : i32
      scf.if %cond3A_732 {
        %add3A_1245 = arith.constant 8 : i32
        %add3A_1246 = arith.addi %add3A_651, %add3A_1245 : i32
        %mul3A_1247 = arith.constant 64 : i32
        %mul3A_1248 = arith.muli %add3A_1246, %mul3A_1247 : i32
        %dma_start3A_1249 = tpu.memref_slice %arg6[%mul3A_1248] : memref<8192xi32, #tpu.memory_space<vmem>> -> memref<50xi32, #tpu.memory_space<vmem>>
        %dma_start3A_1250 = arith.constant 0 : i32
        %dma_start3A_1251 = arith.constant 0 : i32
        %dma_start3A_1252 = tpu.memref_slice %arg4[%dma_start3A_1250, %dma_start3A_1251] : memref<100000x128xf32, #tpu.memory_space<hbm>> -> memref<100000x128xf32, #tpu.memory_space<hbm>>
        tpu.enqueue_indirect_dma source(%dma_start3A_1252 : memref<100000x128xf32, #tpu.memory_space<hbm>>) target(%arg13 : memref<50x128xf32, #tpu.memory_space<vmem>>) offsets(%dma_start3A_1249 : memref<50xi32, #tpu.memory_space<vmem>>) semaphore(%arg22 : memref<!tpu.dma_semaphore, #tpu.memory_space<semaphore_mem>>)
      } else {
      }
      %mul3A_733 = arith.constant 128 : i32
      %mul3A_734 = arith.muli %add3A_651, %mul3A_733 : i32
      %add3A_735 = arith.constant 0 : i32
      %add3A_736 = arith.addi %mul3A_734, %add3A_735 : i32
      %swap3A_737 = arith.index_cast %add3A_736 : i32 to index
      %swap3A_738 = tpu.vector_load %arg17[%swap3A_737] {strides = array<i32>} : memref<16384xf32, #tpu.memory_space<vmem>>, vector<16xf32>,
      %swap3A_739 = vector.shape_cast %swap3A_738 : vector<16xf32> to vector<16xf32>
      %swap3A_740 = vector.shape_cast %scan3A_724#0 : vector<16xf32> to vector<16xf32>
      tpu.vector_store %arg17[%swap3A_737], %swap3A_740 {strides = array<i32>} : memref<16384xf32, #tpu.memory_space<vmem>>, vector<16xf32>,
      %mul3A_741 = arith.constant 128 : i32
      %mul3A_742 = arith.muli %add3A_651, %mul3A_741 : i32
      %add3A_743 = arith.constant 16 : i32
      %add3A_744 = arith.addi %mul3A_742, %add3A_743 : i32
      %swap3A_745 = arith.index_cast %add3A_744 : i32 to index
      %swap3A_746 = tpu.vector_load %arg17[%swap3A_745] {strides = array<i32>} : memref<16384xf32, #tpu.memory_space<vmem>>, vector<16xf32>,
      %swap3A_747 = vector.shape_cast %swap3A_746 : vector<16xf32> to vector<16xf32>
      %swap3A_748 = vector.shape_cast %scan3A_724#1 : vector<16xf32> to vector<16xf32>
      tpu.vector_store %arg17[%swap3A_745], %swap3A_748 {strides = array<i32>} : memref<16384xf32, #tpu.memory_space<vmem>>, vector<16xf32>,
      %mul3A_749 = arith.constant 128 : i32
      %mul3A_750 = arith.muli %add3A_651, %mul3A_749 : i32
      %add3A_751 = arith.constant 32 : i32
      %add3A_752 = arith.addi %mul3A_750, %add3A_751 : i32
      %swap3A_753 = arith.index_cast %add3A_752 : i32 to index
      %swap3A_754 = tpu.vector_load %arg17[%swap3A_753] {strides = array<i32>} : memref<16384xf32, #tpu.memory_space<vmem>>, vector<16xf32>,
      %swap3A_755 = vector.shape_cast %swap3A_754 : vector<16xf32> to vector<16xf32>
      %swap3A_756 = vector.shape_cast %scan3A_724#2 : vector<16xf32> to vector<16xf32>
      tpu.vector_store %arg17[%swap3A_753], %swap3A_756 {strides = array<i32>} : memref<16384xf32, #tpu.memory_space<vmem>>, vector<16xf32>,
      %mul3A_757 = arith.constant 128 : i32
      %mul3A_758 = arith.muli %add3A_651, %mul3A_757 : i32
      %add3A_759 = arith.constant 48 : i32
      %add3A_760 = arith.addi %mul3A_758, %add3A_759 : i32
      %swap3A_761 = arith.index_cast %add3A_760 : i32 to index
      %swap3A_762 = tpu.vector_load %arg17[%swap3A_761] {strides = array<i32>} : memref<16384xf32, #tpu.memory_space<vmem>>, vector<16xf32>,
      %swap3A_763 = vector.shape_cast %swap3A_762 : vector<16xf32> to vector<16xf32>
      %swap3A_764 = vector.shape_cast %scan3A_724#3 : vector<16xf32> to vector<16xf32>
      tpu.vector_store %arg17[%swap3A_761], %swap3A_764 {strides = array<i32>} : memref<16384xf32, #tpu.memory_space<vmem>>, vector<16xf32>,
      %mul3A_765 = arith.constant 128 : i32
      %mul3A_766 = arith.muli %add3A_651, %mul3A_765 : i32
      %add3A_767 = arith.constant 64 : i32
      %add3A_768 = arith.addi %mul3A_766, %add3A_767 : i32
      %swap3A_769 = arith.index_cast %add3A_768 : i32 to index
      %swap3A_770 = tpu.vector_load %arg17[%swap3A_769] {strides = array<i32>} : memref<16384xf32, #tpu.memory_space<vmem>>, vector<16xf32>,
      %swap3A_771 = vector.shape_cast %swap3A_770 : vector<16xf32> to vector<16xf32>
      %swap3A_772 = vector.shape_cast %scan3A_724#4 : vector<16xf32> to vector<16xf32>
      tpu.vector_store %arg17[%swap3A_769], %swap3A_772 {strides = array<i32>} : memref<16384xf32, #tpu.memory_space<vmem>>, vector<16xf32>,
      %mul3A_773 = arith.constant 128 : i32
      %mul3A_774 = arith.muli %add3A_651, %mul3A_773 : i32
      %add3A_775 = arith.constant 80 : i32
      %add3A_776 = arith.addi %mul3A_774, %add3A_775 : i32
      %swap3A_777 = arith.index_cast %add3A_776 : i32 to index
      %swap3A_778 = tpu.vector_load %arg17[%swap3A_777] {strides = array<i32>} : memref<16384xf32, #tpu.memory_space<vmem>>, vector<16xf32>,
      %swap3A_779 = vector.shape_cast %swap3A_778 : vector<16xf32> to vector<16xf32>
      %swap3A_780 = vector.shape_cast %scan3A_724#5 : vector<16xf32> to vector<16xf32>
      tpu.vector_store %arg17[%swap3A_777], %swap3A_780 {strides = array<i32>} : memref<16384xf32, #tpu.memory_space<vmem>>, vector<16xf32>,
      %mul3A_781 = arith.constant 128 : i32
      %mul3A_782 = arith.muli %add3A_651, %mul3A_781 : i32
      %add3A_783 = arith.constant 96 : i32
      %add3A_784 = arith.addi %mul3A_782, %add3A_783 : i32
      %swap3A_785 = arith.index_cast %add3A_784 : i32 to index
      %swap3A_786 = tpu.vector_load %arg17[%swap3A_785] {strides = array<i32>} : memref<16384xf32, #tpu.memory_space<vmem>>, vector<16xf32>,
      %swap3A_787 = vector.shape_cast %swap3A_786 : vector<16xf32> to vector<16xf32>
      %swap3A_788 = vector.shape_cast %scan3A_724#6 : vector<16xf32> to vector<16xf32>
      tpu.vector_store %arg17[%swap3A_785], %swap3A_788 {strides = array<i32>} : memref<16384xf32, #tpu.memory_space<vmem>>, vector<16xf32>,
      %mul3A_789 = arith.constant 128 : i32
      %mul3A_790 = arith.muli %add3A_651, %mul3A_789 : i32
      %add3A_791 = arith.constant 112 : i32
      %add3A_792 = arith.addi %mul3A_790, %add3A_791 : i32
      %swap3A_793 = arith.index_cast %add3A_792 : i32 to index
      %swap3A_794 = tpu.vector_load %arg17[%swap3A_793] {strides = array<i32>} : memref<16384xf32, #tpu.memory_space<vmem>>, vector<16xf32>,
      %swap3A_795 = vector.shape_cast %swap3A_794 : vector<16xf32> to vector<16xf32>
      %swap3A_796 = vector.shape_cast %scan3A_724#7 : vector<16xf32> to vector<16xf32>
      tpu.vector_store %arg17[%swap3A_793], %swap3A_796 {strides = array<i32>} : memref<16384xf32, #tpu.memory_space<vmem>>, vector<16xf32>,
      %mul3A_797 = arith.constant 8 : i32
      %mul3A_798 = arith.muli %scan3A_57, %mul3A_797 : i32
      %add3A_799 = arith.constant 5 : i32
      %add3A_800 = arith.addi %mul3A_798, %add3A_799 : i32
      %mul3A_801 = arith.constant 64 : i32
      %mul3A_802 = arith.muli %add3A_800, %mul3A_801 : i32
      %dma_wait3A_803 = tpu.memref_slice %arg6[%mul3A_802] : memref<8192xi32, #tpu.memory_space<vmem>> -> memref<50xi32, #tpu.memory_space<vmem>>
      %dma_wait3A_804 = arith.constant 0 : i32
      %dma_wait3A_805 = arith.constant 0 : i32
      %dma_wait3A_806 = tpu.memref_slice %arg4[%dma_wait3A_804, %dma_wait3A_805] : memref<100000x128xf32, #tpu.memory_space<hbm>> -> memref<100000x128xf32, #tpu.memory_space<hbm>>
      tpu.wait_indirect_dma semaphore(%arg23 : memref<!tpu.dma_semaphore, #tpu.memory_space<semaphore_mem>>) src(%dma_wait3A_806 : memref<100000x128xf32, #tpu.memory_space<hbm>>) dst(%arg14 : memref<50x128xf32, #tpu.memory_space<vmem>>)
      %broadcast_in_dim3A_807 = arith.constant 0.000000e+00 : f32
      %broadcast_in_dim3A_808 = vector.broadcast %broadcast_in_dim3A_807 : f32 to vector<16xf32>
      %broadcast_in_dim3A_809 = arith.constant 0.000000e+00 : f32
      %broadcast_in_dim3A_810 = vector.broadcast %broadcast_in_dim3A_809 : f32 to vector<16xf32>
      %broadcast_in_dim3A_811 = arith.constant 0.000000e+00 : f32
      %broadcast_in_dim3A_812 = vector.broadcast %broadcast_in_dim3A_811 : f32 to vector<16xf32>
      %broadcast_in_dim3A_813 = arith.constant 0.000000e+00 : f32
      %broadcast_in_dim3A_814 = vector.broadcast %broadcast_in_dim3A_813 : f32 to vector<16xf32>
      %broadcast_in_dim3A_815 = arith.constant 0.000000e+00 : f32
      %broadcast_in_dim3A_816 = vector.broadcast %broadcast_in_dim3A_815 : f32 to vector<16xf32>
      %broadcast_in_dim3A_817 = arith.constant 0.000000e+00 : f32
      %broadcast_in_dim3A_818 = vector.broadcast %broadcast_in_dim3A_817 : f32 to vector<16xf32>
      %broadcast_in_dim3A_819 = arith.constant 0.000000e+00 : f32
      %broadcast_in_dim3A_820 = vector.broadcast %broadcast_in_dim3A_819 : f32 to vector<16xf32>
      %broadcast_in_dim3A_821 = arith.constant 0.000000e+00 : f32
      %broadcast_in_dim3A_822 = vector.broadcast %broadcast_in_dim3A_821 : f32 to vector<16xf32>
      %mul3A_823 = arith.constant 64 : i32
      %mul3A_824 = arith.muli %add3A_800, %mul3A_823 : i32
      %add3A_825 = arith.constant 0 : i32
      %add3A_826 = arith.addi %mul3A_824, %add3A_825 : i32
      %get3A_827 = arith.index_cast %add3A_826 : i32 to index
      %get3A_828 = tpu.vector_load %arg8[%get3A_827] {strides = array<i32>} : memref<8192xf32, #tpu.memory_space<vmem>>, vector<16xf32>,
      %get3A_829 = vector.shape_cast %get3A_828 : vector<16xf32> to vector<16xf32>
      %scan3A_830 = arith.constant 0 : i32
      %scan3A_831 = arith.constant 16 : i32
      %scan3A_832 = arith.addi %scan3A_830, %scan3A_831 : i32
      %scan3A_833 = arith.constant 1 : i32
      %scan3A_834:8 = scf.for %scan3A_1245 = %scan3A_830 to %scan3A_832 step %scan3A_833 iter_args(%scan3A_1246 = %broadcast_in_dim3A_808, %scan3A_1247 = %broadcast_in_dim3A_810, %scan3A_1248 = %broadcast_in_dim3A_812, %scan3A_1249 = %broadcast_in_dim3A_814, %scan3A_1250 = %broadcast_in_dim3A_816, %scan3A_1251 = %broadcast_in_dim3A_818, %scan3A_1252 = %broadcast_in_dim3A_820, %scan3A_1253 = %broadcast_in_dim3A_822) -> (vector<16xf32>, vector<16xf32>, vector<16xf32>, vector<16xf32>, vector<16xf32>, vector<16xf32>, vector<16xf32>, vector<16xf32>)  : i32 {
        %broadcast_in_dim3A_1254 = arith.constant 0 : i32
        %broadcast_in_dim3A_1255 = vector.broadcast %broadcast_in_dim3A_1254 : i32 to vector<16xi32>
        %add3A_1256 = vector.broadcast %scan3A_1245 : i32 to vector<16xi32>
        %add3A_1257 = arith.addi %broadcast_in_dim3A_1255, %add3A_1256 : vector<16xi32>
        %lt3A_1258 = arith.constant 0 : i32
        %lt3A_1259 = vector.broadcast %lt3A_1258 : i32 to vector<16xi32>
        %lt3A_1260 = arith.cmpi slt, %add3A_1257, %lt3A_1259 : vector<16xi32>
        %add3A_1261 = arith.constant 16 : i32
        %add3A_1262 = vector.broadcast %add3A_1261 : i32 to vector<16xi32>
        %add3A_1263 = arith.addi %add3A_1257, %add3A_1262 : vector<16xi32>
        %select_n3A = arith.select %lt3A_1260, %add3A_1263, %add3A_1257 : vector<16xi1>, vector<16xi32>
        %broadcast_in_dim3A_1264 = vector.shape_cast %select_n3A : vector<16xi32> to vector<16x1xi32>
        %gather3A = vector.shape_cast %broadcast_in_dim3A_1264 : vector<16x1xi32> to vector<16xi32>
        %gather3A_1265 = tpu.dynamic_gather %get3A_829[%gather3A] in [0] : vector<16xf32>, vector<16xi32> -> vector<16xf32>
        %add3A_1266 = arith.constant 0 : i32
        %add3A_1267 = arith.addi %add3A_1266, %scan3A_1245 : i32
        %get3A_1268 = arith.index_cast %add3A_1267 : i32 to index
        %get3A_1269 = arith.constant 0 : index
        %get3A_1270 = tpu.vector_load %arg14[%get3A_1268, %get3A_1269] {strides = array<i32>} : memref<50x128xf32, #tpu.memory_space<vmem>>, vector<1x16xf32>,
        %get3A_1271 = vector.shape_cast %get3A_1270 : vector<1x16xf32> to vector<16xf32>
        %mul3A_1272 = arith.mulf %gather3A_1265, %get3A_1271 : vector<16xf32>
        %add3A_1273 = arith.addf %scan3A_1246, %mul3A_1272 : vector<16xf32>
        %add3A_1274 = arith.constant 0 : i32
        %add3A_1275 = arith.addi %add3A_1274, %scan3A_1245 : i32
        %get3A_1276 = arith.index_cast %add3A_1275 : i32 to index
        %get3A_1277 = arith.constant 16 : index
        %get3A_1278 = tpu.vector_load %arg14[%get3A_1276, %get3A_1277] {strides = array<i32>} : memref<50x128xf32, #tpu.memory_space<vmem>>, vector<1x16xf32>,
        %get3A_1279 = vector.shape_cast %get3A_1278 : vector<1x16xf32> to vector<16xf32>
        %mul3A_1280 = arith.mulf %gather3A_1265, %get3A_1279 : vector<16xf32>
        %add3A_1281 = arith.addf %scan3A_1247, %mul3A_1280 : vector<16xf32>
        %add3A_1282 = arith.constant 0 : i32
        %add3A_1283 = arith.addi %add3A_1282, %scan3A_1245 : i32
        %get3A_1284 = arith.index_cast %add3A_1283 : i32 to index
        %get3A_1285 = arith.constant 32 : index
        %get3A_1286 = tpu.vector_load %arg14[%get3A_1284, %get3A_1285] {strides = array<i32>} : memref<50x128xf32, #tpu.memory_space<vmem>>, vector<1x16xf32>,
        %get3A_1287 = vector.shape_cast %get3A_1286 : vector<1x16xf32> to vector<16xf32>
        %mul3A_1288 = arith.mulf %gather3A_1265, %get3A_1287 : vector<16xf32>
        %add3A_1289 = arith.addf %scan3A_1248, %mul3A_1288 : vector<16xf32>
        %add3A_1290 = arith.constant 0 : i32
        %add3A_1291 = arith.addi %add3A_1290, %scan3A_1245 : i32
        %get3A_1292 = arith.index_cast %add3A_1291 : i32 to index
        %get3A_1293 = arith.constant 48 : index
        %get3A_1294 = tpu.vector_load %arg14[%get3A_1292, %get3A_1293] {strides = array<i32>} : memref<50x128xf32, #tpu.memory_space<vmem>>, vector<1x16xf32>,
        %get3A_1295 = vector.shape_cast %get3A_1294 : vector<1x16xf32> to vector<16xf32>
        %mul3A_1296 = arith.mulf %gather3A_1265, %get3A_1295 : vector<16xf32>
        %add3A_1297 = arith.addf %scan3A_1249, %mul3A_1296 : vector<16xf32>
        %add3A_1298 = arith.constant 0 : i32
        %add3A_1299 = arith.addi %add3A_1298, %scan3A_1245 : i32
        %get3A_1300 = arith.index_cast %add3A_1299 : i32 to index
        %get3A_1301 = arith.constant 64 : index
        %get3A_1302 = tpu.vector_load %arg14[%get3A_1300, %get3A_1301] {strides = array<i32>} : memref<50x128xf32, #tpu.memory_space<vmem>>, vector<1x16xf32>,
        %get3A_1303 = vector.shape_cast %get3A_1302 : vector<1x16xf32> to vector<16xf32>
        %mul3A_1304 = arith.mulf %gather3A_1265, %get3A_1303 : vector<16xf32>
        %add3A_1305 = arith.addf %scan3A_1250, %mul3A_1304 : vector<16xf32>
        %add3A_1306 = arith.constant 0 : i32
        %add3A_1307 = arith.addi %add3A_1306, %scan3A_1245 : i32
        %get3A_1308 = arith.index_cast %add3A_1307 : i32 to index
        %get3A_1309 = arith.constant 80 : index
        %get3A_1310 = tpu.vector_load %arg14[%get3A_1308, %get3A_1309] {strides = array<i32>} : memref<50x128xf32, #tpu.memory_space<vmem>>, vector<1x16xf32>,
        %get3A_1311 = vector.shape_cast %get3A_1310 : vector<1x16xf32> to vector<16xf32>
        %mul3A_1312 = arith.mulf %gather3A_1265, %get3A_1311 : vector<16xf32>
        %add3A_1313 = arith.addf %scan3A_1251, %mul3A_1312 : vector<16xf32>
        %add3A_1314 = arith.constant 0 : i32
        %add3A_1315 = arith.addi %add3A_1314, %scan3A_1245 : i32
        %get3A_1316 = arith.index_cast %add3A_1315 : i32 to index
        %get3A_1317 = arith.constant 96 : index
        %get3A_1318 = tpu.vector_load %arg14[%get3A_1316, %get3A_1317] {strides = array<i32>} : memref<50x128xf32, #tpu.memory_space<vmem>>, vector<1x16xf32>,
        %get3A_1319 = vector.shape_cast %get3A_1318 : vector<1x16xf32> to vector<16xf32>
        %mul3A_1320 = arith.mulf %gather3A_1265, %get3A_1319 : vector<16xf32>
        %add3A_1321 = arith.addf %scan3A_1252, %mul3A_1320 : vector<16xf32>
        %add3A_1322 = arith.constant 0 : i32
        %add3A_1323 = arith.addi %add3A_1322, %scan3A_1245 : i32
        %get3A_1324 = arith.index_cast %add3A_1323 : i32 to index
        %get3A_1325 = arith.constant 112 : index
        %get3A_1326 = tpu.vector_load %arg14[%get3A_1324, %get3A_1325] {strides = array<i32>} : memref<50x128xf32, #tpu.memory_space<vmem>>, vector<1x16xf32>,
        %get3A_1327 = vector.shape_cast %get3A_1326 : vector<1x16xf32> to vector<16xf32>
        %mul3A_1328 = arith.mulf %gather3A_1265, %get3A_1327 : vector<16xf32>
        %add3A_1329 = arith.addf %scan3A_1253, %mul3A_1328 : vector<16xf32>
        scf.yield %add3A_1273, %add3A_1281, %add3A_1289, %add3A_1297, %add3A_1305, %add3A_1313, %add3A_1321, %add3A_1329 : vector<16xf32>, vector<16xf32>, vector<16xf32>, vector<16xf32>, vector<16xf32>, vector<16xf32>, vector<16xf32>, vector<16xf32>
      }
      %scan3A_835 = arith.constant 16 : i32
      %mul3A_836 = arith.constant 64 : i32
      %mul3A_837 = arith.muli %add3A_800, %mul3A_836 : i32
      %add3A_838 = arith.constant 16 : i32
      %add3A_839 = arith.addi %mul3A_837, %add3A_838 : i32
      %get3A_840 = arith.index_cast %add3A_839 : i32 to index
      %get3A_841 = tpu.vector_load %arg8[%get3A_840] {strides = array<i32>} : memref<8192xf32, #tpu.memory_space<vmem>>, vector<16xf32>,
      %get3A_842 = vector.shape_cast %get3A_841 : vector<16xf32> to vector<16xf32>
      %scan3A_843 = arith.constant 0 : i32
      %scan3A_844 = arith.constant 16 : i32
      %scan3A_845 = arith.addi %scan3A_843, %scan3A_844 : i32
      %scan3A_846 = arith.constant 1 : i32
      %scan3A_847:8 = scf.for %scan3A_1245 = %scan3A_843 to %scan3A_845 step %scan3A_846 iter_args(%scan3A_1246 = %scan3A_834#0, %scan3A_1247 = %scan3A_834#1, %scan3A_1248 = %scan3A_834#2, %scan3A_1249 = %scan3A_834#3, %scan3A_1250 = %scan3A_834#4, %scan3A_1251 = %scan3A_834#5, %scan3A_1252 = %scan3A_834#6, %scan3A_1253 = %scan3A_834#7) -> (vector<16xf32>, vector<16xf32>, vector<16xf32>, vector<16xf32>, vector<16xf32>, vector<16xf32>, vector<16xf32>, vector<16xf32>)  : i32 {
        %broadcast_in_dim3A_1254 = arith.constant 0 : i32
        %broadcast_in_dim3A_1255 = vector.broadcast %broadcast_in_dim3A_1254 : i32 to vector<16xi32>
        %add3A_1256 = vector.broadcast %scan3A_1245 : i32 to vector<16xi32>
        %add3A_1257 = arith.addi %broadcast_in_dim3A_1255, %add3A_1256 : vector<16xi32>
        %lt3A_1258 = arith.constant 0 : i32
        %lt3A_1259 = vector.broadcast %lt3A_1258 : i32 to vector<16xi32>
        %lt3A_1260 = arith.cmpi slt, %add3A_1257, %lt3A_1259 : vector<16xi32>
        %add3A_1261 = arith.constant 16 : i32
        %add3A_1262 = vector.broadcast %add3A_1261 : i32 to vector<16xi32>
        %add3A_1263 = arith.addi %add3A_1257, %add3A_1262 : vector<16xi32>
        %select_n3A = arith.select %lt3A_1260, %add3A_1263, %add3A_1257 : vector<16xi1>, vector<16xi32>
        %broadcast_in_dim3A_1264 = vector.shape_cast %select_n3A : vector<16xi32> to vector<16x1xi32>
        %gather3A = vector.shape_cast %broadcast_in_dim3A_1264 : vector<16x1xi32> to vector<16xi32>
        %gather3A_1265 = tpu.dynamic_gather %get3A_842[%gather3A] in [0] : vector<16xf32>, vector<16xi32> -> vector<16xf32>
        %add3A_1266 = arith.constant 16 : i32
        %add3A_1267 = arith.addi %add3A_1266, %scan3A_1245 : i32
        %get3A_1268 = arith.index_cast %add3A_1267 : i32 to index
        %get3A_1269 = arith.constant 0 : index
        %get3A_1270 = tpu.vector_load %arg14[%get3A_1268, %get3A_1269] {strides = array<i32>} : memref<50x128xf32, #tpu.memory_space<vmem>>, vector<1x16xf32>,
        %get3A_1271 = vector.shape_cast %get3A_1270 : vector<1x16xf32> to vector<16xf32>
        %mul3A_1272 = arith.mulf %gather3A_1265, %get3A_1271 : vector<16xf32>
        %add3A_1273 = arith.addf %scan3A_1246, %mul3A_1272 : vector<16xf32>
        %add3A_1274 = arith.constant 16 : i32
        %add3A_1275 = arith.addi %add3A_1274, %scan3A_1245 : i32
        %get3A_1276 = arith.index_cast %add3A_1275 : i32 to index
        %get3A_1277 = arith.constant 16 : index
        %get3A_1278 = tpu.vector_load %arg14[%get3A_1276, %get3A_1277] {strides = array<i32>} : memref<50x128xf32, #tpu.memory_space<vmem>>, vector<1x16xf32>,
        %get3A_1279 = vector.shape_cast %get3A_1278 : vector<1x16xf32> to vector<16xf32>
        %mul3A_1280 = arith.mulf %gather3A_1265, %get3A_1279 : vector<16xf32>
        %add3A_1281 = arith.addf %scan3A_1247, %mul3A_1280 : vector<16xf32>
        %add3A_1282 = arith.constant 16 : i32
        %add3A_1283 = arith.addi %add3A_1282, %scan3A_1245 : i32
        %get3A_1284 = arith.index_cast %add3A_1283 : i32 to index
        %get3A_1285 = arith.constant 32 : index
        %get3A_1286 = tpu.vector_load %arg14[%get3A_1284, %get3A_1285] {strides = array<i32>} : memref<50x128xf32, #tpu.memory_space<vmem>>, vector<1x16xf32>,
        %get3A_1287 = vector.shape_cast %get3A_1286 : vector<1x16xf32> to vector<16xf32>
        %mul3A_1288 = arith.mulf %gather3A_1265, %get3A_1287 : vector<16xf32>
        %add3A_1289 = arith.addf %scan3A_1248, %mul3A_1288 : vector<16xf32>
        %add3A_1290 = arith.constant 16 : i32
        %add3A_1291 = arith.addi %add3A_1290, %scan3A_1245 : i32
        %get3A_1292 = arith.index_cast %add3A_1291 : i32 to index
        %get3A_1293 = arith.constant 48 : index
        %get3A_1294 = tpu.vector_load %arg14[%get3A_1292, %get3A_1293] {strides = array<i32>} : memref<50x128xf32, #tpu.memory_space<vmem>>, vector<1x16xf32>,
        %get3A_1295 = vector.shape_cast %get3A_1294 : vector<1x16xf32> to vector<16xf32>
        %mul3A_1296 = arith.mulf %gather3A_1265, %get3A_1295 : vector<16xf32>
        %add3A_1297 = arith.addf %scan3A_1249, %mul3A_1296 : vector<16xf32>
        %add3A_1298 = arith.constant 16 : i32
        %add3A_1299 = arith.addi %add3A_1298, %scan3A_1245 : i32
        %get3A_1300 = arith.index_cast %add3A_1299 : i32 to index
        %get3A_1301 = arith.constant 64 : index
        %get3A_1302 = tpu.vector_load %arg14[%get3A_1300, %get3A_1301] {strides = array<i32>} : memref<50x128xf32, #tpu.memory_space<vmem>>, vector<1x16xf32>,
        %get3A_1303 = vector.shape_cast %get3A_1302 : vector<1x16xf32> to vector<16xf32>
        %mul3A_1304 = arith.mulf %gather3A_1265, %get3A_1303 : vector<16xf32>
        %add3A_1305 = arith.addf %scan3A_1250, %mul3A_1304 : vector<16xf32>
        %add3A_1306 = arith.constant 16 : i32
        %add3A_1307 = arith.addi %add3A_1306, %scan3A_1245 : i32
        %get3A_1308 = arith.index_cast %add3A_1307 : i32 to index
        %get3A_1309 = arith.constant 80 : index
        %get3A_1310 = tpu.vector_load %arg14[%get3A_1308, %get3A_1309] {strides = array<i32>} : memref<50x128xf32, #tpu.memory_space<vmem>>, vector<1x16xf32>,
        %get3A_1311 = vector.shape_cast %get3A_1310 : vector<1x16xf32> to vector<16xf32>
        %mul3A_1312 = arith.mulf %gather3A_1265, %get3A_1311 : vector<16xf32>
        %add3A_1313 = arith.addf %scan3A_1251, %mul3A_1312 : vector<16xf32>
        %add3A_1314 = arith.constant 16 : i32
        %add3A_1315 = arith.addi %add3A_1314, %scan3A_1245 : i32
        %get3A_1316 = arith.index_cast %add3A_1315 : i32 to index
        %get3A_1317 = arith.constant 96 : index
        %get3A_1318 = tpu.vector_load %arg14[%get3A_1316, %get3A_1317] {strides = array<i32>} : memref<50x128xf32, #tpu.memory_space<vmem>>, vector<1x16xf32>,
        %get3A_1319 = vector.shape_cast %get3A_1318 : vector<1x16xf32> to vector<16xf32>
        %mul3A_1320 = arith.mulf %gather3A_1265, %get3A_1319 : vector<16xf32>
        %add3A_1321 = arith.addf %scan3A_1252, %mul3A_1320 : vector<16xf32>
        %add3A_1322 = arith.constant 16 : i32
        %add3A_1323 = arith.addi %add3A_1322, %scan3A_1245 : i32
        %get3A_1324 = arith.index_cast %add3A_1323 : i32 to index
        %get3A_1325 = arith.constant 112 : index
        %get3A_1326 = tpu.vector_load %arg14[%get3A_1324, %get3A_1325] {strides = array<i32>} : memref<50x128xf32, #tpu.memory_space<vmem>>, vector<1x16xf32>,
        %get3A_1327 = vector.shape_cast %get3A_1326 : vector<1x16xf32> to vector<16xf32>
        %mul3A_1328 = arith.mulf %gather3A_1265, %get3A_1327 : vector<16xf32>
        %add3A_1329 = arith.addf %scan3A_1253, %mul3A_1328 : vector<16xf32>
        scf.yield %add3A_1273, %add3A_1281, %add3A_1289, %add3A_1297, %add3A_1305, %add3A_1313, %add3A_1321, %add3A_1329 : vector<16xf32>, vector<16xf32>, vector<16xf32>, vector<16xf32>, vector<16xf32>, vector<16xf32>, vector<16xf32>, vector<16xf32>
      }
      %scan3A_848 = arith.constant 16 : i32
      %mul3A_849 = arith.constant 64 : i32
      %mul3A_850 = arith.muli %add3A_800, %mul3A_849 : i32
      %add3A_851 = arith.constant 32 : i32
      %add3A_852 = arith.addi %mul3A_850, %add3A_851 : i32
      %get3A_853 = arith.index_cast %add3A_852 : i32 to index
      %get3A_854 = tpu.vector_load %arg8[%get3A_853] {strides = array<i32>} : memref<8192xf32, #tpu.memory_space<vmem>>, vector<16xf32>,
      %get3A_855 = vector.shape_cast %get3A_854 : vector<16xf32> to vector<16xf32>
      %scan3A_856 = arith.constant 0 : i32
      %scan3A_857 = arith.constant 16 : i32
      %scan3A_858 = arith.addi %scan3A_856, %scan3A_857 : i32
      %scan3A_859 = arith.constant 1 : i32
      %scan3A_860:8 = scf.for %scan3A_1245 = %scan3A_856 to %scan3A_858 step %scan3A_859 iter_args(%scan3A_1246 = %scan3A_847#0, %scan3A_1247 = %scan3A_847#1, %scan3A_1248 = %scan3A_847#2, %scan3A_1249 = %scan3A_847#3, %scan3A_1250 = %scan3A_847#4, %scan3A_1251 = %scan3A_847#5, %scan3A_1252 = %scan3A_847#6, %scan3A_1253 = %scan3A_847#7) -> (vector<16xf32>, vector<16xf32>, vector<16xf32>, vector<16xf32>, vector<16xf32>, vector<16xf32>, vector<16xf32>, vector<16xf32>)  : i32 {
        %broadcast_in_dim3A_1254 = arith.constant 0 : i32
        %broadcast_in_dim3A_1255 = vector.broadcast %broadcast_in_dim3A_1254 : i32 to vector<16xi32>
        %add3A_1256 = vector.broadcast %scan3A_1245 : i32 to vector<16xi32>
        %add3A_1257 = arith.addi %broadcast_in_dim3A_1255, %add3A_1256 : vector<16xi32>
        %lt3A_1258 = arith.constant 0 : i32
        %lt3A_1259 = vector.broadcast %lt3A_1258 : i32 to vector<16xi32>
        %lt3A_1260 = arith.cmpi slt, %add3A_1257, %lt3A_1259 : vector<16xi32>
        %add3A_1261 = arith.constant 16 : i32
        %add3A_1262 = vector.broadcast %add3A_1261 : i32 to vector<16xi32>
        %add3A_1263 = arith.addi %add3A_1257, %add3A_1262 : vector<16xi32>
        %select_n3A = arith.select %lt3A_1260, %add3A_1263, %add3A_1257 : vector<16xi1>, vector<16xi32>
        %broadcast_in_dim3A_1264 = vector.shape_cast %select_n3A : vector<16xi32> to vector<16x1xi32>
        %gather3A = vector.shape_cast %broadcast_in_dim3A_1264 : vector<16x1xi32> to vector<16xi32>
        %gather3A_1265 = tpu.dynamic_gather %get3A_855[%gather3A] in [0] : vector<16xf32>, vector<16xi32> -> vector<16xf32>
        %add3A_1266 = arith.constant 32 : i32
        %add3A_1267 = arith.addi %add3A_1266, %scan3A_1245 : i32
        %get3A_1268 = arith.index_cast %add3A_1267 : i32 to index
        %get3A_1269 = arith.constant 0 : index
        %get3A_1270 = tpu.vector_load %arg14[%get3A_1268, %get3A_1269] {strides = array<i32>} : memref<50x128xf32, #tpu.memory_space<vmem>>, vector<1x16xf32>,
        %get3A_1271 = vector.shape_cast %get3A_1270 : vector<1x16xf32> to vector<16xf32>
        %mul3A_1272 = arith.mulf %gather3A_1265, %get3A_1271 : vector<16xf32>
        %add3A_1273 = arith.addf %scan3A_1246, %mul3A_1272 : vector<16xf32>
        %add3A_1274 = arith.constant 32 : i32
        %add3A_1275 = arith.addi %add3A_1274, %scan3A_1245 : i32
        %get3A_1276 = arith.index_cast %add3A_1275 : i32 to index
        %get3A_1277 = arith.constant 16 : index
        %get3A_1278 = tpu.vector_load %arg14[%get3A_1276, %get3A_1277] {strides = array<i32>} : memref<50x128xf32, #tpu.memory_space<vmem>>, vector<1x16xf32>,
        %get3A_1279 = vector.shape_cast %get3A_1278 : vector<1x16xf32> to vector<16xf32>
        %mul3A_1280 = arith.mulf %gather3A_1265, %get3A_1279 : vector<16xf32>
        %add3A_1281 = arith.addf %scan3A_1247, %mul3A_1280 : vector<16xf32>
        %add3A_1282 = arith.constant 32 : i32
        %add3A_1283 = arith.addi %add3A_1282, %scan3A_1245 : i32
        %get3A_1284 = arith.index_cast %add3A_1283 : i32 to index
        %get3A_1285 = arith.constant 32 : index
        %get3A_1286 = tpu.vector_load %arg14[%get3A_1284, %get3A_1285] {strides = array<i32>} : memref<50x128xf32, #tpu.memory_space<vmem>>, vector<1x16xf32>,
        %get3A_1287 = vector.shape_cast %get3A_1286 : vector<1x16xf32> to vector<16xf32>
        %mul3A_1288 = arith.mulf %gather3A_1265, %get3A_1287 : vector<16xf32>
        %add3A_1289 = arith.addf %scan3A_1248, %mul3A_1288 : vector<16xf32>
        %add3A_1290 = arith.constant 32 : i32
        %add3A_1291 = arith.addi %add3A_1290, %scan3A_1245 : i32
        %get3A_1292 = arith.index_cast %add3A_1291 : i32 to index
        %get3A_1293 = arith.constant 48 : index
        %get3A_1294 = tpu.vector_load %arg14[%get3A_1292, %get3A_1293] {strides = array<i32>} : memref<50x128xf32, #tpu.memory_space<vmem>>, vector<1x16xf32>,
        %get3A_1295 = vector.shape_cast %get3A_1294 : vector<1x16xf32> to vector<16xf32>
        %mul3A_1296 = arith.mulf %gather3A_1265, %get3A_1295 : vector<16xf32>
        %add3A_1297 = arith.addf %scan3A_1249, %mul3A_1296 : vector<16xf32>
        %add3A_1298 = arith.constant 32 : i32
        %add3A_1299 = arith.addi %add3A_1298, %scan3A_1245 : i32
        %get3A_1300 = arith.index_cast %add3A_1299 : i32 to index
        %get3A_1301 = arith.constant 64 : index
        %get3A_1302 = tpu.vector_load %arg14[%get3A_1300, %get3A_1301] {strides = array<i32>} : memref<50x128xf32, #tpu.memory_space<vmem>>, vector<1x16xf32>,
        %get3A_1303 = vector.shape_cast %get3A_1302 : vector<1x16xf32> to vector<16xf32>
        %mul3A_1304 = arith.mulf %gather3A_1265, %get3A_1303 : vector<16xf32>
        %add3A_1305 = arith.addf %scan3A_1250, %mul3A_1304 : vector<16xf32>
        %add3A_1306 = arith.constant 32 : i32
        %add3A_1307 = arith.addi %add3A_1306, %scan3A_1245 : i32
        %get3A_1308 = arith.index_cast %add3A_1307 : i32 to index
        %get3A_1309 = arith.constant 80 : index
        %get3A_1310 = tpu.vector_load %arg14[%get3A_1308, %get3A_1309] {strides = array<i32>} : memref<50x128xf32, #tpu.memory_space<vmem>>, vector<1x16xf32>,
        %get3A_1311 = vector.shape_cast %get3A_1310 : vector<1x16xf32> to vector<16xf32>
        %mul3A_1312 = arith.mulf %gather3A_1265, %get3A_1311 : vector<16xf32>
        %add3A_1313 = arith.addf %scan3A_1251, %mul3A_1312 : vector<16xf32>
        %add3A_1314 = arith.constant 32 : i32
        %add3A_1315 = arith.addi %add3A_1314, %scan3A_1245 : i32
        %get3A_1316 = arith.index_cast %add3A_1315 : i32 to index
        %get3A_1317 = arith.constant 96 : index
        %get3A_1318 = tpu.vector_load %arg14[%get3A_1316, %get3A_1317] {strides = array<i32>} : memref<50x128xf32, #tpu.memory_space<vmem>>, vector<1x16xf32>,
        %get3A_1319 = vector.shape_cast %get3A_1318 : vector<1x16xf32> to vector<16xf32>
        %mul3A_1320 = arith.mulf %gather3A_1265, %get3A_1319 : vector<16xf32>
        %add3A_1321 = arith.addf %scan3A_1252, %mul3A_1320 : vector<16xf32>
        %add3A_1322 = arith.constant 32 : i32
        %add3A_1323 = arith.addi %add3A_1322, %scan3A_1245 : i32
        %get3A_1324 = arith.index_cast %add3A_1323 : i32 to index
        %get3A_1325 = arith.constant 112 : index
        %get3A_1326 = tpu.vector_load %arg14[%get3A_1324, %get3A_1325] {strides = array<i32>} : memref<50x128xf32, #tpu.memory_space<vmem>>, vector<1x16xf32>,
        %get3A_1327 = vector.shape_cast %get3A_1326 : vector<1x16xf32> to vector<16xf32>
        %mul3A_1328 = arith.mulf %gather3A_1265, %get3A_1327 : vector<16xf32>
        %add3A_1329 = arith.addf %scan3A_1253, %mul3A_1328 : vector<16xf32>
        scf.yield %add3A_1273, %add3A_1281, %add3A_1289, %add3A_1297, %add3A_1305, %add3A_1313, %add3A_1321, %add3A_1329 : vector<16xf32>, vector<16xf32>, vector<16xf32>, vector<16xf32>, vector<16xf32>, vector<16xf32>, vector<16xf32>, vector<16xf32>
      }
      %scan3A_861 = arith.constant 16 : i32
      %mul3A_862 = arith.constant 64 : i32
      %mul3A_863 = arith.muli %add3A_800, %mul3A_862 : i32
      %add3A_864 = arith.constant 48 : i32
      %add3A_865 = arith.addi %mul3A_863, %add3A_864 : i32
      %get3A_866 = arith.index_cast %add3A_865 : i32 to index
      %get3A_867 = tpu.vector_load %arg8[%get3A_866] {strides = array<i32>} : memref<8192xf32, #tpu.memory_space<vmem>>, vector<16xf32>,
      %get3A_868 = vector.shape_cast %get3A_867 : vector<16xf32> to vector<16xf32>
      %scan3A_869 = arith.constant 0 : i32
      %scan3A_870 = arith.constant 2 : i32
      %scan3A_871 = arith.addi %scan3A_869, %scan3A_870 : i32
      %scan3A_872 = arith.constant 1 : i32
      %scan3A_873:8 = scf.for %scan3A_1245 = %scan3A_869 to %scan3A_871 step %scan3A_872 iter_args(%scan3A_1246 = %scan3A_860#0, %scan3A_1247 = %scan3A_860#1, %scan3A_1248 = %scan3A_860#2, %scan3A_1249 = %scan3A_860#3, %scan3A_1250 = %scan3A_860#4, %scan3A_1251 = %scan3A_860#5, %scan3A_1252 = %scan3A_860#6, %scan3A_1253 = %scan3A_860#7) -> (vector<16xf32>, vector<16xf32>, vector<16xf32>, vector<16xf32>, vector<16xf32>, vector<16xf32>, vector<16xf32>, vector<16xf32>)  : i32 {
        %broadcast_in_dim3A_1254 = arith.constant 0 : i32
        %broadcast_in_dim3A_1255 = vector.broadcast %broadcast_in_dim3A_1254 : i32 to vector<16xi32>
        %add3A_1256 = vector.broadcast %scan3A_1245 : i32 to vector<16xi32>
        %add3A_1257 = arith.addi %broadcast_in_dim3A_1255, %add3A_1256 : vector<16xi32>
        %lt3A_1258 = arith.constant 0 : i32
        %lt3A_1259 = vector.broadcast %lt3A_1258 : i32 to vector<16xi32>
        %lt3A_1260 = arith.cmpi slt, %add3A_1257, %lt3A_1259 : vector<16xi32>
        %add3A_1261 = arith.constant 16 : i32
        %add3A_1262 = vector.broadcast %add3A_1261 : i32 to vector<16xi32>
        %add3A_1263 = arith.addi %add3A_1257, %add3A_1262 : vector<16xi32>
        %select_n3A = arith.select %lt3A_1260, %add3A_1263, %add3A_1257 : vector<16xi1>, vector<16xi32>
        %broadcast_in_dim3A_1264 = vector.shape_cast %select_n3A : vector<16xi32> to vector<16x1xi32>
        %gather3A = vector.shape_cast %broadcast_in_dim3A_1264 : vector<16x1xi32> to vector<16xi32>
        %gather3A_1265 = tpu.dynamic_gather %get3A_868[%gather3A] in [0] : vector<16xf32>, vector<16xi32> -> vector<16xf32>
        %add3A_1266 = arith.constant 48 : i32
        %add3A_1267 = arith.addi %add3A_1266, %scan3A_1245 : i32
        %get3A_1268 = arith.index_cast %add3A_1267 : i32 to index
        %get3A_1269 = arith.constant 0 : index
        %get3A_1270 = tpu.vector_load %arg14[%get3A_1268, %get3A_1269] {strides = array<i32>} : memref<50x128xf32, #tpu.memory_space<vmem>>, vector<1x16xf32>,
        %get3A_1271 = vector.shape_cast %get3A_1270 : vector<1x16xf32> to vector<16xf32>
        %mul3A_1272 = arith.mulf %gather3A_1265, %get3A_1271 : vector<16xf32>
        %add3A_1273 = arith.addf %scan3A_1246, %mul3A_1272 : vector<16xf32>
        %add3A_1274 = arith.constant 48 : i32
        %add3A_1275 = arith.addi %add3A_1274, %scan3A_1245 : i32
        %get3A_1276 = arith.index_cast %add3A_1275 : i32 to index
        %get3A_1277 = arith.constant 16 : index
        %get3A_1278 = tpu.vector_load %arg14[%get3A_1276, %get3A_1277] {strides = array<i32>} : memref<50x128xf32, #tpu.memory_space<vmem>>, vector<1x16xf32>,
        %get3A_1279 = vector.shape_cast %get3A_1278 : vector<1x16xf32> to vector<16xf32>
        %mul3A_1280 = arith.mulf %gather3A_1265, %get3A_1279 : vector<16xf32>
        %add3A_1281 = arith.addf %scan3A_1247, %mul3A_1280 : vector<16xf32>
        %add3A_1282 = arith.constant 48 : i32
        %add3A_1283 = arith.addi %add3A_1282, %scan3A_1245 : i32
        %get3A_1284 = arith.index_cast %add3A_1283 : i32 to index
        %get3A_1285 = arith.constant 32 : index
        %get3A_1286 = tpu.vector_load %arg14[%get3A_1284, %get3A_1285] {strides = array<i32>} : memref<50x128xf32, #tpu.memory_space<vmem>>, vector<1x16xf32>,
        %get3A_1287 = vector.shape_cast %get3A_1286 : vector<1x16xf32> to vector<16xf32>
        %mul3A_1288 = arith.mulf %gather3A_1265, %get3A_1287 : vector<16xf32>
        %add3A_1289 = arith.addf %scan3A_1248, %mul3A_1288 : vector<16xf32>
        %add3A_1290 = arith.constant 48 : i32
        %add3A_1291 = arith.addi %add3A_1290, %scan3A_1245 : i32
        %get3A_1292 = arith.index_cast %add3A_1291 : i32 to index
        %get3A_1293 = arith.constant 48 : index
        %get3A_1294 = tpu.vector_load %arg14[%get3A_1292, %get3A_1293] {strides = array<i32>} : memref<50x128xf32, #tpu.memory_space<vmem>>, vector<1x16xf32>,
        %get3A_1295 = vector.shape_cast %get3A_1294 : vector<1x16xf32> to vector<16xf32>
        %mul3A_1296 = arith.mulf %gather3A_1265, %get3A_1295 : vector<16xf32>
        %add3A_1297 = arith.addf %scan3A_1249, %mul3A_1296 : vector<16xf32>
        %add3A_1298 = arith.constant 48 : i32
        %add3A_1299 = arith.addi %add3A_1298, %scan3A_1245 : i32
        %get3A_1300 = arith.index_cast %add3A_1299 : i32 to index
        %get3A_1301 = arith.constant 64 : index
        %get3A_1302 = tpu.vector_load %arg14[%get3A_1300, %get3A_1301] {strides = array<i32>} : memref<50x128xf32, #tpu.memory_space<vmem>>, vector<1x16xf32>,
        %get3A_1303 = vector.shape_cast %get3A_1302 : vector<1x16xf32> to vector<16xf32>
        %mul3A_1304 = arith.mulf %gather3A_1265, %get3A_1303 : vector<16xf32>
        %add3A_1305 = arith.addf %scan3A_1250, %mul3A_1304 : vector<16xf32>
        %add3A_1306 = arith.constant 48 : i32
        %add3A_1307 = arith.addi %add3A_1306, %scan3A_1245 : i32
        %get3A_1308 = arith.index_cast %add3A_1307 : i32 to index
        %get3A_1309 = arith.constant 80 : index
        %get3A_1310 = tpu.vector_load %arg14[%get3A_1308, %get3A_1309] {strides = array<i32>} : memref<50x128xf32, #tpu.memory_space<vmem>>, vector<1x16xf32>,
        %get3A_1311 = vector.shape_cast %get3A_1310 : vector<1x16xf32> to vector<16xf32>
        %mul3A_1312 = arith.mulf %gather3A_1265, %get3A_1311 : vector<16xf32>
        %add3A_1313 = arith.addf %scan3A_1251, %mul3A_1312 : vector<16xf32>
        %add3A_1314 = arith.constant 48 : i32
        %add3A_1315 = arith.addi %add3A_1314, %scan3A_1245 : i32
        %get3A_1316 = arith.index_cast %add3A_1315 : i32 to index
        %get3A_1317 = arith.constant 96 : index
        %get3A_1318 = tpu.vector_load %arg14[%get3A_1316, %get3A_1317] {strides = array<i32>} : memref<50x128xf32, #tpu.memory_space<vmem>>, vector<1x16xf32>,
        %get3A_1319 = vector.shape_cast %get3A_1318 : vector<1x16xf32> to vector<16xf32>
        %mul3A_1320 = arith.mulf %gather3A_1265, %get3A_1319 : vector<16xf32>
        %add3A_1321 = arith.addf %scan3A_1252, %mul3A_1320 : vector<16xf32>
        %add3A_1322 = arith.constant 48 : i32
        %add3A_1323 = arith.addi %add3A_1322, %scan3A_1245 : i32
        %get3A_1324 = arith.index_cast %add3A_1323 : i32 to index
        %get3A_1325 = arith.constant 112 : index
        %get3A_1326 = tpu.vector_load %arg14[%get3A_1324, %get3A_1325] {strides = array<i32>} : memref<50x128xf32, #tpu.memory_space<vmem>>, vector<1x16xf32>,
        %get3A_1327 = vector.shape_cast %get3A_1326 : vector<1x16xf32> to vector<16xf32>
        %mul3A_1328 = arith.mulf %gather3A_1265, %get3A_1327 : vector<16xf32>
        %add3A_1329 = arith.addf %scan3A_1253, %mul3A_1328 : vector<16xf32>
        scf.yield %add3A_1273, %add3A_1281, %add3A_1289, %add3A_1297, %add3A_1305, %add3A_1313, %add3A_1321, %add3A_1329 : vector<16xf32>, vector<16xf32>, vector<16xf32>, vector<16xf32>, vector<16xf32>, vector<16xf32>, vector<16xf32>, vector<16xf32>
      }
      %scan3A_874 = arith.constant 2 : i32
      %add3A_875 = arith.constant 1 : i32
      %add3A_876 = arith.addi %scan3A_57, %add3A_875 : i32
      %lt3A_877 = arith.constant 16 : i32
      %lt3A_878 = arith.cmpi slt, %add3A_876, %lt3A_877 : i32
      %convert_element_type3A_879 = arith.extui %lt3A_878 : i1 to i32
      %cond3A_880 = arith.constant 0 : i32
      %cond3A_881 = arith.cmpi ne, %convert_element_type3A_879, %cond3A_880 : i32
      scf.if %cond3A_881 {
        %add3A_1245 = arith.constant 8 : i32
        %add3A_1246 = arith.addi %add3A_800, %add3A_1245 : i32
        %mul3A_1247 = arith.constant 64 : i32
        %mul3A_1248 = arith.muli %add3A_1246, %mul3A_1247 : i32
        %dma_start3A_1249 = tpu.memref_slice %arg6[%mul3A_1248] : memref<8192xi32, #tpu.memory_space<vmem>> -> memref<50xi32, #tpu.memory_space<vmem>>
        %dma_start3A_1250 = arith.constant 0 : i32
        %dma_start3A_1251 = arith.constant 0 : i32
        %dma_start3A_1252 = tpu.memref_slice %arg4[%dma_start3A_1250, %dma_start3A_1251] : memref<100000x128xf32, #tpu.memory_space<hbm>> -> memref<100000x128xf32, #tpu.memory_space<hbm>>
        tpu.enqueue_indirect_dma source(%dma_start3A_1252 : memref<100000x128xf32, #tpu.memory_space<hbm>>) target(%arg14 : memref<50x128xf32, #tpu.memory_space<vmem>>) offsets(%dma_start3A_1249 : memref<50xi32, #tpu.memory_space<vmem>>) semaphore(%arg23 : memref<!tpu.dma_semaphore, #tpu.memory_space<semaphore_mem>>)
      } else {
      }
      %mul3A_882 = arith.constant 128 : i32
      %mul3A_883 = arith.muli %add3A_800, %mul3A_882 : i32
      %add3A_884 = arith.constant 0 : i32
      %add3A_885 = arith.addi %mul3A_883, %add3A_884 : i32
      %swap3A_886 = arith.index_cast %add3A_885 : i32 to index
      %swap3A_887 = tpu.vector_load %arg17[%swap3A_886] {strides = array<i32>} : memref<16384xf32, #tpu.memory_space<vmem>>, vector<16xf32>,
      %swap3A_888 = vector.shape_cast %swap3A_887 : vector<16xf32> to vector<16xf32>
      %swap3A_889 = vector.shape_cast %scan3A_873#0 : vector<16xf32> to vector<16xf32>
      tpu.vector_store %arg17[%swap3A_886], %swap3A_889 {strides = array<i32>} : memref<16384xf32, #tpu.memory_space<vmem>>, vector<16xf32>,
      %mul3A_890 = arith.constant 128 : i32
      %mul3A_891 = arith.muli %add3A_800, %mul3A_890 : i32
      %add3A_892 = arith.constant 16 : i32
      %add3A_893 = arith.addi %mul3A_891, %add3A_892 : i32
      %swap3A_894 = arith.index_cast %add3A_893 : i32 to index
      %swap3A_895 = tpu.vector_load %arg17[%swap3A_894] {strides = array<i32>} : memref<16384xf32, #tpu.memory_space<vmem>>, vector<16xf32>,
      %swap3A_896 = vector.shape_cast %swap3A_895 : vector<16xf32> to vector<16xf32>
      %swap3A_897 = vector.shape_cast %scan3A_873#1 : vector<16xf32> to vector<16xf32>
      tpu.vector_store %arg17[%swap3A_894], %swap3A_897 {strides = array<i32>} : memref<16384xf32, #tpu.memory_space<vmem>>, vector<16xf32>,
      %mul3A_898 = arith.constant 128 : i32
      %mul3A_899 = arith.muli %add3A_800, %mul3A_898 : i32
      %add3A_900 = arith.constant 32 : i32
      %add3A_901 = arith.addi %mul3A_899, %add3A_900 : i32
      %swap3A_902 = arith.index_cast %add3A_901 : i32 to index
      %swap3A_903 = tpu.vector_load %arg17[%swap3A_902] {strides = array<i32>} : memref<16384xf32, #tpu.memory_space<vmem>>, vector<16xf32>,
      %swap3A_904 = vector.shape_cast %swap3A_903 : vector<16xf32> to vector<16xf32>
      %swap3A_905 = vector.shape_cast %scan3A_873#2 : vector<16xf32> to vector<16xf32>
      tpu.vector_store %arg17[%swap3A_902], %swap3A_905 {strides = array<i32>} : memref<16384xf32, #tpu.memory_space<vmem>>, vector<16xf32>,
      %mul3A_906 = arith.constant 128 : i32
      %mul3A_907 = arith.muli %add3A_800, %mul3A_906 : i32
      %add3A_908 = arith.constant 48 : i32
      %add3A_909 = arith.addi %mul3A_907, %add3A_908 : i32
      %swap3A_910 = arith.index_cast %add3A_909 : i32 to index
      %swap3A_911 = tpu.vector_load %arg17[%swap3A_910] {strides = array<i32>} : memref<16384xf32, #tpu.memory_space<vmem>>, vector<16xf32>,
      %swap3A_912 = vector.shape_cast %swap3A_911 : vector<16xf32> to vector<16xf32>
      %swap3A_913 = vector.shape_cast %scan3A_873#3 : vector<16xf32> to vector<16xf32>
      tpu.vector_store %arg17[%swap3A_910], %swap3A_913 {strides = array<i32>} : memref<16384xf32, #tpu.memory_space<vmem>>, vector<16xf32>,
      %mul3A_914 = arith.constant 128 : i32
      %mul3A_915 = arith.muli %add3A_800, %mul3A_914 : i32
      %add3A_916 = arith.constant 64 : i32
      %add3A_917 = arith.addi %mul3A_915, %add3A_916 : i32
      %swap3A_918 = arith.index_cast %add3A_917 : i32 to index
      %swap3A_919 = tpu.vector_load %arg17[%swap3A_918] {strides = array<i32>} : memref<16384xf32, #tpu.memory_space<vmem>>, vector<16xf32>,
      %swap3A_920 = vector.shape_cast %swap3A_919 : vector<16xf32> to vector<16xf32>
      %swap3A_921 = vector.shape_cast %scan3A_873#4 : vector<16xf32> to vector<16xf32>
      tpu.vector_store %arg17[%swap3A_918], %swap3A_921 {strides = array<i32>} : memref<16384xf32, #tpu.memory_space<vmem>>, vector<16xf32>,
      %mul3A_922 = arith.constant 128 : i32
      %mul3A_923 = arith.muli %add3A_800, %mul3A_922 : i32
      %add3A_924 = arith.constant 80 : i32
      %add3A_925 = arith.addi %mul3A_923, %add3A_924 : i32
      %swap3A_926 = arith.index_cast %add3A_925 : i32 to index
      %swap3A_927 = tpu.vector_load %arg17[%swap3A_926] {strides = array<i32>} : memref<16384xf32, #tpu.memory_space<vmem>>, vector<16xf32>,
      %swap3A_928 = vector.shape_cast %swap3A_927 : vector<16xf32> to vector<16xf32>
      %swap3A_929 = vector.shape_cast %scan3A_873#5 : vector<16xf32> to vector<16xf32>
      tpu.vector_store %arg17[%swap3A_926], %swap3A_929 {strides = array<i32>} : memref<16384xf32, #tpu.memory_space<vmem>>, vector<16xf32>,
      %mul3A_930 = arith.constant 128 : i32
      %mul3A_931 = arith.muli %add3A_800, %mul3A_930 : i32
      %add3A_932 = arith.constant 96 : i32
      %add3A_933 = arith.addi %mul3A_931, %add3A_932 : i32
      %swap3A_934 = arith.index_cast %add3A_933 : i32 to index
      %swap3A_935 = tpu.vector_load %arg17[%swap3A_934] {strides = array<i32>} : memref<16384xf32, #tpu.memory_space<vmem>>, vector<16xf32>,
      %swap3A_936 = vector.shape_cast %swap3A_935 : vector<16xf32> to vector<16xf32>
      %swap3A_937 = vector.shape_cast %scan3A_873#6 : vector<16xf32> to vector<16xf32>
      tpu.vector_store %arg17[%swap3A_934], %swap3A_937 {strides = array<i32>} : memref<16384xf32, #tpu.memory_space<vmem>>, vector<16xf32>,
      %mul3A_938 = arith.constant 128 : i32
      %mul3A_939 = arith.muli %add3A_800, %mul3A_938 : i32
      %add3A_940 = arith.constant 112 : i32
      %add3A_941 = arith.addi %mul3A_939, %add3A_940 : i32
      %swap3A_942 = arith.index_cast %add3A_941 : i32 to index
      %swap3A_943 = tpu.vector_load %arg17[%swap3A_942] {strides = array<i32>} : memref<16384xf32, #tpu.memory_space<vmem>>, vector<16xf32>,
      %swap3A_944 = vector.shape_cast %swap3A_943 : vector<16xf32> to vector<16xf32>
      %swap3A_945 = vector.shape_cast %scan3A_873#7 : vector<16xf32> to vector<16xf32>
      tpu.vector_store %arg17[%swap3A_942], %swap3A_945 {strides = array<i32>} : memref<16384xf32, #tpu.memory_space<vmem>>, vector<16xf32>,
      %mul3A_946 = arith.constant 8 : i32
      %mul3A_947 = arith.muli %scan3A_57, %mul3A_946 : i32
      %add3A_948 = arith.constant 6 : i32
      %add3A_949 = arith.addi %mul3A_947, %add3A_948 : i32
      %mul3A_950 = arith.constant 64 : i32
      %mul3A_951 = arith.muli %add3A_949, %mul3A_950 : i32
      %dma_wait3A_952 = tpu.memref_slice %arg6[%mul3A_951] : memref<8192xi32, #tpu.memory_space<vmem>> -> memref<50xi32, #tpu.memory_space<vmem>>
      %dma_wait3A_953 = arith.constant 0 : i32
      %dma_wait3A_954 = arith.constant 0 : i32
      %dma_wait3A_955 = tpu.memref_slice %arg4[%dma_wait3A_953, %dma_wait3A_954] : memref<100000x128xf32, #tpu.memory_space<hbm>> -> memref<100000x128xf32, #tpu.memory_space<hbm>>
      tpu.wait_indirect_dma semaphore(%arg24 : memref<!tpu.dma_semaphore, #tpu.memory_space<semaphore_mem>>) src(%dma_wait3A_955 : memref<100000x128xf32, #tpu.memory_space<hbm>>) dst(%arg15 : memref<50x128xf32, #tpu.memory_space<vmem>>)
      %broadcast_in_dim3A_956 = arith.constant 0.000000e+00 : f32
      %broadcast_in_dim3A_957 = vector.broadcast %broadcast_in_dim3A_956 : f32 to vector<16xf32>
      %broadcast_in_dim3A_958 = arith.constant 0.000000e+00 : f32
      %broadcast_in_dim3A_959 = vector.broadcast %broadcast_in_dim3A_958 : f32 to vector<16xf32>
      %broadcast_in_dim3A_960 = arith.constant 0.000000e+00 : f32
      %broadcast_in_dim3A_961 = vector.broadcast %broadcast_in_dim3A_960 : f32 to vector<16xf32>
      %broadcast_in_dim3A_962 = arith.constant 0.000000e+00 : f32
      %broadcast_in_dim3A_963 = vector.broadcast %broadcast_in_dim3A_962 : f32 to vector<16xf32>
      %broadcast_in_dim3A_964 = arith.constant 0.000000e+00 : f32
      %broadcast_in_dim3A_965 = vector.broadcast %broadcast_in_dim3A_964 : f32 to vector<16xf32>
      %broadcast_in_dim3A_966 = arith.constant 0.000000e+00 : f32
      %broadcast_in_dim3A_967 = vector.broadcast %broadcast_in_dim3A_966 : f32 to vector<16xf32>
      %broadcast_in_dim3A_968 = arith.constant 0.000000e+00 : f32
      %broadcast_in_dim3A_969 = vector.broadcast %broadcast_in_dim3A_968 : f32 to vector<16xf32>
      %broadcast_in_dim3A_970 = arith.constant 0.000000e+00 : f32
      %broadcast_in_dim3A_971 = vector.broadcast %broadcast_in_dim3A_970 : f32 to vector<16xf32>
      %mul3A_972 = arith.constant 64 : i32
      %mul3A_973 = arith.muli %add3A_949, %mul3A_972 : i32
      %add3A_974 = arith.constant 0 : i32
      %add3A_975 = arith.addi %mul3A_973, %add3A_974 : i32
      %get3A_976 = arith.index_cast %add3A_975 : i32 to index
      %get3A_977 = tpu.vector_load %arg8[%get3A_976] {strides = array<i32>} : memref<8192xf32, #tpu.memory_space<vmem>>, vector<16xf32>,
      %get3A_978 = vector.shape_cast %get3A_977 : vector<16xf32> to vector<16xf32>
      %scan3A_979 = arith.constant 0 : i32
      %scan3A_980 = arith.constant 16 : i32
      %scan3A_981 = arith.addi %scan3A_979, %scan3A_980 : i32
      %scan3A_982 = arith.constant 1 : i32
      %scan3A_983:8 = scf.for %scan3A_1245 = %scan3A_979 to %scan3A_981 step %scan3A_982 iter_args(%scan3A_1246 = %broadcast_in_dim3A_957, %scan3A_1247 = %broadcast_in_dim3A_959, %scan3A_1248 = %broadcast_in_dim3A_961, %scan3A_1249 = %broadcast_in_dim3A_963, %scan3A_1250 = %broadcast_in_dim3A_965, %scan3A_1251 = %broadcast_in_dim3A_967, %scan3A_1252 = %broadcast_in_dim3A_969, %scan3A_1253 = %broadcast_in_dim3A_971) -> (vector<16xf32>, vector<16xf32>, vector<16xf32>, vector<16xf32>, vector<16xf32>, vector<16xf32>, vector<16xf32>, vector<16xf32>)  : i32 {
        %broadcast_in_dim3A_1254 = arith.constant 0 : i32
        %broadcast_in_dim3A_1255 = vector.broadcast %broadcast_in_dim3A_1254 : i32 to vector<16xi32>
        %add3A_1256 = vector.broadcast %scan3A_1245 : i32 to vector<16xi32>
        %add3A_1257 = arith.addi %broadcast_in_dim3A_1255, %add3A_1256 : vector<16xi32>
        %lt3A_1258 = arith.constant 0 : i32
        %lt3A_1259 = vector.broadcast %lt3A_1258 : i32 to vector<16xi32>
        %lt3A_1260 = arith.cmpi slt, %add3A_1257, %lt3A_1259 : vector<16xi32>
        %add3A_1261 = arith.constant 16 : i32
        %add3A_1262 = vector.broadcast %add3A_1261 : i32 to vector<16xi32>
        %add3A_1263 = arith.addi %add3A_1257, %add3A_1262 : vector<16xi32>
        %select_n3A = arith.select %lt3A_1260, %add3A_1263, %add3A_1257 : vector<16xi1>, vector<16xi32>
        %broadcast_in_dim3A_1264 = vector.shape_cast %select_n3A : vector<16xi32> to vector<16x1xi32>
        %gather3A = vector.shape_cast %broadcast_in_dim3A_1264 : vector<16x1xi32> to vector<16xi32>
        %gather3A_1265 = tpu.dynamic_gather %get3A_978[%gather3A] in [0] : vector<16xf32>, vector<16xi32> -> vector<16xf32>
        %add3A_1266 = arith.constant 0 : i32
        %add3A_1267 = arith.addi %add3A_1266, %scan3A_1245 : i32
        %get3A_1268 = arith.index_cast %add3A_1267 : i32 to index
        %get3A_1269 = arith.constant 0 : index
        %get3A_1270 = tpu.vector_load %arg15[%get3A_1268, %get3A_1269] {strides = array<i32>} : memref<50x128xf32, #tpu.memory_space<vmem>>, vector<1x16xf32>,
        %get3A_1271 = vector.shape_cast %get3A_1270 : vector<1x16xf32> to vector<16xf32>
        %mul3A_1272 = arith.mulf %gather3A_1265, %get3A_1271 : vector<16xf32>
        %add3A_1273 = arith.addf %scan3A_1246, %mul3A_1272 : vector<16xf32>
        %add3A_1274 = arith.constant 0 : i32
        %add3A_1275 = arith.addi %add3A_1274, %scan3A_1245 : i32
        %get3A_1276 = arith.index_cast %add3A_1275 : i32 to index
        %get3A_1277 = arith.constant 16 : index
        %get3A_1278 = tpu.vector_load %arg15[%get3A_1276, %get3A_1277] {strides = array<i32>} : memref<50x128xf32, #tpu.memory_space<vmem>>, vector<1x16xf32>,
        %get3A_1279 = vector.shape_cast %get3A_1278 : vector<1x16xf32> to vector<16xf32>
        %mul3A_1280 = arith.mulf %gather3A_1265, %get3A_1279 : vector<16xf32>
        %add3A_1281 = arith.addf %scan3A_1247, %mul3A_1280 : vector<16xf32>
        %add3A_1282 = arith.constant 0 : i32
        %add3A_1283 = arith.addi %add3A_1282, %scan3A_1245 : i32
        %get3A_1284 = arith.index_cast %add3A_1283 : i32 to index
        %get3A_1285 = arith.constant 32 : index
        %get3A_1286 = tpu.vector_load %arg15[%get3A_1284, %get3A_1285] {strides = array<i32>} : memref<50x128xf32, #tpu.memory_space<vmem>>, vector<1x16xf32>,
        %get3A_1287 = vector.shape_cast %get3A_1286 : vector<1x16xf32> to vector<16xf32>
        %mul3A_1288 = arith.mulf %gather3A_1265, %get3A_1287 : vector<16xf32>
        %add3A_1289 = arith.addf %scan3A_1248, %mul3A_1288 : vector<16xf32>
        %add3A_1290 = arith.constant 0 : i32
        %add3A_1291 = arith.addi %add3A_1290, %scan3A_1245 : i32
        %get3A_1292 = arith.index_cast %add3A_1291 : i32 to index
        %get3A_1293 = arith.constant 48 : index
        %get3A_1294 = tpu.vector_load %arg15[%get3A_1292, %get3A_1293] {strides = array<i32>} : memref<50x128xf32, #tpu.memory_space<vmem>>, vector<1x16xf32>,
        %get3A_1295 = vector.shape_cast %get3A_1294 : vector<1x16xf32> to vector<16xf32>
        %mul3A_1296 = arith.mulf %gather3A_1265, %get3A_1295 : vector<16xf32>
        %add3A_1297 = arith.addf %scan3A_1249, %mul3A_1296 : vector<16xf32>
        %add3A_1298 = arith.constant 0 : i32
        %add3A_1299 = arith.addi %add3A_1298, %scan3A_1245 : i32
        %get3A_1300 = arith.index_cast %add3A_1299 : i32 to index
        %get3A_1301 = arith.constant 64 : index
        %get3A_1302 = tpu.vector_load %arg15[%get3A_1300, %get3A_1301] {strides = array<i32>} : memref<50x128xf32, #tpu.memory_space<vmem>>, vector<1x16xf32>,
        %get3A_1303 = vector.shape_cast %get3A_1302 : vector<1x16xf32> to vector<16xf32>
        %mul3A_1304 = arith.mulf %gather3A_1265, %get3A_1303 : vector<16xf32>
        %add3A_1305 = arith.addf %scan3A_1250, %mul3A_1304 : vector<16xf32>
        %add3A_1306 = arith.constant 0 : i32
        %add3A_1307 = arith.addi %add3A_1306, %scan3A_1245 : i32
        %get3A_1308 = arith.index_cast %add3A_1307 : i32 to index
        %get3A_1309 = arith.constant 80 : index
        %get3A_1310 = tpu.vector_load %arg15[%get3A_1308, %get3A_1309] {strides = array<i32>} : memref<50x128xf32, #tpu.memory_space<vmem>>, vector<1x16xf32>,
        %get3A_1311 = vector.shape_cast %get3A_1310 : vector<1x16xf32> to vector<16xf32>
        %mul3A_1312 = arith.mulf %gather3A_1265, %get3A_1311 : vector<16xf32>
        %add3A_1313 = arith.addf %scan3A_1251, %mul3A_1312 : vector<16xf32>
        %add3A_1314 = arith.constant 0 : i32
        %add3A_1315 = arith.addi %add3A_1314, %scan3A_1245 : i32
        %get3A_1316 = arith.index_cast %add3A_1315 : i32 to index
        %get3A_1317 = arith.constant 96 : index
        %get3A_1318 = tpu.vector_load %arg15[%get3A_1316, %get3A_1317] {strides = array<i32>} : memref<50x128xf32, #tpu.memory_space<vmem>>, vector<1x16xf32>,
        %get3A_1319 = vector.shape_cast %get3A_1318 : vector<1x16xf32> to vector<16xf32>
        %mul3A_1320 = arith.mulf %gather3A_1265, %get3A_1319 : vector<16xf32>
        %add3A_1321 = arith.addf %scan3A_1252, %mul3A_1320 : vector<16xf32>
        %add3A_1322 = arith.constant 0 : i32
        %add3A_1323 = arith.addi %add3A_1322, %scan3A_1245 : i32
        %get3A_1324 = arith.index_cast %add3A_1323 : i32 to index
        %get3A_1325 = arith.constant 112 : index
        %get3A_1326 = tpu.vector_load %arg15[%get3A_1324, %get3A_1325] {strides = array<i32>} : memref<50x128xf32, #tpu.memory_space<vmem>>, vector<1x16xf32>,
        %get3A_1327 = vector.shape_cast %get3A_1326 : vector<1x16xf32> to vector<16xf32>
        %mul3A_1328 = arith.mulf %gather3A_1265, %get3A_1327 : vector<16xf32>
        %add3A_1329 = arith.addf %scan3A_1253, %mul3A_1328 : vector<16xf32>
        scf.yield %add3A_1273, %add3A_1281, %add3A_1289, %add3A_1297, %add3A_1305, %add3A_1313, %add3A_1321, %add3A_1329 : vector<16xf32>, vector<16xf32>, vector<16xf32>, vector<16xf32>, vector<16xf32>, vector<16xf32>, vector<16xf32>, vector<16xf32>
      }
      %scan3A_984 = arith.constant 16 : i32
      %mul3A_985 = arith.constant 64 : i32
      %mul3A_986 = arith.muli %add3A_949, %mul3A_985 : i32
      %add3A_987 = arith.constant 16 : i32
      %add3A_988 = arith.addi %mul3A_986, %add3A_987 : i32
      %get3A_989 = arith.index_cast %add3A_988 : i32 to index
      %get3A_990 = tpu.vector_load %arg8[%get3A_989] {strides = array<i32>} : memref<8192xf32, #tpu.memory_space<vmem>>, vector<16xf32>,
      %get3A_991 = vector.shape_cast %get3A_990 : vector<16xf32> to vector<16xf32>
      %scan3A_992 = arith.constant 0 : i32
      %scan3A_993 = arith.constant 16 : i32
      %scan3A_994 = arith.addi %scan3A_992, %scan3A_993 : i32
      %scan3A_995 = arith.constant 1 : i32
      %scan3A_996:8 = scf.for %scan3A_1245 = %scan3A_992 to %scan3A_994 step %scan3A_995 iter_args(%scan3A_1246 = %scan3A_983#0, %scan3A_1247 = %scan3A_983#1, %scan3A_1248 = %scan3A_983#2, %scan3A_1249 = %scan3A_983#3, %scan3A_1250 = %scan3A_983#4, %scan3A_1251 = %scan3A_983#5, %scan3A_1252 = %scan3A_983#6, %scan3A_1253 = %scan3A_983#7) -> (vector<16xf32>, vector<16xf32>, vector<16xf32>, vector<16xf32>, vector<16xf32>, vector<16xf32>, vector<16xf32>, vector<16xf32>)  : i32 {
        %broadcast_in_dim3A_1254 = arith.constant 0 : i32
        %broadcast_in_dim3A_1255 = vector.broadcast %broadcast_in_dim3A_1254 : i32 to vector<16xi32>
        %add3A_1256 = vector.broadcast %scan3A_1245 : i32 to vector<16xi32>
        %add3A_1257 = arith.addi %broadcast_in_dim3A_1255, %add3A_1256 : vector<16xi32>
        %lt3A_1258 = arith.constant 0 : i32
        %lt3A_1259 = vector.broadcast %lt3A_1258 : i32 to vector<16xi32>
        %lt3A_1260 = arith.cmpi slt, %add3A_1257, %lt3A_1259 : vector<16xi32>
        %add3A_1261 = arith.constant 16 : i32
        %add3A_1262 = vector.broadcast %add3A_1261 : i32 to vector<16xi32>
        %add3A_1263 = arith.addi %add3A_1257, %add3A_1262 : vector<16xi32>
        %select_n3A = arith.select %lt3A_1260, %add3A_1263, %add3A_1257 : vector<16xi1>, vector<16xi32>
        %broadcast_in_dim3A_1264 = vector.shape_cast %select_n3A : vector<16xi32> to vector<16x1xi32>
        %gather3A = vector.shape_cast %broadcast_in_dim3A_1264 : vector<16x1xi32> to vector<16xi32>
        %gather3A_1265 = tpu.dynamic_gather %get3A_991[%gather3A] in [0] : vector<16xf32>, vector<16xi32> -> vector<16xf32>
        %add3A_1266 = arith.constant 16 : i32
        %add3A_1267 = arith.addi %add3A_1266, %scan3A_1245 : i32
        %get3A_1268 = arith.index_cast %add3A_1267 : i32 to index
        %get3A_1269 = arith.constant 0 : index
        %get3A_1270 = tpu.vector_load %arg15[%get3A_1268, %get3A_1269] {strides = array<i32>} : memref<50x128xf32, #tpu.memory_space<vmem>>, vector<1x16xf32>,
        %get3A_1271 = vector.shape_cast %get3A_1270 : vector<1x16xf32> to vector<16xf32>
        %mul3A_1272 = arith.mulf %gather3A_1265, %get3A_1271 : vector<16xf32>
        %add3A_1273 = arith.addf %scan3A_1246, %mul3A_1272 : vector<16xf32>
        %add3A_1274 = arith.constant 16 : i32
        %add3A_1275 = arith.addi %add3A_1274, %scan3A_1245 : i32
        %get3A_1276 = arith.index_cast %add3A_1275 : i32 to index
        %get3A_1277 = arith.constant 16 : index
        %get3A_1278 = tpu.vector_load %arg15[%get3A_1276, %get3A_1277] {strides = array<i32>} : memref<50x128xf32, #tpu.memory_space<vmem>>, vector<1x16xf32>,
        %get3A_1279 = vector.shape_cast %get3A_1278 : vector<1x16xf32> to vector<16xf32>
        %mul3A_1280 = arith.mulf %gather3A_1265, %get3A_1279 : vector<16xf32>
        %add3A_1281 = arith.addf %scan3A_1247, %mul3A_1280 : vector<16xf32>
        %add3A_1282 = arith.constant 16 : i32
        %add3A_1283 = arith.addi %add3A_1282, %scan3A_1245 : i32
        %get3A_1284 = arith.index_cast %add3A_1283 : i32 to index
        %get3A_1285 = arith.constant 32 : index
        %get3A_1286 = tpu.vector_load %arg15[%get3A_1284, %get3A_1285] {strides = array<i32>} : memref<50x128xf32, #tpu.memory_space<vmem>>, vector<1x16xf32>,
        %get3A_1287 = vector.shape_cast %get3A_1286 : vector<1x16xf32> to vector<16xf32>
        %mul3A_1288 = arith.mulf %gather3A_1265, %get3A_1287 : vector<16xf32>
        %add3A_1289 = arith.addf %scan3A_1248, %mul3A_1288 : vector<16xf32>
        %add3A_1290 = arith.constant 16 : i32
        %add3A_1291 = arith.addi %add3A_1290, %scan3A_1245 : i32
        %get3A_1292 = arith.index_cast %add3A_1291 : i32 to index
        %get3A_1293 = arith.constant 48 : index
        %get3A_1294 = tpu.vector_load %arg15[%get3A_1292, %get3A_1293] {strides = array<i32>} : memref<50x128xf32, #tpu.memory_space<vmem>>, vector<1x16xf32>,
        %get3A_1295 = vector.shape_cast %get3A_1294 : vector<1x16xf32> to vector<16xf32>
        %mul3A_1296 = arith.mulf %gather3A_1265, %get3A_1295 : vector<16xf32>
        %add3A_1297 = arith.addf %scan3A_1249, %mul3A_1296 : vector<16xf32>
        %add3A_1298 = arith.constant 16 : i32
        %add3A_1299 = arith.addi %add3A_1298, %scan3A_1245 : i32
        %get3A_1300 = arith.index_cast %add3A_1299 : i32 to index
        %get3A_1301 = arith.constant 64 : index
        %get3A_1302 = tpu.vector_load %arg15[%get3A_1300, %get3A_1301] {strides = array<i32>} : memref<50x128xf32, #tpu.memory_space<vmem>>, vector<1x16xf32>,
        %get3A_1303 = vector.shape_cast %get3A_1302 : vector<1x16xf32> to vector<16xf32>
        %mul3A_1304 = arith.mulf %gather3A_1265, %get3A_1303 : vector<16xf32>
        %add3A_1305 = arith.addf %scan3A_1250, %mul3A_1304 : vector<16xf32>
        %add3A_1306 = arith.constant 16 : i32
        %add3A_1307 = arith.addi %add3A_1306, %scan3A_1245 : i32
        %get3A_1308 = arith.index_cast %add3A_1307 : i32 to index
        %get3A_1309 = arith.constant 80 : index
        %get3A_1310 = tpu.vector_load %arg15[%get3A_1308, %get3A_1309] {strides = array<i32>} : memref<50x128xf32, #tpu.memory_space<vmem>>, vector<1x16xf32>,
        %get3A_1311 = vector.shape_cast %get3A_1310 : vector<1x16xf32> to vector<16xf32>
        %mul3A_1312 = arith.mulf %gather3A_1265, %get3A_1311 : vector<16xf32>
        %add3A_1313 = arith.addf %scan3A_1251, %mul3A_1312 : vector<16xf32>
        %add3A_1314 = arith.constant 16 : i32
        %add3A_1315 = arith.addi %add3A_1314, %scan3A_1245 : i32
        %get3A_1316 = arith.index_cast %add3A_1315 : i32 to index
        %get3A_1317 = arith.constant 96 : index
        %get3A_1318 = tpu.vector_load %arg15[%get3A_1316, %get3A_1317] {strides = array<i32>} : memref<50x128xf32, #tpu.memory_space<vmem>>, vector<1x16xf32>,
        %get3A_1319 = vector.shape_cast %get3A_1318 : vector<1x16xf32> to vector<16xf32>
        %mul3A_1320 = arith.mulf %gather3A_1265, %get3A_1319 : vector<16xf32>
        %add3A_1321 = arith.addf %scan3A_1252, %mul3A_1320 : vector<16xf32>
        %add3A_1322 = arith.constant 16 : i32
        %add3A_1323 = arith.addi %add3A_1322, %scan3A_1245 : i32
        %get3A_1324 = arith.index_cast %add3A_1323 : i32 to index
        %get3A_1325 = arith.constant 112 : index
        %get3A_1326 = tpu.vector_load %arg15[%get3A_1324, %get3A_1325] {strides = array<i32>} : memref<50x128xf32, #tpu.memory_space<vmem>>, vector<1x16xf32>,
        %get3A_1327 = vector.shape_cast %get3A_1326 : vector<1x16xf32> to vector<16xf32>
        %mul3A_1328 = arith.mulf %gather3A_1265, %get3A_1327 : vector<16xf32>
        %add3A_1329 = arith.addf %scan3A_1253, %mul3A_1328 : vector<16xf32>
        scf.yield %add3A_1273, %add3A_1281, %add3A_1289, %add3A_1297, %add3A_1305, %add3A_1313, %add3A_1321, %add3A_1329 : vector<16xf32>, vector<16xf32>, vector<16xf32>, vector<16xf32>, vector<16xf32>, vector<16xf32>, vector<16xf32>, vector<16xf32>
      }
      %scan3A_997 = arith.constant 16 : i32
      %mul3A_998 = arith.constant 64 : i32
      %mul3A_999 = arith.muli %add3A_949, %mul3A_998 : i32
      %add3A_1000 = arith.constant 32 : i32
      %add3A_1001 = arith.addi %mul3A_999, %add3A_1000 : i32
      %get3A_1002 = arith.index_cast %add3A_1001 : i32 to index
      %get3A_1003 = tpu.vector_load %arg8[%get3A_1002] {strides = array<i32>} : memref<8192xf32, #tpu.memory_space<vmem>>, vector<16xf32>,
      %get3A_1004 = vector.shape_cast %get3A_1003 : vector<16xf32> to vector<16xf32>
      %scan3A_1005 = arith.constant 0 : i32
      %scan3A_1006 = arith.constant 16 : i32
      %scan3A_1007 = arith.addi %scan3A_1005, %scan3A_1006 : i32
      %scan3A_1008 = arith.constant 1 : i32
      %scan3A_1009:8 = scf.for %scan3A_1245 = %scan3A_1005 to %scan3A_1007 step %scan3A_1008 iter_args(%scan3A_1246 = %scan3A_996#0, %scan3A_1247 = %scan3A_996#1, %scan3A_1248 = %scan3A_996#2, %scan3A_1249 = %scan3A_996#3, %scan3A_1250 = %scan3A_996#4, %scan3A_1251 = %scan3A_996#5, %scan3A_1252 = %scan3A_996#6, %scan3A_1253 = %scan3A_996#7) -> (vector<16xf32>, vector<16xf32>, vector<16xf32>, vector<16xf32>, vector<16xf32>, vector<16xf32>, vector<16xf32>, vector<16xf32>)  : i32 {
        %broadcast_in_dim3A_1254 = arith.constant 0 : i32
        %broadcast_in_dim3A_1255 = vector.broadcast %broadcast_in_dim3A_1254 : i32 to vector<16xi32>
        %add3A_1256 = vector.broadcast %scan3A_1245 : i32 to vector<16xi32>
        %add3A_1257 = arith.addi %broadcast_in_dim3A_1255, %add3A_1256 : vector<16xi32>
        %lt3A_1258 = arith.constant 0 : i32
        %lt3A_1259 = vector.broadcast %lt3A_1258 : i32 to vector<16xi32>
        %lt3A_1260 = arith.cmpi slt, %add3A_1257, %lt3A_1259 : vector<16xi32>
        %add3A_1261 = arith.constant 16 : i32
        %add3A_1262 = vector.broadcast %add3A_1261 : i32 to vector<16xi32>
        %add3A_1263 = arith.addi %add3A_1257, %add3A_1262 : vector<16xi32>
        %select_n3A = arith.select %lt3A_1260, %add3A_1263, %add3A_1257 : vector<16xi1>, vector<16xi32>
        %broadcast_in_dim3A_1264 = vector.shape_cast %select_n3A : vector<16xi32> to vector<16x1xi32>
        %gather3A = vector.shape_cast %broadcast_in_dim3A_1264 : vector<16x1xi32> to vector<16xi32>
        %gather3A_1265 = tpu.dynamic_gather %get3A_1004[%gather3A] in [0] : vector<16xf32>, vector<16xi32> -> vector<16xf32>
        %add3A_1266 = arith.constant 32 : i32
        %add3A_1267 = arith.addi %add3A_1266, %scan3A_1245 : i32
        %get3A_1268 = arith.index_cast %add3A_1267 : i32 to index
        %get3A_1269 = arith.constant 0 : index
        %get3A_1270 = tpu.vector_load %arg15[%get3A_1268, %get3A_1269] {strides = array<i32>} : memref<50x128xf32, #tpu.memory_space<vmem>>, vector<1x16xf32>,
        %get3A_1271 = vector.shape_cast %get3A_1270 : vector<1x16xf32> to vector<16xf32>
        %mul3A_1272 = arith.mulf %gather3A_1265, %get3A_1271 : vector<16xf32>
        %add3A_1273 = arith.addf %scan3A_1246, %mul3A_1272 : vector<16xf32>
        %add3A_1274 = arith.constant 32 : i32
        %add3A_1275 = arith.addi %add3A_1274, %scan3A_1245 : i32
        %get3A_1276 = arith.index_cast %add3A_1275 : i32 to index
        %get3A_1277 = arith.constant 16 : index
        %get3A_1278 = tpu.vector_load %arg15[%get3A_1276, %get3A_1277] {strides = array<i32>} : memref<50x128xf32, #tpu.memory_space<vmem>>, vector<1x16xf32>,
        %get3A_1279 = vector.shape_cast %get3A_1278 : vector<1x16xf32> to vector<16xf32>
        %mul3A_1280 = arith.mulf %gather3A_1265, %get3A_1279 : vector<16xf32>
        %add3A_1281 = arith.addf %scan3A_1247, %mul3A_1280 : vector<16xf32>
        %add3A_1282 = arith.constant 32 : i32
        %add3A_1283 = arith.addi %add3A_1282, %scan3A_1245 : i32
        %get3A_1284 = arith.index_cast %add3A_1283 : i32 to index
        %get3A_1285 = arith.constant 32 : index
        %get3A_1286 = tpu.vector_load %arg15[%get3A_1284, %get3A_1285] {strides = array<i32>} : memref<50x128xf32, #tpu.memory_space<vmem>>, vector<1x16xf32>,
        %get3A_1287 = vector.shape_cast %get3A_1286 : vector<1x16xf32> to vector<16xf32>
        %mul3A_1288 = arith.mulf %gather3A_1265, %get3A_1287 : vector<16xf32>
        %add3A_1289 = arith.addf %scan3A_1248, %mul3A_1288 : vector<16xf32>
        %add3A_1290 = arith.constant 32 : i32
        %add3A_1291 = arith.addi %add3A_1290, %scan3A_1245 : i32
        %get3A_1292 = arith.index_cast %add3A_1291 : i32 to index
        %get3A_1293 = arith.constant 48 : index
        %get3A_1294 = tpu.vector_load %arg15[%get3A_1292, %get3A_1293] {strides = array<i32>} : memref<50x128xf32, #tpu.memory_space<vmem>>, vector<1x16xf32>,
        %get3A_1295 = vector.shape_cast %get3A_1294 : vector<1x16xf32> to vector<16xf32>
        %mul3A_1296 = arith.mulf %gather3A_1265, %get3A_1295 : vector<16xf32>
        %add3A_1297 = arith.addf %scan3A_1249, %mul3A_1296 : vector<16xf32>
        %add3A_1298 = arith.constant 32 : i32
        %add3A_1299 = arith.addi %add3A_1298, %scan3A_1245 : i32
        %get3A_1300 = arith.index_cast %add3A_1299 : i32 to index
        %get3A_1301 = arith.constant 64 : index
        %get3A_1302 = tpu.vector_load %arg15[%get3A_1300, %get3A_1301] {strides = array<i32>} : memref<50x128xf32, #tpu.memory_space<vmem>>, vector<1x16xf32>,
        %get3A_1303 = vector.shape_cast %get3A_1302 : vector<1x16xf32> to vector<16xf32>
        %mul3A_1304 = arith.mulf %gather3A_1265, %get3A_1303 : vector<16xf32>
        %add3A_1305 = arith.addf %scan3A_1250, %mul3A_1304 : vector<16xf32>
        %add3A_1306 = arith.constant 32 : i32
        %add3A_1307 = arith.addi %add3A_1306, %scan3A_1245 : i32
        %get3A_1308 = arith.index_cast %add3A_1307 : i32 to index
        %get3A_1309 = arith.constant 80 : index
        %get3A_1310 = tpu.vector_load %arg15[%get3A_1308, %get3A_1309] {strides = array<i32>} : memref<50x128xf32, #tpu.memory_space<vmem>>, vector<1x16xf32>,
        %get3A_1311 = vector.shape_cast %get3A_1310 : vector<1x16xf32> to vector<16xf32>
        %mul3A_1312 = arith.mulf %gather3A_1265, %get3A_1311 : vector<16xf32>
        %add3A_1313 = arith.addf %scan3A_1251, %mul3A_1312 : vector<16xf32>
        %add3A_1314 = arith.constant 32 : i32
        %add3A_1315 = arith.addi %add3A_1314, %scan3A_1245 : i32
        %get3A_1316 = arith.index_cast %add3A_1315 : i32 to index
        %get3A_1317 = arith.constant 96 : index
        %get3A_1318 = tpu.vector_load %arg15[%get3A_1316, %get3A_1317] {strides = array<i32>} : memref<50x128xf32, #tpu.memory_space<vmem>>, vector<1x16xf32>,
        %get3A_1319 = vector.shape_cast %get3A_1318 : vector<1x16xf32> to vector<16xf32>
        %mul3A_1320 = arith.mulf %gather3A_1265, %get3A_1319 : vector<16xf32>
        %add3A_1321 = arith.addf %scan3A_1252, %mul3A_1320 : vector<16xf32>
        %add3A_1322 = arith.constant 32 : i32
        %add3A_1323 = arith.addi %add3A_1322, %scan3A_1245 : i32
        %get3A_1324 = arith.index_cast %add3A_1323 : i32 to index
        %get3A_1325 = arith.constant 112 : index
        %get3A_1326 = tpu.vector_load %arg15[%get3A_1324, %get3A_1325] {strides = array<i32>} : memref<50x128xf32, #tpu.memory_space<vmem>>, vector<1x16xf32>,
        %get3A_1327 = vector.shape_cast %get3A_1326 : vector<1x16xf32> to vector<16xf32>
        %mul3A_1328 = arith.mulf %gather3A_1265, %get3A_1327 : vector<16xf32>
        %add3A_1329 = arith.addf %scan3A_1253, %mul3A_1328 : vector<16xf32>
        scf.yield %add3A_1273, %add3A_1281, %add3A_1289, %add3A_1297, %add3A_1305, %add3A_1313, %add3A_1321, %add3A_1329 : vector<16xf32>, vector<16xf32>, vector<16xf32>, vector<16xf32>, vector<16xf32>, vector<16xf32>, vector<16xf32>, vector<16xf32>
      }
      %scan3A_1010 = arith.constant 16 : i32
      %mul3A_1011 = arith.constant 64 : i32
      %mul3A_1012 = arith.muli %add3A_949, %mul3A_1011 : i32
      %add3A_1013 = arith.constant 48 : i32
      %add3A_1014 = arith.addi %mul3A_1012, %add3A_1013 : i32
      %get3A_1015 = arith.index_cast %add3A_1014 : i32 to index
      %get3A_1016 = tpu.vector_load %arg8[%get3A_1015] {strides = array<i32>} : memref<8192xf32, #tpu.memory_space<vmem>>, vector<16xf32>,
      %get3A_1017 = vector.shape_cast %get3A_1016 : vector<16xf32> to vector<16xf32>
      %scan3A_1018 = arith.constant 0 : i32
      %scan3A_1019 = arith.constant 2 : i32
      %scan3A_1020 = arith.addi %scan3A_1018, %scan3A_1019 : i32
      %scan3A_1021 = arith.constant 1 : i32
      %scan3A_1022:8 = scf.for %scan3A_1245 = %scan3A_1018 to %scan3A_1020 step %scan3A_1021 iter_args(%scan3A_1246 = %scan3A_1009#0, %scan3A_1247 = %scan3A_1009#1, %scan3A_1248 = %scan3A_1009#2, %scan3A_1249 = %scan3A_1009#3, %scan3A_1250 = %scan3A_1009#4, %scan3A_1251 = %scan3A_1009#5, %scan3A_1252 = %scan3A_1009#6, %scan3A_1253 = %scan3A_1009#7) -> (vector<16xf32>, vector<16xf32>, vector<16xf32>, vector<16xf32>, vector<16xf32>, vector<16xf32>, vector<16xf32>, vector<16xf32>)  : i32 {
        %broadcast_in_dim3A_1254 = arith.constant 0 : i32
        %broadcast_in_dim3A_1255 = vector.broadcast %broadcast_in_dim3A_1254 : i32 to vector<16xi32>
        %add3A_1256 = vector.broadcast %scan3A_1245 : i32 to vector<16xi32>
        %add3A_1257 = arith.addi %broadcast_in_dim3A_1255, %add3A_1256 : vector<16xi32>
        %lt3A_1258 = arith.constant 0 : i32
        %lt3A_1259 = vector.broadcast %lt3A_1258 : i32 to vector<16xi32>
        %lt3A_1260 = arith.cmpi slt, %add3A_1257, %lt3A_1259 : vector<16xi32>
        %add3A_1261 = arith.constant 16 : i32
        %add3A_1262 = vector.broadcast %add3A_1261 : i32 to vector<16xi32>
        %add3A_1263 = arith.addi %add3A_1257, %add3A_1262 : vector<16xi32>
        %select_n3A = arith.select %lt3A_1260, %add3A_1263, %add3A_1257 : vector<16xi1>, vector<16xi32>
        %broadcast_in_dim3A_1264 = vector.shape_cast %select_n3A : vector<16xi32> to vector<16x1xi32>
        %gather3A = vector.shape_cast %broadcast_in_dim3A_1264 : vector<16x1xi32> to vector<16xi32>
        %gather3A_1265 = tpu.dynamic_gather %get3A_1017[%gather3A] in [0] : vector<16xf32>, vector<16xi32> -> vector<16xf32>
        %add3A_1266 = arith.constant 48 : i32
        %add3A_1267 = arith.addi %add3A_1266, %scan3A_1245 : i32
        %get3A_1268 = arith.index_cast %add3A_1267 : i32 to index
        %get3A_1269 = arith.constant 0 : index
        %get3A_1270 = tpu.vector_load %arg15[%get3A_1268, %get3A_1269] {strides = array<i32>} : memref<50x128xf32, #tpu.memory_space<vmem>>, vector<1x16xf32>,
        %get3A_1271 = vector.shape_cast %get3A_1270 : vector<1x16xf32> to vector<16xf32>
        %mul3A_1272 = arith.mulf %gather3A_1265, %get3A_1271 : vector<16xf32>
        %add3A_1273 = arith.addf %scan3A_1246, %mul3A_1272 : vector<16xf32>
        %add3A_1274 = arith.constant 48 : i32
        %add3A_1275 = arith.addi %add3A_1274, %scan3A_1245 : i32
        %get3A_1276 = arith.index_cast %add3A_1275 : i32 to index
        %get3A_1277 = arith.constant 16 : index
        %get3A_1278 = tpu.vector_load %arg15[%get3A_1276, %get3A_1277] {strides = array<i32>} : memref<50x128xf32, #tpu.memory_space<vmem>>, vector<1x16xf32>,
        %get3A_1279 = vector.shape_cast %get3A_1278 : vector<1x16xf32> to vector<16xf32>
        %mul3A_1280 = arith.mulf %gather3A_1265, %get3A_1279 : vector<16xf32>
        %add3A_1281 = arith.addf %scan3A_1247, %mul3A_1280 : vector<16xf32>
        %add3A_1282 = arith.constant 48 : i32
        %add3A_1283 = arith.addi %add3A_1282, %scan3A_1245 : i32
        %get3A_1284 = arith.index_cast %add3A_1283 : i32 to index
        %get3A_1285 = arith.constant 32 : index
        %get3A_1286 = tpu.vector_load %arg15[%get3A_1284, %get3A_1285] {strides = array<i32>} : memref<50x128xf32, #tpu.memory_space<vmem>>, vector<1x16xf32>,
        %get3A_1287 = vector.shape_cast %get3A_1286 : vector<1x16xf32> to vector<16xf32>
        %mul3A_1288 = arith.mulf %gather3A_1265, %get3A_1287 : vector<16xf32>
        %add3A_1289 = arith.addf %scan3A_1248, %mul3A_1288 : vector<16xf32>
        %add3A_1290 = arith.constant 48 : i32
        %add3A_1291 = arith.addi %add3A_1290, %scan3A_1245 : i32
        %get3A_1292 = arith.index_cast %add3A_1291 : i32 to index
        %get3A_1293 = arith.constant 48 : index
        %get3A_1294 = tpu.vector_load %arg15[%get3A_1292, %get3A_1293] {strides = array<i32>} : memref<50x128xf32, #tpu.memory_space<vmem>>, vector<1x16xf32>,
        %get3A_1295 = vector.shape_cast %get3A_1294 : vector<1x16xf32> to vector<16xf32>
        %mul3A_1296 = arith.mulf %gather3A_1265, %get3A_1295 : vector<16xf32>
        %add3A_1297 = arith.addf %scan3A_1249, %mul3A_1296 : vector<16xf32>
        %add3A_1298 = arith.constant 48 : i32
        %add3A_1299 = arith.addi %add3A_1298, %scan3A_1245 : i32
        %get3A_1300 = arith.index_cast %add3A_1299 : i32 to index
        %get3A_1301 = arith.constant 64 : index
        %get3A_1302 = tpu.vector_load %arg15[%get3A_1300, %get3A_1301] {strides = array<i32>} : memref<50x128xf32, #tpu.memory_space<vmem>>, vector<1x16xf32>,
        %get3A_1303 = vector.shape_cast %get3A_1302 : vector<1x16xf32> to vector<16xf32>
        %mul3A_1304 = arith.mulf %gather3A_1265, %get3A_1303 : vector<16xf32>
        %add3A_1305 = arith.addf %scan3A_1250, %mul3A_1304 : vector<16xf32>
        %add3A_1306 = arith.constant 48 : i32
        %add3A_1307 = arith.addi %add3A_1306, %scan3A_1245 : i32
        %get3A_1308 = arith.index_cast %add3A_1307 : i32 to index
        %get3A_1309 = arith.constant 80 : index
        %get3A_1310 = tpu.vector_load %arg15[%get3A_1308, %get3A_1309] {strides = array<i32>} : memref<50x128xf32, #tpu.memory_space<vmem>>, vector<1x16xf32>,
        %get3A_1311 = vector.shape_cast %get3A_1310 : vector<1x16xf32> to vector<16xf32>
        %mul3A_1312 = arith.mulf %gather3A_1265, %get3A_1311 : vector<16xf32>
        %add3A_1313 = arith.addf %scan3A_1251, %mul3A_1312 : vector<16xf32>
        %add3A_1314 = arith.constant 48 : i32
        %add3A_1315 = arith.addi %add3A_1314, %scan3A_1245 : i32
        %get3A_1316 = arith.index_cast %add3A_1315 : i32 to index
        %get3A_1317 = arith.constant 96 : index
        %get3A_1318 = tpu.vector_load %arg15[%get3A_1316, %get3A_1317] {strides = array<i32>} : memref<50x128xf32, #tpu.memory_space<vmem>>, vector<1x16xf32>,
        %get3A_1319 = vector.shape_cast %get3A_1318 : vector<1x16xf32> to vector<16xf32>
        %mul3A_1320 = arith.mulf %gather3A_1265, %get3A_1319 : vector<16xf32>
        %add3A_1321 = arith.addf %scan3A_1252, %mul3A_1320 : vector<16xf32>
        %add3A_1322 = arith.constant 48 : i32
        %add3A_1323 = arith.addi %add3A_1322, %scan3A_1245 : i32
        %get3A_1324 = arith.index_cast %add3A_1323 : i32 to index
        %get3A_1325 = arith.constant 112 : index
        %get3A_1326 = tpu.vector_load %arg15[%get3A_1324, %get3A_1325] {strides = array<i32>} : memref<50x128xf32, #tpu.memory_space<vmem>>, vector<1x16xf32>,
        %get3A_1327 = vector.shape_cast %get3A_1326 : vector<1x16xf32> to vector<16xf32>
        %mul3A_1328 = arith.mulf %gather3A_1265, %get3A_1327 : vector<16xf32>
        %add3A_1329 = arith.addf %scan3A_1253, %mul3A_1328 : vector<16xf32>
        scf.yield %add3A_1273, %add3A_1281, %add3A_1289, %add3A_1297, %add3A_1305, %add3A_1313, %add3A_1321, %add3A_1329 : vector<16xf32>, vector<16xf32>, vector<16xf32>, vector<16xf32>, vector<16xf32>, vector<16xf32>, vector<16xf32>, vector<16xf32>
      }
      %scan3A_1023 = arith.constant 2 : i32
      %add3A_1024 = arith.constant 1 : i32
      %add3A_1025 = arith.addi %scan3A_57, %add3A_1024 : i32
      %lt3A_1026 = arith.constant 16 : i32
      %lt3A_1027 = arith.cmpi slt, %add3A_1025, %lt3A_1026 : i32
      %convert_element_type3A_1028 = arith.extui %lt3A_1027 : i1 to i32
      %cond3A_1029 = arith.constant 0 : i32
      %cond3A_1030 = arith.cmpi ne, %convert_element_type3A_1028, %cond3A_1029 : i32
      scf.if %cond3A_1030 {
        %add3A_1245 = arith.constant 8 : i32
        %add3A_1246 = arith.addi %add3A_949, %add3A_1245 : i32
        %mul3A_1247 = arith.constant 64 : i32
        %mul3A_1248 = arith.muli %add3A_1246, %mul3A_1247 : i32
        %dma_start3A_1249 = tpu.memref_slice %arg6[%mul3A_1248] : memref<8192xi32, #tpu.memory_space<vmem>> -> memref<50xi32, #tpu.memory_space<vmem>>
        %dma_start3A_1250 = arith.constant 0 : i32
        %dma_start3A_1251 = arith.constant 0 : i32
        %dma_start3A_1252 = tpu.memref_slice %arg4[%dma_start3A_1250, %dma_start3A_1251] : memref<100000x128xf32, #tpu.memory_space<hbm>> -> memref<100000x128xf32, #tpu.memory_space<hbm>>
        tpu.enqueue_indirect_dma source(%dma_start3A_1252 : memref<100000x128xf32, #tpu.memory_space<hbm>>) target(%arg15 : memref<50x128xf32, #tpu.memory_space<vmem>>) offsets(%dma_start3A_1249 : memref<50xi32, #tpu.memory_space<vmem>>) semaphore(%arg24 : memref<!tpu.dma_semaphore, #tpu.memory_space<semaphore_mem>>)
      } else {
      }
      %mul3A_1031 = arith.constant 128 : i32
      %mul3A_1032 = arith.muli %add3A_949, %mul3A_1031 : i32
      %add3A_1033 = arith.constant 0 : i32
      %add3A_1034 = arith.addi %mul3A_1032, %add3A_1033 : i32
      %swap3A_1035 = arith.index_cast %add3A_1034 : i32 to index
      %swap3A_1036 = tpu.vector_load %arg17[%swap3A_1035] {strides = array<i32>} : memref<16384xf32, #tpu.memory_space<vmem>>, vector<16xf32>,
      %swap3A_1037 = vector.shape_cast %swap3A_1036 : vector<16xf32> to vector<16xf32>
      %swap3A_1038 = vector.shape_cast %scan3A_1022#0 : vector<16xf32> to vector<16xf32>
      tpu.vector_store %arg17[%swap3A_1035], %swap3A_1038 {strides = array<i32>} : memref<16384xf32, #tpu.memory_space<vmem>>, vector<16xf32>,
      %mul3A_1039 = arith.constant 128 : i32
      %mul3A_1040 = arith.muli %add3A_949, %mul3A_1039 : i32
      %add3A_1041 = arith.constant 16 : i32
      %add3A_1042 = arith.addi %mul3A_1040, %add3A_1041 : i32
      %swap3A_1043 = arith.index_cast %add3A_1042 : i32 to index
      %swap3A_1044 = tpu.vector_load %arg17[%swap3A_1043] {strides = array<i32>} : memref<16384xf32, #tpu.memory_space<vmem>>, vector<16xf32>,
      %swap3A_1045 = vector.shape_cast %swap3A_1044 : vector<16xf32> to vector<16xf32>
      %swap3A_1046 = vector.shape_cast %scan3A_1022#1 : vector<16xf32> to vector<16xf32>
      tpu.vector_store %arg17[%swap3A_1043], %swap3A_1046 {strides = array<i32>} : memref<16384xf32, #tpu.memory_space<vmem>>, vector<16xf32>,
      %mul3A_1047 = arith.constant 128 : i32
      %mul3A_1048 = arith.muli %add3A_949, %mul3A_1047 : i32
      %add3A_1049 = arith.constant 32 : i32
      %add3A_1050 = arith.addi %mul3A_1048, %add3A_1049 : i32
      %swap3A_1051 = arith.index_cast %add3A_1050 : i32 to index
      %swap3A_1052 = tpu.vector_load %arg17[%swap3A_1051] {strides = array<i32>} : memref<16384xf32, #tpu.memory_space<vmem>>, vector<16xf32>,
      %swap3A_1053 = vector.shape_cast %swap3A_1052 : vector<16xf32> to vector<16xf32>
      %swap3A_1054 = vector.shape_cast %scan3A_1022#2 : vector<16xf32> to vector<16xf32>
      tpu.vector_store %arg17[%swap3A_1051], %swap3A_1054 {strides = array<i32>} : memref<16384xf32, #tpu.memory_space<vmem>>, vector<16xf32>,
      %mul3A_1055 = arith.constant 128 : i32
      %mul3A_1056 = arith.muli %add3A_949, %mul3A_1055 : i32
      %add3A_1057 = arith.constant 48 : i32
      %add3A_1058 = arith.addi %mul3A_1056, %add3A_1057 : i32
      %swap3A_1059 = arith.index_cast %add3A_1058 : i32 to index
      %swap3A_1060 = tpu.vector_load %arg17[%swap3A_1059] {strides = array<i32>} : memref<16384xf32, #tpu.memory_space<vmem>>, vector<16xf32>,
      %swap3A_1061 = vector.shape_cast %swap3A_1060 : vector<16xf32> to vector<16xf32>
      %swap3A_1062 = vector.shape_cast %scan3A_1022#3 : vector<16xf32> to vector<16xf32>
      tpu.vector_store %arg17[%swap3A_1059], %swap3A_1062 {strides = array<i32>} : memref<16384xf32, #tpu.memory_space<vmem>>, vector<16xf32>,
      %mul3A_1063 = arith.constant 128 : i32
      %mul3A_1064 = arith.muli %add3A_949, %mul3A_1063 : i32
      %add3A_1065 = arith.constant 64 : i32
      %add3A_1066 = arith.addi %mul3A_1064, %add3A_1065 : i32
      %swap3A_1067 = arith.index_cast %add3A_1066 : i32 to index
      %swap3A_1068 = tpu.vector_load %arg17[%swap3A_1067] {strides = array<i32>} : memref<16384xf32, #tpu.memory_space<vmem>>, vector<16xf32>,
      %swap3A_1069 = vector.shape_cast %swap3A_1068 : vector<16xf32> to vector<16xf32>
      %swap3A_1070 = vector.shape_cast %scan3A_1022#4 : vector<16xf32> to vector<16xf32>
      tpu.vector_store %arg17[%swap3A_1067], %swap3A_1070 {strides = array<i32>} : memref<16384xf32, #tpu.memory_space<vmem>>, vector<16xf32>,
      %mul3A_1071 = arith.constant 128 : i32
      %mul3A_1072 = arith.muli %add3A_949, %mul3A_1071 : i32
      %add3A_1073 = arith.constant 80 : i32
      %add3A_1074 = arith.addi %mul3A_1072, %add3A_1073 : i32
      %swap3A_1075 = arith.index_cast %add3A_1074 : i32 to index
      %swap3A_1076 = tpu.vector_load %arg17[%swap3A_1075] {strides = array<i32>} : memref<16384xf32, #tpu.memory_space<vmem>>, vector<16xf32>,
      %swap3A_1077 = vector.shape_cast %swap3A_1076 : vector<16xf32> to vector<16xf32>
      %swap3A_1078 = vector.shape_cast %scan3A_1022#5 : vector<16xf32> to vector<16xf32>
      tpu.vector_store %arg17[%swap3A_1075], %swap3A_1078 {strides = array<i32>} : memref<16384xf32, #tpu.memory_space<vmem>>, vector<16xf32>,
      %mul3A_1079 = arith.constant 128 : i32
      %mul3A_1080 = arith.muli %add3A_949, %mul3A_1079 : i32
      %add3A_1081 = arith.constant 96 : i32
      %add3A_1082 = arith.addi %mul3A_1080, %add3A_1081 : i32
      %swap3A_1083 = arith.index_cast %add3A_1082 : i32 to index
      %swap3A_1084 = tpu.vector_load %arg17[%swap3A_1083] {strides = array<i32>} : memref<16384xf32, #tpu.memory_space<vmem>>, vector<16xf32>,
      %swap3A_1085 = vector.shape_cast %swap3A_1084 : vector<16xf32> to vector<16xf32>
      %swap3A_1086 = vector.shape_cast %scan3A_1022#6 : vector<16xf32> to vector<16xf32>
      tpu.vector_store %arg17[%swap3A_1083], %swap3A_1086 {strides = array<i32>} : memref<16384xf32, #tpu.memory_space<vmem>>, vector<16xf32>,
      %mul3A_1087 = arith.constant 128 : i32
      %mul3A_1088 = arith.muli %add3A_949, %mul3A_1087 : i32
      %add3A_1089 = arith.constant 112 : i32
      %add3A_1090 = arith.addi %mul3A_1088, %add3A_1089 : i32
      %swap3A_1091 = arith.index_cast %add3A_1090 : i32 to index
      %swap3A_1092 = tpu.vector_load %arg17[%swap3A_1091] {strides = array<i32>} : memref<16384xf32, #tpu.memory_space<vmem>>, vector<16xf32>,
      %swap3A_1093 = vector.shape_cast %swap3A_1092 : vector<16xf32> to vector<16xf32>
      %swap3A_1094 = vector.shape_cast %scan3A_1022#7 : vector<16xf32> to vector<16xf32>
      tpu.vector_store %arg17[%swap3A_1091], %swap3A_1094 {strides = array<i32>} : memref<16384xf32, #tpu.memory_space<vmem>>, vector<16xf32>,
      %mul3A_1095 = arith.constant 8 : i32
      %mul3A_1096 = arith.muli %scan3A_57, %mul3A_1095 : i32
      %add3A_1097 = arith.constant 7 : i32
      %add3A_1098 = arith.addi %mul3A_1096, %add3A_1097 : i32
      %mul3A_1099 = arith.constant 64 : i32
      %mul3A_1100 = arith.muli %add3A_1098, %mul3A_1099 : i32
      %dma_wait3A_1101 = tpu.memref_slice %arg6[%mul3A_1100] : memref<8192xi32, #tpu.memory_space<vmem>> -> memref<50xi32, #tpu.memory_space<vmem>>
      %dma_wait3A_1102 = arith.constant 0 : i32
      %dma_wait3A_1103 = arith.constant 0 : i32
      %dma_wait3A_1104 = tpu.memref_slice %arg4[%dma_wait3A_1102, %dma_wait3A_1103] : memref<100000x128xf32, #tpu.memory_space<hbm>> -> memref<100000x128xf32, #tpu.memory_space<hbm>>
      tpu.wait_indirect_dma semaphore(%arg25 : memref<!tpu.dma_semaphore, #tpu.memory_space<semaphore_mem>>) src(%dma_wait3A_1104 : memref<100000x128xf32, #tpu.memory_space<hbm>>) dst(%arg16 : memref<50x128xf32, #tpu.memory_space<vmem>>)
      %broadcast_in_dim3A_1105 = arith.constant 0.000000e+00 : f32
      %broadcast_in_dim3A_1106 = vector.broadcast %broadcast_in_dim3A_1105 : f32 to vector<16xf32>
      %broadcast_in_dim3A_1107 = arith.constant 0.000000e+00 : f32
      %broadcast_in_dim3A_1108 = vector.broadcast %broadcast_in_dim3A_1107 : f32 to vector<16xf32>
      %broadcast_in_dim3A_1109 = arith.constant 0.000000e+00 : f32
      %broadcast_in_dim3A_1110 = vector.broadcast %broadcast_in_dim3A_1109 : f32 to vector<16xf32>
      %broadcast_in_dim3A_1111 = arith.constant 0.000000e+00 : f32
      %broadcast_in_dim3A_1112 = vector.broadcast %broadcast_in_dim3A_1111 : f32 to vector<16xf32>
      %broadcast_in_dim3A_1113 = arith.constant 0.000000e+00 : f32
      %broadcast_in_dim3A_1114 = vector.broadcast %broadcast_in_dim3A_1113 : f32 to vector<16xf32>
      %broadcast_in_dim3A_1115 = arith.constant 0.000000e+00 : f32
      %broadcast_in_dim3A_1116 = vector.broadcast %broadcast_in_dim3A_1115 : f32 to vector<16xf32>
      %broadcast_in_dim3A_1117 = arith.constant 0.000000e+00 : f32
      %broadcast_in_dim3A_1118 = vector.broadcast %broadcast_in_dim3A_1117 : f32 to vector<16xf32>
      %broadcast_in_dim3A_1119 = arith.constant 0.000000e+00 : f32
      %broadcast_in_dim3A_1120 = vector.broadcast %broadcast_in_dim3A_1119 : f32 to vector<16xf32>
      %mul3A_1121 = arith.constant 64 : i32
      %mul3A_1122 = arith.muli %add3A_1098, %mul3A_1121 : i32
      %add3A_1123 = arith.constant 0 : i32
      %add3A_1124 = arith.addi %mul3A_1122, %add3A_1123 : i32
      %get3A_1125 = arith.index_cast %add3A_1124 : i32 to index
      %get3A_1126 = tpu.vector_load %arg8[%get3A_1125] {strides = array<i32>} : memref<8192xf32, #tpu.memory_space<vmem>>, vector<16xf32>,
      %get3A_1127 = vector.shape_cast %get3A_1126 : vector<16xf32> to vector<16xf32>
      %scan3A_1128 = arith.constant 0 : i32
      %scan3A_1129 = arith.constant 16 : i32
      %scan3A_1130 = arith.addi %scan3A_1128, %scan3A_1129 : i32
      %scan3A_1131 = arith.constant 1 : i32
      %scan3A_1132:8 = scf.for %scan3A_1245 = %scan3A_1128 to %scan3A_1130 step %scan3A_1131 iter_args(%scan3A_1246 = %broadcast_in_dim3A_1106, %scan3A_1247 = %broadcast_in_dim3A_1108, %scan3A_1248 = %broadcast_in_dim3A_1110, %scan3A_1249 = %broadcast_in_dim3A_1112, %scan3A_1250 = %broadcast_in_dim3A_1114, %scan3A_1251 = %broadcast_in_dim3A_1116, %scan3A_1252 = %broadcast_in_dim3A_1118, %scan3A_1253 = %broadcast_in_dim3A_1120) -> (vector<16xf32>, vector<16xf32>, vector<16xf32>, vector<16xf32>, vector<16xf32>, vector<16xf32>, vector<16xf32>, vector<16xf32>)  : i32 {
        %broadcast_in_dim3A_1254 = arith.constant 0 : i32
        %broadcast_in_dim3A_1255 = vector.broadcast %broadcast_in_dim3A_1254 : i32 to vector<16xi32>
        %add3A_1256 = vector.broadcast %scan3A_1245 : i32 to vector<16xi32>
        %add3A_1257 = arith.addi %broadcast_in_dim3A_1255, %add3A_1256 : vector<16xi32>
        %lt3A_1258 = arith.constant 0 : i32
        %lt3A_1259 = vector.broadcast %lt3A_1258 : i32 to vector<16xi32>
        %lt3A_1260 = arith.cmpi slt, %add3A_1257, %lt3A_1259 : vector<16xi32>
        %add3A_1261 = arith.constant 16 : i32
        %add3A_1262 = vector.broadcast %add3A_1261 : i32 to vector<16xi32>
        %add3A_1263 = arith.addi %add3A_1257, %add3A_1262 : vector<16xi32>
        %select_n3A = arith.select %lt3A_1260, %add3A_1263, %add3A_1257 : vector<16xi1>, vector<16xi32>
        %broadcast_in_dim3A_1264 = vector.shape_cast %select_n3A : vector<16xi32> to vector<16x1xi32>
        %gather3A = vector.shape_cast %broadcast_in_dim3A_1264 : vector<16x1xi32> to vector<16xi32>
        %gather3A_1265 = tpu.dynamic_gather %get3A_1127[%gather3A] in [0] : vector<16xf32>, vector<16xi32> -> vector<16xf32>
        %add3A_1266 = arith.constant 0 : i32
        %add3A_1267 = arith.addi %add3A_1266, %scan3A_1245 : i32
        %get3A_1268 = arith.index_cast %add3A_1267 : i32 to index
        %get3A_1269 = arith.constant 0 : index
        %get3A_1270 = tpu.vector_load %arg16[%get3A_1268, %get3A_1269] {strides = array<i32>} : memref<50x128xf32, #tpu.memory_space<vmem>>, vector<1x16xf32>,
        %get3A_1271 = vector.shape_cast %get3A_1270 : vector<1x16xf32> to vector<16xf32>
        %mul3A_1272 = arith.mulf %gather3A_1265, %get3A_1271 : vector<16xf32>
        %add3A_1273 = arith.addf %scan3A_1246, %mul3A_1272 : vector<16xf32>
        %add3A_1274 = arith.constant 0 : i32
        %add3A_1275 = arith.addi %add3A_1274, %scan3A_1245 : i32
        %get3A_1276 = arith.index_cast %add3A_1275 : i32 to index
        %get3A_1277 = arith.constant 16 : index
        %get3A_1278 = tpu.vector_load %arg16[%get3A_1276, %get3A_1277] {strides = array<i32>} : memref<50x128xf32, #tpu.memory_space<vmem>>, vector<1x16xf32>,
        %get3A_1279 = vector.shape_cast %get3A_1278 : vector<1x16xf32> to vector<16xf32>
        %mul3A_1280 = arith.mulf %gather3A_1265, %get3A_1279 : vector<16xf32>
        %add3A_1281 = arith.addf %scan3A_1247, %mul3A_1280 : vector<16xf32>
        %add3A_1282 = arith.constant 0 : i32
        %add3A_1283 = arith.addi %add3A_1282, %scan3A_1245 : i32
        %get3A_1284 = arith.index_cast %add3A_1283 : i32 to index
        %get3A_1285 = arith.constant 32 : index
        %get3A_1286 = tpu.vector_load %arg16[%get3A_1284, %get3A_1285] {strides = array<i32>} : memref<50x128xf32, #tpu.memory_space<vmem>>, vector<1x16xf32>,
        %get3A_1287 = vector.shape_cast %get3A_1286 : vector<1x16xf32> to vector<16xf32>
        %mul3A_1288 = arith.mulf %gather3A_1265, %get3A_1287 : vector<16xf32>
        %add3A_1289 = arith.addf %scan3A_1248, %mul3A_1288 : vector<16xf32>
        %add3A_1290 = arith.constant 0 : i32
        %add3A_1291 = arith.addi %add3A_1290, %scan3A_1245 : i32
        %get3A_1292 = arith.index_cast %add3A_1291 : i32 to index
        %get3A_1293 = arith.constant 48 : index
        %get3A_1294 = tpu.vector_load %arg16[%get3A_1292, %get3A_1293] {strides = array<i32>} : memref<50x128xf32, #tpu.memory_space<vmem>>, vector<1x16xf32>,
        %get3A_1295 = vector.shape_cast %get3A_1294 : vector<1x16xf32> to vector<16xf32>
        %mul3A_1296 = arith.mulf %gather3A_1265, %get3A_1295 : vector<16xf32>
        %add3A_1297 = arith.addf %scan3A_1249, %mul3A_1296 : vector<16xf32>
        %add3A_1298 = arith.constant 0 : i32
        %add3A_1299 = arith.addi %add3A_1298, %scan3A_1245 : i32
        %get3A_1300 = arith.index_cast %add3A_1299 : i32 to index
        %get3A_1301 = arith.constant 64 : index
        %get3A_1302 = tpu.vector_load %arg16[%get3A_1300, %get3A_1301] {strides = array<i32>} : memref<50x128xf32, #tpu.memory_space<vmem>>, vector<1x16xf32>,
        %get3A_1303 = vector.shape_cast %get3A_1302 : vector<1x16xf32> to vector<16xf32>
        %mul3A_1304 = arith.mulf %gather3A_1265, %get3A_1303 : vector<16xf32>
        %add3A_1305 = arith.addf %scan3A_1250, %mul3A_1304 : vector<16xf32>
        %add3A_1306 = arith.constant 0 : i32
        %add3A_1307 = arith.addi %add3A_1306, %scan3A_1245 : i32
        %get3A_1308 = arith.index_cast %add3A_1307 : i32 to index
        %get3A_1309 = arith.constant 80 : index
        %get3A_1310 = tpu.vector_load %arg16[%get3A_1308, %get3A_1309] {strides = array<i32>} : memref<50x128xf32, #tpu.memory_space<vmem>>, vector<1x16xf32>,
        %get3A_1311 = vector.shape_cast %get3A_1310 : vector<1x16xf32> to vector<16xf32>
        %mul3A_1312 = arith.mulf %gather3A_1265, %get3A_1311 : vector<16xf32>
        %add3A_1313 = arith.addf %scan3A_1251, %mul3A_1312 : vector<16xf32>
        %add3A_1314 = arith.constant 0 : i32
        %add3A_1315 = arith.addi %add3A_1314, %scan3A_1245 : i32
        %get3A_1316 = arith.index_cast %add3A_1315 : i32 to index
        %get3A_1317 = arith.constant 96 : index
        %get3A_1318 = tpu.vector_load %arg16[%get3A_1316, %get3A_1317] {strides = array<i32>} : memref<50x128xf32, #tpu.memory_space<vmem>>, vector<1x16xf32>,
        %get3A_1319 = vector.shape_cast %get3A_1318 : vector<1x16xf32> to vector<16xf32>
        %mul3A_1320 = arith.mulf %gather3A_1265, %get3A_1319 : vector<16xf32>
        %add3A_1321 = arith.addf %scan3A_1252, %mul3A_1320 : vector<16xf32>
        %add3A_1322 = arith.constant 0 : i32
        %add3A_1323 = arith.addi %add3A_1322, %scan3A_1245 : i32
        %get3A_1324 = arith.index_cast %add3A_1323 : i32 to index
        %get3A_1325 = arith.constant 112 : index
        %get3A_1326 = tpu.vector_load %arg16[%get3A_1324, %get3A_1325] {strides = array<i32>} : memref<50x128xf32, #tpu.memory_space<vmem>>, vector<1x16xf32>,
        %get3A_1327 = vector.shape_cast %get3A_1326 : vector<1x16xf32> to vector<16xf32>
        %mul3A_1328 = arith.mulf %gather3A_1265, %get3A_1327 : vector<16xf32>
        %add3A_1329 = arith.addf %scan3A_1253, %mul3A_1328 : vector<16xf32>
        scf.yield %add3A_1273, %add3A_1281, %add3A_1289, %add3A_1297, %add3A_1305, %add3A_1313, %add3A_1321, %add3A_1329 : vector<16xf32>, vector<16xf32>, vector<16xf32>, vector<16xf32>, vector<16xf32>, vector<16xf32>, vector<16xf32>, vector<16xf32>
      }
      %scan3A_1133 = arith.constant 16 : i32
      %mul3A_1134 = arith.constant 64 : i32
      %mul3A_1135 = arith.muli %add3A_1098, %mul3A_1134 : i32
      %add3A_1136 = arith.constant 16 : i32
      %add3A_1137 = arith.addi %mul3A_1135, %add3A_1136 : i32
      %get3A_1138 = arith.index_cast %add3A_1137 : i32 to index
      %get3A_1139 = tpu.vector_load %arg8[%get3A_1138] {strides = array<i32>} : memref<8192xf32, #tpu.memory_space<vmem>>, vector<16xf32>,
      %get3A_1140 = vector.shape_cast %get3A_1139 : vector<16xf32> to vector<16xf32>
      %scan3A_1141 = arith.constant 0 : i32
      %scan3A_1142 = arith.constant 16 : i32
      %scan3A_1143 = arith.addi %scan3A_1141, %scan3A_1142 : i32
      %scan3A_1144 = arith.constant 1 : i32
      %scan3A_1145:8 = scf.for %scan3A_1245 = %scan3A_1141 to %scan3A_1143 step %scan3A_1144 iter_args(%scan3A_1246 = %scan3A_1132#0, %scan3A_1247 = %scan3A_1132#1, %scan3A_1248 = %scan3A_1132#2, %scan3A_1249 = %scan3A_1132#3, %scan3A_1250 = %scan3A_1132#4, %scan3A_1251 = %scan3A_1132#5, %scan3A_1252 = %scan3A_1132#6, %scan3A_1253 = %scan3A_1132#7) -> (vector<16xf32>, vector<16xf32>, vector<16xf32>, vector<16xf32>, vector<16xf32>, vector<16xf32>, vector<16xf32>, vector<16xf32>)  : i32 {
        %broadcast_in_dim3A_1254 = arith.constant 0 : i32
        %broadcast_in_dim3A_1255 = vector.broadcast %broadcast_in_dim3A_1254 : i32 to vector<16xi32>
        %add3A_1256 = vector.broadcast %scan3A_1245 : i32 to vector<16xi32>
        %add3A_1257 = arith.addi %broadcast_in_dim3A_1255, %add3A_1256 : vector<16xi32>
        %lt3A_1258 = arith.constant 0 : i32
        %lt3A_1259 = vector.broadcast %lt3A_1258 : i32 to vector<16xi32>
        %lt3A_1260 = arith.cmpi slt, %add3A_1257, %lt3A_1259 : vector<16xi32>
        %add3A_1261 = arith.constant 16 : i32
        %add3A_1262 = vector.broadcast %add3A_1261 : i32 to vector<16xi32>
        %add3A_1263 = arith.addi %add3A_1257, %add3A_1262 : vector<16xi32>
        %select_n3A = arith.select %lt3A_1260, %add3A_1263, %add3A_1257 : vector<16xi1>, vector<16xi32>
        %broadcast_in_dim3A_1264 = vector.shape_cast %select_n3A : vector<16xi32> to vector<16x1xi32>
        %gather3A = vector.shape_cast %broadcast_in_dim3A_1264 : vector<16x1xi32> to vector<16xi32>
        %gather3A_1265 = tpu.dynamic_gather %get3A_1140[%gather3A] in [0] : vector<16xf32>, vector<16xi32> -> vector<16xf32>
        %add3A_1266 = arith.constant 16 : i32
        %add3A_1267 = arith.addi %add3A_1266, %scan3A_1245 : i32
        %get3A_1268 = arith.index_cast %add3A_1267 : i32 to index
        %get3A_1269 = arith.constant 0 : index
        %get3A_1270 = tpu.vector_load %arg16[%get3A_1268, %get3A_1269] {strides = array<i32>} : memref<50x128xf32, #tpu.memory_space<vmem>>, vector<1x16xf32>,
        %get3A_1271 = vector.shape_cast %get3A_1270 : vector<1x16xf32> to vector<16xf32>
        %mul3A_1272 = arith.mulf %gather3A_1265, %get3A_1271 : vector<16xf32>
        %add3A_1273 = arith.addf %scan3A_1246, %mul3A_1272 : vector<16xf32>
        %add3A_1274 = arith.constant 16 : i32
        %add3A_1275 = arith.addi %add3A_1274, %scan3A_1245 : i32
        %get3A_1276 = arith.index_cast %add3A_1275 : i32 to index
        %get3A_1277 = arith.constant 16 : index
        %get3A_1278 = tpu.vector_load %arg16[%get3A_1276, %get3A_1277] {strides = array<i32>} : memref<50x128xf32, #tpu.memory_space<vmem>>, vector<1x16xf32>,
        %get3A_1279 = vector.shape_cast %get3A_1278 : vector<1x16xf32> to vector<16xf32>
        %mul3A_1280 = arith.mulf %gather3A_1265, %get3A_1279 : vector<16xf32>
        %add3A_1281 = arith.addf %scan3A_1247, %mul3A_1280 : vector<16xf32>
        %add3A_1282 = arith.constant 16 : i32
        %add3A_1283 = arith.addi %add3A_1282, %scan3A_1245 : i32
        %get3A_1284 = arith.index_cast %add3A_1283 : i32 to index
        %get3A_1285 = arith.constant 32 : index
        %get3A_1286 = tpu.vector_load %arg16[%get3A_1284, %get3A_1285] {strides = array<i32>} : memref<50x128xf32, #tpu.memory_space<vmem>>, vector<1x16xf32>,
        %get3A_1287 = vector.shape_cast %get3A_1286 : vector<1x16xf32> to vector<16xf32>
        %mul3A_1288 = arith.mulf %gather3A_1265, %get3A_1287 : vector<16xf32>
        %add3A_1289 = arith.addf %scan3A_1248, %mul3A_1288 : vector<16xf32>
        %add3A_1290 = arith.constant 16 : i32
        %add3A_1291 = arith.addi %add3A_1290, %scan3A_1245 : i32
        %get3A_1292 = arith.index_cast %add3A_1291 : i32 to index
        %get3A_1293 = arith.constant 48 : index
        %get3A_1294 = tpu.vector_load %arg16[%get3A_1292, %get3A_1293] {strides = array<i32>} : memref<50x128xf32, #tpu.memory_space<vmem>>, vector<1x16xf32>,
        %get3A_1295 = vector.shape_cast %get3A_1294 : vector<1x16xf32> to vector<16xf32>
        %mul3A_1296 = arith.mulf %gather3A_1265, %get3A_1295 : vector<16xf32>
        %add3A_1297 = arith.addf %scan3A_1249, %mul3A_1296 : vector<16xf32>
        %add3A_1298 = arith.constant 16 : i32
        %add3A_1299 = arith.addi %add3A_1298, %scan3A_1245 : i32
        %get3A_1300 = arith.index_cast %add3A_1299 : i32 to index
        %get3A_1301 = arith.constant 64 : index
        %get3A_1302 = tpu.vector_load %arg16[%get3A_1300, %get3A_1301] {strides = array<i32>} : memref<50x128xf32, #tpu.memory_space<vmem>>, vector<1x16xf32>,
        %get3A_1303 = vector.shape_cast %get3A_1302 : vector<1x16xf32> to vector<16xf32>
        %mul3A_1304 = arith.mulf %gather3A_1265, %get3A_1303 : vector<16xf32>
        %add3A_1305 = arith.addf %scan3A_1250, %mul3A_1304 : vector<16xf32>
        %add3A_1306 = arith.constant 16 : i32
        %add3A_1307 = arith.addi %add3A_1306, %scan3A_1245 : i32
        %get3A_1308 = arith.index_cast %add3A_1307 : i32 to index
        %get3A_1309 = arith.constant 80 : index
        %get3A_1310 = tpu.vector_load %arg16[%get3A_1308, %get3A_1309] {strides = array<i32>} : memref<50x128xf32, #tpu.memory_space<vmem>>, vector<1x16xf32>,
        %get3A_1311 = vector.shape_cast %get3A_1310 : vector<1x16xf32> to vector<16xf32>
        %mul3A_1312 = arith.mulf %gather3A_1265, %get3A_1311 : vector<16xf32>
        %add3A_1313 = arith.addf %scan3A_1251, %mul3A_1312 : vector<16xf32>
        %add3A_1314 = arith.constant 16 : i32
        %add3A_1315 = arith.addi %add3A_1314, %scan3A_1245 : i32
        %get3A_1316 = arith.index_cast %add3A_1315 : i32 to index
        %get3A_1317 = arith.constant 96 : index
        %get3A_1318 = tpu.vector_load %arg16[%get3A_1316, %get3A_1317] {strides = array<i32>} : memref<50x128xf32, #tpu.memory_space<vmem>>, vector<1x16xf32>,
        %get3A_1319 = vector.shape_cast %get3A_1318 : vector<1x16xf32> to vector<16xf32>
        %mul3A_1320 = arith.mulf %gather3A_1265, %get3A_1319 : vector<16xf32>
        %add3A_1321 = arith.addf %scan3A_1252, %mul3A_1320 : vector<16xf32>
        %add3A_1322 = arith.constant 16 : i32
        %add3A_1323 = arith.addi %add3A_1322, %scan3A_1245 : i32
        %get3A_1324 = arith.index_cast %add3A_1323 : i32 to index
        %get3A_1325 = arith.constant 112 : index
        %get3A_1326 = tpu.vector_load %arg16[%get3A_1324, %get3A_1325] {strides = array<i32>} : memref<50x128xf32, #tpu.memory_space<vmem>>, vector<1x16xf32>,
        %get3A_1327 = vector.shape_cast %get3A_1326 : vector<1x16xf32> to vector<16xf32>
        %mul3A_1328 = arith.mulf %gather3A_1265, %get3A_1327 : vector<16xf32>
        %add3A_1329 = arith.addf %scan3A_1253, %mul3A_1328 : vector<16xf32>
        scf.yield %add3A_1273, %add3A_1281, %add3A_1289, %add3A_1297, %add3A_1305, %add3A_1313, %add3A_1321, %add3A_1329 : vector<16xf32>, vector<16xf32>, vector<16xf32>, vector<16xf32>, vector<16xf32>, vector<16xf32>, vector<16xf32>, vector<16xf32>
      }
      %scan3A_1146 = arith.constant 16 : i32
      %mul3A_1147 = arith.constant 64 : i32
      %mul3A_1148 = arith.muli %add3A_1098, %mul3A_1147 : i32
      %add3A_1149 = arith.constant 32 : i32
      %add3A_1150 = arith.addi %mul3A_1148, %add3A_1149 : i32
      %get3A_1151 = arith.index_cast %add3A_1150 : i32 to index
      %get3A_1152 = tpu.vector_load %arg8[%get3A_1151] {strides = array<i32>} : memref<8192xf32, #tpu.memory_space<vmem>>, vector<16xf32>,
      %get3A_1153 = vector.shape_cast %get3A_1152 : vector<16xf32> to vector<16xf32>
      %scan3A_1154 = arith.constant 0 : i32
      %scan3A_1155 = arith.constant 16 : i32
      %scan3A_1156 = arith.addi %scan3A_1154, %scan3A_1155 : i32
      %scan3A_1157 = arith.constant 1 : i32
      %scan3A_1158:8 = scf.for %scan3A_1245 = %scan3A_1154 to %scan3A_1156 step %scan3A_1157 iter_args(%scan3A_1246 = %scan3A_1145#0, %scan3A_1247 = %scan3A_1145#1, %scan3A_1248 = %scan3A_1145#2, %scan3A_1249 = %scan3A_1145#3, %scan3A_1250 = %scan3A_1145#4, %scan3A_1251 = %scan3A_1145#5, %scan3A_1252 = %scan3A_1145#6, %scan3A_1253 = %scan3A_1145#7) -> (vector<16xf32>, vector<16xf32>, vector<16xf32>, vector<16xf32>, vector<16xf32>, vector<16xf32>, vector<16xf32>, vector<16xf32>)  : i32 {
        %broadcast_in_dim3A_1254 = arith.constant 0 : i32
        %broadcast_in_dim3A_1255 = vector.broadcast %broadcast_in_dim3A_1254 : i32 to vector<16xi32>
        %add3A_1256 = vector.broadcast %scan3A_1245 : i32 to vector<16xi32>
        %add3A_1257 = arith.addi %broadcast_in_dim3A_1255, %add3A_1256 : vector<16xi32>
        %lt3A_1258 = arith.constant 0 : i32
        %lt3A_1259 = vector.broadcast %lt3A_1258 : i32 to vector<16xi32>
        %lt3A_1260 = arith.cmpi slt, %add3A_1257, %lt3A_1259 : vector<16xi32>
        %add3A_1261 = arith.constant 16 : i32
        %add3A_1262 = vector.broadcast %add3A_1261 : i32 to vector<16xi32>
        %add3A_1263 = arith.addi %add3A_1257, %add3A_1262 : vector<16xi32>
        %select_n3A = arith.select %lt3A_1260, %add3A_1263, %add3A_1257 : vector<16xi1>, vector<16xi32>
        %broadcast_in_dim3A_1264 = vector.shape_cast %select_n3A : vector<16xi32> to vector<16x1xi32>
        %gather3A = vector.shape_cast %broadcast_in_dim3A_1264 : vector<16x1xi32> to vector<16xi32>
        %gather3A_1265 = tpu.dynamic_gather %get3A_1153[%gather3A] in [0] : vector<16xf32>, vector<16xi32> -> vector<16xf32>
        %add3A_1266 = arith.constant 32 : i32
        %add3A_1267 = arith.addi %add3A_1266, %scan3A_1245 : i32
        %get3A_1268 = arith.index_cast %add3A_1267 : i32 to index
        %get3A_1269 = arith.constant 0 : index
        %get3A_1270 = tpu.vector_load %arg16[%get3A_1268, %get3A_1269] {strides = array<i32>} : memref<50x128xf32, #tpu.memory_space<vmem>>, vector<1x16xf32>,
        %get3A_1271 = vector.shape_cast %get3A_1270 : vector<1x16xf32> to vector<16xf32>
        %mul3A_1272 = arith.mulf %gather3A_1265, %get3A_1271 : vector<16xf32>
        %add3A_1273 = arith.addf %scan3A_1246, %mul3A_1272 : vector<16xf32>
        %add3A_1274 = arith.constant 32 : i32
        %add3A_1275 = arith.addi %add3A_1274, %scan3A_1245 : i32
        %get3A_1276 = arith.index_cast %add3A_1275 : i32 to index
        %get3A_1277 = arith.constant 16 : index
        %get3A_1278 = tpu.vector_load %arg16[%get3A_1276, %get3A_1277] {strides = array<i32>} : memref<50x128xf32, #tpu.memory_space<vmem>>, vector<1x16xf32>,
        %get3A_1279 = vector.shape_cast %get3A_1278 : vector<1x16xf32> to vector<16xf32>
        %mul3A_1280 = arith.mulf %gather3A_1265, %get3A_1279 : vector<16xf32>
        %add3A_1281 = arith.addf %scan3A_1247, %mul3A_1280 : vector<16xf32>
        %add3A_1282 = arith.constant 32 : i32
        %add3A_1283 = arith.addi %add3A_1282, %scan3A_1245 : i32
        %get3A_1284 = arith.index_cast %add3A_1283 : i32 to index
        %get3A_1285 = arith.constant 32 : index
        %get3A_1286 = tpu.vector_load %arg16[%get3A_1284, %get3A_1285] {strides = array<i32>} : memref<50x128xf32, #tpu.memory_space<vmem>>, vector<1x16xf32>,
        %get3A_1287 = vector.shape_cast %get3A_1286 : vector<1x16xf32> to vector<16xf32>
        %mul3A_1288 = arith.mulf %gather3A_1265, %get3A_1287 : vector<16xf32>
        %add3A_1289 = arith.addf %scan3A_1248, %mul3A_1288 : vector<16xf32>
        %add3A_1290 = arith.constant 32 : i32
        %add3A_1291 = arith.addi %add3A_1290, %scan3A_1245 : i32
        %get3A_1292 = arith.index_cast %add3A_1291 : i32 to index
        %get3A_1293 = arith.constant 48 : index
        %get3A_1294 = tpu.vector_load %arg16[%get3A_1292, %get3A_1293] {strides = array<i32>} : memref<50x128xf32, #tpu.memory_space<vmem>>, vector<1x16xf32>,
        %get3A_1295 = vector.shape_cast %get3A_1294 : vector<1x16xf32> to vector<16xf32>
        %mul3A_1296 = arith.mulf %gather3A_1265, %get3A_1295 : vector<16xf32>
        %add3A_1297 = arith.addf %scan3A_1249, %mul3A_1296 : vector<16xf32>
        %add3A_1298 = arith.constant 32 : i32
        %add3A_1299 = arith.addi %add3A_1298, %scan3A_1245 : i32
        %get3A_1300 = arith.index_cast %add3A_1299 : i32 to index
        %get3A_1301 = arith.constant 64 : index
        %get3A_1302 = tpu.vector_load %arg16[%get3A_1300, %get3A_1301] {strides = array<i32>} : memref<50x128xf32, #tpu.memory_space<vmem>>, vector<1x16xf32>,
        %get3A_1303 = vector.shape_cast %get3A_1302 : vector<1x16xf32> to vector<16xf32>
        %mul3A_1304 = arith.mulf %gather3A_1265, %get3A_1303 : vector<16xf32>
        %add3A_1305 = arith.addf %scan3A_1250, %mul3A_1304 : vector<16xf32>
        %add3A_1306 = arith.constant 32 : i32
        %add3A_1307 = arith.addi %add3A_1306, %scan3A_1245 : i32
        %get3A_1308 = arith.index_cast %add3A_1307 : i32 to index
        %get3A_1309 = arith.constant 80 : index
        %get3A_1310 = tpu.vector_load %arg16[%get3A_1308, %get3A_1309] {strides = array<i32>} : memref<50x128xf32, #tpu.memory_space<vmem>>, vector<1x16xf32>,
        %get3A_1311 = vector.shape_cast %get3A_1310 : vector<1x16xf32> to vector<16xf32>
        %mul3A_1312 = arith.mulf %gather3A_1265, %get3A_1311 : vector<16xf32>
        %add3A_1313 = arith.addf %scan3A_1251, %mul3A_1312 : vector<16xf32>
        %add3A_1314 = arith.constant 32 : i32
        %add3A_1315 = arith.addi %add3A_1314, %scan3A_1245 : i32
        %get3A_1316 = arith.index_cast %add3A_1315 : i32 to index
        %get3A_1317 = arith.constant 96 : index
        %get3A_1318 = tpu.vector_load %arg16[%get3A_1316, %get3A_1317] {strides = array<i32>} : memref<50x128xf32, #tpu.memory_space<vmem>>, vector<1x16xf32>,
        %get3A_1319 = vector.shape_cast %get3A_1318 : vector<1x16xf32> to vector<16xf32>
        %mul3A_1320 = arith.mulf %gather3A_1265, %get3A_1319 : vector<16xf32>
        %add3A_1321 = arith.addf %scan3A_1252, %mul3A_1320 : vector<16xf32>
        %add3A_1322 = arith.constant 32 : i32
        %add3A_1323 = arith.addi %add3A_1322, %scan3A_1245 : i32
        %get3A_1324 = arith.index_cast %add3A_1323 : i32 to index
        %get3A_1325 = arith.constant 112 : index
        %get3A_1326 = tpu.vector_load %arg16[%get3A_1324, %get3A_1325] {strides = array<i32>} : memref<50x128xf32, #tpu.memory_space<vmem>>, vector<1x16xf32>,
        %get3A_1327 = vector.shape_cast %get3A_1326 : vector<1x16xf32> to vector<16xf32>
        %mul3A_1328 = arith.mulf %gather3A_1265, %get3A_1327 : vector<16xf32>
        %add3A_1329 = arith.addf %scan3A_1253, %mul3A_1328 : vector<16xf32>
        scf.yield %add3A_1273, %add3A_1281, %add3A_1289, %add3A_1297, %add3A_1305, %add3A_1313, %add3A_1321, %add3A_1329 : vector<16xf32>, vector<16xf32>, vector<16xf32>, vector<16xf32>, vector<16xf32>, vector<16xf32>, vector<16xf32>, vector<16xf32>
      }
      %scan3A_1159 = arith.constant 16 : i32
      %mul3A_1160 = arith.constant 64 : i32
      %mul3A_1161 = arith.muli %add3A_1098, %mul3A_1160 : i32
      %add3A_1162 = arith.constant 48 : i32
      %add3A_1163 = arith.addi %mul3A_1161, %add3A_1162 : i32
      %get3A_1164 = arith.index_cast %add3A_1163 : i32 to index
      %get3A_1165 = tpu.vector_load %arg8[%get3A_1164] {strides = array<i32>} : memref<8192xf32, #tpu.memory_space<vmem>>, vector<16xf32>,
      %get3A_1166 = vector.shape_cast %get3A_1165 : vector<16xf32> to vector<16xf32>
      %scan3A_1167 = arith.constant 0 : i32
      %scan3A_1168 = arith.constant 2 : i32
      %scan3A_1169 = arith.addi %scan3A_1167, %scan3A_1168 : i32
      %scan3A_1170 = arith.constant 1 : i32
      %scan3A_1171:8 = scf.for %scan3A_1245 = %scan3A_1167 to %scan3A_1169 step %scan3A_1170 iter_args(%scan3A_1246 = %scan3A_1158#0, %scan3A_1247 = %scan3A_1158#1, %scan3A_1248 = %scan3A_1158#2, %scan3A_1249 = %scan3A_1158#3, %scan3A_1250 = %scan3A_1158#4, %scan3A_1251 = %scan3A_1158#5, %scan3A_1252 = %scan3A_1158#6, %scan3A_1253 = %scan3A_1158#7) -> (vector<16xf32>, vector<16xf32>, vector<16xf32>, vector<16xf32>, vector<16xf32>, vector<16xf32>, vector<16xf32>, vector<16xf32>)  : i32 {
        %broadcast_in_dim3A_1254 = arith.constant 0 : i32
        %broadcast_in_dim3A_1255 = vector.broadcast %broadcast_in_dim3A_1254 : i32 to vector<16xi32>
        %add3A_1256 = vector.broadcast %scan3A_1245 : i32 to vector<16xi32>
        %add3A_1257 = arith.addi %broadcast_in_dim3A_1255, %add3A_1256 : vector<16xi32>
        %lt3A_1258 = arith.constant 0 : i32
        %lt3A_1259 = vector.broadcast %lt3A_1258 : i32 to vector<16xi32>
        %lt3A_1260 = arith.cmpi slt, %add3A_1257, %lt3A_1259 : vector<16xi32>
        %add3A_1261 = arith.constant 16 : i32
        %add3A_1262 = vector.broadcast %add3A_1261 : i32 to vector<16xi32>
        %add3A_1263 = arith.addi %add3A_1257, %add3A_1262 : vector<16xi32>
        %select_n3A = arith.select %lt3A_1260, %add3A_1263, %add3A_1257 : vector<16xi1>, vector<16xi32>
        %broadcast_in_dim3A_1264 = vector.shape_cast %select_n3A : vector<16xi32> to vector<16x1xi32>
        %gather3A = vector.shape_cast %broadcast_in_dim3A_1264 : vector<16x1xi32> to vector<16xi32>
        %gather3A_1265 = tpu.dynamic_gather %get3A_1166[%gather3A] in [0] : vector<16xf32>, vector<16xi32> -> vector<16xf32>
        %add3A_1266 = arith.constant 48 : i32
        %add3A_1267 = arith.addi %add3A_1266, %scan3A_1245 : i32
        %get3A_1268 = arith.index_cast %add3A_1267 : i32 to index
        %get3A_1269 = arith.constant 0 : index
        %get3A_1270 = tpu.vector_load %arg16[%get3A_1268, %get3A_1269] {strides = array<i32>} : memref<50x128xf32, #tpu.memory_space<vmem>>, vector<1x16xf32>,
        %get3A_1271 = vector.shape_cast %get3A_1270 : vector<1x16xf32> to vector<16xf32>
        %mul3A_1272 = arith.mulf %gather3A_1265, %get3A_1271 : vector<16xf32>
        %add3A_1273 = arith.addf %scan3A_1246, %mul3A_1272 : vector<16xf32>
        %add3A_1274 = arith.constant 48 : i32
        %add3A_1275 = arith.addi %add3A_1274, %scan3A_1245 : i32
        %get3A_1276 = arith.index_cast %add3A_1275 : i32 to index
        %get3A_1277 = arith.constant 16 : index
        %get3A_1278 = tpu.vector_load %arg16[%get3A_1276, %get3A_1277] {strides = array<i32>} : memref<50x128xf32, #tpu.memory_space<vmem>>, vector<1x16xf32>,
        %get3A_1279 = vector.shape_cast %get3A_1278 : vector<1x16xf32> to vector<16xf32>
        %mul3A_1280 = arith.mulf %gather3A_1265, %get3A_1279 : vector<16xf32>
        %add3A_1281 = arith.addf %scan3A_1247, %mul3A_1280 : vector<16xf32>
        %add3A_1282 = arith.constant 48 : i32
        %add3A_1283 = arith.addi %add3A_1282, %scan3A_1245 : i32
        %get3A_1284 = arith.index_cast %add3A_1283 : i32 to index
        %get3A_1285 = arith.constant 32 : index
        %get3A_1286 = tpu.vector_load %arg16[%get3A_1284, %get3A_1285] {strides = array<i32>} : memref<50x128xf32, #tpu.memory_space<vmem>>, vector<1x16xf32>,
        %get3A_1287 = vector.shape_cast %get3A_1286 : vector<1x16xf32> to vector<16xf32>
        %mul3A_1288 = arith.mulf %gather3A_1265, %get3A_1287 : vector<16xf32>
        %add3A_1289 = arith.addf %scan3A_1248, %mul3A_1288 : vector<16xf32>
        %add3A_1290 = arith.constant 48 : i32
        %add3A_1291 = arith.addi %add3A_1290, %scan3A_1245 : i32
        %get3A_1292 = arith.index_cast %add3A_1291 : i32 to index
        %get3A_1293 = arith.constant 48 : index
        %get3A_1294 = tpu.vector_load %arg16[%get3A_1292, %get3A_1293] {strides = array<i32>} : memref<50x128xf32, #tpu.memory_space<vmem>>, vector<1x16xf32>,
        %get3A_1295 = vector.shape_cast %get3A_1294 : vector<1x16xf32> to vector<16xf32>
        %mul3A_1296 = arith.mulf %gather3A_1265, %get3A_1295 : vector<16xf32>
        %add3A_1297 = arith.addf %scan3A_1249, %mul3A_1296 : vector<16xf32>
        %add3A_1298 = arith.constant 48 : i32
        %add3A_1299 = arith.addi %add3A_1298, %scan3A_1245 : i32
        %get3A_1300 = arith.index_cast %add3A_1299 : i32 to index
        %get3A_1301 = arith.constant 64 : index
        %get3A_1302 = tpu.vector_load %arg16[%get3A_1300, %get3A_1301] {strides = array<i32>} : memref<50x128xf32, #tpu.memory_space<vmem>>, vector<1x16xf32>,
        %get3A_1303 = vector.shape_cast %get3A_1302 : vector<1x16xf32> to vector<16xf32>
        %mul3A_1304 = arith.mulf %gather3A_1265, %get3A_1303 : vector<16xf32>
        %add3A_1305 = arith.addf %scan3A_1250, %mul3A_1304 : vector<16xf32>
        %add3A_1306 = arith.constant 48 : i32
        %add3A_1307 = arith.addi %add3A_1306, %scan3A_1245 : i32
        %get3A_1308 = arith.index_cast %add3A_1307 : i32 to index
        %get3A_1309 = arith.constant 80 : index
        %get3A_1310 = tpu.vector_load %arg16[%get3A_1308, %get3A_1309] {strides = array<i32>} : memref<50x128xf32, #tpu.memory_space<vmem>>, vector<1x16xf32>,
        %get3A_1311 = vector.shape_cast %get3A_1310 : vector<1x16xf32> to vector<16xf32>
        %mul3A_1312 = arith.mulf %gather3A_1265, %get3A_1311 : vector<16xf32>
        %add3A_1313 = arith.addf %scan3A_1251, %mul3A_1312 : vector<16xf32>
        %add3A_1314 = arith.constant 48 : i32
        %add3A_1315 = arith.addi %add3A_1314, %scan3A_1245 : i32
        %get3A_1316 = arith.index_cast %add3A_1315 : i32 to index
        %get3A_1317 = arith.constant 96 : index
        %get3A_1318 = tpu.vector_load %arg16[%get3A_1316, %get3A_1317] {strides = array<i32>} : memref<50x128xf32, #tpu.memory_space<vmem>>, vector<1x16xf32>,
        %get3A_1319 = vector.shape_cast %get3A_1318 : vector<1x16xf32> to vector<16xf32>
        %mul3A_1320 = arith.mulf %gather3A_1265, %get3A_1319 : vector<16xf32>
        %add3A_1321 = arith.addf %scan3A_1252, %mul3A_1320 : vector<16xf32>
        %add3A_1322 = arith.constant 48 : i32
        %add3A_1323 = arith.addi %add3A_1322, %scan3A_1245 : i32
        %get3A_1324 = arith.index_cast %add3A_1323 : i32 to index
        %get3A_1325 = arith.constant 112 : index
        %get3A_1326 = tpu.vector_load %arg16[%get3A_1324, %get3A_1325] {strides = array<i32>} : memref<50x128xf32, #tpu.memory_space<vmem>>, vector<1x16xf32>,
        %get3A_1327 = vector.shape_cast %get3A_1326 : vector<1x16xf32> to vector<16xf32>
        %mul3A_1328 = arith.mulf %gather3A_1265, %get3A_1327 : vector<16xf32>
        %add3A_1329 = arith.addf %scan3A_1253, %mul3A_1328 : vector<16xf32>
        scf.yield %add3A_1273, %add3A_1281, %add3A_1289, %add3A_1297, %add3A_1305, %add3A_1313, %add3A_1321, %add3A_1329 : vector<16xf32>, vector<16xf32>, vector<16xf32>, vector<16xf32>, vector<16xf32>, vector<16xf32>, vector<16xf32>, vector<16xf32>
      }
      %scan3A_1172 = arith.constant 2 : i32
      %add3A_1173 = arith.constant 1 : i32
      %add3A_1174 = arith.addi %scan3A_57, %add3A_1173 : i32
      %lt3A_1175 = arith.constant 16 : i32
      %lt3A_1176 = arith.cmpi slt, %add3A_1174, %lt3A_1175 : i32
      %convert_element_type3A_1177 = arith.extui %lt3A_1176 : i1 to i32
      %cond3A_1178 = arith.constant 0 : i32
      %cond3A_1179 = arith.cmpi ne, %convert_element_type3A_1177, %cond3A_1178 : i32
      scf.if %cond3A_1179 {
        %add3A_1245 = arith.constant 8 : i32
        %add3A_1246 = arith.addi %add3A_1098, %add3A_1245 : i32
        %mul3A_1247 = arith.constant 64 : i32
        %mul3A_1248 = arith.muli %add3A_1246, %mul3A_1247 : i32
        %dma_start3A_1249 = tpu.memref_slice %arg6[%mul3A_1248] : memref<8192xi32, #tpu.memory_space<vmem>> -> memref<50xi32, #tpu.memory_space<vmem>>
        %dma_start3A_1250 = arith.constant 0 : i32
        %dma_start3A_1251 = arith.constant 0 : i32
        %dma_start3A_1252 = tpu.memref_slice %arg4[%dma_start3A_1250, %dma_start3A_1251] : memref<100000x128xf32, #tpu.memory_space<hbm>> -> memref<100000x128xf32, #tpu.memory_space<hbm>>
        tpu.enqueue_indirect_dma source(%dma_start3A_1252 : memref<100000x128xf32, #tpu.memory_space<hbm>>) target(%arg16 : memref<50x128xf32, #tpu.memory_space<vmem>>) offsets(%dma_start3A_1249 : memref<50xi32, #tpu.memory_space<vmem>>) semaphore(%arg25 : memref<!tpu.dma_semaphore, #tpu.memory_space<semaphore_mem>>)
      } else {
      }
      %mul3A_1180 = arith.constant 128 : i32
      %mul3A_1181 = arith.muli %add3A_1098, %mul3A_1180 : i32
      %add3A_1182 = arith.constant 0 : i32
      %add3A_1183 = arith.addi %mul3A_1181, %add3A_1182 : i32
      %swap3A_1184 = arith.index_cast %add3A_1183 : i32 to index
      %swap3A_1185 = tpu.vector_load %arg17[%swap3A_1184] {strides = array<i32>} : memref<16384xf32, #tpu.memory_space<vmem>>, vector<16xf32>,
      %swap3A_1186 = vector.shape_cast %swap3A_1185 : vector<16xf32> to vector<16xf32>
      %swap3A_1187 = vector.shape_cast %scan3A_1171#0 : vector<16xf32> to vector<16xf32>
      tpu.vector_store %arg17[%swap3A_1184], %swap3A_1187 {strides = array<i32>} : memref<16384xf32, #tpu.memory_space<vmem>>, vector<16xf32>,
      %mul3A_1188 = arith.constant 128 : i32
      %mul3A_1189 = arith.muli %add3A_1098, %mul3A_1188 : i32
      %add3A_1190 = arith.constant 16 : i32
      %add3A_1191 = arith.addi %mul3A_1189, %add3A_1190 : i32
      %swap3A_1192 = arith.index_cast %add3A_1191 : i32 to index
      %swap3A_1193 = tpu.vector_load %arg17[%swap3A_1192] {strides = array<i32>} : memref<16384xf32, #tpu.memory_space<vmem>>, vector<16xf32>,
      %swap3A_1194 = vector.shape_cast %swap3A_1193 : vector<16xf32> to vector<16xf32>
      %swap3A_1195 = vector.shape_cast %scan3A_1171#1 : vector<16xf32> to vector<16xf32>
      tpu.vector_store %arg17[%swap3A_1192], %swap3A_1195 {strides = array<i32>} : memref<16384xf32, #tpu.memory_space<vmem>>, vector<16xf32>,
      %mul3A_1196 = arith.constant 128 : i32
      %mul3A_1197 = arith.muli %add3A_1098, %mul3A_1196 : i32
      %add3A_1198 = arith.constant 32 : i32
      %add3A_1199 = arith.addi %mul3A_1197, %add3A_1198 : i32
      %swap3A_1200 = arith.index_cast %add3A_1199 : i32 to index
      %swap3A_1201 = tpu.vector_load %arg17[%swap3A_1200] {strides = array<i32>} : memref<16384xf32, #tpu.memory_space<vmem>>, vector<16xf32>,
      %swap3A_1202 = vector.shape_cast %swap3A_1201 : vector<16xf32> to vector<16xf32>
      %swap3A_1203 = vector.shape_cast %scan3A_1171#2 : vector<16xf32> to vector<16xf32>
      tpu.vector_store %arg17[%swap3A_1200], %swap3A_1203 {strides = array<i32>} : memref<16384xf32, #tpu.memory_space<vmem>>, vector<16xf32>,
      %mul3A_1204 = arith.constant 128 : i32
      %mul3A_1205 = arith.muli %add3A_1098, %mul3A_1204 : i32
      %add3A_1206 = arith.constant 48 : i32
      %add3A_1207 = arith.addi %mul3A_1205, %add3A_1206 : i32
      %swap3A_1208 = arith.index_cast %add3A_1207 : i32 to index
      %swap3A_1209 = tpu.vector_load %arg17[%swap3A_1208] {strides = array<i32>} : memref<16384xf32, #tpu.memory_space<vmem>>, vector<16xf32>,
      %swap3A_1210 = vector.shape_cast %swap3A_1209 : vector<16xf32> to vector<16xf32>
      %swap3A_1211 = vector.shape_cast %scan3A_1171#3 : vector<16xf32> to vector<16xf32>
      tpu.vector_store %arg17[%swap3A_1208], %swap3A_1211 {strides = array<i32>} : memref<16384xf32, #tpu.memory_space<vmem>>, vector<16xf32>,
      %mul3A_1212 = arith.constant 128 : i32
      %mul3A_1213 = arith.muli %add3A_1098, %mul3A_1212 : i32
      %add3A_1214 = arith.constant 64 : i32
      %add3A_1215 = arith.addi %mul3A_1213, %add3A_1214 : i32
      %swap3A_1216 = arith.index_cast %add3A_1215 : i32 to index
      %swap3A_1217 = tpu.vector_load %arg17[%swap3A_1216] {strides = array<i32>} : memref<16384xf32, #tpu.memory_space<vmem>>, vector<16xf32>,
      %swap3A_1218 = vector.shape_cast %swap3A_1217 : vector<16xf32> to vector<16xf32>
      %swap3A_1219 = vector.shape_cast %scan3A_1171#4 : vector<16xf32> to vector<16xf32>
      tpu.vector_store %arg17[%swap3A_1216], %swap3A_1219 {strides = array<i32>} : memref<16384xf32, #tpu.memory_space<vmem>>, vector<16xf32>,
      %mul3A_1220 = arith.constant 128 : i32
      %mul3A_1221 = arith.muli %add3A_1098, %mul3A_1220 : i32
      %add3A_1222 = arith.constant 80 : i32
      %add3A_1223 = arith.addi %mul3A_1221, %add3A_1222 : i32
      %swap3A_1224 = arith.index_cast %add3A_1223 : i32 to index
      %swap3A_1225 = tpu.vector_load %arg17[%swap3A_1224] {strides = array<i32>} : memref<16384xf32, #tpu.memory_space<vmem>>, vector<16xf32>,
      %swap3A_1226 = vector.shape_cast %swap3A_1225 : vector<16xf32> to vector<16xf32>
      %swap3A_1227 = vector.shape_cast %scan3A_1171#5 : vector<16xf32> to vector<16xf32>
      tpu.vector_store %arg17[%swap3A_1224], %swap3A_1227 {strides = array<i32>} : memref<16384xf32, #tpu.memory_space<vmem>>, vector<16xf32>,
      %mul3A_1228 = arith.constant 128 : i32
      %mul3A_1229 = arith.muli %add3A_1098, %mul3A_1228 : i32
      %add3A_1230 = arith.constant 96 : i32
      %add3A_1231 = arith.addi %mul3A_1229, %add3A_1230 : i32
      %swap3A_1232 = arith.index_cast %add3A_1231 : i32 to index
      %swap3A_1233 = tpu.vector_load %arg17[%swap3A_1232] {strides = array<i32>} : memref<16384xf32, #tpu.memory_space<vmem>>, vector<16xf32>,
      %swap3A_1234 = vector.shape_cast %swap3A_1233 : vector<16xf32> to vector<16xf32>
      %swap3A_1235 = vector.shape_cast %scan3A_1171#6 : vector<16xf32> to vector<16xf32>
      tpu.vector_store %arg17[%swap3A_1232], %swap3A_1235 {strides = array<i32>} : memref<16384xf32, #tpu.memory_space<vmem>>, vector<16xf32>,
      %mul3A_1236 = arith.constant 128 : i32
      %mul3A_1237 = arith.muli %add3A_1098, %mul3A_1236 : i32
      %add3A_1238 = arith.constant 112 : i32
      %add3A_1239 = arith.addi %mul3A_1237, %add3A_1238 : i32
      %swap3A_1240 = arith.index_cast %add3A_1239 : i32 to index
      %swap3A_1241 = tpu.vector_load %arg17[%swap3A_1240] {strides = array<i32>} : memref<16384xf32, #tpu.memory_space<vmem>>, vector<16xf32>,
      %swap3A_1242 = vector.shape_cast %swap3A_1241 : vector<16xf32> to vector<16xf32>
      %swap3A_1243 = vector.shape_cast %scan3A_1171#7 : vector<16xf32> to vector<16xf32>
      tpu.vector_store %arg17[%swap3A_1240], %swap3A_1243 {strides = array<i32>} : memref<16384xf32, #tpu.memory_space<vmem>>, vector<16xf32>,
      %scan3A_1244 = arith.constant 0 : i32
      scf.yield %scan3A_1244 : i32
    }
    %scan3A_54 = arith.constant 16 : i32
    %mul3A_55 = arith.constant 16384 : i32
    %mul3A_56 = arith.muli %add3A, %mul3A_55 : i32
    "tpu.region"() ({
      %run_scoped3A = tpu.sem_alloc : memref<!tpu.dma_semaphore, #tpu.memory_space<semaphore_mem>>
      %dma_start3A_57 = tpu.memref_slice %arg5[%mul3A_56] : memref<524288xf32, #tpu.memory_space<hbm>> -> memref<16384xf32, #tpu.memory_space<hbm>>
      %dma_start3A_58 = tpu.memref_slice %arg5[%mul3A_56] : memref<524288xf32, #tpu.memory_space<hbm>> -> memref<16384xf32, #tpu.memory_space<hbm>>
      tpu.enqueue_dma source(%arg17 : memref<16384xf32, #tpu.memory_space<vmem>>) target(%dma_start3A_58 : memref<16384xf32, #tpu.memory_space<hbm>>) target_semaphore(%run_scoped3A : memref<!tpu.dma_semaphore, #tpu.memory_space<semaphore_mem>>)
      %dma_wait3A = tpu.memref_slice %arg5[%mul3A_56] : memref<524288xf32, #tpu.memory_space<hbm>> -> memref<16384xf32, #tpu.memory_space<hbm>>
      %dma_wait3A_59 = tpu.memref_slice %arg5[%mul3A_56] : memref<524288xf32, #tpu.memory_space<hbm>> -> memref<16384xf32, #tpu.memory_space<hbm>>
      tpu.wait_dma2 semaphore(%run_scoped3A : memref<!tpu.dma_semaphore, #tpu.memory_space<semaphore_mem>>) src(%arg17 : memref<16384xf32, #tpu.memory_space<vmem>>) dst(%dma_wait3A_59 : memref<16384xf32, #tpu.memory_space<hbm>>)
      tpu.yield
    }) : () -> ()
    return
  }
}

</mosaic_0001>

<sc_bundles>
// kernel: kernel.3.cloned.1.call-start
scs
__scs_entry_jumppad:
0x0: {  	(pc) =	sbr.rel $0x88, $3  }
0x1: {  	(tag) =	ssettag $0x0;
	lr =	simm.s32 $0x1  }
0x2: {  	[smem:$0x3F9E] =	sst lr;
	_ =	strace $0xD0000000  }
0x3: {  	_ = 	snop  }
0x4: {  	_ = 	snop  }
0x5: {  	_ = 	snop  }
0x6: {  	_ = 	snop  }
0x7: {  	_ = 	snop  }
__scs_overlays_trampoline_lowered:
0x8: {  	[smem:$0x3FAD] =	sst s0  }
0x9: {  	[smem:$0x3FAE] =	sst s1  }
0xa: {  	[smem:$0x3FAF] =	sst s2  }
0xb: {  	[smem:$0x3FB0] =	sst s3  }
0xc: {  	[smem:$0x3FB1] =	sst s4  }
0xd: {  	[smem:$0x3FB2] =	sst s5  }
0xe: {  	[smem:$0x3FB3] =	sst s6  }
0xf: {  	[smem:$0x3FB4] =	sst s7  }
0x10: {  	[smem:$0x3FB5] =	sst s8  }
0x11: {  	[smem:$0x3FB6] =	sst s9;
	s0 =	simm.s32 @!p0 $0x0  }
0x12: {  	s1 =	sld [smem:$0x3F9C];
	s0 =	simm.s32 @p0 $0x1  }
0x13: {  	[smem:$0x3FB7] =	sst s0;
	s0 =	simm.s32 @!p1 $0x0  }
0x14: {  	s2 =	sld [smem:$0x3F9B];
	s0 =	simm.s32 @p1 $0x1  }
0x15: {  	[smem:$0x3FB8] =	sst s0;
	s0 =	simm.s32 @!p2 $0x0  }
0x16: {  	s3 =	sld [smem:$0x3FDB];
	s0 =	simm.s32 @p2 $0x1  }
0x17: {  	s4 =	simm.s32 $0x1BF5;
	[smem:$0x3FBA] =	sst s0  }
0x18: {  	s0 =	sld [smem:$0x3F9D];
	_ =	swait.ge [sflag:s4], $0x0  }
0x19: {  	s7 =	sld [smem:$0x3F9E]  }
0x1a: {  	s8 =	sadd.s32 $0xFFFFE003, lr  }
0x1b: {  	s9 =	sadd.s32 $0xFFFFFEF7, lr;
	s5 =	simm.s32 $0xFFFFFFFF;
	p2 =	slt.u32 s8, $0xFFFFF086  }
0x1c: {  	p1 =	slt.u32 s9, $0xF7A;
	s5 =	simm.s32 @!p2 $0x0  }
0x1d: {  	s5 =	simm.s32 @p1 $0x1;
	p0 =	seq.s32 s7, s2  }
0x1e: {  	s7 =	smul.u32 @!p0 $0xF7A, s2;
	p2 =	seq.s32 @!p0 s5, $0x0  }
0x1f: {  	s9 =	smul.u32 $0xF7A, s1;
	s8 =	simm.s32 @!p0 $0x1BF5;
	p2 =	por !p2, p0  }
0x20: {  	[sflag:s8] =	ssyncset.s32 @!p0 $0xFFFFF086;
	s6 =	sadd.s32 @!p0 s3, s7;
	s7 =	simm.s32 @!p0 $0x108  }
0x21: {  	s3 =	sadd.s32 s3, s9;
	s6 =	sadd.s32 @!p0 $0x88, s6;
	s7 =	simm.s32 @p2 $0x1082  }
0x22: {  	[simem:s7], [sflag:s8] =	dma.local @!p0 [hbm:s6], $0xF7A  }
0x23: {  	s9 =	sor.u32 $0xD0000000, s2;
	s6 =	simm.s32 $0x108;
	_ =	swait.ge @!p0 [sflag:s8], $0x0  }
0x24: {  	s3 =	sadd.s32 $0x88, s3;
	s6 =	simm.s32 @!p1 $0x1082;
	[sflag:s4] =	ssyncset.s32 $0xFFFFF086  }
0x25: {  	[simem:s6], [sflag:s4] =	dma.local [hbm:s3], $0xF7A  }
0x26: {  	[smem:$0x3F9E] =	sst s1;
	(tag) =	ssettag s2;
	_ =	strace s9  }
0x27: {  	s1 =	sld [smem:$0x3FAE]  }
0x28: {  	s2 =	sld [smem:$0x3FAF]  }
0x29: {  	s4 =	sld [smem:$0x3FB1]  }
0x2a: {  	p0 =	seq.s32 s5, $0x0;
	s5 =	sld [smem:$0x3FB2]  }
0x2b: {  	s6 =	sld [smem:$0x3FB3]  }
0x2c: {  	s7 =	sld [smem:$0x3FB4]  }
0x2d: {  	s3 =	simm.s32 $0x108;
	s8 =	sld [smem:$0x3FB5]  }
0x2e: {  	s3 =	simm.s32 @!p0 $0x1082;
	s9 =	sld [smem:$0x3FB6]  }
0x2f: {  	lr =	sadd.s32 s0, s3;
	s0 =	sld [smem:$0x3FAD]  }
0x30: {  	s3 =	sld [smem:$0x3FB0]  }
0x31: {  	[smem:$0x3FB9] =	sst s10  }
0x32: {  	s10 =	sld [smem:$0x3FB7];
	_ =	sdelay $0x3  }
0x33: {  	p0 =	seq.s32 s10, $0x1;
	s10 =	sld [smem:$0x3FB9];
	_ =	sdelay $0x3  }
0x34: {  	[smem:$0x3FB9] =	sst s10  }
0x35: {  	s10 =	sld [smem:$0x3FB8];
	_ =	sdelay $0x3  }
0x36: {  	p1 =	seq.s32 s10, $0x1;
	s10 =	sld [smem:$0x3FB9];
	_ =	sdelay $0x3  }
0x37: {  	[smem:$0x3FB9] =	sst s10  }
0x38: {  	s10 =	sld [smem:$0x3FBA]  }
0x39: {  	_ = 	snop;
	(pc) =	sbr.ind lr, $3  }
0x3a: {  	_ = 	snop  }
0x3b: {  	_ = 	snop  }
0x3c: {  	p2 =	seq.s32 s10, $0x1;
	s10 =	sld [smem:$0x3FB9]  }
0x3d: {  	_ =	shalt  }
0x3e: {  	_ =	shalt  }
0x3f: {  	_ =	shalt  }
0x40: {  	_ =	shalt  }
0x41: {  	_ =	shalt  }
0x42: {  	_ =	shalt  }
0x43: {  	_ =	shalt  }
0x44: {  	_ =	shalt  }
0x45: {  	_ =	shalt  }
0x46: {  	_ =	shalt  }
0x47: {  	_ =	shalt  }
0x48: {  	_ =	shalt  }
0x49: {  	_ =	shalt  }
0x4a: {  	_ =	shalt  }
0x4b: {  	_ =	shalt  }
0x4c: {  	_ =	shalt  }
0x4d: {  	_ =	shalt  }
0x4e: {  	_ =	shalt  }
0x4f: {  	_ =	shalt  }
0x50: {  	_ =	shalt  }
0x51: {  	_ =	shalt  }
0x52: {  	_ =	shalt  }
0x53: {  	_ =	shalt  }
0x54: {  	_ =	shalt  }
0x55: {  	_ =	shalt  }
0x56: {  	_ =	shalt  }
0x57: {  	_ =	shalt  }
0x58: {  	_ =	shalt  }
0x59: {  	_ =	shalt  }
0x5a: {  	_ =	shalt  }
0x5b: {  	_ =	shalt  }
0x5c: {  	_ =	shalt  }
0x5d: {  	_ =	shalt  }
0x5e: {  	_ =	shalt  }
0x5f: {  	_ =	shalt  }
0x60: {  	_ =	shalt  }
0x61: {  	_ =	shalt  }
0x62: {  	_ =	shalt  }
0x63: {  	_ =	shalt  }
0x64: {  	_ =	shalt  }
0x65: {  	_ =	shalt  }
0x66: {  	_ =	shalt  }
0x67: {  	_ =	shalt  }
0x68: {  	_ =	shalt  }
0x69: {  	_ =	shalt  }
0x6a: {  	_ =	shalt  }
0x6b: {  	_ =	shalt  }
0x6c: {  	_ =	shalt  }
0x6d: {  	_ =	shalt  }
0x6e: {  	_ =	shalt  }
0x6f: {  	_ =	shalt  }
0x70: {  	_ =	shalt  }
0x71: {  	_ =	shalt  }
0x72: {  	_ =	shalt  }
0x73: {  	_ =	shalt  }
0x74: {  	_ =	shalt  }
0x75: {  	_ =	shalt  }
0x76: {  	_ =	shalt  }
0x77: {  	_ =	shalt  }
0x78: {  	_ =	shalt  }
0x79: {  	_ =	shalt  }
0x7a: {  	_ =	shalt  }
0x7b: {  	_ =	shalt  }
0x7c: {  	_ =	shalt  }
0x7d: {  	_ =	shalt  }
0x7e: {  	_ =	shalt  }
0x7f: {  	_ =	shalt  }
0x80: {  	_ =	shalt  }
0x81: {  	_ =	shalt  }
0x82: {  	_ =	shalt  }
0x83: {  	_ =	shalt  }
0x84: {  	_ =	shalt  }
0x85: {  	_ =	shalt  }
0x86: {  	_ =	shalt  }
0x87: {  	_ =	shalt  }
.Lfunc_end0:
.L_simem_size_0:
called_computation_lowered:
.L_overlay_start_0:
0x88: {  	s2 =	sld [smem:$0x3FD9]  }
0x89: {  	s3 =	sld [smem:$0x3FFE];
	_ =	sdelay $0x1  }
0x8a: {  	s1 =	srdreg.scid  }
0x8b: {  	s0 =	sand.u32 $0x1, s1  }
0x8c: {  	s17 =	sshll.u32 s0, $0xA;
	s2 =	sadd.s32 s3, s2  }
0x8d: {  	s2 =	sadd.s32 s2, s17  }
0x8e: {  	[smem:$0x3FC5] =	sst s2  }
0x8f: {  	_ = 	snop  }
0x90: {  	s2 =	sld [smem:$0x3FC7]  }
0x91: {  	s18 =	sld [smem:$0x3FD0];
	(tm) =	ssettm $0x1  }
0x92: {  	s4 =	sld [smem:$0x3FFB];
	_ =	sdelay $0x3  }
0x93: {  	_ =	strace s4  }
0x94: {  	s4 =	sld [smem:$0x3FFC];
	_ =	sdelay $0x3  }
0x95: {  	_ =	strace s4  }
0x96: {  	s4 =	sld [smem:$0x3FFD];
	_ =	sdelay $0x3  }
0x97: {  	_ =	strace s4  }
0x98: {  	_ =	strace $0x8FFFFFFF  }
0x99: {  	s19 =	sld [smem:$0x3FDB];
	_ =	sdelay $0x1  }
0x9a: {  	s5 =	simm.s32 $_scs_section_size  }
0x9b: {  	s6 =	simm.s32 $_size__tile_overlayer_lowered;
	s7 =	simm.s32 $_tile_overlayer_lowered  }
0x9c: {  	s22 =	simm.s32 $0x1BFF;
	s21 =	sshll.u32 s7, $0x1;
	s4 =	sadd.s32 s5, s19  }
0x9d: {  	s8 =	simm.s32 $0x0;
	s20 =	sshll.u32 s6, $0x1;
	s6 =	sadd.s32 s21, s4  }
0x9e: {  	[timem:s8], [sflag:s22] =	dma.local [hbm:s6], s20  }
0x9f: {  	_ =	swait.ge [sflag:s22], s20  }
0xa0: {  	s5 =	ssub.s32 $0x0, s20;
	[sflag:s22] =	ssyncset.done $0x0  }
0xa1: {  	[sflag:s22] =	ssyncadd.s32 s5;
	_ =	sdelay $0x1  }
0xa2: {  	s23 =	simm.s32 $0x1B8B  }
0xa3: {  	_ =	swait.ge [sflag:s23], $0x1  }
0xa4: {  	[sflag:s23] =	ssyncset.done $0x0  }
0xa5: {  	s25 =	simm.s32 $0x1B8E;
	s24 =	sld [smem:$0x3FFE];
	[sflag:s23] =	ssyncadd.s32 $0xFFFFFFFF  }
0xa6: {  	s26 =	simm.s32 $execute0_lowered;
	[smem:$0x3FD2] =	sst s25  }
0xa7: {  	s6 =	sshll.u32 s26, $0x1;
	_ =	strace $0x80000046;
	[dreg:$0x1] =	wrdreg $0xFFFFFFFF  }
0xa8: {  	s28 =	simm.s32 $_size_execute0_lowered;
	s4 =	sadd.s32 s4, s6;
	[dreg:$0x0] =	wrdreg $0x0  }
0xa9: {  	s6 =	sshll.u32 s28, $0x1;
	[dreg:$0x2] =	wrdreg s4  }
0xaa: {  	[dreg:$0x3] =	wrdreg s6  }
0xab: {  	[dreg:$0x4] =	wrdreg $0xC0  }
0xac: {  	_ =	task [dreg:s8], $0x5FFFF  }
0xad: {  	[dreg:$0x1] =	wrdreg $0xFFFFFFFF  }
0xae: {  	[dreg:$0x0] =	wrdreg $0x60  }
0xaf: {  	[dreg:$0x2] =	wrdreg s24  }
0xb0: {  	[dreg:$0x3] =	wrdreg s2  }
0xb1: {  	[dreg:$0x4] =	wrdreg s18  }
0xb2: {  	[dreg:$0x5] =	wrdreg $0x9  }
0xb3: {  	_ =	task.clear_ibuf [dreg:s8], $0x6FFFF;
	_ =	strace $0x90000046  }
0xb4: {  	s29 =	simm.s32 $0x9;
	_ =	strace $0x80000048  }
0xb5: {  	_ =	swait.ge [sflag:s29], $0x1  }
0xb6: {  	[sflag:s29] =	ssyncadd.s32 $0xFFFFFFFF  }
0xb7: {  	_ =	strace $0x90000048  }
0xb8: {  	_ =	sfence  }
0xb9: {  	s30 =	sld [smem:$0x0];
	_ =	sdelay $0x2  }
0xba: {  	s31 =	sshll.u32 s1, $0xD;
	s1 =	sshrl.u32 s1, $0x2  }
0xbb: {  	s3 =	sand.u32 $0x4000, s31;
	s1 =	sadd.s32 s1, s30  }
0xbc: {  	s0 =	sor.u32 s3, s0;
	s1 =	sshll.u32 s1, $0x11  }
0xbd: {  	s0 =	sor.u32 s1, s0  }
0xbe: {  	s0 =	sadd.s32 $0x8F2B, s0  }
0xbf: {  	[sflag:s0] =	ssyncadd.remote.s32 $0x1  }
0xc0: {  	_ =	sfence.sel $0xFFFF  }
0xc1: {  	[dreg:$0x0] =	wrdreg $0xFFFFFFFF;
	(pc) =	sbr.abs _section_cstart, $3  }
0xc2: {  	[dreg:$0x1] =	wrdreg $0xFFFFFFFF  }
0xc3: {  	_ =	task.clear_ibuf [dreg:s8], $0x2FFFF;
	_ =	strace $0x9FFFFFFF  }
0xc4: {  	(tm) =	ssettm $0x7FFFFFFF  }
0xc5: {  	_ =	shalt  }
tec
execute0_lowered:
.L_overlay_start_1:
0x0: {  	(tag) =	ssettag $0x1  }
0x1: {  	s0 =	rddreg [dreg:$0x0]  }
0x2: {  	s2 =	rddreg [dreg:$0x1]  }
0x3: {  	s1 =	rddreg [dreg:$0x2];
	v0 =	vimm.s32 $0xFEDCBA98;
	v1 =	vimm.s32 $0x76543210;
	s8 =	simm.s32 $0x9;
	s10 =	simm.s32 $0x32  }
0x4: {  	s3 =	srdreg.scid;
	s5 =	stileid.u32;
	v2 =	vimm.s32 $0xBA98FEDC;
	v3 =	vimm.s32 $0x32107654;
	v4 =	vimm.s32 $0xDCFE98BA  }
0x5: {  	v5 =	vimm.s32 $0x54761032;
	s22 =	simm.s32 $0x180;
	s23 =	simm.s32 $0x10800;
	s24 =	simm.s32 $0x1C0  }
0x6: {  	v6 =	vimm.s32 $0xEFCDAB89;
	v7 =	vimm.s32 $0x67452301;
	s25 =	simm.s32 $0x12400;
	s28 =	simm.s32 $0x2;
	s29 =	simm.s32 $0x3  }
0x7: {  	s30 =	simm.s32 $0x4;
	s31 =	simm.s32 $0x5;
	s9 =	simm.s32 $0x8;
	v0 =	vunpack.c.l.s4.s8 v0;
	v1 =	vunpack.c.l.s4.s8 v1;
	v2 =	vunpack.c.l.s4.s8 v2  }
0x8: {  	s11 =	simm.s32 $0x14000;
	s4 =	sand.u32 $0x1, s3;
	s5 =	sshll.u32 s5, $0x1;
	v3 =	vunpack.c.l.s4.s8 v3;
	v4 =	vunpack.c.l.s4.s8 v4;
	v5 =	vunpack.c.l.s4.s8 v5  }
0x9: {  	s12 =	simm.s32 $0x0;
	s3 =	simm.s32 $0x0;
	v6 =	vunpack.c.l.s4.s8 v6;
	v7 =	vunpack.c.l.s4.s8 v7;
	s6 =	sor.u32 s4, s5;
	v0 =	vunpack.c.0.s8.s32 v0  }
0xa: {  	s4 =	ssub.s32 $0x2, s4;
	[smem:$0x7FF] =	sst s3;
	s5 =	sshll.u32 s6, $0xA;
	v1 =	vunpack.c.0.s8.s32 v1;
	v2 =	vunpack.c.0.s8.s32 v2;
	v3 =	vunpack.c.0.s8.s32 v3  }
0xb: {  	s7 =	sshrl.u32 s4, $0x1;
	_ =	strace $0x80000047;
	s26 =	sshll.u32 s6, $0xB;
	v4 =	vunpack.c.0.s8.s32 v4;
	v5 =	vunpack.c.0.s8.s32 v5;
	v0 =	vand.u32 $0xF, v0  }
0xc: {  	v6 =	vunpack.c.0.s8.s32 v6;
	v7 =	vunpack.c.0.s8.s32 v7;
	s0 =	sadd.s32 s5, s0;
	s7 =	ssub.s32 s4, s7;
	s6 =	sadd.s32 s1, s26;
	v0 =	vcombine.low v0, v1  }
0xd: {  	s26 =	simm.s32 $0x1;
	s1 =	simm.s32 $0x7;
	s4 =	sadd.s32 $0x600, s0;
	v1 =	vcombine.low v3, v2;
	v2 =	vcombine.low v5, v4  }
0xe: {  	s5 =	sadd.s32 $0x8600, s0;
	s7 =	smax.u32 s7, $0x1;
	s0 =	simm.s32 $0x6;
	v3 =	vcombine.low v7, v6;
	v4 =	vimm.s32 $0x0;
	v5 =	vimm.s32 $0x1  }
.LBB2_1:
0xf: {  	[tilespmem:s3], [sflag:$0x9] =	stream.linear.gather [hbm4b:s4+s3], $0x2000, $0x38;
	[tilespmem:$0x18000] =	vst v63  }
0x10: {  	_ =	swait.ge [sflag:s8], $0x2000  }
0x11: {  	[sflag:s8] =	ssyncset.done $0x0  }
0x12: {  	s13 =	simm.s32 $0x2000;
	[sflag:s8] =	ssyncadd.s32 $0xFFFFE000  }
0x13: {  	[tilespmem:s13], [sflag:$0x9] =	stream.linear.gather [hbm4b:s5+s3], $0x2000, $0x38;
	[tilespmem:$0x18000] =	vst v63  }
0x14: {  	_ =	swait.ge [sflag:s8], $0x2000  }
0x15: {  	[sflag:s8] =	ssyncset.done $0x0  }
0x16: {  	s20 =	simm.s32 $0x6000;
	[sflag:s8] =	ssyncadd.s32 $0xFFFFE000  }
0x17: {  	[tilespmem:s20], [sflag:$0x1] =	stream.indirect.gather [hbm4b:s2+s10], $0x80, s3, s10, $0xb8;
	[tilespmem:$0x18000] =	vst v63  }
0x18: {  	s21 =	simm.s32 $0x40;
	s14 =	simm.s32 $0x7C00  }
0x19: {  	[tilespmem:s14], [sflag:$0x2] =	stream.indirect.gather [hbm4b:s2+s10], $0x80, s21, s10, $0xb8;
	[tilespmem:$0x18000] =	vst v63  }
0x1a: {  	s15 =	simm.s32 $0x9800;
	s14 =	simm.s32 $0x80  }
0x1b: {  	[tilespmem:s15], [sflag:$0x3] =	stream.indirect.gather [hbm4b:s2+s10], $0x80, s14, s10, $0xb8;
	[tilespmem:$0x18000] =	vst v63  }
0x1c: {  	s16 =	simm.s32 $0xC0;
	s17 =	simm.s32 $0xB400  }
0x1d: {  	[tilespmem:s17], [sflag:$0x4] =	stream.indirect.gather [hbm4b:s2+s10], $0x80, s16, s10, $0xb8;
	[tilespmem:$0x18000] =	vst v63  }
0x1e: {  	s18 =	simm.s32 $0x100;
	s19 =	simm.s32 $0xD000  }
0x1f: {  	[tilespmem:s19], [sflag:$0x5] =	stream.indirect.gather [hbm4b:s2+s10], $0x80, s18, s10, $0xb8;
	[tilespmem:$0x18000] =	vst v63  }
0x20: {  	s20 =	simm.s32 $0x140;
	s21 =	simm.s32 $0xEC00  }
0x21: {  	[tilespmem:s21], [sflag:$0x6] =	stream.indirect.gather [hbm4b:s2+s10], $0x80, s20, s10, $0xb8;
	[tilespmem:$0x18000] =	vst v63  }
0x22: {  	_ = 	snop  }
0x23: {  	[tilespmem:s23], [sflag:$0x7] =	stream.indirect.gather [hbm4b:s2+s10], $0x80, s22, s10, $0xb8;
	[tilespmem:$0x18000] =	vst v63  }
0x24: {  	s15 =	simm.s32 $0x0  }
0x25: {  	[tilespmem:s25], [sflag:$0x8] =	stream.indirect.gather [hbm4b:s2+s10], $0x80, s24, s10, $0xb8;
	[tilespmem:$0x18000] =	vst v63  }
0x26: {  	v7 =	vld [tilespmem:s15+$0x2000]  }
0x27: {  	v8 =	vld [tilespmem:s15+$0x2010]  }
0x28: {  	v9 =	vld [tilespmem:s15+$0x2020]  }
0x29: {  	v13 =	vld [tilespmem:s15+$0x2030];
	_ =	sdelay $0x2  }
0x2a: {  	v6 =	vadd.s32 v7, v8  }
0x2b: {  	v6 =	vadd.s32 v9, v6  }
0x2c: {  	v6 =	vadd.s32 v13, v6  }
0x2d: {  	v6 =	vcvt.s32.f32 v6  }
0x2e: {  	v10 =	vld [tilespmem:s15+$0x0]  }
0x2f: {  	s13 =	simm.s32 $0x40;
	v11 =	vld [tilespmem:s15+$0x10];
	v14 =	vperm.xlane v6, v0  }
0x30: {  	v15 =	vld [tilespmem:s13+$0x2000]  }
0x31: {  	v16 =	vld [tilespmem:s13+$0x2010];
	v14 =	vadd.f32 v6, v14  }
0x32: {  	v17 =	vld [tilespmem:s13+$0x2020]  }
0x33: {  	v6 =	vld [tilespmem:s13+$0x2030];
	v18 =	vperm.xlane v14, v1  }
0x34: {  	v12 =	vld [tilespmem:s15+$0x20]  }
0x35: {  	vm0 =	vne.s32 v7, $0x0;
	vm1 =	vne.s32 v8, $0x0;
	v7 =	vadd.f32 v14, v18  }
0x36: {  	vm2 =	vne.s32 v9, $0x0;
	vm3 =	vne.s32 v10, $0x0;
	v8 =	vadd.s32 v15, v16  }
0x37: {  	vm4 =	vne.s32 v11, $0x0;
	v8 =	vadd.s32 v17, v8;
	v10 =	vperm.xlane v7, v2  }
0x38: {  	vm5 =	vne.s32 v17, $0x0;
	v9 =	vld [tilespmem:s13+$0x0];
	vm0 =	vmand vm0, vm3;
	v8 =	vadd.s32 v6, v8  }
0x39: {  	vm3 =	vne.s32 v12, $0x0;
	v8 =	vcvt.s32.f32 v8;
	v7 =	vadd.f32 v7, v10;
	v10 =	vld [tilespmem:s13+$0x20]  }
0x3a: {  	s14 =	simm.s32 $0x80;
	v11 =	vld [tilespmem:s13+$0x10];
	vm1 =	vmand vm1, vm4;
	vm4 =	vne.s32 v16, $0x0;
	vm2 =	vmand vm2, vm3  }
0x3b: {  	vm3 =	vne.s32 v15, $0x0;
	v15 =	vld [tilespmem:s14+$0x2010];
	v12 =	vperm.xlane v8, v0;
	v14 =	vperm.xlane v7, v3  }
0x3c: {  	v63 =	vld [tilespmem:s15+$0x30];
	vm6 =	vmmov vm0;
	vm1 =	vmmov vm1;
	vm2 =	vmmov vm2  }
0x3d: {  	vm0 =	vne.s32 v9, $0x0;
	v9 =	vld [tilespmem:s14+$0x2000];
	v8 =	vadd.f32 v8, v12;
	v12 =	vadd.f32 v7, v14  }
0x3e: {  	vm8 =	vmmov vm6;
	vm7 =	vmand vm3, vm0;
	vm3 =	vne.s32 v10, $0x0;
	v10 =	vld [tilespmem:s14+$0x2020]  }
0x3f: {  	vm0 =	vne.s32 v11, $0x0;
	v7 =	vld [tilespmem:s14+$0x2030];
	v11 =	vperm.xlane v8, v1;
	v12 =	vmax.f32 v12, $1.000000000e+00  }
0x40: {  	vm9 =	vmmov vm1;
	vm11 =	vne.s32 v15, $0x0;
	v14 =	vld [tilespmem:s14+$0x0];
	(erf) = vrcp.f32 v12  }
0x41: {  	vm10 =	vmand vm4, vm0;
	vm0 =	vmand vm5, vm3;
	v8 =	vadd.f32 v8, v11  }
0x42: {  	vm3 =	vmmov vm2;
	vm2 =	vne.s32 v9, $0x0;
	v9 =	vadd.s32 v9, v15;
	v12 =	vld [tilespmem:s14+$0x10]  }
0x43: {  	v15 =	vld [tilespmem:s14+$0x20];
	v9 =	vadd.s32 v10, v9;
	vm4 =	vne.s32 v10, $0x0;
	v10 =	vperm.xlane v8, v2  }
0x44: {  	vm6 =	vmmov vm10;
	vm10 =	vne.s32 v63, $0x0;
	v9 =	vadd.s32 v7, v9  }
0x45: {  	vm1 =	vne.s32 v14, $0x0;
	v9 =	vcvt.s32.f32 v9;
	v10 =	vadd.f32 v8, v10  }
0x46: {  	vm5 =	vmmov vm7;
	vm0 =	vmmov vm0;
	vm1 =	vmand vm2, vm1  }
0x47: {  	s16 =	simm.s32 $0xC0;
	vm2 =	vne.s32 v12, $0x0;
	v11 =	vperm.xlane v9, v0;
	v12 =	vperm.xlane v10, v3  }
0x48: {  	s17 =	simm.s32 $0x400;
	vm7 =	vne.s32 v15, $0x0;
	v8 =	vld [tilespmem:s16+$0x2000];
	vm2 =	vmand vm11, vm2;
	vm11 =	vne.s32 v13, $0x0  }
.LBB2_2:
0x49: {  	p0 =	sne.s32 s17, $0x7F00;
	v13 =	vld [tilespmem:s16+$0x2010];
	v9 =	vadd.f32 v9, v11;
	v10 =	vadd.f32 v10, v12;
	vm10 =	vmand vm11, vm10;
	v11 =	vpop (erf)  }
0x4a: {  	vm4 =	vmand vm4, vm7;
	v12 =	vld [tilespmem:s16+$0x2020];
	v14 =	vnsel vm8, $0x0, v11;
	v15 =	vnsel vm10, $0x0, v11  }
0x4b: {  	v18 =	vnsel vm9, $0x0, v11;
	v16 =	vld [tilespmem:s16+$0x2030];
	v17 =	vperm.xlane v9, v1;
	v10 =	vmax.f32 v10, $1.000000000e+00;
	[tilespmem:s15+$0x4030] =	vst v15  }
0x4c: {  	v15 =	vld [tilespmem:s16+$0x0];
	(erf) = vrcp.f32 v10;
	[tilespmem:s15+$0x4000] =	vst v14;
	v10 =	vnsel vm3, $0x0, v11;
	vm3 =	vmmov vm0  }
0x4d: {  	vm0 =	vmmov vm4;
	vm7 =	vne.s32 v8, $0x0;
	v11 =	vld [tilespmem:s16+$0x10];
	v14 =	vadd.f32 v9, v17;
	[tilespmem:s15+$0x4010] =	vst v18  }
0x4e: {  	vm8 =	vmmov vm5;
	v8 =	vadd.s32 v8, v13;
	vm10 =	vne.s32 v13, $0x0;
	v13 =	vld [tilespmem:s16+$0x20];
	[tilespmem:s15+$0x4020] =	vst v10;
	s15 =	smov.u32 s13;
	s13 =	smov.u32 s14;
	s14 =	smov.u32 s16  }
0x4f: {  	v8 =	vadd.s32 v12, v8;
	vm4 =	vne.s32 v12, $0x0;
	v10 =	vperm.xlane v14, v2;
	v17 =	vld [tilespmem:s15+$0x30]  }
.Ltmp0:
0x50: {  	vm5 =	vmmov vm1;
	vm9 =	vmmov vm6;
	v8 =	vadd.s32 v16, v8;
	(pc) =	sbr.rel @p0 .LBB2_2-.Ltmp0, $4  }
0x51: {  	v9 =	vcvt.s32.f32 v8;
	vm1 =	vne.s32 v15, $0x0;
	v10 =	vadd.f32 v14, v10  }
0x52: {  	vm6 =	vmmov vm2;
	vm1 =	vmand vm7, vm1;
	vm11 =	vne.s32 v11, $0x0  }
0x53: {  	s16 =	sshra.s32 s17, $0x2;
	v11 =	vperm.xlane v9, v0;
	vm7 =	vne.s32 v13, $0x0;
	v12 =	vperm.xlane v10, v3  }
0x54: {  	s17 =	sadd.s32 $0x100, s17;
	vm2 =	vmand vm10, vm11;
	vm11 =	vne.s32 v6, $0x0;
	v6 =	vmovc v7;
	v7 =	vmovc v16;
	v8 =	vld [tilespmem:s16+$0x2000];
	vm10 =	vne.s32 v17, $0x0  }
0x55: {  	v13 =	vld [tilespmem:s16+$0x2010];
	vm10 =	vmand vm11, vm10;
	v14 =	vpop (erf);
	v9 =	vadd.f32 v9, v11;
	v10 =	vadd.f32 v10, v12  }
0x56: {  	v15 =	vld [tilespmem:s16+$0x2020];
	v16 =	vnsel vm10, $0x0, v14  }
0x57: {  	v17 =	vld [tilespmem:s16+$0x2030];
	v44 =	vnsel vm8, $0x0, v14;
	[tilespmem:s15+$0x4030] =	vst v16;
	v46 =	vperm.xlane v9, v1;
	v10 =	vmax.f32 v10, $1.000000000e+00  }
0x58: {  	v47 =	vnsel vm9, $0x0, v14;
	v45 =	vld [tilespmem:s16+$0x0];
	[tilespmem:s15+$0x4000] =	vst v44;
	(erf) = vrcp.f32 v10  }
0x59: {  	v48 =	vnsel vm3, $0x0, v14;
	v18 =	vld [tilespmem:s16+$0x10];
	[tilespmem:s15+$0x4010] =	vst v47;
	v9 =	vadd.f32 v9, v46  }
0x5a: {  	v49 =	vld [tilespmem:s16+$0x20];
	v50 =	vadd.s32 v8, v13;
	[tilespmem:s15+$0x4020] =	vst v48  }
0x5b: {  	v51 =	vadd.s32 v15, v50;
	v52 =	vperm.xlane v9, v2;
	v16 =	vld [tilespmem:s13+$0x30]  }
0x5c: {  	v10 =	vadd.s32 v17, v51  }
0x5d: {  	v10 =	vcvt.s32.f32 v10;
	v9 =	vadd.f32 v9, v52;
	_ =	sdelay $0x1  }
0x5e: {  	v53 =	vperm.xlane v10, v0;
	v19 =	vperm.xlane v9, v3  }
0x5f: {  	vm12 =	vne.s32 v6, $0x0;
	vm15 =	vne.s32 v16, $0x0  }
0x60: {  	v6 =	vadd.f32 v10, v53;
	v9 =	vadd.f32 v9, v19;
	vm3 =	vmand vm12, vm15;
	v54 =	vpop (erf)  }
0x61: {  	vm5 =	vmmov vm5;
	vm6 =	vmmov vm6;
	v55 =	vnsel vm3, $0x0, v54  }
0x62: {  	v56 =	vnsel vm5, $0x0, v54;
	[tilespmem:s13+$0x4030] =	vst v55;
	v57 =	vperm.xlane v6, v1;
	v9 =	vmax.f32 v9, $1.000000000e+00  }
0x63: {  	vm0 =	vmmov vm0;
	v58 =	vnsel vm6, $0x0, v54;
	[tilespmem:s13+$0x4000] =	vst v56;
	(erf) = vrcp.f32 v9  }
0x64: {  	v10 =	vnsel vm0, $0x0, v54;
	[tilespmem:s13+$0x4010] =	vst v58;
	v6 =	vadd.f32 v6, v57  }
0x65: {  	[tilespmem:s13+$0x4020] =	vst v10  }
0x66: {  	v10 =	vld [tilespmem:s14+$0x30];
	v59 =	vperm.xlane v6, v2;
	_ =	sdelay $0x1  }
0x67: {  	v6 =	vadd.f32 v6, v59;
	_ =	sdelay $0x1  }
0x68: {  	vm13 =	vmand vm4, vm7;
	v9 =	vperm.xlane v6, v3  }
0x69: {  	vm1 =	vmmov vm1;
	vm15 =	vne.s32 v7, $0x0;
	vm14 =	vne.s32 v10, $0x0  }
0x6a: {  	vm2 =	vmmov vm2;
	vm3 =	vmand vm15, vm14;
	v6 =	vadd.f32 v6, v9;
	v7 =	vpop (erf)  }
0x6b: {  	vm1 =	vmmov vm1;
	vm2 =	vmmov vm2;
	v60 =	vnsel vm3, $0x0, v7  }
0x6c: {  	vm0 =	vmmov vm13;
	v61 =	vnsel vm1, $0x0, v7;
	v6 =	vmax.f32 v6, $1.000000000e+00;
	[tilespmem:s14+$0x4030] =	vst v60  }
0x6d: {  	vm0 =	vmmov vm0;
	v62 =	vnsel vm2, $0x0, v7;
	[tilespmem:s14+$0x4000] =	vst v61;
	(erf) = vrcp.f32 v6  }
0x6e: {  	[tilespmem:s14+$0x4010] =	vst v62;
	v6 =	vnsel vm0, $0x0, v7  }
0x6f: {  	[tilespmem:s14+$0x4020] =	vst v6  }
0x70: {  	v6 =	vld [tilespmem:s16+$0x30];
	_ =	sdelay $0x1  }
0x71: {  	vm7 =	vne.s32 v8, $0x0  }
0x72: {  	vm8 =	vne.s32 v13, $0x0;
	vm9 =	vne.s32 v15, $0x0;
	vm10 =	vne.s32 v45, $0x0  }
0x73: {  	vm11 =	vne.s32 v18, $0x0;
	vm12 =	vne.s32 v49, $0x0;
	vm14 =	vne.s32 v17, $0x0  }
0x74: {  	vm1 =	vmand vm8, vm11;
	vm0 =	vmand vm7, vm10;
	vm13 =	vne.s32 v6, $0x0  }
0x75: {  	vm2 =	vmand vm9, vm12;
	vm0 =	vmmov vm0;
	vm3 =	vmand vm14, vm13;
	v6 =	vpop (erf)  }
0x76: {  	vm1 =	vmmov vm1;
	vm0 =	vmmov vm0;
	v7 =	vnsel vm3, $0x0, v6  }
0x77: {  	vm2 =	vmmov vm2;
	vm1 =	vmmov vm1;
	v63 =	vnsel vm0, $0x0, v6;
	[tilespmem:s16+$0x4030] =	vst v7  }
0x78: {  	vm15 =	vmmov vm2;
	v7 =	vnsel vm1, $0x0, v6;
	[tilespmem:s16+$0x4000] =	vst v63  }
0x79: {  	v6 =	vnsel vm15, $0x0, v6;
	[tilespmem:s16+$0x4010] =	vst v7  }
0x7a: {  	s15 =	simm.s32 $0x0;
	s13 =	simm.s32 $0x0;
	[tilespmem:s16+$0x4020] =	vst v6  }
.LBB2_4:
0x7b: {  	_ =	swait.ge [sflag:s26], $0x1900  }
0x7c: {  	s14 =	sshll.u32 s15, $0xB;
	[sflag:s26] =	ssyncset.done $0x0  }
0x7d: {  	s16 =	sshrl.u32 s14, $0x2;
	[sflag:s26] =	ssyncadd.s32 $0xFFFFE700  }
0x7e: {  	s17 =	simm.s32 $0x6040;
	v6 =	vld [tilespmem:s16+$0x4000]  }
0x7f: {  	v7 =	vld [tilespmem:s17+$0x30]  }
0x80: {  	v8 =	vld [tilespmem:s17+$0xFFFFFFC0]  }
0x81: {  	v10 =	vld [tilespmem:s17+$0xFFFFFFD0]  }
0x82: {  	v11 =	vld [tilespmem:s17+$0xFFFFFFE0]  }
0x83: {  	v9 =	vmov s13  }
0x84: {  	v19 =	vld [tilespmem:s17+$0xFFFFFFF0];
	v9 =	vperm.xlane v6, v9  }
0x85: {  	v12 =	vimm.f32 $0.0e+00;
	v15 =	vimm.f32 $0.0e+00;
	v14 =	vimm.f32 $0.0e+00;
	v17 =	vld [tilespmem:s17+$0x0]  }
0x86: {  	v13 =	vimm.f32 $0.0e+00;
	v16 =	vld [tilespmem:s17+$0x10];
	v7 =	vmul.f32 v7, v9;
	v8 =	vmul.f32 v8, v9  }
0x87: {  	v18 =	vld [tilespmem:s17+$0x20];
	s17 =	simm.s32 $0x60C0;
	v21 =	vmul.f32 v10, v9;
	v22 =	vmul.f32 v11, v9;
	v10 =	vimm.f32 $0.0e+00  }
0x88: {  	s18 =	simm.s32 $0x1;
	s19 =	simm.s32 $0x2;
	v20 =	vld [tilespmem:s17+$0x30];
	v11 =	vimm.f32 $0.0e+00;
	v7 =	vadd.f32 v7, v12;
	v8 =	vadd.f32 v8, v12  }
.LBB2_5:
0x89: {  	p0 =	sne.s32 s19, $0xF;
	v23 =	vld [tilespmem:s17+$0xFFFFFFC0];
	v12 =	vadd.f32 v21, v12;
	v19 =	vmul.f32 v19, v9  }
0x8a: {  	v21 =	vmov s18;
	s18 =	smov.u32 s19;
	v24 =	vld [tilespmem:s17+$0xFFFFFFD0];
	v15 =	vadd.f32 v22, v15;
	v17 =	vmul.f32 v17, v9  }
0x8b: {  	v21 =	vperm.xlane v6, v21;
	v22 =	vld [tilespmem:s17+$0xFFFFFFE0];
	v14 =	vadd.f32 v19, v14;
	v16 =	vmul.f32 v16, v9  }
.Ltmp1:
0x8c: {  	v19 =	vld [tilespmem:s17+$0xFFFFFFF0];
	v13 =	vadd.f32 v17, v13;
	v18 =	vmul.f32 v18, v9;
	(pc) =	sbr.rel @p0 .LBB2_5-.Ltmp1, $4  }
0x8d: {  	v9 =	vmov v21;
	v17 =	vld [tilespmem:s17+$0x0];
	v20 =	vmul.f32 v20, v21;
	v10 =	vadd.f32 v16, v10  }
0x8e: {  	v23 =	vmul.f32 v23, v9;
	v16 =	vld [tilespmem:s17+$0x10];
	v11 =	vadd.f32 v18, v11  }
0x8f: {  	v21 =	vmul.f32 v24, v9;
	v18 =	vld [tilespmem:s17+$0x20];
	v7 =	vadd.f32 v20, v7;
	s17 =	sadd.s32 $0x80, s17  }
0x90: {  	s19 =	sadd.s32 $0x1, s19;
	v20 =	vld [tilespmem:s17+$0x30];
	v8 =	vadd.f32 v23, v8;
	v22 =	vmul.f32 v22, v9  }
0x91: {  	v23 =	vld [tilespmem:s17+$0xFFFFFFC0]  }
0x92: {  	v24 =	vld [tilespmem:s17+$0xFFFFFFD0]  }
0x93: {  	v25 =	vld [tilespmem:s17+$0xFFFFFFE0]  }
0x94: {  	v26 =	vld [tilespmem:s17+$0xFFFFFFF0]  }
0x95: {  	v27 =	vld [tilespmem:s17+$0x0]  }
0x96: {  	v12 =	vadd.f32 v21, v12;
	v19 =	vmul.f32 v19, v9;
	v21 =	vmov s18;
	v28 =	vld [tilespmem:s17+$0x10]  }
0x97: {  	v15 =	vadd.f32 v22, v15;
	v17 =	vmul.f32 v17, v9;
	v21 =	vperm.xlane v6, v21;
	v22 =	vld [tilespmem:s17+$0x20]  }
0x98: {  	s20 =	simm.s32 $0x6870;
	v6 =	vld [tilespmem:s16+$0x4010];
	v14 =	vadd.f32 v19, v14;
	v16 =	vmul.f32 v16, v9;
	v9 =	vmul.f32 v18, v9  }
0x99: {  	v19 =	vld [tilespmem:s20+$0x0];
	v17 =	vadd.f32 v17, v13;
	v13 =	vmul.f32 v20, v21;
	v18 =	vmul.f32 v23, v21  }
0x9a: {  	v20 =	vadd.f32 v16, v10;
	v9 =	vadd.f32 v9, v11;
	v10 =	vmul.f32 v24, v21;
	v23 =	vld [tilespmem:s20+$0xFFFFFF90]  }
0x9b: {  	s21 =	simm.s32 $0x0;
	v62 =	vld [tilespmem:s20+$0xFFFFFFA0];
	v61 =	vadd.f32 v13, v7;
	v7 =	vmul.f32 v25, v21;
	v29 =	vadd.f32 v18, v8  }
0x9c: {  	v63 =	vld [tilespmem:s20+$0xFFFFFFB0];
	v10 =	vadd.f32 v10, v12;
	v8 =	vmul.f32 v26, v21;
	v12 =	vmov s21  }
0x9d: {  	v18 =	vld [tilespmem:s20+$0xFFFFFFC0];
	v11 =	vadd.f32 v7, v15;
	v7 =	vmul.f32 v27, v21;
	v13 =	vperm.xlane v6, v12  }
0x9e: {  	v16 =	vld [tilespmem:s20+$0xFFFFFFD0];
	v12 =	vadd.f32 v8, v14;
	v8 =	vmul.f32 v28, v21;
	v14 =	vmul.f32 v22, v21  }
0x9f: {  	v7 =	vadd.f32 v7, v17;
	v15 =	vmul.f32 v19, v13;
	v22 =	vmul.f32 v23, v13;
	v17 =	vld [tilespmem:s20+$0xFFFFFFE0]  }
0xa0: {  	s17 =	simm.s32 $0x68F0;
	v21 =	vmul.f32 v62, v13;
	v19 =	vld [tilespmem:s20+$0xFFFFFFF0];
	v8 =	vadd.f32 v8, v20;
	v9 =	vadd.f32 v14, v9  }
0xa1: {  	s18 =	simm.s32 $0x1;
	s19 =	simm.s32 $0x2;
	v20 =	vld [tilespmem:s17+$0x0];
	v14 =	vadd.f32 v15, v61;
	v15 =	vadd.f32 v22, v29;
	v22 =	vmul.f32 v63, v13  }
.LBB2_7:
0xa2: {  	p0 =	sne.s32 s19, $0xF;
	v23 =	vld [tilespmem:s17+$0xFFFFFF90];
	v10 =	vadd.f32 v21, v10;
	v18 =	vmul.f32 v18, v13  }
0xa3: {  	v21 =	vmov s18;
	s18 =	smov.u32 s19;
	v24 =	vld [tilespmem:s17+$0xFFFFFFA0];
	v11 =	vadd.f32 v22, v11;
	v16 =	vmul.f32 v16, v13  }
0xa4: {  	v21 =	vperm.xlane v6, v21;
	v22 =	vld [tilespmem:s17+$0xFFFFFFB0];
	v12 =	vadd.f32 v18, v12;
	v17 =	vmul.f32 v17, v13  }
.Ltmp2:
0xa5: {  	v18 =	vld [tilespmem:s17+$0xFFFFFFC0];
	v7 =	vadd.f32 v16, v7;
	v19 =	vmul.f32 v19, v13;
	(pc) =	sbr.rel @p0 .LBB2_7-.Ltmp2, $4  }
0xa6: {  	v13 =	vmov v21;
	v16 =	vld [tilespmem:s17+$0xFFFFFFD0];
	v20 =	vmul.f32 v20, v21;
	v8 =	vadd.f32 v17, v8  }
0xa7: {  	v23 =	vmul.f32 v23, v13;
	v17 =	vld [tilespmem:s17+$0xFFFFFFE0];
	v9 =	vadd.f32 v19, v9  }
0xa8: {  	v21 =	vmul.f32 v24, v13;
	v19 =	vld [tilespmem:s17+$0xFFFFFFF0];
	v14 =	vadd.f32 v20, v14;
	s17 =	sadd.s32 $0x80, s17  }
0xa9: {  	s19 =	sadd.s32 $0x1, s19;
	v20 =	vld [tilespmem:s17+$0x0];
	v15 =	vadd.f32 v23, v15;
	v22 =	vmul.f32 v22, v13  }
0xaa: {  	v23 =	vld [tilespmem:s17+$0xFFFFFF90]  }
0xab: {  	v24 =	vld [tilespmem:s17+$0xFFFFFFA0]  }
0xac: {  	v25 =	vld [tilespmem:s17+$0xFFFFFFB0]  }
0xad: {  	v26 =	vld [tilespmem:s17+$0xFFFFFFC0]  }
0xae: {  	v27 =	vld [tilespmem:s17+$0xFFFFFFD0]  }
0xaf: {  	v10 =	vadd.f32 v21, v10;
	v18 =	vmul.f32 v18, v13;
	v21 =	vmov s18;
	v28 =	vld [tilespmem:s17+$0xFFFFFFE0]  }
0xb0: {  	v11 =	vadd.f32 v22, v11;
	v16 =	vmul.f32 v16, v13;
	v21 =	vperm.xlane v6, v21;
	v6 =	vld [tilespmem:s16+$0x4020]  }
0xb1: {  	s20 =	simm.s32 $0x7070;
	v22 =	vld [tilespmem:s17+$0xFFFFFFF0];
	v12 =	vadd.f32 v18, v12;
	v17 =	vmul.f32 v17, v13;
	v13 =	vmul.f32 v19, v13  }
0xb2: {  	v19 =	vadd.f32 v16, v7;
	v7 =	vmul.f32 v20, v21;
	v20 =	vld [tilespmem:s20+$0x0];
	v16 =	vmul.f32 v23, v21  }
0xb3: {  	s21 =	simm.s32 $0x0;
	v23 =	vadd.f32 v17, v8;
	v29 =	vadd.f32 v13, v9;
	v8 =	vmul.f32 v24, v21;
	v17 =	vld [tilespmem:s20+$0xFFFFFF90]  }
0xb4: {  	v62 =	vld [tilespmem:s20+$0xFFFFFFA0];
	v9 =	vmul.f32 v25, v21;
	v13 =	vmov s21;
	v14 =	vadd.f32 v7, v14  }
0xb5: {  	v63 =	vld [tilespmem:s20+$0xFFFFFFB0];
	v13 =	vperm.xlane v6, v13;
	v7 =	vadd.f32 v8, v10;
	v10 =	vmul.f32 v26, v21  }
0xb6: {  	v18 =	vld [tilespmem:s20+$0xFFFFFFC0];
	v15 =	vadd.f32 v16, v15;
	v8 =	vadd.f32 v9, v11;
	v11 =	vmul.f32 v27, v21  }
0xb7: {  	v16 =	vld [tilespmem:s20+$0xFFFFFFD0];
	v9 =	vadd.f32 v10, v12;
	v12 =	vmul.f32 v28, v21;
	v21 =	vmul.f32 v22, v21  }
0xb8: {  	v10 =	vadd.f32 v11, v19;
	v20 =	vmul.f32 v20, v13;
	v22 =	vmul.f32 v17, v13;
	v17 =	vld [tilespmem:s20+$0xFFFFFFE0]  }
0xb9: {  	s18 =	simm.s32 $0x70F0;
	v19 =	vld [tilespmem:s20+$0xFFFFFFF0];
	v11 =	vadd.f32 v12, v23;
	v12 =	vadd.f32 v21, v29;
	v21 =	vmul.f32 v62, v13  }
0xba: {  	s19 =	simm.s32 $0x2;
	s17 =	simm.s32 $0x1;
	v14 =	vadd.f32 v20, v14;
	v20 =	vld [tilespmem:s18+$0x0];
	v15 =	vadd.f32 v22, v15;
	v22 =	vmul.f32 v63, v13  }
.LBB2_9:
0xbb: {  	p0 =	sne.s32 s19, $0xF;
	v23 =	vld [tilespmem:s18+$0xFFFFFF90];
	v7 =	vadd.f32 v21, v7;
	v18 =	vmul.f32 v18, v13  }
0xbc: {  	v21 =	vmov s17;
	s17 =	smov.u32 s19;
	v24 =	vld [tilespmem:s18+$0xFFFFFFA0];
	v8 =	vadd.f32 v22, v8;
	v16 =	vmul.f32 v16, v13  }
0xbd: {  	v21 =	vperm.xlane v6, v21;
	v22 =	vld [tilespmem:s18+$0xFFFFFFB0];
	v9 =	vadd.f32 v18, v9;
	v17 =	vmul.f32 v17, v13  }
.Ltmp3:
0xbe: {  	v18 =	vld [tilespmem:s18+$0xFFFFFFC0];
	v10 =	vadd.f32 v16, v10;
	v19 =	vmul.f32 v19, v13;
	(pc) =	sbr.rel @p0 .LBB2_9-.Ltmp3, $4  }
0xbf: {  	v13 =	vmov v21;
	v16 =	vld [tilespmem:s18+$0xFFFFFFD0];
	v20 =	vmul.f32 v20, v21;
	v11 =	vadd.f32 v17, v11  }
0xc0: {  	v23 =	vmul.f32 v23, v13;
	v17 =	vld [tilespmem:s18+$0xFFFFFFE0];
	v12 =	vadd.f32 v19, v12  }
0xc1: {  	v21 =	vmul.f32 v24, v13;
	v19 =	vld [tilespmem:s18+$0xFFFFFFF0];
	v14 =	vadd.f32 v20, v14;
	s18 =	sadd.s32 $0x80, s18  }
0xc2: {  	s19 =	sadd.s32 $0x1, s19;
	v20 =	vld [tilespmem:s18+$0x0];
	v15 =	vadd.f32 v23, v15;
	v22 =	vmul.f32 v22, v13  }
0xc3: {  	v23 =	vld [tilespmem:s18+$0xFFFFFF90]  }
0xc4: {  	v24 =	vld [tilespmem:s18+$0xFFFFFFA0]  }
0xc5: {  	v25 =	vld [tilespmem:s18+$0xFFFFFFB0]  }
0xc6: {  	v26 =	vld [tilespmem:s18+$0xFFFFFFC0]  }
0xc7: {  	v27 =	vld [tilespmem:s18+$0xFFFFFFD0]  }
0xc8: {  	v28 =	vld [tilespmem:s18+$0xFFFFFFE0]  }
0xc9: {  	v29 =	vld [tilespmem:s18+$0xFFFFFFF0]  }
0xca: {  	v30 =	vld [tilespmem:s16+$0x4030]  }
0xcb: {  	v31 =	vld [tilespmem:$0x7800];
	v7 =	vadd.f32 v21, v7  }
0xcc: {  	v32 =	vld [tilespmem:$0x7810];
	v18 =	vmul.f32 v18, v13;
	v21 =	vmov s17;
	v16 =	vmul.f32 v16, v13  }
0xcd: {  	v33 =	vld [tilespmem:$0x7820];
	v6 =	vperm.xlane v6, v21;
	v17 =	vmul.f32 v17, v13  }
0xce: {  	v34 =	vld [tilespmem:$0x7830];
	v8 =	vadd.f32 v22, v8;
	v9 =	vadd.f32 v18, v9;
	v13 =	vmul.f32 v19, v13  }
0xcf: {  	v60 =	vld [tilespmem:$0x78A0];
	v10 =	vadd.f32 v16, v10;
	v16 =	vmul.f32 v20, v6;
	v11 =	vadd.f32 v17, v11  }
0xd0: {  	v61 =	vld [tilespmem:$0x78C0];
	v19 =	vmul.f32 v23, v6;
	v12 =	vadd.f32 v13, v12;
	v13 =	vmul.f32 v24, v6  }
0xd1: {  	v21 =	vld [tilespmem:$0x7840];
	v22 =	vmul.f32 v27, v6;
	v14 =	vadd.f32 v16, v14;
	v16 =	vmul.f32 v25, v6  }
0xd2: {  	v18 =	vld [tilespmem:$0x7850];
	v59 =	vperm.xlane v30, v4;
	v62 =	vperm.xlane v30, v5;
	v15 =	vadd.f32 v19, v15  }
0xd3: {  	v19 =	vld [tilespmem:$0x7880];
	v7 =	vadd.f32 v13, v7;
	v8 =	vadd.f32 v16, v8;
	v16 =	vmul.f32 v28, v6  }
0xd4: {  	v23 =	vld [tilespmem:$0x7890];
	v13 =	vmul.f32 v26, v6;
	v10 =	vadd.f32 v22, v10;
	v6 =	vmul.f32 v29, v6  }
0xd5: {  	v63 =	vld [tilespmem:$0x78D0];
	v22 =	vmul.f32 v32, v59;
	v11 =	vadd.f32 v16, v11;
	v16 =	vmul.f32 v31, v59  }
0xd6: {  	v9 =	vadd.f32 v13, v9;
	v13 =	vld [tilespmem:$0x78B0];
	v6 =	vadd.f32 v6, v12;
	v12 =	vmul.f32 v33, v59  }
0xd7: {  	p0 =	seq.s32 s15, $0xF;
	v20 =	vld [tilespmem:$0x7860];
	v7 =	vadd.f32 v22, v7;
	v15 =	vadd.f32 v16, v15;
	v16 =	vmul.f32 v34, v59  }
0xd8: {  	s21 =	sshll.u32 s15, $0xA;
	s14 =	sshrl.u32 @!p0 s14, $0x2;
	v17 =	vld [tilespmem:$0x7870];
	v8 =	vadd.f32 v12, v8;
	v12 =	vmul.f32 v21, v59;
	v19 =	vmul.f32 v19, v62  }
0xd9: {  	s17 =	simm.s32 @!p0 $0x32;
	s18 =	simm.s32 @!p0 $0x6000;
	s16 =	sadd.s32 @!p0 $0x200, s14;
	v22 =	vld [tilespmem:$0x78E0];
	v9 =	vadd.f32 v16, v9;
	v16 =	vmul.f32 v18, v59;
	v18 =	vmul.f32 v23, v62  }
0xda: {  	v21 =	vld [tilespmem:$0x78F0];
	[tilespmem:s18], [sflag:$0x1] =	stream.indirect.gather @!p0 [hbm4b:s2+s17], $0x80, s16, s17, $0xb8;
	v10 =	vadd.f32 v12, v10;
	v12 =	vadd.f32 v19, v15;
	v15 =	vmul.f32 v60, v62  }
0xdb: {  	s16 =	sand.u32 $0x3FFFFC00, s21;
	v13 =	vmul.f32 v13, v62;
	v11 =	vadd.f32 v16, v11;
	v7 =	vadd.f32 v18, v7  }
0xdc: {  	v16 =	vmul.f32 v20, v59;
	v8 =	vadd.f32 v15, v8;
	v15 =	vmul.f32 v61, v62;
	[tilespmem:s16+$0x14000] =	vst v12  }
0xdd: {  	v12 =	vmul.f32 v17, v59;
	v9 =	vadd.f32 v13, v9;
	v13 =	vmul.f32 v63, v62;
	[tilespmem:s16+$0x14010] =	vst v7  }
0xde: {  	v6 =	vadd.f32 v16, v6;
	v7 =	vadd.f32 v15, v10;
	v10 =	vmul.f32 v22, v62;
	[tilespmem:s16+$0x14020] =	vst v8  }
0xdf: {  	v8 =	vadd.f32 v12, v14;
	v11 =	vadd.f32 v13, v11;
	v12 =	vmul.f32 v21, v62;
	[tilespmem:s16+$0x14030] =	vst v9  }
0xe0: {  	v6 =	vadd.f32 v10, v6;
	[tilespmem:s16+$0x14040] =	vst v7  }
0xe1: {  	v7 =	vadd.f32 v12, v8;
	[tilespmem:s16+$0x14050] =	vst v11  }
0xe2: {  	[tilespmem:s16+$0x14060] =	vst v6  }
0xe3: {  	[tilespmem:s16+$0x14070] =	vst v7  }
0xe4: {  	s16 =	sshll.u32 s15, $0x3;
	_ =	swait.ge [sflag:s28], $0x1900  }
0xe5: {  	s17 =	sor.u32 $0x1, s16;
	[sflag:s28] =	ssyncset.done $0x0  }
0xe6: {  	s18 =	sshll.u32 s17, $0x6;
	[sflag:s28] =	ssyncadd.s32 $0xFFFFE700  }
0xe7: {  	s19 =	simm.s32 $0x7C40;
	v6 =	vld [tilespmem:s18+$0x4000]  }
0xe8: {  	v7 =	vld [tilespmem:s19+$0x30]  }
0xe9: {  	v8 =	vld [tilespmem:s19+$0xFFFFFFC0]  }
0xea: {  	v10 =	vld [tilespmem:s19+$0xFFFFFFD0]  }
0xeb: {  	s20 =	simm.s32 $0x0;
	v11 =	vld [tilespmem:s19+$0xFFFFFFE0]  }
0xec: {  	v9 =	vmov s20  }
0xed: {  	v19 =	vld [tilespmem:s19+$0xFFFFFFF0];
	v9 =	vperm.xlane v6, v9  }
0xee: {  	v16 =	vimm.f32 $0.0e+00;
	v13 =	vimm.f32 $0.0e+00;
	v14 =	vimm.f32 $0.0e+00;
	v18 =	vld [tilespmem:s19+$0x0]  }
0xef: {  	v12 =	vimm.f32 $0.0e+00;
	v15 =	vld [tilespmem:s19+$0x10];
	v7 =	vmul.f32 v7, v9;
	v8 =	vmul.f32 v8, v9  }
0xf0: {  	v17 =	vld [tilespmem:s19+$0x20];
	s19 =	simm.s32 $0x7CC0;
	v21 =	vmul.f32 v10, v9;
	v22 =	vmul.f32 v11, v9;
	v10 =	vimm.f32 $0.0e+00  }
0xf1: {  	s21 =	simm.s32 $0x2;
	s20 =	simm.s32 $0x1;
	s15 =	sadd.s32 $0x1, s15;
	v20 =	vld [tilespmem:s19+$0x30];
	v11 =	vimm.f32 $0.0e+00;
	v7 =	vadd.f32 v7, v12;
	v8 =	vadd.f32 v8, v12  }
.LBB2_11:
0xf2: {  	p1 =	sne.s32 s21, $0xF;
	v23 =	vld [tilespmem:s19+$0xFFFFFFC0];
	v12 =	vadd.f32 v21, v12;
	v19 =	vmul.f32 v19, v9  }
0xf3: {  	v21 =	vmov s20;
	s20 =	smov.u32 s21;
	v24 =	vld [tilespmem:s19+$0xFFFFFFD0];
	v16 =	vadd.f32 v22, v16;
	v18 =	vmul.f32 v18, v9  }
0xf4: {  	v21 =	vperm.xlane v6, v21;
	v22 =	vld [tilespmem:s19+$0xFFFFFFE0];
	v13 =	vadd.f32 v19, v13;
	v15 =	vmul.f32 v15, v9  }
.Ltmp4:
0xf5: {  	v19 =	vld [tilespmem:s19+$0xFFFFFFF0];
	v14 =	vadd.f32 v18, v14;
	v17 =	vmul.f32 v17, v9;
	(pc) =	sbr.rel @p1 .LBB2_11-.Ltmp4, $4  }
0xf6: {  	v9 =	vmov v21;
	v18 =	vld [tilespmem:s19+$0x0];
	v20 =	vmul.f32 v20, v21;
	v10 =	vadd.f32 v15, v10  }
0xf7: {  	v23 =	vmul.f32 v23, v9;
	v15 =	vld [tilespmem:s19+$0x10];
	v11 =	vadd.f32 v17, v11  }
0xf8: {  	v21 =	vmul.f32 v24, v9;
	v17 =	vld [tilespmem:s19+$0x20];
	v7 =	vadd.f32 v20, v7;
	s19 =	sadd.s32 $0x80, s19  }
0xf9: {  	s21 =	sadd.s32 $0x1, s21;
	v20 =	vld [tilespmem:s19+$0x30];
	v8 =	vadd.f32 v23, v8;
	v22 =	vmul.f32 v22, v9  }
0xfa: {  	v23 =	vld [tilespmem:s19+$0xFFFFFFC0]  }
0xfb: {  	v24 =	vld [tilespmem:s19+$0xFFFFFFD0]  }
0xfc: {  	v25 =	vld [tilespmem:s19+$0xFFFFFFE0]  }
0xfd: {  	v26 =	vld [tilespmem:s19+$0xFFFFFFF0]  }
0xfe: {  	v27 =	vld [tilespmem:s19+$0x0]  }
0xff: {  	v12 =	vadd.f32 v21, v12;
	v19 =	vmul.f32 v19, v9;
	v21 =	vmov s20;
	v28 =	vld [tilespmem:s19+$0x10]  }
0x100: {  	s20 =	sor.u32 $0x50, s18;
	v16 =	vadd.f32 v22, v16;
	v18 =	vmul.f32 v18, v9;
	v21 =	vperm.xlane v6, v21;
	v22 =	vld [tilespmem:s19+$0x20]  }
0x101: {  	v6 =	vld [tilespmem:s20+$0x4000];
	s19 =	simm.s32 $0x8470;
	v19 =	vadd.f32 v19, v13;
	v13 =	vmul.f32 v15, v9;
	v9 =	vmul.f32 v17, v9  }
0x102: {  	v61 =	vld [tilespmem:s19+$0xFFFFFF90];
	v14 =	vadd.f32 v18, v14;
	v15 =	vmul.f32 v20, v21;
	v17 =	vmul.f32 v23, v21  }
0x103: {  	v20 =	vld [tilespmem:s19+$0x0];
	v23 =	vadd.f32 v13, v10;
	v9 =	vadd.f32 v9, v11;
	v10 =	vmul.f32 v24, v21  }
0x104: {  	s21 =	simm.s32 $0x0;
	v62 =	vld [tilespmem:s19+$0xFFFFFFA0];
	v15 =	vadd.f32 v15, v7;
	v7 =	vmul.f32 v25, v21;
	v29 =	vadd.f32 v17, v8  }
0x105: {  	v63 =	vld [tilespmem:s19+$0xFFFFFFB0];
	v12 =	vadd.f32 v10, v12;
	v8 =	vmul.f32 v26, v21;
	v10 =	vmov s21  }
0x106: {  	v18 =	vld [tilespmem:s19+$0xFFFFFFC0];
	v13 =	vadd.f32 v7, v16;
	v7 =	vmul.f32 v27, v21;
	v11 =	vperm.xlane v6, v10  }
0x107: {  	v17 =	vld [tilespmem:s19+$0xFFFFFFD0];
	v10 =	vadd.f32 v8, v19;
	v8 =	vmul.f32 v28, v21;
	v19 =	vmul.f32 v22, v21  }
0x108: {  	v16 =	vld [tilespmem:s19+$0xFFFFFFE0];
	v7 =	vadd.f32 v7, v14;
	v14 =	vmul.f32 v20, v11;
	v22 =	vmul.f32 v61, v11  }
0x109: {  	v21 =	vmul.f32 v62, v11;
	v8 =	vadd.f32 v8, v23;
	v9 =	vadd.f32 v19, v9;
	v19 =	vld [tilespmem:s19+$0xFFFFFFF0];
	s19 =	simm.s32 $0x84F0  }
0x10a: {  	s20 =	simm.s32 $0x1;
	s21 =	simm.s32 $0x2;
	v14 =	vadd.f32 v14, v15;
	v20 =	vld [tilespmem:s19+$0x0];
	v15 =	vadd.f32 v22, v29;
	v22 =	vmul.f32 v63, v11  }
.LBB2_13:
0x10b: {  	p1 =	sne.s32 s21, $0xF;
	v23 =	vld [tilespmem:s19+$0xFFFFFF90];
	v12 =	vadd.f32 v21, v12;
	v18 =	vmul.f32 v18, v11  }
0x10c: {  	v21 =	vmov s20;
	s20 =	smov.u32 s21;
	v24 =	vld [tilespmem:s19+$0xFFFFFFA0];
	v13 =	vadd.f32 v22, v13;
	v17 =	vmul.f32 v17, v11  }
0x10d: {  	v21 =	vperm.xlane v6, v21;
	v22 =	vld [tilespmem:s19+$0xFFFFFFB0];
	v10 =	vadd.f32 v18, v10;
	v16 =	vmul.f32 v16, v11  }
.Ltmp5:
0x10e: {  	v18 =	vld [tilespmem:s19+$0xFFFFFFC0];
	v7 =	vadd.f32 v17, v7;
	v19 =	vmul.f32 v19, v11;
	(pc) =	sbr.rel @p1 .LBB2_13-.Ltmp5, $4  }
0x10f: {  	v11 =	vmov v21;
	v17 =	vld [tilespmem:s19+$0xFFFFFFD0];
	v20 =	vmul.f32 v20, v21;
	v8 =	vadd.f32 v16, v8  }
0x110: {  	v23 =	vmul.f32 v23, v11;
	v16 =	vld [tilespmem:s19+$0xFFFFFFE0];
	v9 =	vadd.f32 v19, v9  }
0x111: {  	v21 =	vmul.f32 v24, v11;
	v19 =	vld [tilespmem:s19+$0xFFFFFFF0];
	v14 =	vadd.f32 v20, v14;
	s19 =	sadd.s32 $0x80, s19  }
0x112: {  	s21 =	sadd.s32 $0x1, s21;
	v20 =	vld [tilespmem:s19+$0x0];
	v15 =	vadd.f32 v23, v15;
	v22 =	vmul.f32 v22, v11  }
0x113: {  	v23 =	vld [tilespmem:s19+$0xFFFFFF90]  }
0x114: {  	v24 =	vld [tilespmem:s19+$0xFFFFFFA0]  }
0x115: {  	v25 =	vld [tilespmem:s19+$0xFFFFFFB0]  }
0x116: {  	v26 =	vld [tilespmem:s19+$0xFFFFFFC0]  }
0x117: {  	v27 =	vld [tilespmem:s19+$0xFFFFFFD0];
	v12 =	vadd.f32 v21, v12  }
0x118: {  	v18 =	vmul.f32 v18, v11;
	v21 =	vmov s20;
	v28 =	vld [tilespmem:s19+$0xFFFFFFE0];
	v17 =	vmul.f32 v17, v11  }
0x119: {  	s20 =	sor.u32 $0x60, s18;
	v13 =	vadd.f32 v22, v13;
	v21 =	vperm.xlane v6, v21;
	v22 =	vld [tilespmem:s19+$0xFFFFFFF0];
	v16 =	vmul.f32 v16, v11  }
0x11a: {  	v6 =	vld [tilespmem:s20+$0x4000];
	s19 =	simm.s32 $0x8C70;
	v10 =	vadd.f32 v18, v10;
	v11 =	vmul.f32 v19, v11  }
0x11b: {  	v17 =	vadd.f32 v17, v7;
	v19 =	vld [tilespmem:s19+$0x0];
	v7 =	vmul.f32 v20, v21;
	v20 =	vadd.f32 v16, v8  }
0x11c: {  	s21 =	simm.s32 $0x0;
	v18 =	vmul.f32 v23, v21;
	v23 =	vadd.f32 v11, v9;
	v8 =	vmul.f32 v24, v21;
	v11 =	vld [tilespmem:s19+$0xFFFFFF90]  }
0x11d: {  	v60 =	vld [tilespmem:s19+$0xFFFFFFA0];
	v16 =	vmov s21;
	v9 =	vmul.f32 v25, v21;
	v62 =	vmul.f32 v27, v21  }
0x11e: {  	v61 =	vld [tilespmem:s19+$0xFFFFFFB0];
	v14 =	vadd.f32 v7, v14;
	v7 =	vadd.f32 v8, v12;
	v12 =	vmul.f32 v26, v21  }
0x11f: {  	v15 =	vadd.f32 v18, v15;
	v8 =	vadd.f32 v9, v13;
	v13 =	vperm.xlane v6, v16;
	v18 =	vld [tilespmem:s19+$0xFFFFFFC0]  }
0x120: {  	v16 =	vld [tilespmem:s19+$0xFFFFFFD0];
	v9 =	vadd.f32 v12, v10;
	v12 =	vmul.f32 v28, v21;
	v21 =	vmul.f32 v22, v21  }
0x121: {  	v10 =	vadd.f32 v62, v17;
	v22 =	vmul.f32 v19, v13;
	v17 =	vld [tilespmem:s19+$0xFFFFFFE0];
	v63 =	vmul.f32 v11, v13  }
0x122: {  	s20 =	simm.s32 $0x8CF0;
	v19 =	vld [tilespmem:s19+$0xFFFFFFF0];
	v11 =	vadd.f32 v12, v20;
	v12 =	vadd.f32 v21, v23;
	v21 =	vmul.f32 v60, v13  }
0x123: {  	s21 =	simm.s32 $0x2;
	s19 =	simm.s32 $0x1;
	v14 =	vadd.f32 v22, v14;
	v20 =	vld [tilespmem:s20+$0x0];
	v22 =	vmul.f32 v61, v13;
	v15 =	vadd.f32 v63, v15  }
.LBB2_15:
0x124: {  	p1 =	sne.s32 s21, $0xF;
	v23 =	vld [tilespmem:s20+$0xFFFFFF90];
	v7 =	vadd.f32 v21, v7;
	v18 =	vmul.f32 v18, v13  }
0x125: {  	v21 =	vmov s19;
	s19 =	smov.u32 s21;
	v24 =	vld [tilespmem:s20+$0xFFFFFFA0];
	v8 =	vadd.f32 v22, v8;
	v16 =	vmul.f32 v16, v13  }
0x126: {  	v21 =	vperm.xlane v6, v21;
	v22 =	vld [tilespmem:s20+$0xFFFFFFB0];
	v9 =	vadd.f32 v18, v9;
	v17 =	vmul.f32 v17, v13  }
.Ltmp6:
0x127: {  	v18 =	vld [tilespmem:s20+$0xFFFFFFC0];
	v10 =	vadd.f32 v16, v10;
	v19 =	vmul.f32 v19, v13;
	(pc) =	sbr.rel @p1 .LBB2_15-.Ltmp6, $4  }
0x128: {  	v13 =	vmov v21;
	v16 =	vld [tilespmem:s20+$0xFFFFFFD0];
	v20 =	vmul.f32 v20, v21;
	v11 =	vadd.f32 v17, v11  }
0x129: {  	v23 =	vmul.f32 v23, v13;
	v17 =	vld [tilespmem:s20+$0xFFFFFFE0];
	v12 =	vadd.f32 v19, v12  }
0x12a: {  	v21 =	vmul.f32 v24, v13;
	v19 =	vld [tilespmem:s20+$0xFFFFFFF0];
	v14 =	vadd.f32 v20, v14;
	s20 =	sadd.s32 $0x80, s20  }
0x12b: {  	s21 =	sadd.s32 $0x1, s21;
	v20 =	vld [tilespmem:s20+$0x0];
	v15 =	vadd.f32 v23, v15;
	v22 =	vmul.f32 v22, v13  }
0x12c: {  	v23 =	vld [tilespmem:s20+$0xFFFFFF90]  }
0x12d: {  	v24 =	vld [tilespmem:s20+$0xFFFFFFA0]  }
0x12e: {  	v25 =	vld [tilespmem:s20+$0xFFFFFFB0]  }
0x12f: {  	v26 =	vld [tilespmem:s20+$0xFFFFFFC0]  }
0x130: {  	v27 =	vld [tilespmem:s20+$0xFFFFFFD0]  }
0x131: {  	v28 =	vld [tilespmem:s20+$0xFFFFFFE0]  }
0x132: {  	v29 =	vld [tilespmem:s20+$0xFFFFFFF0]  }
0x133: {  	v31 =	vld [tilespmem:$0x9400]  }
0x134: {  	v32 =	vld [tilespmem:$0x9410];
	v7 =	vadd.f32 v21, v7  }
0x135: {  	s18 =	sor.u32 $0x70, s18;
	v33 =	vld [tilespmem:$0x9420];
	v18 =	vmul.f32 v18, v13;
	v21 =	vmov s19;
	v16 =	vmul.f32 v16, v13  }
0x136: {  	v30 =	vld [tilespmem:s18+$0x4000];
	v6 =	vperm.xlane v6, v21;
	v17 =	vmul.f32 v17, v13  }
0x137: {  	v34 =	vld [tilespmem:$0x9430];
	v8 =	vadd.f32 v22, v8;
	v9 =	vadd.f32 v18, v9;
	v13 =	vmul.f32 v19, v13  }
0x138: {  	v60 =	vld [tilespmem:$0x94A0];
	v10 =	vadd.f32 v16, v10;
	v16 =	vmul.f32 v20, v6;
	v11 =	vadd.f32 v17, v11  }
0x139: {  	v61 =	vld [tilespmem:$0x94C0];
	v19 =	vmul.f32 v23, v6;
	v12 =	vadd.f32 v13, v12;
	v13 =	vmul.f32 v24, v6  }
0x13a: {  	v21 =	vld [tilespmem:$0x9440];
	v22 =	vmul.f32 v27, v6;
	v14 =	vadd.f32 v16, v14;
	v16 =	vmul.f32 v25, v6  }
0x13b: {  	v18 =	vld [tilespmem:$0x9450];
	v59 =	vperm.xlane v30, v4;
	v62 =	vperm.xlane v30, v5;
	v15 =	vadd.f32 v19, v15  }
0x13c: {  	v19 =	vld [tilespmem:$0x9480];
	v7 =	vadd.f32 v13, v7;
	v8 =	vadd.f32 v16, v8;
	v16 =	vmul.f32 v28, v6  }
0x13d: {  	v23 =	vld [tilespmem:$0x9490];
	v13 =	vmul.f32 v26, v6;
	v10 =	vadd.f32 v22, v10;
	v6 =	vmul.f32 v29, v6  }
0x13e: {  	v63 =	vld [tilespmem:$0x94D0];
	v22 =	vmul.f32 v32, v59;
	v11 =	vadd.f32 v16, v11;
	v16 =	vmul.f32 v31, v59  }
0x13f: {  	v9 =	vadd.f32 v13, v9;
	v13 =	vld [tilespmem:$0x94B0];
	v6 =	vadd.f32 v6, v12;
	v12 =	vmul.f32 v33, v59  }
0x140: {  	v20 =	vld [tilespmem:$0x9460];
	v7 =	vadd.f32 v22, v7;
	v15 =	vadd.f32 v16, v15;
	v16 =	vmul.f32 v34, v59  }
0x141: {  	v17 =	vld [tilespmem:$0x9470];
	v8 =	vadd.f32 v12, v8;
	v12 =	vmul.f32 v21, v59;
	v19 =	vmul.f32 v19, v62  }
0x142: {  	s19 =	simm.s32 @!p0 $0x32;
	s17 =	sshll.u32 s17, $0x7;
	v22 =	vld [tilespmem:$0x94E0];
	v9 =	vadd.f32 v16, v9;
	v16 =	vmul.f32 v18, v59;
	v18 =	vmul.f32 v23, v62  }
0x143: {  	s20 =	simm.s32 @!p0 $0x7C00;
	s18 =	sadd.s32 @!p0 $0x240, s14;
	s17 =	sand.u32 $0x3FFFFF80, s17;
	v21 =	vld [tilespmem:$0x94F0];
	v10 =	vadd.f32 v12, v10;
	v12 =	vadd.f32 v19, v15;
	v15 =	vmul.f32 v60, v62  }
0x144: {  	[tilespmem:s20], [sflag:$0x2] =	stream.indirect.gather @!p0 [hbm4b:s2+s19], $0x80, s18, s19, $0xb8;
	v13 =	vmul.f32 v13, v62;
	v11 =	vadd.f32 v16, v11;
	v7 =	vadd.f32 v18, v7;
	[tilespmem:$0x18000] =	vst v63  }
0x145: {  	v16 =	vmul.f32 v20, v59;
	v8 =	vadd.f32 v15, v8;
	v15 =	vmul.f32 v61, v62;
	[tilespmem:s17+$0x14000] =	vst v12  }
0x146: {  	v12 =	vmul.f32 v17, v59;
	v9 =	vadd.f32 v13, v9;
	v13 =	vmul.f32 v63, v62;
	[tilespmem:s17+$0x14010] =	vst v7  }
0x147: {  	v6 =	vadd.f32 v16, v6;
	v7 =	vadd.f32 v15, v10;
	v10 =	vmul.f32 v22, v62;
	[tilespmem:s17+$0x14020] =	vst v8  }
0x148: {  	v8 =	vadd.f32 v12, v14;
	v11 =	vadd.f32 v13, v11;
	v12 =	vmul.f32 v21, v62;
	[tilespmem:s17+$0x14030] =	vst v9  }
0x149: {  	v6 =	vadd.f32 v10, v6;
	[tilespmem:s17+$0x14040] =	vst v7  }
0x14a: {  	v7 =	vadd.f32 v12, v8;
	[tilespmem:s17+$0x14050] =	vst v11  }
0x14b: {  	[tilespmem:s17+$0x14060] =	vst v6  }
0x14c: {  	[tilespmem:s17+$0x14070] =	vst v7  }
0x14d: {  	s17 =	sor.u32 $0x2, s16;
	_ =	swait.ge [sflag:s29], $0x1900  }
0x14e: {  	s20 =	sshll.u32 s17, $0x6;
	[sflag:s29] =	ssyncset.done $0x0  }
0x14f: {  	s18 =	sand.u32 $0x3FFFFFC0, s20;
	[sflag:s29] =	ssyncadd.s32 $0xFFFFE700  }
0x150: {  	s19 =	simm.s32 $0x9840;
	v6 =	vld [tilespmem:s18+$0x4000]  }
0x151: {  	v7 =	vld [tilespmem:s19+$0x30]  }
0x152: {  	v8 =	vld [tilespmem:s19+$0xFFFFFFC0]  }
0x153: {  	v10 =	vld [tilespmem:s19+$0xFFFFFFD0]  }
0x154: {  	s21 =	simm.s32 $0x0;
	v11 =	vld [tilespmem:s19+$0xFFFFFFE0]  }
0x155: {  	v9 =	vmov s21  }
0x156: {  	v19 =	vld [tilespmem:s19+$0xFFFFFFF0];
	v9 =	vperm.xlane v6, v9  }
0x157: {  	v15 =	vimm.f32 $0.0e+00;
	v14 =	vimm.f32 $0.0e+00;
	v13 =	vimm.f32 $0.0e+00;
	v17 =	vld [tilespmem:s19+$0x0]  }
0x158: {  	v12 =	vimm.f32 $0.0e+00;
	v16 =	vld [tilespmem:s19+$0x10];
	v7 =	vmul.f32 v7, v9;
	v8 =	vmul.f32 v8, v9  }
0x159: {  	v18 =	vld [tilespmem:s19+$0x20];
	s19 =	simm.s32 $0x98C0;
	v21 =	vmul.f32 v10, v9;
	v22 =	vmul.f32 v11, v9;
	v10 =	vimm.f32 $0.0e+00  }
0x15a: {  	s21 =	simm.s32 $0x2;
	s20 =	simm.s32 $0x1;
	v20 =	vld [tilespmem:s19+$0x30];
	v11 =	vimm.f32 $0.0e+00;
	v7 =	vadd.f32 v7, v12;
	v8 =	vadd.f32 v8, v12  }
.LBB2_17:
0x15b: {  	p1 =	sne.s32 s21, $0xF;
	v23 =	vld [tilespmem:s19+$0xFFFFFFC0];
	v12 =	vadd.f32 v21, v12;
	v19 =	vmul.f32 v19, v9  }
0x15c: {  	v21 =	vmov s20;
	s20 =	smov.u32 s21;
	v24 =	vld [tilespmem:s19+$0xFFFFFFD0];
	v15 =	vadd.f32 v22, v15;
	v17 =	vmul.f32 v17, v9  }
0x15d: {  	v21 =	vperm.xlane v6, v21;
	v22 =	vld [tilespmem:s19+$0xFFFFFFE0];
	v14 =	vadd.f32 v19, v14;
	v16 =	vmul.f32 v16, v9  }
.Ltmp7:
0x15e: {  	v19 =	vld [tilespmem:s19+$0xFFFFFFF0];
	v13 =	vadd.f32 v17, v13;
	v18 =	vmul.f32 v18, v9;
	(pc) =	sbr.rel @p1 .LBB2_17-.Ltmp7, $4  }
0x15f: {  	v9 =	vmov v21;
	v17 =	vld [tilespmem:s19+$0x0];
	v20 =	vmul.f32 v20, v21;
	v10 =	vadd.f32 v16, v10  }
0x160: {  	v23 =	vmul.f32 v23, v9;
	v16 =	vld [tilespmem:s19+$0x10];
	v11 =	vadd.f32 v18, v11  }
0x161: {  	v21 =	vmul.f32 v24, v9;
	v18 =	vld [tilespmem:s19+$0x20];
	v7 =	vadd.f32 v20, v7;
	s19 =	sadd.s32 $0x80, s19  }
0x162: {  	s21 =	sadd.s32 $0x1, s21;
	v20 =	vld [tilespmem:s19+$0x30];
	v8 =	vadd.f32 v23, v8;
	v22 =	vmul.f32 v22, v9  }
0x163: {  	v23 =	vld [tilespmem:s19+$0xFFFFFFC0]  }
0x164: {  	v24 =	vld [tilespmem:s19+$0xFFFFFFD0]  }
0x165: {  	v25 =	vld [tilespmem:s19+$0xFFFFFFE0]  }
0x166: {  	v26 =	vld [tilespmem:s19+$0xFFFFFFF0]  }
0x167: {  	v27 =	vld [tilespmem:s19+$0x0]  }
0x168: {  	v12 =	vadd.f32 v21, v12;
	v19 =	vmul.f32 v19, v9;
	v21 =	vmov s20;
	v28 =	vld [tilespmem:s19+$0x10]  }
0x169: {  	v15 =	vadd.f32 v22, v15;
	v17 =	vmul.f32 v17, v9;
	v21 =	vperm.xlane v6, v21;
	v22 =	vld [tilespmem:s19+$0x20]  }
0x16a: {  	v6 =	vld [tilespmem:s18+$0x4010];
	s19 =	simm.s32 $0xA070;
	v14 =	vadd.f32 v19, v14;
	v16 =	vmul.f32 v16, v9;
	v9 =	vmul.f32 v18, v9  }
0x16b: {  	v19 =	vld [tilespmem:s19+$0x0];
	v17 =	vadd.f32 v17, v13;
	v13 =	vmul.f32 v20, v21;
	v18 =	vmul.f32 v23, v21  }
0x16c: {  	v20 =	vadd.f32 v16, v10;
	v9 =	vadd.f32 v9, v11;
	v10 =	vmul.f32 v24, v21;
	v23 =	vld [tilespmem:s19+$0xFFFFFF90]  }
0x16d: {  	s21 =	simm.s32 $0x0;
	v62 =	vld [tilespmem:s19+$0xFFFFFFA0];
	v61 =	vadd.f32 v13, v7;
	v7 =	vmul.f32 v25, v21;
	v29 =	vadd.f32 v18, v8  }
0x16e: {  	v63 =	vld [tilespmem:s19+$0xFFFFFFB0];
	v10 =	vadd.f32 v10, v12;
	v8 =	vmul.f32 v26, v21;
	v12 =	vmov s21  }
0x16f: {  	v18 =	vld [tilespmem:s19+$0xFFFFFFC0];
	v11 =	vadd.f32 v7, v15;
	v7 =	vmul.f32 v27, v21;
	v13 =	vperm.xlane v6, v12  }
0x170: {  	v16 =	vld [tilespmem:s19+$0xFFFFFFD0];
	v12 =	vadd.f32 v8, v14;
	v8 =	vmul.f32 v28, v21;
	v14 =	vmul.f32 v22, v21  }
0x171: {  	v7 =	vadd.f32 v7, v17;
	v15 =	vmul.f32 v19, v13;
	v22 =	vmul.f32 v23, v13;
	v17 =	vld [tilespmem:s19+$0xFFFFFFE0]  }
0x172: {  	v21 =	vmul.f32 v62, v13;
	v19 =	vld [tilespmem:s19+$0xFFFFFFF0];
	s19 =	simm.s32 $0xA0F0;
	v8 =	vadd.f32 v8, v20;
	v9 =	vadd.f32 v14, v9  }
0x173: {  	s20 =	simm.s32 $0x1;
	s21 =	simm.s32 $0x2;
	v20 =	vld [tilespmem:s19+$0x0];
	v14 =	vadd.f32 v15, v61;
	v15 =	vadd.f32 v22, v29;
	v22 =	vmul.f32 v63, v13  }
.LBB2_19:
0x174: {  	p1 =	sne.s32 s21, $0xF;
	v23 =	vld [tilespmem:s19+$0xFFFFFF90];
	v10 =	vadd.f32 v21, v10;
	v18 =	vmul.f32 v18, v13  }
0x175: {  	v21 =	vmov s20;
	s20 =	smov.u32 s21;
	v24 =	vld [tilespmem:s19+$0xFFFFFFA0];
	v11 =	vadd.f32 v22, v11;
	v16 =	vmul.f32 v16, v13  }
0x176: {  	v21 =	vperm.xlane v6, v21;
	v22 =	vld [tilespmem:s19+$0xFFFFFFB0];
	v12 =	vadd.f32 v18, v12;
	v17 =	vmul.f32 v17, v13  }
.Ltmp8:
0x177: {  	v18 =	vld [tilespmem:s19+$0xFFFFFFC0];
	v7 =	vadd.f32 v16, v7;
	v19 =	vmul.f32 v19, v13;
	(pc) =	sbr.rel @p1 .LBB2_19-.Ltmp8, $4  }
0x178: {  	v13 =	vmov v21;
	v16 =	vld [tilespmem:s19+$0xFFFFFFD0];
	v20 =	vmul.f32 v20, v21;
	v8 =	vadd.f32 v17, v8  }
0x179: {  	v23 =	vmul.f32 v23, v13;
	v17 =	vld [tilespmem:s19+$0xFFFFFFE0];
	v9 =	vadd.f32 v19, v9  }
0x17a: {  	v21 =	vmul.f32 v24, v13;
	v19 =	vld [tilespmem:s19+$0xFFFFFFF0];
	v14 =	vadd.f32 v20, v14;
	s19 =	sadd.s32 $0x80, s19  }
0x17b: {  	s21 =	sadd.s32 $0x1, s21;
	v20 =	vld [tilespmem:s19+$0x0];
	v15 =	vadd.f32 v23, v15;
	v22 =	vmul.f32 v22, v13  }
0x17c: {  	v23 =	vld [tilespmem:s19+$0xFFFFFF90]  }
0x17d: {  	v24 =	vld [tilespmem:s19+$0xFFFFFFA0]  }
0x17e: {  	v25 =	vld [tilespmem:s19+$0xFFFFFFB0]  }
0x17f: {  	v26 =	vld [tilespmem:s19+$0xFFFFFFC0]  }
0x180: {  	v27 =	vld [tilespmem:s19+$0xFFFFFFD0]  }
0x181: {  	v10 =	vadd.f32 v21, v10;
	v18 =	vmul.f32 v18, v13;
	v21 =	vmov s20;
	v28 =	vld [tilespmem:s19+$0xFFFFFFE0]  }
0x182: {  	v11 =	vadd.f32 v22, v11;
	v16 =	vmul.f32 v16, v13;
	v21 =	vperm.xlane v6, v21;
	v6 =	vld [tilespmem:s18+$0x4020]  }
0x183: {  	v22 =	vld [tilespmem:s19+$0xFFFFFFF0];
	s19 =	simm.s32 $0xA870;
	v12 =	vadd.f32 v18, v12;
	v17 =	vmul.f32 v17, v13;
	v13 =	vmul.f32 v19, v13  }
0x184: {  	v19 =	vadd.f32 v16, v7;
	v7 =	vmul.f32 v20, v21;
	v20 =	vld [tilespmem:s19+$0x0];
	v16 =	vmul.f32 v23, v21  }
0x185: {  	s21 =	simm.s32 $0x0;
	v23 =	vadd.f32 v17, v8;
	v29 =	vadd.f32 v13, v9;
	v8 =	vmul.f32 v24, v21;
	v17 =	vld [tilespmem:s19+$0xFFFFFF90]  }
0x186: {  	v62 =	vld [tilespmem:s19+$0xFFFFFFA0];
	v9 =	vmul.f32 v25, v21;
	v13 =	vmov s21;
	v14 =	vadd.f32 v7, v14  }
0x187: {  	v63 =	vld [tilespmem:s19+$0xFFFFFFB0];
	v13 =	vperm.xlane v6, v13;
	v7 =	vadd.f32 v8, v10;
	v10 =	vmul.f32 v26, v21  }
0x188: {  	v18 =	vld [tilespmem:s19+$0xFFFFFFC0];
	v15 =	vadd.f32 v16, v15;
	v8 =	vadd.f32 v9, v11;
	v11 =	vmul.f32 v27, v21  }
0x189: {  	v16 =	vld [tilespmem:s19+$0xFFFFFFD0];
	v9 =	vadd.f32 v10, v12;
	v12 =	vmul.f32 v28, v21;
	v21 =	vmul.f32 v22, v21  }
0x18a: {  	v10 =	vadd.f32 v11, v19;
	v20 =	vmul.f32 v20, v13;
	v22 =	vmul.f32 v17, v13;
	v17 =	vld [tilespmem:s19+$0xFFFFFFE0]  }
0x18b: {  	s20 =	simm.s32 $0xA8F0;
	v19 =	vld [tilespmem:s19+$0xFFFFFFF0];
	v11 =	vadd.f32 v12, v23;
	v12 =	vadd.f32 v21, v29;
	v21 =	vmul.f32 v62, v13  }
0x18c: {  	s21 =	simm.s32 $0x2;
	s19 =	simm.s32 $0x1;
	v14 =	vadd.f32 v20, v14;
	v20 =	vld [tilespmem:s20+$0x0];
	v15 =	vadd.f32 v22, v15;
	v22 =	vmul.f32 v63, v13  }
.LBB2_21:
0x18d: {  	p1 =	sne.s32 s21, $0xF;
	v23 =	vld [tilespmem:s20+$0xFFFFFF90];
	v7 =	vadd.f32 v21, v7;
	v18 =	vmul.f32 v18, v13  }
0x18e: {  	v21 =	vmov s19;
	s19 =	smov.u32 s21;
	v24 =	vld [tilespmem:s20+$0xFFFFFFA0];
	v8 =	vadd.f32 v22, v8;
	v16 =	vmul.f32 v16, v13  }
0x18f: {  	v21 =	vperm.xlane v6, v21;
	v22 =	vld [tilespmem:s20+$0xFFFFFFB0];
	v9 =	vadd.f32 v18, v9;
	v17 =	vmul.f32 v17, v13  }
.Ltmp9:
0x190: {  	v18 =	vld [tilespmem:s20+$0xFFFFFFC0];
	v10 =	vadd.f32 v16, v10;
	v19 =	vmul.f32 v19, v13;
	(pc) =	sbr.rel @p1 .LBB2_21-.Ltmp9, $4  }
0x191: {  	v13 =	vmov v21;
	v16 =	vld [tilespmem:s20+$0xFFFFFFD0];
	v20 =	vmul.f32 v20, v21;
	v11 =	vadd.f32 v17, v11  }
0x192: {  	v23 =	vmul.f32 v23, v13;
	v17 =	vld [tilespmem:s20+$0xFFFFFFE0];
	v12 =	vadd.f32 v19, v12  }
0x193: {  	v21 =	vmul.f32 v24, v13;
	v19 =	vld [tilespmem:s20+$0xFFFFFFF0];
	v14 =	vadd.f32 v20, v14;
	s20 =	sadd.s32 $0x80, s20  }
0x194: {  	s21 =	sadd.s32 $0x1, s21;
	v20 =	vld [tilespmem:s20+$0x0];
	v15 =	vadd.f32 v23, v15;
	v22 =	vmul.f32 v22, v13  }
0x195: {  	v23 =	vld [tilespmem:s20+$0xFFFFFF90]  }
0x196: {  	v24 =	vld [tilespmem:s20+$0xFFFFFFA0]  }
0x197: {  	v25 =	vld [tilespmem:s20+$0xFFFFFFB0]  }
0x198: {  	v26 =	vld [tilespmem:s20+$0xFFFFFFC0]  }
0x199: {  	v27 =	vld [tilespmem:s20+$0xFFFFFFD0]  }
0x19a: {  	v28 =	vld [tilespmem:s20+$0xFFFFFFE0]  }
0x19b: {  	v29 =	vld [tilespmem:s20+$0xFFFFFFF0]  }
0x19c: {  	v30 =	vld [tilespmem:s18+$0x4030]  }
0x19d: {  	v31 =	vld [tilespmem:$0xB000];
	v7 =	vadd.f32 v21, v7  }
0x19e: {  	v32 =	vld [tilespmem:$0xB010];
	v18 =	vmul.f32 v18, v13;
	v21 =	vmov s19;
	v16 =	vmul.f32 v16, v13  }
0x19f: {  	v33 =	vld [tilespmem:$0xB020];
	v6 =	vperm.xlane v6, v21;
	v17 =	vmul.f32 v17, v13  }
0x1a0: {  	v34 =	vld [tilespmem:$0xB030];
	v8 =	vadd.f32 v22, v8;
	v9 =	vadd.f32 v18, v9;
	v13 =	vmul.f32 v19, v13  }
0x1a1: {  	v60 =	vld [tilespmem:$0xB0A0];
	v10 =	vadd.f32 v16, v10;
	v16 =	vmul.f32 v20, v6;
	v11 =	vadd.f32 v17, v11  }
0x1a2: {  	v61 =	vld [tilespmem:$0xB0C0];
	v19 =	vmul.f32 v23, v6;
	v12 =	vadd.f32 v13, v12;
	v13 =	vmul.f32 v24, v6  }
0x1a3: {  	v21 =	vld [tilespmem:$0xB040];
	v22 =	vmul.f32 v27, v6;
	v14 =	vadd.f32 v16, v14;
	v16 =	vmul.f32 v25, v6  }
0x1a4: {  	v18 =	vld [tilespmem:$0xB050];
	v59 =	vperm.xlane v30, v4;
	v62 =	vperm.xlane v30, v5;
	v15 =	vadd.f32 v19, v15  }
0x1a5: {  	v19 =	vld [tilespmem:$0xB080];
	v7 =	vadd.f32 v13, v7;
	v8 =	vadd.f32 v16, v8;
	v16 =	vmul.f32 v28, v6  }
0x1a6: {  	v23 =	vld [tilespmem:$0xB090];
	v13 =	vmul.f32 v26, v6;
	v10 =	vadd.f32 v22, v10;
	v6 =	vmul.f32 v29, v6  }
0x1a7: {  	v63 =	vld [tilespmem:$0xB0D0];
	v22 =	vmul.f32 v32, v59;
	v11 =	vadd.f32 v16, v11;
	v16 =	vmul.f32 v31, v59  }
0x1a8: {  	v9 =	vadd.f32 v13, v9;
	v13 =	vld [tilespmem:$0xB0B0];
	v6 =	vadd.f32 v6, v12;
	v12 =	vmul.f32 v33, v59  }
0x1a9: {  	v20 =	vld [tilespmem:$0xB060];
	v7 =	vadd.f32 v22, v7;
	v15 =	vadd.f32 v16, v15;
	v16 =	vmul.f32 v34, v59  }
0x1aa: {  	v17 =	vld [tilespmem:$0xB070];
	v8 =	vadd.f32 v12, v8;
	v12 =	vmul.f32 v21, v59;
	v19 =	vmul.f32 v19, v62  }
0x1ab: {  	s18 =	sadd.s32 @!p0 $0x280, s14;
	s17 =	sshll.u32 s17, $0x7;
	v22 =	vld [tilespmem:$0xB0E0];
	v9 =	vadd.f32 v16, v9;
	v16 =	vmul.f32 v18, v59;
	v18 =	vmul.f32 v23, v62  }
0x1ac: {  	s19 =	simm.s32 @!p0 $0x32;
	s20 =	simm.s32 @!p0 $0x9800;
	s17 =	sand.u32 $0x3FFFFF80, s17;
	v21 =	vld [tilespmem:$0xB0F0];
	v10 =	vadd.f32 v12, v10;
	v12 =	vadd.f32 v19, v15;
	v15 =	vmul.f32 v60, v62  }
0x1ad: {  	[tilespmem:s20], [sflag:$0x3] =	stream.indirect.gather @!p0 [hbm4b:s2+s19], $0x80, s18, s19, $0xb8;
	v13 =	vmul.f32 v13, v62;
	v11 =	vadd.f32 v16, v11;
	v7 =	vadd.f32 v18, v7;
	[tilespmem:$0x18000] =	vst v63  }
0x1ae: {  	v16 =	vmul.f32 v20, v59;
	v8 =	vadd.f32 v15, v8;
	v15 =	vmul.f32 v61, v62;
	[tilespmem:s17+$0x14000] =	vst v12  }
0x1af: {  	v12 =	vmul.f32 v17, v59;
	v9 =	vadd.f32 v13, v9;
	v13 =	vmul.f32 v63, v62;
	[tilespmem:s17+$0x14010] =	vst v7  }
0x1b0: {  	v6 =	vadd.f32 v16, v6;
	v7 =	vadd.f32 v15, v10;
	v10 =	vmul.f32 v22, v62;
	[tilespmem:s17+$0x14020] =	vst v8  }
0x1b1: {  	v8 =	vadd.f32 v12, v14;
	v11 =	vadd.f32 v13, v11;
	v12 =	vmul.f32 v21, v62;
	[tilespmem:s17+$0x14030] =	vst v9  }
0x1b2: {  	v6 =	vadd.f32 v10, v6;
	[tilespmem:s17+$0x14040] =	vst v7  }
0x1b3: {  	v7 =	vadd.f32 v12, v8;
	[tilespmem:s17+$0x14050] =	vst v11  }
0x1b4: {  	[tilespmem:s17+$0x14060] =	vst v6  }
0x1b5: {  	[tilespmem:s17+$0x14070] =	vst v7  }
0x1b6: {  	_ =	swait.ge [sflag:s30], $0x1900  }
0x1b7: {  	s17 =	sor.u32 $0x3, s16;
	[sflag:s30] =	ssyncset.done $0x0  }
0x1b8: {  	s18 =	sshll.u32 s17, $0x6;
	[sflag:s30] =	ssyncadd.s32 $0xFFFFE700  }
0x1b9: {  	s19 =	simm.s32 $0xB440;
	v6 =	vld [tilespmem:s18+$0x4000]  }
0x1ba: {  	v7 =	vld [tilespmem:s19+$0x30]  }
0x1bb: {  	v8 =	vld [tilespmem:s19+$0xFFFFFFC0]  }
0x1bc: {  	v10 =	vld [tilespmem:s19+$0xFFFFFFD0]  }
0x1bd: {  	s21 =	simm.s32 $0x0;
	v11 =	vld [tilespmem:s19+$0xFFFFFFE0]  }
0x1be: {  	v9 =	vmov s21  }
0x1bf: {  	v19 =	vld [tilespmem:s19+$0xFFFFFFF0];
	v9 =	vperm.xlane v6, v9  }
0x1c0: {  	v16 =	vimm.f32 $0.0e+00;
	v14 =	vimm.f32 $0.0e+00;
	v13 =	vimm.f32 $0.0e+00;
	v18 =	vld [tilespmem:s19+$0x0]  }
0x1c1: {  	v12 =	vimm.f32 $0.0e+00;
	v15 =	vld [tilespmem:s19+$0x10];
	v7 =	vmul.f32 v7, v9;
	v8 =	vmul.f32 v8, v9  }
0x1c2: {  	v17 =	vld [tilespmem:s19+$0x20];
	s19 =	simm.s32 $0xB4C0;
	v21 =	vmul.f32 v10, v9;
	v22 =	vmul.f32 v11, v9;
	v10 =	vimm.f32 $0.0e+00  }
0x1c3: {  	s20 =	simm.s32 $0x1;
	s21 =	simm.s32 $0x2;
	v20 =	vld [tilespmem:s19+$0x30];
	v11 =	vimm.f32 $0.0e+00;
	v7 =	vadd.f32 v7, v12;
	v8 =	vadd.f32 v8, v12  }
.LBB2_23:
0x1c4: {  	p1 =	sne.s32 s21, $0xF;
	v23 =	vld [tilespmem:s19+$0xFFFFFFC0];
	v12 =	vadd.f32 v21, v12;
	v19 =	vmul.f32 v19, v9  }
0x1c5: {  	v21 =	vmov s20;
	s20 =	smov.u32 s21;
	v24 =	vld [tilespmem:s19+$0xFFFFFFD0];
	v16 =	vadd.f32 v22, v16;
	v18 =	vmul.f32 v18, v9  }
0x1c6: {  	v21 =	vperm.xlane v6, v21;
	v22 =	vld [tilespmem:s19+$0xFFFFFFE0];
	v14 =	vadd.f32 v19, v14;
	v15 =	vmul.f32 v15, v9  }
.Ltmp10:
0x1c7: {  	v19 =	vld [tilespmem:s19+$0xFFFFFFF0];
	v13 =	vadd.f32 v18, v13;
	v17 =	vmul.f32 v17, v9;
	(pc) =	sbr.rel @p1 .LBB2_23-.Ltmp10, $4  }
0x1c8: {  	v9 =	vmov v21;
	v18 =	vld [tilespmem:s19+$0x0];
	v20 =	vmul.f32 v20, v21;
	v10 =	vadd.f32 v15, v10  }
0x1c9: {  	v23 =	vmul.f32 v23, v9;
	v15 =	vld [tilespmem:s19+$0x10];
	v11 =	vadd.f32 v17, v11  }
0x1ca: {  	v21 =	vmul.f32 v24, v9;
	v17 =	vld [tilespmem:s19+$0x20];
	v7 =	vadd.f32 v20, v7;
	s19 =	sadd.s32 $0x80, s19  }
0x1cb: {  	s21 =	sadd.s32 $0x1, s21;
	v20 =	vld [tilespmem:s19+$0x30];
	v8 =	vadd.f32 v23, v8;
	v22 =	vmul.f32 v22, v9  }
0x1cc: {  	v23 =	vld [tilespmem:s19+$0xFFFFFFC0]  }
0x1cd: {  	v24 =	vld [tilespmem:s19+$0xFFFFFFD0]  }
0x1ce: {  	v25 =	vld [tilespmem:s19+$0xFFFFFFE0]  }
0x1cf: {  	v26 =	vld [tilespmem:s19+$0xFFFFFFF0]  }
0x1d0: {  	v27 =	vld [tilespmem:s19+$0x0]  }
0x1d1: {  	v12 =	vadd.f32 v21, v12;
	v19 =	vmul.f32 v19, v9;
	v21 =	vmov s20;
	v28 =	vld [tilespmem:s19+$0x10]  }
0x1d2: {  	s20 =	sor.u32 $0x50, s18;
	v16 =	vadd.f32 v22, v16;
	v18 =	vmul.f32 v18, v9;
	v21 =	vperm.xlane v6, v21;
	v22 =	vld [tilespmem:s19+$0x20]  }
0x1d3: {  	v6 =	vld [tilespmem:s20+$0x4000];
	s19 =	simm.s32 $0xBC70;
	v14 =	vadd.f32 v19, v14;
	v15 =	vmul.f32 v15, v9;
	v9 =	vmul.f32 v17, v9  }
0x1d4: {  	v19 =	vadd.f32 v18, v13;
	v13 =	vmul.f32 v20, v21;
	v20 =	vld [tilespmem:s19+$0x0];
	v17 =	vmul.f32 v23, v21  }
0x1d5: {  	v15 =	vadd.f32 v15, v10;
	v9 =	vadd.f32 v9, v11;
	v10 =	vmul.f32 v24, v21;
	v23 =	vld [tilespmem:s19+$0xFFFFFF90]  }
0x1d6: {  	s21 =	simm.s32 $0x0;
	v62 =	vld [tilespmem:s19+$0xFFFFFFA0];
	v61 =	vadd.f32 v13, v7;
	v7 =	vmul.f32 v25, v21;
	v29 =	vadd.f32 v17, v8  }
0x1d7: {  	v63 =	vld [tilespmem:s19+$0xFFFFFFB0];
	v12 =	vadd.f32 v10, v12;
	v8 =	vmul.f32 v26, v21;
	v10 =	vmov s21  }
0x1d8: {  	v18 =	vld [tilespmem:s19+$0xFFFFFFC0];
	v13 =	vadd.f32 v7, v16;
	v7 =	vmul.f32 v27, v21;
	v11 =	vperm.xlane v6, v10  }
0x1d9: {  	v17 =	vld [tilespmem:s19+$0xFFFFFFD0];
	v10 =	vadd.f32 v8, v14;
	v8 =	vmul.f32 v28, v21;
	v14 =	vmul.f32 v22, v21  }
0x1da: {  	v16 =	vld [tilespmem:s19+$0xFFFFFFE0];
	v7 =	vadd.f32 v7, v19;
	v20 =	vmul.f32 v20, v11;
	v22 =	vmul.f32 v23, v11  }
0x1db: {  	v21 =	vmul.f32 v62, v11;
	v19 =	vld [tilespmem:s19+$0xFFFFFFF0];
	s19 =	simm.s32 $0xBCF0;
	v8 =	vadd.f32 v8, v15;
	v9 =	vadd.f32 v14, v9  }
0x1dc: {  	s20 =	simm.s32 $0x1;
	s21 =	simm.s32 $0x2;
	v14 =	vadd.f32 v20, v61;
	v20 =	vld [tilespmem:s19+$0x0];
	v15 =	vadd.f32 v22, v29;
	v22 =	vmul.f32 v63, v11  }
.LBB2_25:
0x1dd: {  	p1 =	sne.s32 s21, $0xF;
	v23 =	vld [tilespmem:s19+$0xFFFFFF90];
	v12 =	vadd.f32 v21, v12;
	v18 =	vmul.f32 v18, v11  }
0x1de: {  	v21 =	vmov s20;
	s20 =	smov.u32 s21;
	v24 =	vld [tilespmem:s19+$0xFFFFFFA0];
	v13 =	vadd.f32 v22, v13;
	v17 =	vmul.f32 v17, v11  }
0x1df: {  	v21 =	vperm.xlane v6, v21;
	v22 =	vld [tilespmem:s19+$0xFFFFFFB0];
	v10 =	vadd.f32 v18, v10;
	v16 =	vmul.f32 v16, v11  }
.Ltmp11:
0x1e0: {  	v18 =	vld [tilespmem:s19+$0xFFFFFFC0];
	v7 =	vadd.f32 v17, v7;
	v19 =	vmul.f32 v19, v11;
	(pc) =	sbr.rel @p1 .LBB2_25-.Ltmp11, $4  }
0x1e1: {  	v11 =	vmov v21;
	v17 =	vld [tilespmem:s19+$0xFFFFFFD0];
	v20 =	vmul.f32 v20, v21;
	v8 =	vadd.f32 v16, v8  }
0x1e2: {  	v23 =	vmul.f32 v23, v11;
	v16 =	vld [tilespmem:s19+$0xFFFFFFE0];
	v9 =	vadd.f32 v19, v9  }
0x1e3: {  	v21 =	vmul.f32 v24, v11;
	v19 =	vld [tilespmem:s19+$0xFFFFFFF0];
	v14 =	vadd.f32 v20, v14;
	s19 =	sadd.s32 $0x80, s19  }
0x1e4: {  	s21 =	sadd.s32 $0x1, s21;
	v20 =	vld [tilespmem:s19+$0x0];
	v15 =	vadd.f32 v23, v15;
	v22 =	vmul.f32 v22, v11  }
0x1e5: {  	v23 =	vld [tilespmem:s19+$0xFFFFFF90]  }
0x1e6: {  	v24 =	vld [tilespmem:s19+$0xFFFFFFA0]  }
0x1e7: {  	v25 =	vld [tilespmem:s19+$0xFFFFFFB0]  }
0x1e8: {  	v26 =	vld [tilespmem:s19+$0xFFFFFFC0]  }
0x1e9: {  	v27 =	vld [tilespmem:s19+$0xFFFFFFD0];
	v12 =	vadd.f32 v21, v12  }
0x1ea: {  	v18 =	vmul.f32 v18, v11;
	v21 =	vmov s20;
	v28 =	vld [tilespmem:s19+$0xFFFFFFE0];
	v17 =	vmul.f32 v17, v11  }
0x1eb: {  	s20 =	sor.u32 $0x60, s18;
	v13 =	vadd.f32 v22, v13;
	v21 =	vperm.xlane v6, v21;
	v22 =	vld [tilespmem:s19+$0xFFFFFFF0];
	v16 =	vmul.f32 v16, v11  }
0x1ec: {  	v6 =	vld [tilespmem:s20+$0x4000];
	s19 =	simm.s32 $0xC470;
	v10 =	vadd.f32 v18, v10;
	v11 =	vmul.f32 v19, v11  }
0x1ed: {  	v17 =	vadd.f32 v17, v7;
	v19 =	vld [tilespmem:s19+$0x0];
	v7 =	vmul.f32 v20, v21;
	v20 =	vadd.f32 v16, v8  }
0x1ee: {  	s21 =	simm.s32 $0x0;
	v18 =	vmul.f32 v23, v21;
	v23 =	vadd.f32 v11, v9;
	v8 =	vmul.f32 v24, v21;
	v11 =	vld [tilespmem:s19+$0xFFFFFF90]  }
0x1ef: {  	v60 =	vld [tilespmem:s19+$0xFFFFFFA0];
	v16 =	vmov s21;
	v9 =	vmul.f32 v25, v21;
	v62 =	vmul.f32 v27, v21  }
0x1f0: {  	v61 =	vld [tilespmem:s19+$0xFFFFFFB0];
	v14 =	vadd.f32 v7, v14;
	v7 =	vadd.f32 v8, v12;
	v12 =	vmul.f32 v26, v21  }
0x1f1: {  	v15 =	vadd.f32 v18, v15;
	v8 =	vadd.f32 v9, v13;
	v13 =	vperm.xlane v6, v16;
	v18 =	vld [tilespmem:s19+$0xFFFFFFC0]  }
0x1f2: {  	v16 =	vld [tilespmem:s19+$0xFFFFFFD0];
	v9 =	vadd.f32 v12, v10;
	v12 =	vmul.f32 v28, v21;
	v21 =	vmul.f32 v22, v21  }
0x1f3: {  	v10 =	vadd.f32 v62, v17;
	v22 =	vmul.f32 v19, v13;
	v17 =	vld [tilespmem:s19+$0xFFFFFFE0];
	v63 =	vmul.f32 v11, v13  }
0x1f4: {  	s20 =	simm.s32 $0xC4F0;
	v19 =	vld [tilespmem:s19+$0xFFFFFFF0];
	v11 =	vadd.f32 v12, v20;
	v12 =	vadd.f32 v21, v23;
	v21 =	vmul.f32 v60, v13  }
0x1f5: {  	s21 =	simm.s32 $0x2;
	s19 =	simm.s32 $0x1;
	v14 =	vadd.f32 v22, v14;
	v20 =	vld [tilespmem:s20+$0x0];
	v22 =	vmul.f32 v61, v13;
	v15 =	vadd.f32 v63, v15  }
.LBB2_27:
0x1f6: {  	p1 =	sne.s32 s21, $0xF;
	v23 =	vld [tilespmem:s20+$0xFFFFFF90];
	v7 =	vadd.f32 v21, v7;
	v18 =	vmul.f32 v18, v13  }
0x1f7: {  	v21 =	vmov s19;
	s19 =	smov.u32 s21;
	v24 =	vld [tilespmem:s20+$0xFFFFFFA0];
	v8 =	vadd.f32 v22, v8;
	v16 =	vmul.f32 v16, v13  }
0x1f8: {  	v21 =	vperm.xlane v6, v21;
	v22 =	vld [tilespmem:s20+$0xFFFFFFB0];
	v9 =	vadd.f32 v18, v9;
	v17 =	vmul.f32 v17, v13  }
.Ltmp12:
0x1f9: {  	v18 =	vld [tilespmem:s20+$0xFFFFFFC0];
	v10 =	vadd.f32 v16, v10;
	v19 =	vmul.f32 v19, v13;
	(pc) =	sbr.rel @p1 .LBB2_27-.Ltmp12, $4  }
0x1fa: {  	v13 =	vmov v21;
	v16 =	vld [tilespmem:s20+$0xFFFFFFD0];
	v20 =	vmul.f32 v20, v21;
	v11 =	vadd.f32 v17, v11  }
0x1fb: {  	v23 =	vmul.f32 v23, v13;
	v17 =	vld [tilespmem:s20+$0xFFFFFFE0];
	v12 =	vadd.f32 v19, v12  }
0x1fc: {  	v21 =	vmul.f32 v24, v13;
	v19 =	vld [tilespmem:s20+$0xFFFFFFF0];
	v14 =	vadd.f32 v20, v14;
	s20 =	sadd.s32 $0x80, s20  }
0x1fd: {  	s21 =	sadd.s32 $0x1, s21;
	v20 =	vld [tilespmem:s20+$0x0];
	v15 =	vadd.f32 v23, v15;
	v22 =	vmul.f32 v22, v13  }
0x1fe: {  	v23 =	vld [tilespmem:s20+$0xFFFFFF90]  }
0x1ff: {  	v24 =	vld [tilespmem:s20+$0xFFFFFFA0]  }
0x200: {  	v25 =	vld [tilespmem:s20+$0xFFFFFFB0]  }
0x201: {  	v26 =	vld [tilespmem:s20+$0xFFFFFFC0]  }
0x202: {  	v27 =	vld [tilespmem:s20+$0xFFFFFFD0]  }
0x203: {  	v28 =	vld [tilespmem:s20+$0xFFFFFFE0]  }
0x204: {  	v29 =	vld [tilespmem:s20+$0xFFFFFFF0]  }
0x205: {  	v31 =	vld [tilespmem:$0xCC00]  }
0x206: {  	v32 =	vld [tilespmem:$0xCC10];
	v7 =	vadd.f32 v21, v7  }
0x207: {  	s18 =	sor.u32 $0x70, s18;
	v33 =	vld [tilespmem:$0xCC20];
	v18 =	vmul.f32 v18, v13;
	v21 =	vmov s19;
	v16 =	vmul.f32 v16, v13  }
0x208: {  	v30 =	vld [tilespmem:s18+$0x4000];
	v6 =	vperm.xlane v6, v21;
	v17 =	vmul.f32 v17, v13  }
0x209: {  	v34 =	vld [tilespmem:$0xCC30];
	v8 =	vadd.f32 v22, v8;
	v9 =	vadd.f32 v18, v9;
	v13 =	vmul.f32 v19, v13  }
0x20a: {  	v60 =	vld [tilespmem:$0xCCA0];
	v10 =	vadd.f32 v16, v10;
	v16 =	vmul.f32 v20, v6;
	v11 =	vadd.f32 v17, v11  }
0x20b: {  	v61 =	vld [tilespmem:$0xCCC0];
	v19 =	vmul.f32 v23, v6;
	v12 =	vadd.f32 v13, v12;
	v13 =	vmul.f32 v24, v6  }
0x20c: {  	v21 =	vld [tilespmem:$0xCC40];
	v22 =	vmul.f32 v27, v6;
	v14 =	vadd.f32 v16, v14;
	v16 =	vmul.f32 v25, v6  }
0x20d: {  	v18 =	vld [tilespmem:$0xCC50];
	v59 =	vperm.xlane v30, v4;
	v62 =	vperm.xlane v30, v5;
	v15 =	vadd.f32 v19, v15  }
0x20e: {  	v19 =	vld [tilespmem:$0xCC80];
	v7 =	vadd.f32 v13, v7;
	v8 =	vadd.f32 v16, v8;
	v16 =	vmul.f32 v28, v6  }
0x20f: {  	v23 =	vld [tilespmem:$0xCC90];
	v13 =	vmul.f32 v26, v6;
	v10 =	vadd.f32 v22, v10;
	v6 =	vmul.f32 v29, v6  }
0x210: {  	v63 =	vld [tilespmem:$0xCCD0];
	v22 =	vmul.f32 v32, v59;
	v11 =	vadd.f32 v16, v11;
	v16 =	vmul.f32 v31, v59  }
0x211: {  	v9 =	vadd.f32 v13, v9;
	v13 =	vld [tilespmem:$0xCCB0];
	v6 =	vadd.f32 v6, v12;
	v12 =	vmul.f32 v33, v59  }
0x212: {  	v20 =	vld [tilespmem:$0xCC60];
	v7 =	vadd.f32 v22, v7;
	v15 =	vadd.f32 v16, v15;
	v16 =	vmul.f32 v34, v59  }
0x213: {  	v17 =	vld [tilespmem:$0xCC70];
	v8 =	vadd.f32 v12, v8;
	v12 =	vmul.f32 v21, v59;
	v19 =	vmul.f32 v19, v62  }
0x214: {  	s19 =	simm.s32 @!p0 $0x32;
	s17 =	sshll.u32 s17, $0x7;
	v22 =	vld [tilespmem:$0xCCE0];
	v9 =	vadd.f32 v16, v9;
	v16 =	vmul.f32 v18, v59;
	v18 =	vmul.f32 v23, v62  }
0x215: {  	s20 =	simm.s32 @!p0 $0xB400;
	s18 =	sadd.s32 @!p0 $0x2C0, s14;
	s17 =	sand.u32 $0x3FFFFF80, s17;
	v21 =	vld [tilespmem:$0xCCF0];
	v10 =	vadd.f32 v12, v10;
	v12 =	vadd.f32 v19, v15;
	v15 =	vmul.f32 v60, v62  }
0x216: {  	[tilespmem:s20], [sflag:$0x4] =	stream.indirect.gather @!p0 [hbm4b:s2+s19], $0x80, s18, s19, $0xb8;
	v13 =	vmul.f32 v13, v62;
	v11 =	vadd.f32 v16, v11;
	v7 =	vadd.f32 v18, v7;
	[tilespmem:$0x18000] =	vst v63  }
0x217: {  	v16 =	vmul.f32 v20, v59;
	v8 =	vadd.f32 v15, v8;
	v15 =	vmul.f32 v61, v62;
	[tilespmem:s17+$0x14000] =	vst v12  }
0x218: {  	v12 =	vmul.f32 v17, v59;
	v9 =	vadd.f32 v13, v9;
	v13 =	vmul.f32 v63, v62;
	[tilespmem:s17+$0x14010] =	vst v7  }
0x219: {  	v6 =	vadd.f32 v16, v6;
	v7 =	vadd.f32 v15, v10;
	v10 =	vmul.f32 v22, v62;
	[tilespmem:s17+$0x14020] =	vst v8  }
0x21a: {  	v8 =	vadd.f32 v12, v14;
	v11 =	vadd.f32 v13, v11;
	v12 =	vmul.f32 v21, v62;
	[tilespmem:s17+$0x14030] =	vst v9  }
0x21b: {  	v6 =	vadd.f32 v10, v6;
	[tilespmem:s17+$0x14040] =	vst v7  }
0x21c: {  	v7 =	vadd.f32 v12, v8;
	[tilespmem:s17+$0x14050] =	vst v11  }
0x21d: {  	[tilespmem:s17+$0x14060] =	vst v6  }
0x21e: {  	[tilespmem:s17+$0x14070] =	vst v7  }
0x21f: {  	s17 =	sor.u32 $0x4, s16;
	_ =	swait.ge [sflag:s31], $0x1900  }
0x220: {  	s20 =	sshll.u32 s17, $0x6;
	[sflag:s31] =	ssyncset.done $0x0  }
0x221: {  	s18 =	sand.u32 $0x3FFFFFC0, s20;
	[sflag:s31] =	ssyncadd.s32 $0xFFFFE700  }
0x222: {  	s19 =	simm.s32 $0xD040;
	v6 =	vld [tilespmem:s18+$0x4000]  }
0x223: {  	v7 =	vld [tilespmem:s19+$0x30]  }
0x224: {  	v8 =	vld [tilespmem:s19+$0xFFFFFFC0]  }
0x225: {  	v10 =	vld [tilespmem:s19+$0xFFFFFFD0]  }
0x226: {  	s21 =	simm.s32 $0x0;
	v11 =	vld [tilespmem:s19+$0xFFFFFFE0]  }
0x227: {  	v9 =	vmov s21  }
0x228: {  	v19 =	vld [tilespmem:s19+$0xFFFFFFF0];
	v9 =	vperm.xlane v6, v9  }
0x229: {  	v15 =	vimm.f32 $0.0e+00;
	v14 =	vimm.f32 $0.0e+00;
	v13 =	vimm.f32 $0.0e+00;
	v17 =	vld [tilespmem:s19+$0x0]  }
0x22a: {  	v12 =	vimm.f32 $0.0e+00;
	v16 =	vld [tilespmem:s19+$0x10];
	v7 =	vmul.f32 v7, v9;
	v8 =	vmul.f32 v8, v9  }
0x22b: {  	v18 =	vld [tilespmem:s19+$0x20];
	s19 =	simm.s32 $0xD0C0;
	v21 =	vmul.f32 v10, v9;
	v22 =	vmul.f32 v11, v9;
	v10 =	vimm.f32 $0.0e+00  }
0x22c: {  	s21 =	simm.s32 $0x2;
	s20 =	simm.s32 $0x1;
	v20 =	vld [tilespmem:s19+$0x30];
	v11 =	vimm.f32 $0.0e+00;
	v7 =	vadd.f32 v7, v12;
	v8 =	vadd.f32 v8, v12  }
.LBB2_29:
0x22d: {  	p1 =	sne.s32 s21, $0xF;
	v23 =	vld [tilespmem:s19+$0xFFFFFFC0];
	v12 =	vadd.f32 v21, v12;
	v19 =	vmul.f32 v19, v9  }
0x22e: {  	v21 =	vmov s20;
	s20 =	smov.u32 s21;
	v24 =	vld [tilespmem:s19+$0xFFFFFFD0];
	v15 =	vadd.f32 v22, v15;
	v17 =	vmul.f32 v17, v9  }
0x22f: {  	v21 =	vperm.xlane v6, v21;
	v22 =	vld [tilespmem:s19+$0xFFFFFFE0];
	v14 =	vadd.f32 v19, v14;
	v16 =	vmul.f32 v16, v9  }
.Ltmp13:
0x230: {  	v19 =	vld [tilespmem:s19+$0xFFFFFFF0];
	v13 =	vadd.f32 v17, v13;
	v18 =	vmul.f32 v18, v9;
	(pc) =	sbr.rel @p1 .LBB2_29-.Ltmp13, $4  }
0x231: {  	v9 =	vmov v21;
	v17 =	vld [tilespmem:s19+$0x0];
	v20 =	vmul.f32 v20, v21;
	v10 =	vadd.f32 v16, v10  }
0x232: {  	v23 =	vmul.f32 v23, v9;
	v16 =	vld [tilespmem:s19+$0x10];
	v11 =	vadd.f32 v18, v11  }
0x233: {  	v21 =	vmul.f32 v24, v9;
	v18 =	vld [tilespmem:s19+$0x20];
	v7 =	vadd.f32 v20, v7;
	s19 =	sadd.s32 $0x80, s19  }
0x234: {  	s21 =	sadd.s32 $0x1, s21;
	v20 =	vld [tilespmem:s19+$0x30];
	v8 =	vadd.f32 v23, v8;
	v22 =	vmul.f32 v22, v9  }
0x235: {  	v23 =	vld [tilespmem:s19+$0xFFFFFFC0]  }
0x236: {  	v24 =	vld [tilespmem:s19+$0xFFFFFFD0]  }
0x237: {  	v25 =	vld [tilespmem:s19+$0xFFFFFFE0]  }
0x238: {  	v26 =	vld [tilespmem:s19+$0xFFFFFFF0]  }
0x239: {  	v27 =	vld [tilespmem:s19+$0x0]  }
0x23a: {  	v12 =	vadd.f32 v21, v12;
	v19 =	vmul.f32 v19, v9;
	v21 =	vmov s20;
	v28 =	vld [tilespmem:s19+$0x10]  }
0x23b: {  	v15 =	vadd.f32 v22, v15;
	v17 =	vmul.f32 v17, v9;
	v21 =	vperm.xlane v6, v21;
	v22 =	vld [tilespmem:s19+$0x20]  }
0x23c: {  	v6 =	vld [tilespmem:s18+$0x4010];
	s19 =	simm.s32 $0xD870;
	v14 =	vadd.f32 v19, v14;
	v16 =	vmul.f32 v16, v9;
	v9 =	vmul.f32 v18, v9  }
0x23d: {  	v19 =	vld [tilespmem:s19+$0x0];
	v17 =	vadd.f32 v17, v13;
	v13 =	vmul.f32 v20, v21;
	v18 =	vmul.f32 v23, v21  }
0x23e: {  	v20 =	vadd.f32 v16, v10;
	v9 =	vadd.f32 v9, v11;
	v10 =	vmul.f32 v24, v21;
	v23 =	vld [tilespmem:s19+$0xFFFFFF90]  }
0x23f: {  	s21 =	simm.s32 $0x0;
	v62 =	vld [tilespmem:s19+$0xFFFFFFA0];
	v61 =	vadd.f32 v13, v7;
	v7 =	vmul.f32 v25, v21;
	v29 =	vadd.f32 v18, v8  }
0x240: {  	v63 =	vld [tilespmem:s19+$0xFFFFFFB0];
	v10 =	vadd.f32 v10, v12;
	v8 =	vmul.f32 v26, v21;
	v12 =	vmov s21  }
0x241: {  	v18 =	vld [tilespmem:s19+$0xFFFFFFC0];
	v11 =	vadd.f32 v7, v15;
	v7 =	vmul.f32 v27, v21;
	v13 =	vperm.xlane v6, v12  }
0x242: {  	v16 =	vld [tilespmem:s19+$0xFFFFFFD0];
	v12 =	vadd.f32 v8, v14;
	v8 =	vmul.f32 v28, v21;
	v14 =	vmul.f32 v22, v21  }
0x243: {  	v7 =	vadd.f32 v7, v17;
	v15 =	vmul.f32 v19, v13;
	v22 =	vmul.f32 v23, v13;
	v17 =	vld [tilespmem:s19+$0xFFFFFFE0]  }
0x244: {  	v21 =	vmul.f32 v62, v13;
	v19 =	vld [tilespmem:s19+$0xFFFFFFF0];
	s19 =	simm.s32 $0xD8F0;
	v8 =	vadd.f32 v8, v20;
	v9 =	vadd.f32 v14, v9  }
0x245: {  	s20 =	simm.s32 $0x1;
	s21 =	simm.s32 $0x2;
	v20 =	vld [tilespmem:s19+$0x0];
	v14 =	vadd.f32 v15, v61;
	v15 =	vadd.f32 v22, v29;
	v22 =	vmul.f32 v63, v13  }
.LBB2_31:
0x246: {  	p1 =	sne.s32 s21, $0xF;
	v23 =	vld [tilespmem:s19+$0xFFFFFF90];
	v10 =	vadd.f32 v21, v10;
	v18 =	vmul.f32 v18, v13  }
0x247: {  	v21 =	vmov s20;
	s20 =	smov.u32 s21;
	v24 =	vld [tilespmem:s19+$0xFFFFFFA0];
	v11 =	vadd.f32 v22, v11;
	v16 =	vmul.f32 v16, v13  }
0x248: {  	v21 =	vperm.xlane v6, v21;
	v22 =	vld [tilespmem:s19+$0xFFFFFFB0];
	v12 =	vadd.f32 v18, v12;
	v17 =	vmul.f32 v17, v13  }
.Ltmp14:
0x249: {  	v18 =	vld [tilespmem:s19+$0xFFFFFFC0];
	v7 =	vadd.f32 v16, v7;
	v19 =	vmul.f32 v19, v13;
	(pc) =	sbr.rel @p1 .LBB2_31-.Ltmp14, $4  }
0x24a: {  	v13 =	vmov v21;
	v16 =	vld [tilespmem:s19+$0xFFFFFFD0];
	v20 =	vmul.f32 v20, v21;
	v8 =	vadd.f32 v17, v8  }
0x24b: {  	v23 =	vmul.f32 v23, v13;
	v17 =	vld [tilespmem:s19+$0xFFFFFFE0];
	v9 =	vadd.f32 v19, v9  }
0x24c: {  	v21 =	vmul.f32 v24, v13;
	v19 =	vld [tilespmem:s19+$0xFFFFFFF0];
	v14 =	vadd.f32 v20, v14;
	s19 =	sadd.s32 $0x80, s19  }
0x24d: {  	s21 =	sadd.s32 $0x1, s21;
	v20 =	vld [tilespmem:s19+$0x0];
	v15 =	vadd.f32 v23, v15;
	v22 =	vmul.f32 v22, v13  }
0x24e: {  	v23 =	vld [tilespmem:s19+$0xFFFFFF90]  }
0x24f: {  	v24 =	vld [tilespmem:s19+$0xFFFFFFA0]  }
0x250: {  	v25 =	vld [tilespmem:s19+$0xFFFFFFB0]  }
0x251: {  	v26 =	vld [tilespmem:s19+$0xFFFFFFC0]  }
0x252: {  	v27 =	vld [tilespmem:s19+$0xFFFFFFD0]  }
0x253: {  	v10 =	vadd.f32 v21, v10;
	v18 =	vmul.f32 v18, v13;
	v21 =	vmov s20;
	v28 =	vld [tilespmem:s19+$0xFFFFFFE0]  }
0x254: {  	v11 =	vadd.f32 v22, v11;
	v16 =	vmul.f32 v16, v13;
	v21 =	vperm.xlane v6, v21;
	v6 =	vld [tilespmem:s18+$0x4020]  }
0x255: {  	v22 =	vld [tilespmem:s19+$0xFFFFFFF0];
	s19 =	simm.s32 $0xE070;
	v12 =	vadd.f32 v18, v12;
	v17 =	vmul.f32 v17, v13;
	v13 =	vmul.f32 v19, v13  }
0x256: {  	v19 =	vadd.f32 v16, v7;
	v7 =	vmul.f32 v20, v21;
	v20 =	vld [tilespmem:s19+$0x0];
	v16 =	vmul.f32 v23, v21  }
0x257: {  	s21 =	simm.s32 $0x0;
	v23 =	vadd.f32 v17, v8;
	v29 =	vadd.f32 v13, v9;
	v8 =	vmul.f32 v24, v21;
	v17 =	vld [tilespmem:s19+$0xFFFFFF90]  }
0x258: {  	v62 =	vld [tilespmem:s19+$0xFFFFFFA0];
	v9 =	vmul.f32 v25, v21;
	v13 =	vmov s21;
	v14 =	vadd.f32 v7, v14  }
0x259: {  	v63 =	vld [tilespmem:s19+$0xFFFFFFB0];
	v13 =	vperm.xlane v6, v13;
	v7 =	vadd.f32 v8, v10;
	v10 =	vmul.f32 v26, v21  }
0x25a: {  	v18 =	vld [tilespmem:s19+$0xFFFFFFC0];
	v15 =	vadd.f32 v16, v15;
	v8 =	vadd.f32 v9, v11;
	v11 =	vmul.f32 v27, v21  }
0x25b: {  	v16 =	vld [tilespmem:s19+$0xFFFFFFD0];
	v9 =	vadd.f32 v10, v12;
	v12 =	vmul.f32 v28, v21;
	v21 =	vmul.f32 v22, v21  }
0x25c: {  	v10 =	vadd.f32 v11, v19;
	v20 =	vmul.f32 v20, v13;
	v22 =	vmul.f32 v17, v13;
	v17 =	vld [tilespmem:s19+$0xFFFFFFE0]  }
0x25d: {  	s20 =	simm.s32 $0xE0F0;
	v19 =	vld [tilespmem:s19+$0xFFFFFFF0];
	v11 =	vadd.f32 v12, v23;
	v12 =	vadd.f32 v21, v29;
	v21 =	vmul.f32 v62, v13  }
0x25e: {  	s21 =	simm.s32 $0x2;
	s19 =	simm.s32 $0x1;
	v14 =	vadd.f32 v20, v14;
	v20 =	vld [tilespmem:s20+$0x0];
	v15 =	vadd.f32 v22, v15;
	v22 =	vmul.f32 v63, v13  }
.LBB2_33:
0x25f: {  	p1 =	sne.s32 s21, $0xF;
	v23 =	vld [tilespmem:s20+$0xFFFFFF90];
	v7 =	vadd.f32 v21, v7;
	v18 =	vmul.f32 v18, v13  }
0x260: {  	v21 =	vmov s19;
	s19 =	smov.u32 s21;
	v24 =	vld [tilespmem:s20+$0xFFFFFFA0];
	v8 =	vadd.f32 v22, v8;
	v16 =	vmul.f32 v16, v13  }
0x261: {  	v21 =	vperm.xlane v6, v21;
	v22 =	vld [tilespmem:s20+$0xFFFFFFB0];
	v9 =	vadd.f32 v18, v9;
	v17 =	vmul.f32 v17, v13  }
.Ltmp15:
0x262: {  	v18 =	vld [tilespmem:s20+$0xFFFFFFC0];
	v10 =	vadd.f32 v16, v10;
	v19 =	vmul.f32 v19, v13;
	(pc) =	sbr.rel @p1 .LBB2_33-.Ltmp15, $4  }
0x263: {  	v13 =	vmov v21;
	v16 =	vld [tilespmem:s20+$0xFFFFFFD0];
	v20 =	vmul.f32 v20, v21;
	v11 =	vadd.f32 v17, v11  }
0x264: {  	v23 =	vmul.f32 v23, v13;
	v17 =	vld [tilespmem:s20+$0xFFFFFFE0];
	v12 =	vadd.f32 v19, v12  }
0x265: {  	v21 =	vmul.f32 v24, v13;
	v19 =	vld [tilespmem:s20+$0xFFFFFFF0];
	v14 =	vadd.f32 v20, v14;
	s20 =	sadd.s32 $0x80, s20  }
0x266: {  	s21 =	sadd.s32 $0x1, s21;
	v20 =	vld [tilespmem:s20+$0x0];
	v15 =	vadd.f32 v23, v15;
	v22 =	vmul.f32 v22, v13  }
0x267: {  	v23 =	vld [tilespmem:s20+$0xFFFFFF90]  }
0x268: {  	v24 =	vld [tilespmem:s20+$0xFFFFFFA0]  }
0x269: {  	v25 =	vld [tilespmem:s20+$0xFFFFFFB0]  }
0x26a: {  	v26 =	vld [tilespmem:s20+$0xFFFFFFC0]  }
0x26b: {  	v27 =	vld [tilespmem:s20+$0xFFFFFFD0]  }
0x26c: {  	v28 =	vld [tilespmem:s20+$0xFFFFFFE0]  }
0x26d: {  	v29 =	vld [tilespmem:s20+$0xFFFFFFF0]  }
0x26e: {  	v30 =	vld [tilespmem:s18+$0x4030]  }
0x26f: {  	v31 =	vld [tilespmem:$0xE800];
	v7 =	vadd.f32 v21, v7  }
0x270: {  	v32 =	vld [tilespmem:$0xE810];
	v18 =	vmul.f32 v18, v13;
	v21 =	vmov s19;
	v16 =	vmul.f32 v16, v13  }
0x271: {  	v33 =	vld [tilespmem:$0xE820];
	v6 =	vperm.xlane v6, v21;
	v17 =	vmul.f32 v17, v13  }
0x272: {  	v34 =	vld [tilespmem:$0xE830];
	v8 =	vadd.f32 v22, v8;
	v9 =	vadd.f32 v18, v9;
	v13 =	vmul.f32 v19, v13  }
0x273: {  	v60 =	vld [tilespmem:$0xE8A0];
	v10 =	vadd.f32 v16, v10;
	v16 =	vmul.f32 v20, v6;
	v11 =	vadd.f32 v17, v11  }
0x274: {  	v61 =	vld [tilespmem:$0xE8C0];
	v19 =	vmul.f32 v23, v6;
	v12 =	vadd.f32 v13, v12;
	v13 =	vmul.f32 v24, v6  }
0x275: {  	v21 =	vld [tilespmem:$0xE840];
	v22 =	vmul.f32 v27, v6;
	v14 =	vadd.f32 v16, v14;
	v16 =	vmul.f32 v25, v6  }
0x276: {  	v18 =	vld [tilespmem:$0xE850];
	v59 =	vperm.xlane v30, v4;
	v62 =	vperm.xlane v30, v5;
	v15 =	vadd.f32 v19, v15  }
0x277: {  	v19 =	vld [tilespmem:$0xE880];
	v7 =	vadd.f32 v13, v7;
	v8 =	vadd.f32 v16, v8;
	v16 =	vmul.f32 v28, v6  }
0x278: {  	v23 =	vld [tilespmem:$0xE890];
	v13 =	vmul.f32 v26, v6;
	v10 =	vadd.f32 v22, v10;
	v6 =	vmul.f32 v29, v6  }
0x279: {  	v63 =	vld [tilespmem:$0xE8D0];
	v22 =	vmul.f32 v32, v59;
	v11 =	vadd.f32 v16, v11;
	v16 =	vmul.f32 v31, v59  }
0x27a: {  	v9 =	vadd.f32 v13, v9;
	v13 =	vld [tilespmem:$0xE8B0];
	v6 =	vadd.f32 v6, v12;
	v12 =	vmul.f32 v33, v59  }
0x27b: {  	v20 =	vld [tilespmem:$0xE860];
	v7 =	vadd.f32 v22, v7;
	v15 =	vadd.f32 v16, v15;
	v16 =	vmul.f32 v34, v59  }
0x27c: {  	v17 =	vld [tilespmem:$0xE870];
	v8 =	vadd.f32 v12, v8;
	v12 =	vmul.f32 v21, v59;
	v19 =	vmul.f32 v19, v62  }
0x27d: {  	s18 =	sadd.s32 @!p0 $0x300, s14;
	s17 =	sshll.u32 s17, $0x7;
	v22 =	vld [tilespmem:$0xE8E0];
	v9 =	vadd.f32 v16, v9;
	v16 =	vmul.f32 v18, v59;
	v18 =	vmul.f32 v23, v62  }
0x27e: {  	s19 =	simm.s32 @!p0 $0x32;
	s20 =	simm.s32 @!p0 $0xD000;
	s17 =	sand.u32 $0x3FFFFF80, s17;
	v21 =	vld [tilespmem:$0xE8F0];
	v10 =	vadd.f32 v12, v10;
	v12 =	vadd.f32 v19, v15;
	v15 =	vmul.f32 v60, v62  }
0x27f: {  	[tilespmem:s20], [sflag:$0x5] =	stream.indirect.gather @!p0 [hbm4b:s2+s19], $0x80, s18, s19, $0xb8;
	v13 =	vmul.f32 v13, v62;
	v11 =	vadd.f32 v16, v11;
	v7 =	vadd.f32 v18, v7;
	[tilespmem:$0x18000] =	vst v63  }
0x280: {  	v16 =	vmul.f32 v20, v59;
	v8 =	vadd.f32 v15, v8;
	v15 =	vmul.f32 v61, v62;
	[tilespmem:s17+$0x14000] =	vst v12  }
0x281: {  	v12 =	vmul.f32 v17, v59;
	v9 =	vadd.f32 v13, v9;
	v13 =	vmul.f32 v63, v62;
	[tilespmem:s17+$0x14010] =	vst v7  }
0x282: {  	v6 =	vadd.f32 v16, v6;
	v7 =	vadd.f32 v15, v10;
	v10 =	vmul.f32 v22, v62;
	[tilespmem:s17+$0x14020] =	vst v8  }
0x283: {  	v8 =	vadd.f32 v12, v14;
	v11 =	vadd.f32 v13, v11;
	v12 =	vmul.f32 v21, v62;
	[tilespmem:s17+$0x14030] =	vst v9  }
0x284: {  	v6 =	vadd.f32 v10, v6;
	[tilespmem:s17+$0x14040] =	vst v7  }
0x285: {  	v7 =	vadd.f32 v12, v8;
	[tilespmem:s17+$0x14050] =	vst v11  }
0x286: {  	[tilespmem:s17+$0x14060] =	vst v6  }
0x287: {  	[tilespmem:s17+$0x14070] =	vst v7  }
0x288: {  	_ =	swait.ge [sflag:s0], $0x1900  }
0x289: {  	s17 =	sor.u32 $0x5, s16;
	[sflag:s0] =	ssyncset.done $0x0  }
0x28a: {  	s18 =	sshll.u32 s17, $0x6;
	[sflag:s0] =	ssyncadd.s32 $0xFFFFE700  }
0x28b: {  	s19 =	simm.s32 $0xEC40;
	v6 =	vld [tilespmem:s18+$0x4000]  }
0x28c: {  	v7 =	vld [tilespmem:s19+$0x30]  }
0x28d: {  	v8 =	vld [tilespmem:s19+$0xFFFFFFC0]  }
0x28e: {  	v10 =	vld [tilespmem:s19+$0xFFFFFFD0]  }
0x28f: {  	s21 =	simm.s32 $0x0;
	v11 =	vld [tilespmem:s19+$0xFFFFFFE0]  }
0x290: {  	v9 =	vmov s21  }
0x291: {  	v19 =	vld [tilespmem:s19+$0xFFFFFFF0];
	v9 =	vperm.xlane v6, v9  }
0x292: {  	v16 =	vimm.f32 $0.0e+00;
	v14 =	vimm.f32 $0.0e+00;
	v13 =	vimm.f32 $0.0e+00;
	v18 =	vld [tilespmem:s19+$0x0]  }
0x293: {  	v12 =	vimm.f32 $0.0e+00;
	v15 =	vld [tilespmem:s19+$0x10];
	v7 =	vmul.f32 v7, v9;
	v8 =	vmul.f32 v8, v9  }
0x294: {  	v17 =	vld [tilespmem:s19+$0x20];
	s19 =	simm.s32 $0xECC0;
	v21 =	vmul.f32 v10, v9;
	v22 =	vmul.f32 v11, v9;
	v10 =	vimm.f32 $0.0e+00  }
0x295: {  	s20 =	simm.s32 $0x1;
	s21 =	simm.s32 $0x2;
	v20 =	vld [tilespmem:s19+$0x30];
	v11 =	vimm.f32 $0.0e+00;
	v7 =	vadd.f32 v7, v12;
	v8 =	vadd.f32 v8, v12  }
.LBB2_35:
0x296: {  	p1 =	sne.s32 s21, $0xF;
	v23 =	vld [tilespmem:s19+$0xFFFFFFC0];
	v12 =	vadd.f32 v21, v12;
	v19 =	vmul.f32 v19, v9  }
0x297: {  	v21 =	vmov s20;
	s20 =	smov.u32 s21;
	v24 =	vld [tilespmem:s19+$0xFFFFFFD0];
	v16 =	vadd.f32 v22, v16;
	v18 =	vmul.f32 v18, v9  }
0x298: {  	v21 =	vperm.xlane v6, v21;
	v22 =	vld [tilespmem:s19+$0xFFFFFFE0];
	v14 =	vadd.f32 v19, v14;
	v15 =	vmul.f32 v15, v9  }
.Ltmp16:
0x299: {  	v19 =	vld [tilespmem:s19+$0xFFFFFFF0];
	v13 =	vadd.f32 v18, v13;
	v17 =	vmul.f32 v17, v9;
	(pc) =	sbr.rel @p1 .LBB2_35-.Ltmp16, $4  }
0x29a: {  	v9 =	vmov v21;
	v18 =	vld [tilespmem:s19+$0x0];
	v20 =	vmul.f32 v20, v21;
	v10 =	vadd.f32 v15, v10  }
0x29b: {  	v23 =	vmul.f32 v23, v9;
	v15 =	vld [tilespmem:s19+$0x10];
	v11 =	vadd.f32 v17, v11  }
0x29c: {  	v21 =	vmul.f32 v24, v9;
	v17 =	vld [tilespmem:s19+$0x20];
	v7 =	vadd.f32 v20, v7;
	s19 =	sadd.s32 $0x80, s19  }
0x29d: {  	s21 =	sadd.s32 $0x1, s21;
	v20 =	vld [tilespmem:s19+$0x30];
	v8 =	vadd.f32 v23, v8;
	v22 =	vmul.f32 v22, v9  }
0x29e: {  	v23 =	vld [tilespmem:s19+$0xFFFFFFC0]  }
0x29f: {  	v24 =	vld [tilespmem:s19+$0xFFFFFFD0]  }
0x2a0: {  	v25 =	vld [tilespmem:s19+$0xFFFFFFE0]  }
0x2a1: {  	v26 =	vld [tilespmem:s19+$0xFFFFFFF0]  }
0x2a2: {  	v27 =	vld [tilespmem:s19+$0x0]  }
0x2a3: {  	v12 =	vadd.f32 v21, v12;
	v19 =	vmul.f32 v19, v9;
	v21 =	vmov s20;
	v28 =	vld [tilespmem:s19+$0x10]  }
0x2a4: {  	s20 =	sor.u32 $0x50, s18;
	v16 =	vadd.f32 v22, v16;
	v18 =	vmul.f32 v18, v9;
	v21 =	vperm.xlane v6, v21;
	v22 =	vld [tilespmem:s19+$0x20]  }
0x2a5: {  	v6 =	vld [tilespmem:s20+$0x4000];
	s19 =	simm.s32 $0xF470;
	v14 =	vadd.f32 v19, v14;
	v15 =	vmul.f32 v15, v9;
	v9 =	vmul.f32 v17, v9  }
0x2a6: {  	v19 =	vadd.f32 v18, v13;
	v13 =	vmul.f32 v20, v21;
	v20 =	vld [tilespmem:s19+$0x0];
	v17 =	vmul.f32 v23, v21  }
0x2a7: {  	v15 =	vadd.f32 v15, v10;
	v9 =	vadd.f32 v9, v11;
	v10 =	vmul.f32 v24, v21;
	v23 =	vld [tilespmem:s19+$0xFFFFFF90]  }
0x2a8: {  	s21 =	simm.s32 $0x0;
	v62 =	vld [tilespmem:s19+$0xFFFFFFA0];
	v61 =	vadd.f32 v13, v7;
	v7 =	vmul.f32 v25, v21;
	v29 =	vadd.f32 v17, v8  }
0x2a9: {  	v63 =	vld [tilespmem:s19+$0xFFFFFFB0];
	v12 =	vadd.f32 v10, v12;
	v8 =	vmul.f32 v26, v21;
	v10 =	vmov s21  }
0x2aa: {  	v18 =	vld [tilespmem:s19+$0xFFFFFFC0];
	v13 =	vadd.f32 v7, v16;
	v7 =	vmul.f32 v27, v21;
	v11 =	vperm.xlane v6, v10  }
0x2ab: {  	v17 =	vld [tilespmem:s19+$0xFFFFFFD0];
	v10 =	vadd.f32 v8, v14;
	v8 =	vmul.f32 v28, v21;
	v14 =	vmul.f32 v22, v21  }
0x2ac: {  	v16 =	vld [tilespmem:s19+$0xFFFFFFE0];
	v7 =	vadd.f32 v7, v19;
	v20 =	vmul.f32 v20, v11;
	v22 =	vmul.f32 v23, v11  }
0x2ad: {  	v21 =	vmul.f32 v62, v11;
	v19 =	vld [tilespmem:s19+$0xFFFFFFF0];
	s19 =	simm.s32 $0xF4F0;
	v8 =	vadd.f32 v8, v15;
	v9 =	vadd.f32 v14, v9  }
0x2ae: {  	s20 =	simm.s32 $0x1;
	s21 =	simm.s32 $0x2;
	v14 =	vadd.f32 v20, v61;
	v20 =	vld [tilespmem:s19+$0x0];
	v15 =	vadd.f32 v22, v29;
	v22 =	vmul.f32 v63, v11  }
.LBB2_37:
0x2af: {  	p1 =	sne.s32 s21, $0xF;
	v23 =	vld [tilespmem:s19+$0xFFFFFF90];
	v12 =	vadd.f32 v21, v12;
	v18 =	vmul.f32 v18, v11  }
0x2b0: {  	v21 =	vmov s20;
	s20 =	smov.u32 s21;
	v24 =	vld [tilespmem:s19+$0xFFFFFFA0];
	v13 =	vadd.f32 v22, v13;
	v17 =	vmul.f32 v17, v11  }
0x2b1: {  	v21 =	vperm.xlane v6, v21;
	v22 =	vld [tilespmem:s19+$0xFFFFFFB0];
	v10 =	vadd.f32 v18, v10;
	v16 =	vmul.f32 v16, v11  }
.Ltmp17:
0x2b2: {  	v18 =	vld [tilespmem:s19+$0xFFFFFFC0];
	v7 =	vadd.f32 v17, v7;
	v19 =	vmul.f32 v19, v11;
	(pc) =	sbr.rel @p1 .LBB2_37-.Ltmp17, $4  }
0x2b3: {  	v11 =	vmov v21;
	v17 =	vld [tilespmem:s19+$0xFFFFFFD0];
	v20 =	vmul.f32 v20, v21;
	v8 =	vadd.f32 v16, v8  }
0x2b4: {  	v23 =	vmul.f32 v23, v11;
	v16 =	vld [tilespmem:s19+$0xFFFFFFE0];
	v9 =	vadd.f32 v19, v9  }
0x2b5: {  	v21 =	vmul.f32 v24, v11;
	v19 =	vld [tilespmem:s19+$0xFFFFFFF0];
	v14 =	vadd.f32 v20, v14;
	s19 =	sadd.s32 $0x80, s19  }
0x2b6: {  	s21 =	sadd.s32 $0x1, s21;
	v20 =	vld [tilespmem:s19+$0x0];
	v15 =	vadd.f32 v23, v15;
	v22 =	vmul.f32 v22, v11  }
0x2b7: {  	v23 =	vld [tilespmem:s19+$0xFFFFFF90]  }
0x2b8: {  	v24 =	vld [tilespmem:s19+$0xFFFFFFA0]  }
0x2b9: {  	v25 =	vld [tilespmem:s19+$0xFFFFFFB0]  }
0x2ba: {  	v26 =	vld [tilespmem:s19+$0xFFFFFFC0]  }
0x2bb: {  	v27 =	vld [tilespmem:s19+$0xFFFFFFD0];
	v12 =	vadd.f32 v21, v12  }
0x2bc: {  	v18 =	vmul.f32 v18, v11;
	v21 =	vmov s20;
	v28 =	vld [tilespmem:s19+$0xFFFFFFE0];
	v17 =	vmul.f32 v17, v11  }
0x2bd: {  	s20 =	sor.u32 $0x60, s18;
	v13 =	vadd.f32 v22, v13;
	v21 =	vperm.xlane v6, v21;
	v22 =	vld [tilespmem:s19+$0xFFFFFFF0];
	v16 =	vmul.f32 v16, v11  }
0x2be: {  	v6 =	vld [tilespmem:s20+$0x4000];
	s19 =	simm.s32 $0xFC70;
	v10 =	vadd.f32 v18, v10;
	v11 =	vmul.f32 v19, v11  }
0x2bf: {  	v17 =	vadd.f32 v17, v7;
	v19 =	vld [tilespmem:s19+$0x0];
	v7 =	vmul.f32 v20, v21;
	v20 =	vadd.f32 v16, v8  }
0x2c0: {  	s21 =	simm.s32 $0x0;
	v18 =	vmul.f32 v23, v21;
	v23 =	vadd.f32 v11, v9;
	v8 =	vmul.f32 v24, v21;
	v11 =	vld [tilespmem:s19+$0xFFFFFF90]  }
0x2c1: {  	v60 =	vld [tilespmem:s19+$0xFFFFFFA0];
	v16 =	vmov s21;
	v9 =	vmul.f32 v25, v21;
	v62 =	vmul.f32 v27, v21  }
0x2c2: {  	v61 =	vld [tilespmem:s19+$0xFFFFFFB0];
	v14 =	vadd.f32 v7, v14;
	v7 =	vadd.f32 v8, v12;
	v12 =	vmul.f32 v26, v21  }
0x2c3: {  	v15 =	vadd.f32 v18, v15;
	v8 =	vadd.f32 v9, v13;
	v13 =	vperm.xlane v6, v16;
	v18 =	vld [tilespmem:s19+$0xFFFFFFC0]  }
0x2c4: {  	v16 =	vld [tilespmem:s19+$0xFFFFFFD0];
	v9 =	vadd.f32 v12, v10;
	v12 =	vmul.f32 v28, v21;
	v21 =	vmul.f32 v22, v21  }
0x2c5: {  	v10 =	vadd.f32 v62, v17;
	v22 =	vmul.f32 v19, v13;
	v17 =	vld [tilespmem:s19+$0xFFFFFFE0];
	v63 =	vmul.f32 v11, v13  }
0x2c6: {  	s20 =	simm.s32 $0xFCF0;
	v19 =	vld [tilespmem:s19+$0xFFFFFFF0];
	v11 =	vadd.f32 v12, v20;
	v12 =	vadd.f32 v21, v23;
	v21 =	vmul.f32 v60, v13  }
0x2c7: {  	s21 =	simm.s32 $0x2;
	s19 =	simm.s32 $0x1;
	v14 =	vadd.f32 v22, v14;
	v20 =	vld [tilespmem:s20+$0x0];
	v22 =	vmul.f32 v61, v13;
	v15 =	vadd.f32 v63, v15  }
.LBB2_39:
0x2c8: {  	p1 =	sne.s32 s21, $0xF;
	v23 =	vld [tilespmem:s20+$0xFFFFFF90];
	v7 =	vadd.f32 v21, v7;
	v18 =	vmul.f32 v18, v13  }
0x2c9: {  	v21 =	vmov s19;
	s19 =	smov.u32 s21;
	v24 =	vld [tilespmem:s20+$0xFFFFFFA0];
	v8 =	vadd.f32 v22, v8;
	v16 =	vmul.f32 v16, v13  }
0x2ca: {  	v21 =	vperm.xlane v6, v21;
	v22 =	vld [tilespmem:s20+$0xFFFFFFB0];
	v9 =	vadd.f32 v18, v9;
	v17 =	vmul.f32 v17, v13  }
.Ltmp18:
0x2cb: {  	v18 =	vld [tilespmem:s20+$0xFFFFFFC0];
	v10 =	vadd.f32 v16, v10;
	v19 =	vmul.f32 v19, v13;
	(pc) =	sbr.rel @p1 .LBB2_39-.Ltmp18, $4  }
0x2cc: {  	v13 =	vmov v21;
	v16 =	vld [tilespmem:s20+$0xFFFFFFD0];
	v20 =	vmul.f32 v20, v21;
	v11 =	vadd.f32 v17, v11  }
0x2cd: {  	v23 =	vmul.f32 v23, v13;
	v17 =	vld [tilespmem:s20+$0xFFFFFFE0];
	v12 =	vadd.f32 v19, v12  }
0x2ce: {  	v21 =	vmul.f32 v24, v13;
	v19 =	vld [tilespmem:s20+$0xFFFFFFF0];
	v14 =	vadd.f32 v20, v14;
	s20 =	sadd.s32 $0x80, s20  }
0x2cf: {  	s21 =	sadd.s32 $0x1, s21;
	v20 =	vld [tilespmem:s20+$0x0];
	v15 =	vadd.f32 v23, v15;
	v22 =	vmul.f32 v22, v13  }
0x2d0: {  	v23 =	vld [tilespmem:s20+$0xFFFFFF90]  }
0x2d1: {  	v24 =	vld [tilespmem:s20+$0xFFFFFFA0]  }
0x2d2: {  	v25 =	vld [tilespmem:s20+$0xFFFFFFB0]  }
0x2d3: {  	v26 =	vld [tilespmem:s20+$0xFFFFFFC0]  }
0x2d4: {  	v27 =	vld [tilespmem:s20+$0xFFFFFFD0]  }
0x2d5: {  	v28 =	vld [tilespmem:s20+$0xFFFFFFE0]  }
0x2d6: {  	v29 =	vld [tilespmem:s20+$0xFFFFFFF0]  }
0x2d7: {  	v31 =	vld [tilespmem:$0x10400]  }
0x2d8: {  	v32 =	vld [tilespmem:$0x10410];
	v7 =	vadd.f32 v21, v7  }
0x2d9: {  	s18 =	sor.u32 $0x70, s18;
	v33 =	vld [tilespmem:$0x10420];
	v18 =	vmul.f32 v18, v13;
	v21 =	vmov s19;
	v16 =	vmul.f32 v16, v13  }
0x2da: {  	v30 =	vld [tilespmem:s18+$0x4000];
	v6 =	vperm.xlane v6, v21;
	v17 =	vmul.f32 v17, v13  }
0x2db: {  	v34 =	vld [tilespmem:$0x10430];
	v8 =	vadd.f32 v22, v8;
	v9 =	vadd.f32 v18, v9;
	v13 =	vmul.f32 v19, v13  }
0x2dc: {  	v60 =	vld [tilespmem:$0x104A0];
	v10 =	vadd.f32 v16, v10;
	v16 =	vmul.f32 v20, v6;
	v11 =	vadd.f32 v17, v11  }
0x2dd: {  	v61 =	vld [tilespmem:$0x104C0];
	v19 =	vmul.f32 v23, v6;
	v12 =	vadd.f32 v13, v12;
	v13 =	vmul.f32 v24, v6  }
0x2de: {  	v21 =	vld [tilespmem:$0x10440];
	v22 =	vmul.f32 v27, v6;
	v14 =	vadd.f32 v16, v14;
	v16 =	vmul.f32 v25, v6  }
0x2df: {  	v18 =	vld [tilespmem:$0x10450];
	v59 =	vperm.xlane v30, v4;
	v62 =	vperm.xlane v30, v5;
	v15 =	vadd.f32 v19, v15  }
0x2e0: {  	v19 =	vld [tilespmem:$0x10480];
	v7 =	vadd.f32 v13, v7;
	v8 =	vadd.f32 v16, v8;
	v16 =	vmul.f32 v28, v6  }
0x2e1: {  	v23 =	vld [tilespmem:$0x10490];
	v13 =	vmul.f32 v26, v6;
	v10 =	vadd.f32 v22, v10;
	v6 =	vmul.f32 v29, v6  }
0x2e2: {  	v63 =	vld [tilespmem:$0x104D0];
	v22 =	vmul.f32 v32, v59;
	v11 =	vadd.f32 v16, v11;
	v16 =	vmul.f32 v31, v59  }
0x2e3: {  	v9 =	vadd.f32 v13, v9;
	v13 =	vld [tilespmem:$0x104B0];
	v6 =	vadd.f32 v6, v12;
	v12 =	vmul.f32 v33, v59  }
0x2e4: {  	v20 =	vld [tilespmem:$0x10460];
	v7 =	vadd.f32 v22, v7;
	v15 =	vadd.f32 v16, v15;
	v16 =	vmul.f32 v34, v59  }
0x2e5: {  	v17 =	vld [tilespmem:$0x10470];
	v8 =	vadd.f32 v12, v8;
	v12 =	vmul.f32 v21, v59;
	v19 =	vmul.f32 v19, v62  }
0x2e6: {  	s19 =	simm.s32 @!p0 $0x32;
	s17 =	sshll.u32 s17, $0x7;
	v22 =	vld [tilespmem:$0x104E0];
	v9 =	vadd.f32 v16, v9;
	v16 =	vmul.f32 v18, v59;
	v18 =	vmul.f32 v23, v62  }
0x2e7: {  	s20 =	simm.s32 @!p0 $0xEC00;
	s18 =	sadd.s32 @!p0 $0x340, s14;
	s17 =	sand.u32 $0x3FFFFF80, s17;
	v21 =	vld [tilespmem:$0x104F0];
	v10 =	vadd.f32 v12, v10;
	v12 =	vadd.f32 v19, v15;
	v15 =	vmul.f32 v60, v62  }
0x2e8: {  	[tilespmem:s20], [sflag:$0x6] =	stream.indirect.gather @!p0 [hbm4b:s2+s19], $0x80, s18, s19, $0xb8;
	v13 =	vmul.f32 v13, v62;
	v11 =	vadd.f32 v16, v11;
	v7 =	vadd.f32 v18, v7;
	[tilespmem:$0x18000] =	vst v63  }
0x2e9: {  	v16 =	vmul.f32 v20, v59;
	v8 =	vadd.f32 v15, v8;
	v15 =	vmul.f32 v61, v62;
	[tilespmem:s17+$0x14000] =	vst v12  }
0x2ea: {  	v12 =	vmul.f32 v17, v59;
	v9 =	vadd.f32 v13, v9;
	v13 =	vmul.f32 v63, v62;
	[tilespmem:s17+$0x14010] =	vst v7  }
0x2eb: {  	v6 =	vadd.f32 v16, v6;
	v7 =	vadd.f32 v15, v10;
	v10 =	vmul.f32 v22, v62;
	[tilespmem:s17+$0x14020] =	vst v8  }
0x2ec: {  	v8 =	vadd.f32 v12, v14;
	v11 =	vadd.f32 v13, v11;
	v12 =	vmul.f32 v21, v62;
	[tilespmem:s17+$0x14030] =	vst v9  }
0x2ed: {  	v6 =	vadd.f32 v10, v6;
	[tilespmem:s17+$0x14040] =	vst v7  }
0x2ee: {  	v7 =	vadd.f32 v12, v8;
	[tilespmem:s17+$0x14050] =	vst v11  }
0x2ef: {  	[tilespmem:s17+$0x14060] =	vst v6  }
0x2f0: {  	[tilespmem:s17+$0x14070] =	vst v7  }
0x2f1: {  	s17 =	sor.u32 $0x6, s16;
	_ =	swait.ge [sflag:s1], $0x1900  }
0x2f2: {  	s20 =	sshll.u32 s17, $0x6;
	[sflag:s1] =	ssyncset.done $0x0  }
0x2f3: {  	s18 =	sand.u32 $0x3FFFFFC0, s20;
	[sflag:s1] =	ssyncadd.s32 $0xFFFFE700  }
0x2f4: {  	s19 =	simm.s32 $0x10840;
	v6 =	vld [tilespmem:s18+$0x4000]  }
0x2f5: {  	v7 =	vld [tilespmem:s19+$0x30]  }
0x2f6: {  	v8 =	vld [tilespmem:s19+$0xFFFFFFC0]  }
0x2f7: {  	v10 =	vld [tilespmem:s19+$0xFFFFFFD0]  }
0x2f8: {  	s21 =	simm.s32 $0x0;
	v11 =	vld [tilespmem:s19+$0xFFFFFFE0]  }
0x2f9: {  	v9 =	vmov s21  }
0x2fa: {  	v19 =	vld [tilespmem:s19+$0xFFFFFFF0];
	v9 =	vperm.xlane v6, v9  }
0x2fb: {  	v15 =	vimm.f32 $0.0e+00;
	v14 =	vimm.f32 $0.0e+00;
	v13 =	vimm.f32 $0.0e+00;
	v17 =	vld [tilespmem:s19+$0x0]  }
0x2fc: {  	v12 =	vimm.f32 $0.0e+00;
	v16 =	vld [tilespmem:s19+$0x10];
	v7 =	vmul.f32 v7, v9;
	v8 =	vmul.f32 v8, v9  }
0x2fd: {  	v18 =	vld [tilespmem:s19+$0x20];
	s19 =	simm.s32 $0x108C0;
	v21 =	vmul.f32 v10, v9;
	v22 =	vmul.f32 v11, v9;
	v10 =	vimm.f32 $0.0e+00  }
0x2fe: {  	s21 =	simm.s32 $0x2;
	s20 =	simm.s32 $0x1;
	v20 =	vld [tilespmem:s19+$0x30];
	v11 =	vimm.f32 $0.0e+00;
	v7 =	vadd.f32 v7, v12;
	v8 =	vadd.f32 v8, v12  }
.LBB2_41:
0x2ff: {  	p1 =	sne.s32 s21, $0xF;
	v23 =	vld [tilespmem:s19+$0xFFFFFFC0];
	v12 =	vadd.f32 v21, v12;
	v19 =	vmul.f32 v19, v9  }
0x300: {  	v21 =	vmov s20;
	s20 =	smov.u32 s21;
	v24 =	vld [tilespmem:s19+$0xFFFFFFD0];
	v15 =	vadd.f32 v22, v15;
	v17 =	vmul.f32 v17, v9  }
0x301: {  	v21 =	vperm.xlane v6, v21;
	v22 =	vld [tilespmem:s19+$0xFFFFFFE0];
	v14 =	vadd.f32 v19, v14;
	v16 =	vmul.f32 v16, v9  }
.Ltmp19:
0x302: {  	v19 =	vld [tilespmem:s19+$0xFFFFFFF0];
	v13 =	vadd.f32 v17, v13;
	v18 =	vmul.f32 v18, v9;
	(pc) =	sbr.rel @p1 .LBB2_41-.Ltmp19, $4  }
0x303: {  	v9 =	vmov v21;
	v17 =	vld [tilespmem:s19+$0x0];
	v20 =	vmul.f32 v20, v21;
	v10 =	vadd.f32 v16, v10  }
0x304: {  	v23 =	vmul.f32 v23, v9;
	v16 =	vld [tilespmem:s19+$0x10];
	v11 =	vadd.f32 v18, v11  }
0x305: {  	v21 =	vmul.f32 v24, v9;
	v18 =	vld [tilespmem:s19+$0x20];
	v7 =	vadd.f32 v20, v7;
	s19 =	sadd.s32 $0x80, s19  }
0x306: {  	s21 =	sadd.s32 $0x1, s21;
	v20 =	vld [tilespmem:s19+$0x30];
	v8 =	vadd.f32 v23, v8;
	v22 =	vmul.f32 v22, v9  }
0x307: {  	v23 =	vld [tilespmem:s19+$0xFFFFFFC0]  }
0x308: {  	v24 =	vld [tilespmem:s19+$0xFFFFFFD0]  }
0x309: {  	v25 =	vld [tilespmem:s19+$0xFFFFFFE0]  }
0x30a: {  	v26 =	vld [tilespmem:s19+$0xFFFFFFF0]  }
0x30b: {  	v27 =	vld [tilespmem:s19+$0x0]  }
0x30c: {  	v12 =	vadd.f32 v21, v12;
	v19 =	vmul.f32 v19, v9;
	v21 =	vmov s20;
	v28 =	vld [tilespmem:s19+$0x10]  }
0x30d: {  	v15 =	vadd.f32 v22, v15;
	v17 =	vmul.f32 v17, v9;
	v21 =	vperm.xlane v6, v21;
	v22 =	vld [tilespmem:s19+$0x20]  }
0x30e: {  	v6 =	vld [tilespmem:s18+$0x4010];
	s19 =	simm.s32 $0x11070;
	v14 =	vadd.f32 v19, v14;
	v16 =	vmul.f32 v16, v9;
	v9 =	vmul.f32 v18, v9  }
0x30f: {  	v19 =	vld [tilespmem:s19+$0x0];
	v17 =	vadd.f32 v17, v13;
	v13 =	vmul.f32 v20, v21;
	v18 =	vmul.f32 v23, v21  }
0x310: {  	v20 =	vadd.f32 v16, v10;
	v9 =	vadd.f32 v9, v11;
	v10 =	vmul.f32 v24, v21;
	v23 =	vld [tilespmem:s19+$0xFFFFFF90]  }
0x311: {  	s21 =	simm.s32 $0x0;
	v62 =	vld [tilespmem:s19+$0xFFFFFFA0];
	v61 =	vadd.f32 v13, v7;
	v7 =	vmul.f32 v25, v21;
	v29 =	vadd.f32 v18, v8  }
0x312: {  	v63 =	vld [tilespmem:s19+$0xFFFFFFB0];
	v10 =	vadd.f32 v10, v12;
	v8 =	vmul.f32 v26, v21;
	v12 =	vmov s21  }
0x313: {  	v18 =	vld [tilespmem:s19+$0xFFFFFFC0];
	v11 =	vadd.f32 v7, v15;
	v7 =	vmul.f32 v27, v21;
	v13 =	vperm.xlane v6, v12  }
0x314: {  	v16 =	vld [tilespmem:s19+$0xFFFFFFD0];
	v12 =	vadd.f32 v8, v14;
	v8 =	vmul.f32 v28, v21;
	v14 =	vmul.f32 v22, v21  }
0x315: {  	v7 =	vadd.f32 v7, v17;
	v15 =	vmul.f32 v19, v13;
	v22 =	vmul.f32 v23, v13;
	v17 =	vld [tilespmem:s19+$0xFFFFFFE0]  }
0x316: {  	v21 =	vmul.f32 v62, v13;
	v19 =	vld [tilespmem:s19+$0xFFFFFFF0];
	s19 =	simm.s32 $0x110F0;
	v8 =	vadd.f32 v8, v20;
	v9 =	vadd.f32 v14, v9  }
0x317: {  	s20 =	simm.s32 $0x1;
	s21 =	simm.s32 $0x2;
	v20 =	vld [tilespmem:s19+$0x0];
	v14 =	vadd.f32 v15, v61;
	v15 =	vadd.f32 v22, v29;
	v22 =	vmul.f32 v63, v13  }
.LBB2_43:
0x318: {  	p1 =	sne.s32 s21, $0xF;
	v23 =	vld [tilespmem:s19+$0xFFFFFF90];
	v10 =	vadd.f32 v21, v10;
	v18 =	vmul.f32 v18, v13  }
0x319: {  	v21 =	vmov s20;
	s20 =	smov.u32 s21;
	v24 =	vld [tilespmem:s19+$0xFFFFFFA0];
	v11 =	vadd.f32 v22, v11;
	v16 =	vmul.f32 v16, v13  }
0x31a: {  	v21 =	vperm.xlane v6, v21;
	v22 =	vld [tilespmem:s19+$0xFFFFFFB0];
	v12 =	vadd.f32 v18, v12;
	v17 =	vmul.f32 v17, v13  }
.Ltmp20:
0x31b: {  	v18 =	vld [tilespmem:s19+$0xFFFFFFC0];
	v7 =	vadd.f32 v16, v7;
	v19 =	vmul.f32 v19, v13;
	(pc) =	sbr.rel @p1 .LBB2_43-.Ltmp20, $4  }
0x31c: {  	v13 =	vmov v21;
	v16 =	vld [tilespmem:s19+$0xFFFFFFD0];
	v20 =	vmul.f32 v20, v21;
	v8 =	vadd.f32 v17, v8  }
0x31d: {  	v23 =	vmul.f32 v23, v13;
	v17 =	vld [tilespmem:s19+$0xFFFFFFE0];
	v9 =	vadd.f32 v19, v9  }
0x31e: {  	v21 =	vmul.f32 v24, v13;
	v19 =	vld [tilespmem:s19+$0xFFFFFFF0];
	v14 =	vadd.f32 v20, v14;
	s19 =	sadd.s32 $0x80, s19  }
0x31f: {  	s21 =	sadd.s32 $0x1, s21;
	v20 =	vld [tilespmem:s19+$0x0];
	v15 =	vadd.f32 v23, v15;
	v22 =	vmul.f32 v22, v13  }
0x320: {  	v23 =	vld [tilespmem:s19+$0xFFFFFF90]  }
0x321: {  	v24 =	vld [tilespmem:s19+$0xFFFFFFA0]  }
0x322: {  	v25 =	vld [tilespmem:s19+$0xFFFFFFB0]  }
0x323: {  	v26 =	vld [tilespmem:s19+$0xFFFFFFC0]  }
0x324: {  	v27 =	vld [tilespmem:s19+$0xFFFFFFD0]  }
0x325: {  	v10 =	vadd.f32 v21, v10;
	v18 =	vmul.f32 v18, v13;
	v21 =	vmov s20;
	v28 =	vld [tilespmem:s19+$0xFFFFFFE0]  }
0x326: {  	v11 =	vadd.f32 v22, v11;
	v16 =	vmul.f32 v16, v13;
	v21 =	vperm.xlane v6, v21;
	v6 =	vld [tilespmem:s18+$0x4020]  }
0x327: {  	v22 =	vld [tilespmem:s19+$0xFFFFFFF0];
	s19 =	simm.s32 $0x11870;
	v12 =	vadd.f32 v18, v12;
	v17 =	vmul.f32 v17, v13;
	v13 =	vmul.f32 v19, v13  }
0x328: {  	v19 =	vadd.f32 v16, v7;
	v7 =	vmul.f32 v20, v21;
	v20 =	vld [tilespmem:s19+$0x0];
	v16 =	vmul.f32 v23, v21  }
0x329: {  	s21 =	simm.s32 $0x0;
	v23 =	vadd.f32 v17, v8;
	v29 =	vadd.f32 v13, v9;
	v8 =	vmul.f32 v24, v21;
	v17 =	vld [tilespmem:s19+$0xFFFFFF90]  }
0x32a: {  	v62 =	vld [tilespmem:s19+$0xFFFFFFA0];
	v9 =	vmul.f32 v25, v21;
	v13 =	vmov s21;
	v14 =	vadd.f32 v7, v14  }
0x32b: {  	v63 =	vld [tilespmem:s19+$0xFFFFFFB0];
	v13 =	vperm.xlane v6, v13;
	v7 =	vadd.f32 v8, v10;
	v10 =	vmul.f32 v26, v21  }
0x32c: {  	v18 =	vld [tilespmem:s19+$0xFFFFFFC0];
	v15 =	vadd.f32 v16, v15;
	v8 =	vadd.f32 v9, v11;
	v11 =	vmul.f32 v27, v21  }
0x32d: {  	v16 =	vld [tilespmem:s19+$0xFFFFFFD0];
	v9 =	vadd.f32 v10, v12;
	v12 =	vmul.f32 v28, v21;
	v21 =	vmul.f32 v22, v21  }
0x32e: {  	v10 =	vadd.f32 v11, v19;
	v20 =	vmul.f32 v20, v13;
	v22 =	vmul.f32 v17, v13;
	v17 =	vld [tilespmem:s19+$0xFFFFFFE0]  }
0x32f: {  	s20 =	simm.s32 $0x118F0;
	v19 =	vld [tilespmem:s19+$0xFFFFFFF0];
	v11 =	vadd.f32 v12, v23;
	v12 =	vadd.f32 v21, v29;
	v21 =	vmul.f32 v62, v13  }
0x330: {  	s21 =	simm.s32 $0x2;
	s19 =	simm.s32 $0x1;
	v14 =	vadd.f32 v20, v14;
	v20 =	vld [tilespmem:s20+$0x0];
	v15 =	vadd.f32 v22, v15;
	v22 =	vmul.f32 v63, v13  }
.LBB2_45:
0x331: {  	p1 =	sne.s32 s21, $0xF;
	v23 =	vld [tilespmem:s20+$0xFFFFFF90];
	v7 =	vadd.f32 v21, v7;
	v18 =	vmul.f32 v18, v13  }
0x332: {  	v21 =	vmov s19;
	s19 =	smov.u32 s21;
	v24 =	vld [tilespmem:s20+$0xFFFFFFA0];
	v8 =	vadd.f32 v22, v8;
	v16 =	vmul.f32 v16, v13  }
0x333: {  	v21 =	vperm.xlane v6, v21;
	v22 =	vld [tilespmem:s20+$0xFFFFFFB0];
	v9 =	vadd.f32 v18, v9;
	v17 =	vmul.f32 v17, v13  }
.Ltmp21:
0x334: {  	v18 =	vld [tilespmem:s20+$0xFFFFFFC0];
	v10 =	vadd.f32 v16, v10;
	v19 =	vmul.f32 v19, v13;
	(pc) =	sbr.rel @p1 .LBB2_45-.Ltmp21, $4  }
0x335: {  	v13 =	vmov v21;
	v16 =	vld [tilespmem:s20+$0xFFFFFFD0];
	v20 =	vmul.f32 v20, v21;
	v11 =	vadd.f32 v17, v11  }
0x336: {  	v23 =	vmul.f32 v23, v13;
	v17 =	vld [tilespmem:s20+$0xFFFFFFE0];
	v12 =	vadd.f32 v19, v12  }
0x337: {  	v21 =	vmul.f32 v24, v13;
	v19 =	vld [tilespmem:s20+$0xFFFFFFF0];
	v14 =	vadd.f32 v20, v14;
	s20 =	sadd.s32 $0x80, s20  }
0x338: {  	s21 =	sadd.s32 $0x1, s21;
	v20 =	vld [tilespmem:s20+$0x0];
	v15 =	vadd.f32 v23, v15;
	v22 =	vmul.f32 v22, v13  }
0x339: {  	v23 =	vld [tilespmem:s20+$0xFFFFFF90]  }
0x33a: {  	v24 =	vld [tilespmem:s20+$0xFFFFFFA0]  }
0x33b: {  	v25 =	vld [tilespmem:s20+$0xFFFFFFB0]  }
0x33c: {  	v26 =	vld [tilespmem:s20+$0xFFFFFFC0]  }
0x33d: {  	v27 =	vld [tilespmem:s20+$0xFFFFFFD0]  }
0x33e: {  	v28 =	vld [tilespmem:s20+$0xFFFFFFE0]  }
0x33f: {  	v29 =	vld [tilespmem:s20+$0xFFFFFFF0]  }
0x340: {  	v30 =	vld [tilespmem:s18+$0x4030]  }
0x341: {  	v31 =	vld [tilespmem:$0x12000];
	v7 =	vadd.f32 v21, v7  }
0x342: {  	v32 =	vld [tilespmem:$0x12010];
	v18 =	vmul.f32 v18, v13;
	v21 =	vmov s19;
	v16 =	vmul.f32 v16, v13  }
0x343: {  	v33 =	vld [tilespmem:$0x12020];
	v6 =	vperm.xlane v6, v21;
	v17 =	vmul.f32 v17, v13  }
0x344: {  	v34 =	vld [tilespmem:$0x12030];
	v8 =	vadd.f32 v22, v8;
	v9 =	vadd.f32 v18, v9;
	v13 =	vmul.f32 v19, v13  }
0x345: {  	v60 =	vld [tilespmem:$0x120A0];
	v10 =	vadd.f32 v16, v10;
	v16 =	vmul.f32 v20, v6;
	v11 =	vadd.f32 v17, v11  }
0x346: {  	v61 =	vld [tilespmem:$0x120C0];
	v19 =	vmul.f32 v23, v6;
	v12 =	vadd.f32 v13, v12;
	v13 =	vmul.f32 v24, v6  }
0x347: {  	v21 =	vld [tilespmem:$0x12040];
	v22 =	vmul.f32 v27, v6;
	v14 =	vadd.f32 v16, v14;
	v16 =	vmul.f32 v25, v6  }
0x348: {  	v18 =	vld [tilespmem:$0x12050];
	v59 =	vperm.xlane v30, v4;
	v62 =	vperm.xlane v30, v5;
	v15 =	vadd.f32 v19, v15  }
0x349: {  	v19 =	vld [tilespmem:$0x12080];
	v7 =	vadd.f32 v13, v7;
	v8 =	vadd.f32 v16, v8;
	v16 =	vmul.f32 v28, v6  }
0x34a: {  	v23 =	vld [tilespmem:$0x12090];
	v13 =	vmul.f32 v26, v6;
	v10 =	vadd.f32 v22, v10;
	v6 =	vmul.f32 v29, v6  }
0x34b: {  	v63 =	vld [tilespmem:$0x120D0];
	v22 =	vmul.f32 v32, v59;
	v11 =	vadd.f32 v16, v11;
	v16 =	vmul.f32 v31, v59  }
0x34c: {  	v9 =	vadd.f32 v13, v9;
	v13 =	vld [tilespmem:$0x120B0];
	v6 =	vadd.f32 v6, v12;
	v12 =	vmul.f32 v33, v59  }
0x34d: {  	v20 =	vld [tilespmem:$0x12060];
	v7 =	vadd.f32 v22, v7;
	v15 =	vadd.f32 v16, v15;
	v16 =	vmul.f32 v34, v59  }
0x34e: {  	v17 =	vld [tilespmem:$0x12070];
	v8 =	vadd.f32 v12, v8;
	v12 =	vmul.f32 v21, v59;
	v19 =	vmul.f32 v19, v62  }
0x34f: {  	s18 =	sadd.s32 @!p0 $0x380, s14;
	s17 =	sshll.u32 s17, $0x7;
	v22 =	vld [tilespmem:$0x120E0];
	v9 =	vadd.f32 v16, v9;
	v16 =	vmul.f32 v18, v59;
	v18 =	vmul.f32 v23, v62  }
0x350: {  	s19 =	simm.s32 @!p0 $0x32;
	s20 =	simm.s32 @!p0 $0x10800;
	s17 =	sand.u32 $0x3FFFFF80, s17;
	v21 =	vld [tilespmem:$0x120F0];
	v10 =	vadd.f32 v12, v10;
	v12 =	vadd.f32 v19, v15;
	v15 =	vmul.f32 v60, v62  }
0x351: {  	[tilespmem:s20], [sflag:$0x7] =	stream.indirect.gather @!p0 [hbm4b:s2+s19], $0x80, s18, s19, $0xb8;
	v13 =	vmul.f32 v13, v62;
	v11 =	vadd.f32 v16, v11;
	v7 =	vadd.f32 v18, v7;
	[tilespmem:$0x18000] =	vst v63  }
0x352: {  	v16 =	vmul.f32 v20, v59;
	v8 =	vadd.f32 v15, v8;
	v15 =	vmul.f32 v61, v62;
	[tilespmem:s17+$0x14000] =	vst v12  }
0x353: {  	v12 =	vmul.f32 v17, v59;
	v9 =	vadd.f32 v13, v9;
	v13 =	vmul.f32 v63, v62;
	[tilespmem:s17+$0x14010] =	vst v7  }
0x354: {  	v6 =	vadd.f32 v16, v6;
	v7 =	vadd.f32 v15, v10;
	v10 =	vmul.f32 v22, v62;
	[tilespmem:s17+$0x14020] =	vst v8  }
0x355: {  	v8 =	vadd.f32 v12, v14;
	v11 =	vadd.f32 v13, v11;
	v12 =	vmul.f32 v21, v62;
	[tilespmem:s17+$0x14030] =	vst v9  }
0x356: {  	v6 =	vadd.f32 v10, v6;
	[tilespmem:s17+$0x14040] =	vst v7  }
0x357: {  	v7 =	vadd.f32 v12, v8;
	[tilespmem:s17+$0x14050] =	vst v11  }
0x358: {  	[tilespmem:s17+$0x14060] =	vst v6  }
0x359: {  	[tilespmem:s17+$0x14070] =	vst v7  }
0x35a: {  	_ =	swait.ge [sflag:s9], $0x1900  }
0x35b: {  	s16 =	sor.u32 $0x7, s16;
	[sflag:s9] =	ssyncset.done $0x0  }
0x35c: {  	s17 =	sshll.u32 s16, $0x6;
	[sflag:s9] =	ssyncadd.s32 $0xFFFFE700  }
0x35d: {  	s20 =	simm.s32 $0x12440;
	v6 =	vld [tilespmem:s17+$0x4000]  }
0x35e: {  	v7 =	vld [tilespmem:s20+$0x30]  }
0x35f: {  	v8 =	vld [tilespmem:s20+$0xFFFFFFC0]  }
0x360: {  	v10 =	vld [tilespmem:s20+$0xFFFFFFD0]  }
0x361: {  	s21 =	simm.s32 $0x0;
	v11 =	vld [tilespmem:s20+$0xFFFFFFE0]  }
0x362: {  	v9 =	vmov s21  }
0x363: {  	v19 =	vld [tilespmem:s20+$0xFFFFFFF0];
	v9 =	vperm.xlane v6, v9  }
0x364: {  	v16 =	vimm.f32 $0.0e+00;
	v14 =	vimm.f32 $0.0e+00;
	v13 =	vimm.f32 $0.0e+00;
	v18 =	vld [tilespmem:s20+$0x0]  }
0x365: {  	v12 =	vimm.f32 $0.0e+00;
	v15 =	vld [tilespmem:s20+$0x10];
	v7 =	vmul.f32 v7, v9;
	v8 =	vmul.f32 v8, v9  }
0x366: {  	s18 =	simm.s32 $0x124C0;
	v17 =	vld [tilespmem:s20+$0x20];
	v21 =	vmul.f32 v10, v9;
	v22 =	vmul.f32 v11, v9;
	v10 =	vimm.f32 $0.0e+00  }
0x367: {  	s19 =	simm.s32 $0x1;
	v20 =	vld [tilespmem:s18+$0x30];
	s20 =	simm.s32 $0x2;
	v11 =	vimm.f32 $0.0e+00;
	v7 =	vadd.f32 v7, v12;
	v8 =	vadd.f32 v8, v12  }
.LBB2_47:
0x368: {  	p1 =	sne.s32 s20, $0xF;
	v23 =	vld [tilespmem:s18+$0xFFFFFFC0];
	v12 =	vadd.f32 v21, v12;
	v19 =	vmul.f32 v19, v9  }
0x369: {  	v21 =	vmov s19;
	s19 =	smov.u32 s20;
	v24 =	vld [tilespmem:s18+$0xFFFFFFD0];
	v16 =	vadd.f32 v22, v16;
	v18 =	vmul.f32 v18, v9  }
0x36a: {  	v21 =	vperm.xlane v6, v21;
	v22 =	vld [tilespmem:s18+$0xFFFFFFE0];
	v14 =	vadd.f32 v19, v14;
	v15 =	vmul.f32 v15, v9  }
.Ltmp22:
0x36b: {  	v19 =	vld [tilespmem:s18+$0xFFFFFFF0];
	v13 =	vadd.f32 v18, v13;
	v17 =	vmul.f32 v17, v9;
	(pc) =	sbr.rel @p1 .LBB2_47-.Ltmp22, $4  }
0x36c: {  	v9 =	vmov v21;
	v18 =	vld [tilespmem:s18+$0x0];
	v20 =	vmul.f32 v20, v21;
	v10 =	vadd.f32 v15, v10  }
0x36d: {  	v23 =	vmul.f32 v23, v9;
	v15 =	vld [tilespmem:s18+$0x10];
	v11 =	vadd.f32 v17, v11  }
0x36e: {  	v21 =	vmul.f32 v24, v9;
	v17 =	vld [tilespmem:s18+$0x20];
	v7 =	vadd.f32 v20, v7;
	s18 =	sadd.s32 $0x80, s18  }
0x36f: {  	s20 =	sadd.s32 $0x1, s20;
	v20 =	vld [tilespmem:s18+$0x30];
	v8 =	vadd.f32 v23, v8;
	v22 =	vmul.f32 v22, v9  }
0x370: {  	v23 =	vld [tilespmem:s18+$0xFFFFFFC0]  }
0x371: {  	v24 =	vld [tilespmem:s18+$0xFFFFFFD0]  }
0x372: {  	v25 =	vld [tilespmem:s18+$0xFFFFFFE0]  }
0x373: {  	v26 =	vld [tilespmem:s18+$0xFFFFFFF0]  }
0x374: {  	v27 =	vld [tilespmem:s18+$0x0]  }
0x375: {  	v12 =	vadd.f32 v21, v12;
	v19 =	vmul.f32 v19, v9;
	v21 =	vmov s19;
	v28 =	vld [tilespmem:s18+$0x10]  }
0x376: {  	s19 =	sor.u32 $0x50, s17;
	v16 =	vadd.f32 v22, v16;
	v18 =	vmul.f32 v18, v9;
	v21 =	vperm.xlane v6, v21;
	v22 =	vld [tilespmem:s18+$0x20]  }
0x377: {  	s20 =	simm.s32 $0x12C70;
	v6 =	vld [tilespmem:s19+$0x4000];
	v14 =	vadd.f32 v19, v14;
	v15 =	vmul.f32 v15, v9;
	v9 =	vmul.f32 v17, v9  }
0x378: {  	v19 =	vadd.f32 v18, v13;
	v13 =	vmul.f32 v20, v21;
	v20 =	vld [tilespmem:s20+$0x0];
	v17 =	vmul.f32 v23, v21  }
0x379: {  	v15 =	vadd.f32 v15, v10;
	v9 =	vadd.f32 v9, v11;
	v10 =	vmul.f32 v24, v21;
	v23 =	vld [tilespmem:s20+$0xFFFFFF90]  }
0x37a: {  	s21 =	simm.s32 $0x0;
	v62 =	vld [tilespmem:s20+$0xFFFFFFA0];
	v61 =	vadd.f32 v13, v7;
	v7 =	vmul.f32 v25, v21;
	v29 =	vadd.f32 v17, v8  }
0x37b: {  	v63 =	vld [tilespmem:s20+$0xFFFFFFB0];
	v12 =	vadd.f32 v10, v12;
	v8 =	vmul.f32 v26, v21;
	v10 =	vmov s21  }
0x37c: {  	v18 =	vld [tilespmem:s20+$0xFFFFFFC0];
	v13 =	vadd.f32 v7, v16;
	v7 =	vmul.f32 v27, v21;
	v11 =	vperm.xlane v6, v10  }
0x37d: {  	v17 =	vld [tilespmem:s20+$0xFFFFFFD0];
	v10 =	vadd.f32 v8, v14;
	v8 =	vmul.f32 v28, v21;
	v14 =	vmul.f32 v22, v21  }
0x37e: {  	v16 =	vld [tilespmem:s20+$0xFFFFFFE0];
	v7 =	vadd.f32 v7, v19;
	v20 =	vmul.f32 v20, v11;
	v22 =	vmul.f32 v23, v11  }
0x37f: {  	s18 =	simm.s32 $0x12CF0;
	v21 =	vmul.f32 v62, v11;
	v19 =	vld [tilespmem:s20+$0xFFFFFFF0];
	v8 =	vadd.f32 v8, v15;
	v9 =	vadd.f32 v14, v9  }
0x380: {  	s19 =	simm.s32 $0x1;
	s20 =	simm.s32 $0x2;
	v14 =	vadd.f32 v20, v61;
	v20 =	vld [tilespmem:s18+$0x0];
	v15 =	vadd.f32 v22, v29;
	v22 =	vmul.f32 v63, v11  }
.LBB2_49:
0x381: {  	p1 =	sne.s32 s20, $0xF;
	v23 =	vld [tilespmem:s18+$0xFFFFFF90];
	v12 =	vadd.f32 v21, v12;
	v18 =	vmul.f32 v18, v11  }
0x382: {  	v21 =	vmov s19;
	s19 =	smov.u32 s20;
	v24 =	vld [tilespmem:s18+$0xFFFFFFA0];
	v13 =	vadd.f32 v22, v13;
	v17 =	vmul.f32 v17, v11  }
0x383: {  	v21 =	vperm.xlane v6, v21;
	v22 =	vld [tilespmem:s18+$0xFFFFFFB0];
	v10 =	vadd.f32 v18, v10;
	v16 =	vmul.f32 v16, v11  }
.Ltmp23:
0x384: {  	v18 =	vld [tilespmem:s18+$0xFFFFFFC0];
	v7 =	vadd.f32 v17, v7;
	v19 =	vmul.f32 v19, v11;
	(pc) =	sbr.rel @p1 .LBB2_49-.Ltmp23, $4  }
0x385: {  	v11 =	vmov v21;
	v17 =	vld [tilespmem:s18+$0xFFFFFFD0];
	v20 =	vmul.f32 v20, v21;
	v8 =	vadd.f32 v16, v8  }
0x386: {  	v23 =	vmul.f32 v23, v11;
	v16 =	vld [tilespmem:s18+$0xFFFFFFE0];
	v9 =	vadd.f32 v19, v9  }
0x387: {  	v21 =	vmul.f32 v24, v11;
	v19 =	vld [tilespmem:s18+$0xFFFFFFF0];
	v14 =	vadd.f32 v20, v14;
	s18 =	sadd.s32 $0x80, s18  }
0x388: {  	s20 =	sadd.s32 $0x1, s20;
	v20 =	vld [tilespmem:s18+$0x0];
	v15 =	vadd.f32 v23, v15;
	v22 =	vmul.f32 v22, v11  }
0x389: {  	v23 =	vld [tilespmem:s18+$0xFFFFFF90]  }
0x38a: {  	v24 =	vld [tilespmem:s18+$0xFFFFFFA0]  }
0x38b: {  	v25 =	vld [tilespmem:s18+$0xFFFFFFB0]  }
0x38c: {  	v26 =	vld [tilespmem:s18+$0xFFFFFFC0]  }
0x38d: {  	v27 =	vld [tilespmem:s18+$0xFFFFFFD0];
	v12 =	vadd.f32 v21, v12  }
0x38e: {  	v18 =	vmul.f32 v18, v11;
	v21 =	vmov s19;
	v28 =	vld [tilespmem:s18+$0xFFFFFFE0];
	v17 =	vmul.f32 v17, v11  }
0x38f: {  	s19 =	sor.u32 $0x60, s17;
	v13 =	vadd.f32 v22, v13;
	v21 =	vperm.xlane v6, v21;
	v22 =	vld [tilespmem:s18+$0xFFFFFFF0];
	v16 =	vmul.f32 v16, v11  }
0x390: {  	s20 =	simm.s32 $0x13470;
	v6 =	vld [tilespmem:s19+$0x4000];
	v10 =	vadd.f32 v18, v10;
	v11 =	vmul.f32 v19, v11  }
0x391: {  	v17 =	vadd.f32 v17, v7;
	v19 =	vld [tilespmem:s20+$0x0];
	v7 =	vmul.f32 v20, v21;
	v20 =	vadd.f32 v16, v8  }
0x392: {  	s21 =	simm.s32 $0x0;
	v18 =	vmul.f32 v23, v21;
	v23 =	vadd.f32 v11, v9;
	v8 =	vmul.f32 v24, v21;
	v11 =	vld [tilespmem:s20+$0xFFFFFF90]  }
0x393: {  	v60 =	vld [tilespmem:s20+$0xFFFFFFA0];
	v16 =	vmov s21;
	v9 =	vmul.f32 v25, v21;
	v62 =	vmul.f32 v27, v21  }
0x394: {  	v61 =	vld [tilespmem:s20+$0xFFFFFFB0];
	v14 =	vadd.f32 v7, v14;
	v7 =	vadd.f32 v8, v12;
	v12 =	vmul.f32 v26, v21  }
0x395: {  	v15 =	vadd.f32 v18, v15;
	v8 =	vadd.f32 v9, v13;
	v13 =	vperm.xlane v6, v16;
	v18 =	vld [tilespmem:s20+$0xFFFFFFC0]  }
0x396: {  	v16 =	vld [tilespmem:s20+$0xFFFFFFD0];
	v9 =	vadd.f32 v12, v10;
	v12 =	vmul.f32 v28, v21;
	v21 =	vmul.f32 v22, v21  }
0x397: {  	v10 =	vadd.f32 v62, v17;
	v22 =	vmul.f32 v19, v13;
	v17 =	vld [tilespmem:s20+$0xFFFFFFE0];
	v63 =	vmul.f32 v11, v13  }
0x398: {  	s19 =	simm.s32 $0x134F0;
	v19 =	vld [tilespmem:s20+$0xFFFFFFF0];
	v11 =	vadd.f32 v12, v20;
	v12 =	vadd.f32 v21, v23;
	v21 =	vmul.f32 v60, v13  }
0x399: {  	s18 =	simm.s32 $0x1;
	s20 =	simm.s32 $0x2;
	v14 =	vadd.f32 v22, v14;
	v20 =	vld [tilespmem:s19+$0x0];
	v22 =	vmul.f32 v61, v13;
	v15 =	vadd.f32 v63, v15  }
.LBB2_51:
0x39a: {  	p1 =	sne.s32 s20, $0xF;
	v23 =	vld [tilespmem:s19+$0xFFFFFF90];
	v7 =	vadd.f32 v21, v7;
	v18 =	vmul.f32 v18, v13  }
0x39b: {  	v21 =	vmov s18;
	s18 =	smov.u32 s20;
	v24 =	vld [tilespmem:s19+$0xFFFFFFA0];
	v8 =	vadd.f32 v22, v8;
	v16 =	vmul.f32 v16, v13  }
0x39c: {  	v21 =	vperm.xlane v6, v21;
	v22 =	vld [tilespmem:s19+$0xFFFFFFB0];
	v9 =	vadd.f32 v18, v9;
	v17 =	vmul.f32 v17, v13  }
.Ltmp24:
0x39d: {  	v18 =	vld [tilespmem:s19+$0xFFFFFFC0];
	v10 =	vadd.f32 v16, v10;
	v19 =	vmul.f32 v19, v13;
	(pc) =	sbr.rel @p1 .LBB2_51-.Ltmp24, $4  }
0x39e: {  	v13 =	vmov v21;
	v16 =	vld [tilespmem:s19+$0xFFFFFFD0];
	v20 =	vmul.f32 v20, v21;
	v11 =	vadd.f32 v17, v11  }
0x39f: {  	v23 =	vmul.f32 v23, v13;
	v17 =	vld [tilespmem:s19+$0xFFFFFFE0];
	v12 =	vadd.f32 v19, v12  }
0x3a0: {  	v21 =	vmul.f32 v24, v13;
	v19 =	vld [tilespmem:s19+$0xFFFFFFF0];
	v14 =	vadd.f32 v20, v14;
	s19 =	sadd.s32 $0x80, s19  }
0x3a1: {  	s20 =	sadd.s32 $0x1, s20;
	v20 =	vld [tilespmem:s19+$0x0];
	v15 =	vadd.f32 v23, v15;
	v22 =	vmul.f32 v22, v13  }
0x3a2: {  	v23 =	vld [tilespmem:s19+$0xFFFFFF90]  }
0x3a3: {  	v24 =	vld [tilespmem:s19+$0xFFFFFFA0]  }
0x3a4: {  	v25 =	vld [tilespmem:s19+$0xFFFFFFB0]  }
0x3a5: {  	v26 =	vld [tilespmem:s19+$0xFFFFFFC0]  }
0x3a6: {  	v27 =	vld [tilespmem:s19+$0xFFFFFFD0]  }
0x3a7: {  	v28 =	vld [tilespmem:s19+$0xFFFFFFE0]  }
0x3a8: {  	v29 =	vld [tilespmem:s19+$0xFFFFFFF0]  }
0x3a9: {  	v31 =	vld [tilespmem:$0x13C00]  }
0x3aa: {  	v32 =	vld [tilespmem:$0x13C10]  }
0x3ab: {  	v33 =	vld [tilespmem:$0x13C20];
	v7 =	vadd.f32 v21, v7;
	v18 =	vmul.f32 v18, v13;
	v55 =	vmov s18  }
0x3ac: {  	s17 =	sor.u32 $0x70, s17;
	v34 =	vld [tilespmem:$0x13C30];
	v8 =	vadd.f32 v22, v8;
	v16 =	vmul.f32 v16, v13;
	v6 =	vperm.xlane v6, v55  }
0x3ad: {  	v30 =	vld [tilespmem:s17+$0x4000];
	v9 =	vadd.f32 v18, v9;
	v17 =	vmul.f32 v17, v13;
	v57 =	vmul.f32 v19, v13  }
0x3ae: {  	v56 =	vld [tilespmem:$0x13C40];
	v10 =	vadd.f32 v16, v10;
	v59 =	vmul.f32 v20, v6;
	v60 =	vmul.f32 v23, v6  }
0x3af: {  	v58 =	vld [tilespmem:$0x13C50];
	v11 =	vadd.f32 v17, v11;
	v62 =	vmul.f32 v24, v6;
	v25 =	vmul.f32 v25, v6  }
0x3b0: {  	v35 =	vld [tilespmem:$0x13C80];
	v12 =	vadd.f32 v57, v12;
	v36 =	vmul.f32 v26, v6;
	v37 =	vmul.f32 v27, v6  }
0x3b1: {  	v38 =	vld [tilespmem:$0x13C90];
	v39 =	vmul.f32 v28, v6;
	v6 =	vmul.f32 v29, v6;
	v14 =	vadd.f32 v59, v14  }
0x3b2: {  	v41 =	vld [tilespmem:$0x13CA0];
	v40 =	vperm.xlane v30, v4;
	v15 =	vadd.f32 v60, v15;
	v7 =	vadd.f32 v62, v7  }
0x3b3: {  	v42 =	vld [tilespmem:$0x13CB0];
	v47 =	vperm.xlane v30, v5;
	v8 =	vadd.f32 v25, v8;
	v9 =	vadd.f32 v36, v9  }
0x3b4: {  	v61 =	vld [tilespmem:$0x13C60];
	v10 =	vadd.f32 v37, v10;
	v43 =	vmul.f32 v31, v40;
	v44 =	vmul.f32 v32, v40  }
0x3b5: {  	v45 =	vld [tilespmem:$0x13CC0];
	v11 =	vadd.f32 v39, v11;
	v46 =	vmul.f32 v33, v40;
	v49 =	vmul.f32 v34, v40  }
0x3b6: {  	v48 =	vld [tilespmem:$0x13CD0];
	v6 =	vadd.f32 v6, v12;
	v51 =	vmul.f32 v56, v40;
	v19 =	vmul.f32 v35, v47  }
0x3b7: {  	v63 =	vld [tilespmem:$0x13C70];
	s14 =	sadd.s32 @!p0 $0x3C0, s14;
	v53 =	vmul.f32 v58, v40;
	v54 =	vmul.f32 v38, v47;
	v15 =	vadd.f32 v43, v15  }
0x3b8: {  	v50 =	vld [tilespmem:$0x13CE0];
	s18 =	simm.s32 @!p0 $0x12400;
	s21 =	sshll.u32 s16, $0x7;
	s17 =	simm.s32 @!p0 $0x32;
	v56 =	vmul.f32 v41, v47;
	v13 =	vmul.f32 v42, v47;
	v7 =	vadd.f32 v44, v7  }
0x3b9: {  	v52 =	vld [tilespmem:$0x13CF0];
	[tilespmem:s18], [sflag:$0x8] =	stream.indirect.gather @!p0 [hbm4b:s2+s17], $0x80, s14, s17, $0xb8;
	v57 =	vmul.f32 v61, v40;
	v8 =	vadd.f32 v46, v8;
	v55 =	vadd.f32 v19, v15  }
0x3ba: {  	s14 =	sand.u32 $0x3FFFFF80, s21;
	v58 =	vmul.f32 v45, v47;
	v9 =	vadd.f32 v49, v9;
	v7 =	vadd.f32 v54, v7  }
0x3bb: {  	v60 =	vmul.f32 v48, v47;
	v11 =	vadd.f32 v53, v11;
	v8 =	vadd.f32 v56, v8;
	[tilespmem:s14+$0x14000] =	vst v55  }
0x3bc: {  	v59 =	vmul.f32 v63, v40;
	v10 =	vadd.f32 v51, v10;
	v9 =	vadd.f32 v13, v9;
	[tilespmem:s14+$0x14010] =	vst v7  }
0x3bd: {  	p0 =	sne.s32 s15, $0x10;
	v61 =	vmul.f32 v50, v47;
	v6 =	vadd.f32 v57, v6;
	v11 =	vadd.f32 v60, v11;
	[tilespmem:s14+$0x14020] =	vst v8  }
.Ltmp25:
0x3be: {  	v63 =	vmul.f32 v52, v47;
	v62 =	vadd.f32 v59, v14;
	v7 =	vadd.f32 v58, v10;
	[tilespmem:s14+$0x14030] =	vst v9;
	(pc) =	sbr.rel @p0 .LBB2_4-.Ltmp25, $4  }
0x3bf: {  	v6 =	vadd.f32 v61, v6;
	[tilespmem:s14+$0x14050] =	vst v11  }
0x3c0: {  	[tilespmem:s14+$0x14040] =	vst v7;
	v7 =	vadd.f32 v63, v62  }
0x3c1: {  	[tilespmem:s14+$0x14060] =	vst v6  }
0x3c2: {  	[tilespmem:s14+$0x14070] =	vst v7  }
0x3c3: {  	s12 =	sadd.s32 $0x1, s12  }
0x3c4: {  	p0 =	sne.s32 s12, s7  }
.Ltmp26:
0x3c5: {  	_ = 	snop;
	(pc) =	sbr.rel @p0 .LBB2_1-.Ltmp26, $4  }
0x3c6: {  	[hbm4b:s6+s3] =	stream.linear.scatter [tilespmem:s11], [sflag:$0x9], $0x4000, $0x38;
	[tilespmem:$0x18000] =	vst v63  }
0x3c7: {  	_ =	swait.ge [sflag:s8], $0x4000  }
0x3c8: {  	[sflag:s8] =	ssyncset.done $0x0  }
0x3c9: {  	[sflag:s8] =	ssyncadd.s32 $0xFFFFC000  }
0x3ca: {  	_ =	sfence.sel $0x180000  }
0x3cb: {  	[bflag:$0x0] =	sbarrier.arrive $0xFFFF  }
0x3cc: {  	_ =	strace $0x90000047  }
0x3cd: {  	s0 =	stileid.u32;
	[bflag:$0x2] =	sbarrier.arrive $0xFFFF  }
0x3ce: {  	p0 =	sne.s32 s0, $0x0;
	s0 =	rddreg [dreg:$0x3]  }
0x3cf: {  	s0 =	sadd.s32 @!p0 $0x100000, s0  }
0x3d0: {  	[sflag:s0] =	ssyncadd.tile.s32 @!p0 $0x1;
	_ =	shalt  }
.Lfunc_end2:
_tile_overlayer_lowered:
.L_overlay_start_2:
0x3d1: {  	(tag) =	ssettag $0x2  }
0x3d2: {  	s0 =	rddreg [dreg:$0x0];
	s2 =	stileid.u32  }
0x3d3: {  	s1 =	rddreg [dreg:$0x1];
	p0 =	sne.s32 s2, $0x0  }
0x3d4: {  	s3 =	rddreg [dreg:$0x2];
	[bflag:$0x3] =	sbarrier.arrive $0xFFFF;
	s2 =	simm.s32 @!p0 $0x1C09  }
0x3d5: {  	[timem:s3], [sflag:s2] =	dma.local @!p0 [hbm:s0], s1  }
0x3d6: {  	s0 =	simm.s32 @!p0 $0x9  }
0x3d7: {  	_ =	swait.ge @!p0 [sflag:s0], s1  }
0x3d8: {  	s1 =	ssub.s32 @!p0 $0x0, s1;
	[sflag:s0] =	ssyncset.done @!p0 $0x0  }
0x3d9: {  	[sflag:s0] =	ssyncadd.s32 @!p0 s1  }
0x3da: {  	[bflag:$0x3] =	sbarrier.arrive $0xFFFF  }
0x3db: {  	_ =	shalt  }

</sc_bundles>
